<compile_context>
chip_gen: v7x
topology: tpu7x:2x2x1
jax: 0.10.2.dev20260603
libtpu: 0.0.44.dev20260713+nightly
codegen_flags: <defaults>
</compile_context>

<pallas_src>
import functools

import jax
import jax.numpy as jnp
from jax import lax
from jax.experimental import pallas as pl
from jax.experimental.pallas import tpu as pltpu
from jax.experimental.pallas import tpu_sc as plsc

N = 10000
E = 320000
D = 128
NCLS = 40
NUM_LAYERS = 7
EPS = 1e-7

ROWS = 1000
GRID = N // ROWS

NS = 16
CHUNK = 96
EDGES_PER_TILE = 20160
E_PAD = NS * EDGES_PER_TILE
NCHUNK = EDGES_PER_TILE // CHUNK
SUPER = 42
NSUPER = NCHUNK // SUPER
PADROWS = 488
TROWS = 632
TROWS_LAST = N - TROWS * (NS - 1)



def _pack_p(h, P_ref):
    m = jnp.maximum(h, 0.0) + EPS
    g = jnp.exp(m)
    P_ref[0] = g
    P_ref[1] = g * m


def _enc_body(x_ref, W_ref, b_ref, h_ref, P_ref):
    h = jnp.dot(x_ref[...], W_ref[...], preferred_element_type=jnp.float32)
    h = h + b_ref[...]
    h_ref[...] = h
    _pack_p(h, P_ref)


def _layer_norm_relu(h, g, b):
    mu = jnp.mean(h, axis=-1, keepdims=True)
    var = jnp.mean((h - mu) * (h - mu), axis=-1, keepdims=True)
    return jnp.maximum((h - mu) / jnp.sqrt(var + 1e-5) * g + b, 0.0)


def _mid_body(add_res, S_ref, xp_ref, hp_ref, W_ref, b_ref, g_ref, be_ref,
              h_ref, xn_ref, P_ref):
    agg = S_ref[1] / (S_ref[0] + 1e-16)
    h = jnp.dot(xp_ref[...] + agg, W_ref[...],
                preferred_element_type=jnp.float32) + b_ref[...]
    if add_res:
        h = h + hp_ref[...]
    h_ref[...] = h
    xn = _layer_norm_relu(h, g_ref[...], be_ref[...])
    xn_ref[...] = xn
    _pack_p(xn, P_ref)


def _fin_body(S_ref, xp_ref, hp_ref, W_ref, b_ref, g_ref, be_ref,
              Wp_ref, bp_ref, out_ref):
    agg = S_ref[1] / (S_ref[0] + 1e-16)
    h = jnp.dot(xp_ref[...] + agg, W_ref[...],
                preferred_element_type=jnp.float32) + b_ref[...]
    h = h + hp_ref[...]
    u = _layer_norm_relu(h, g_ref[...], be_ref[...])
    logits = jnp.dot(u, Wp_ref[...],
                     preferred_element_type=jnp.float32) + bp_ref[...]
    mx = jnp.max(logits, axis=-1, keepdims=True)
    z = logits - mx
    lse = jnp.log(jnp.sum(jnp.exp(z), axis=-1, keepdims=True))
    out_ref[...] = z - lse


_row_spec = pl.BlockSpec((ROWS, D), lambda i: (i, 0))
_full_spec = pl.BlockSpec((D, D), lambda i: (0, 0))
_vec_spec = pl.BlockSpec((1, D), lambda i: (0, 0))
_P_spec = pl.BlockSpec((2, ROWS, D), lambda i: (0, i, 0))

_fD = jax.ShapeDtypeStruct((N, D), jnp.float32)
_fP = jax.ShapeDtypeStruct((2, N, D), jnp.float32)

_enc_call = pl.pallas_call(
    _enc_body,
    grid=(GRID,),
    in_specs=[_row_spec, _full_spec, _vec_spec],
    out_specs=[_row_spec, _P_spec],
    out_shape=[_fD, _fP],
)

_mid_specs = dict(
    grid=(GRID,),
    in_specs=[_P_spec, _row_spec, _row_spec, _full_spec, _vec_spec,
              _vec_spec, _vec_spec],
    out_specs=[_row_spec, _row_spec, _P_spec],
    out_shape=[_fD, _fD, _fP],
)
_mid_call_nores = pl.pallas_call(functools.partial(_mid_body, False), **_mid_specs)
_mid_call_res = pl.pallas_call(functools.partial(_mid_body, True), **_mid_specs)

_fin_call = pl.pallas_call(
    _fin_body,
    grid=(GRID,),
    in_specs=[_P_spec, _row_spec, _row_spec, _full_spec, _vec_spec,
              _vec_spec, _vec_spec,
              pl.BlockSpec((D, NCLS), lambda i: (0, 0)),
              pl.BlockSpec((1, NCLS), lambda i: (0, 0))],
    out_specs=pl.BlockSpec((ROWS, NCLS), lambda i: (i, 0)),
    out_shape=jax.ShapeDtypeStruct((N, NCLS), jnp.float32),
)



_sc_mesh = plsc.VectorSubcoreMesh(core_axis_name="c", subcore_axis_name="s")


@functools.partial(
    pl.kernel,
    mesh=_sc_mesh,
    out_type=jax.ShapeDtypeStruct((2 * N, D), jnp.float32),
    scratch_types=[
        pltpu.VMEM((SUPER * CHUNK,), jnp.int32),
        pltpu.VMEM((SUPER, CHUNK), jnp.int32),
        pltpu.VMEM((CHUNK, D), jnp.float32),
        pltpu.VMEM((CHUNK, D), jnp.float32),
        pltpu.VMEM((CHUNK, D), jnp.float32),
        pltpu.VMEM_SHARED((N + PADROWS, D), jnp.float32),
        pltpu.SemaphoreType.DMA,
        pltpu.SemaphoreType.DMA,
        pltpu.SemaphoreType.DMA,
    ],
)
def _spmm_sc(P_hbm, src_hbm, dst_hbm, zeros_hbm, out_hbm,
             src_v, dst_v, rows_a, rows_b, rows_c, S_sp, sem_a, sem_b, sem_c):
    c = lax.axis_index("c")
    s = lax.axis_index("s")

    r0 = s * TROWS
    coff = c * N
    ebase = (c * NS + s) * EDGES_PER_TILE

    @pl.when(s < NS - 1)
    def _zero_main():
        pltpu.sync_copy(zeros_hbm.at[pl.ds(r0, TROWS)],
                        S_sp.at[pl.ds(r0, TROWS)])

    @pl.when(s == NS - 1)
    def _zero_last():
        pltpu.sync_copy(zeros_hbm.at[pl.ds((NS - 1) * TROWS, TROWS_LAST)],
                        S_sp.at[pl.ds((NS - 1) * TROWS, TROWS_LAST)])

    plsc.subcore_barrier()

    def _gather(i, buf, sem):
        pltpu.async_copy(P_hbm.at[src_v.at[pl.ds(i * CHUNK, CHUNK)]],
                         buf, sem)

    def _gwait(i, buf, sem):
        pltpu.make_async_copy(P_hbm.at[src_v.at[pl.ds(i * CHUNK, CHUNK)]],
                              buf, sem).wait()

    def _scat(i, buf):
        pltpu.sync_copy(buf, S_sp.at[dst_v.at[i]], add=True)

    def super_body(u, carry):
        pltpu.sync_copy(
            src_hbm.at[pl.ds(ebase + u * (SUPER * CHUNK), SUPER * CHUNK)],
            src_v)
        pltpu.sync_copy(dst_hbm.at[s, u], dst_v)
        _gather(0, rows_a, sem_a)
        _gather(1, rows_b, sem_b)
        _gather(2, rows_c, sem_c)

        def body(k, carry2):
            i0 = 3 * k
            refire = k < SUPER // 3 - 1
            for d, (buf, sem) in enumerate(
                    [(rows_a, sem_a), (rows_b, sem_b), (rows_c, sem_c)]):
                _gwait(i0 + d, buf, sem)
                _scat(i0 + d, buf)

                @pl.when(refire)
                def _next(buf=buf, sem=sem, d=d):
                    _gather(i0 + d + 3, buf, sem)
            return carry2

        lax.fori_loop(0, SUPER // 3, body, 0)
        return carry

    lax.fori_loop(0, NSUPER, super_body, 0)
    plsc.subcore_barrier()

    @pl.when(s < NS - 1)
    def _wb_main():
        pltpu.sync_copy(S_sp.at[pl.ds(r0, TROWS)],
                        out_hbm.at[pl.ds(coff + r0, TROWS)])

    @pl.when(s == NS - 1)
    def _wb_last():
        pltpu.sync_copy(S_sp.at[pl.ds((NS - 1) * TROWS, TROWS_LAST)],
                        out_hbm.at[pl.ds(coff + (NS - 1) * TROWS, TROWS_LAST)])



def kernel(x, edge_index, W_enc, b_enc, W_gcn, b_gcn, gamma, beta,
           W_pred, b_pred):
    src = edge_index[0].astype(jnp.int32)
    dst = edge_index[1].astype(jnp.int32)
    srcp = jnp.concatenate(
        [src, jnp.arange(E_PAD - E, dtype=jnp.int32) % N])
    dstp = jnp.concatenate(
        [dst, N + (jnp.arange(E_PAD - E, dtype=jnp.int32) % PADROWS)])
    src2 = jnp.concatenate([srcp, srcp + N])
    dst3 = dstp.reshape(NS, NSUPER, SUPER, CHUNK)
    zeros = jnp.zeros((N, D), jnp.float32)

    def spmm(P):
        flat = _spmm_sc(P.reshape(2 * N, D), src2, dst3, zeros)
        return flat.reshape(2, N, D)

    b_enc2 = b_enc.reshape(1, D)
    h, P = _enc_call(x, W_enc, b_enc2)
    xp = h
    for r in range(NUM_LAYERS - 1):
        S = spmm(P)
        call = _mid_call_nores if r == 0 else _mid_call_res
        h, xp, P = call(S, xp, h, W_gcn[r], b_gcn[r].reshape(1, D),
                        gamma[r].reshape(1, D), beta[r].reshape(1, D))
    S = spmm(P)
    r = NUM_LAYERS - 1
    return _fin_call(S, xp, h, W_gcn[r], b_gcn[r].reshape(1, D),
                     gamma[r].reshape(1, D), beta[r].reshape(1, D),
                     W_pred, b_pred.reshape(1, NCLS))

# --- scband reference (transcript-rebuilt; emitter-appended) ---
"""Pipeline reference for scband-deeper-gcn-84765474554365 (READ-ONLY COPY).

The authoritative reference and input builder live on the scoring server;
editing this copy changes nothing except your own understanding.
"""

import jax, jax.numpy as jnp
import numpy as np

N_NODES = 10000
N_EDGES = 320000
D_FEAT = 128
HIDDEN = 128
N_CLASSES = 40
NUM_LAYERS = 7  # args.n_layers + 1
T = 1.0
MSG_EPS = 1e-7


def layer_norm(h, g, b):
    mu = jnp.mean(h, axis=-1, keepdims=True)
    var = jnp.var(h, axis=-1, keepdims=True)
    return (h - mu) / jnp.sqrt(var + 1e-5) * g + b


def segment_softmax(logits, seg, n):
    m = jax.ops.segment_max(logits, seg, num_segments=n)
    m = jnp.where(jnp.isfinite(m), m, 0.0)
    m = jax.lax.stop_gradient(m)
    e = jnp.exp(logits - m[seg])
    s = jax.ops.segment_sum(e, seg, num_segments=n)
    return e / (s[seg] + 1e-16)


def genconv(x, src, dst, W, b):
    # GENConv with softmax aggregation (t fixed), mlp_layers=1
    msg = jax.nn.relu(x[src]) + MSG_EPS
    alpha = segment_softmax(msg * T, dst, N_NODES)
    agg = jax.ops.segment_sum(alpha * msg, dst, num_segments=N_NODES)
    return (x + agg) @ W + b


def setup_inputs(seed: int = 0) -> dict:
    key = jax.random.key(seed)
    ks = jax.random.split(key, 6)
    s = 1.0 / np.sqrt(HIDDEN)
    x = jax.random.normal(ks[0], (N_NODES, D_FEAT), dtype=jnp.float32)
    edge_index = jax.random.randint(ks[1], (2, N_EDGES), 0, N_NODES)
    W_enc = jax.random.normal(ks[2], (D_FEAT, HIDDEN), dtype=jnp.float32) * s
    b_enc = jnp.zeros((HIDDEN,), dtype=jnp.float32)
    W_gcn = jax.random.normal(ks[3], (NUM_LAYERS, HIDDEN, HIDDEN), dtype=jnp.float32) * s
    b_gcn = jnp.zeros((NUM_LAYERS, HIDDEN), dtype=jnp.float32)
    gamma = jnp.ones((NUM_LAYERS, HIDDEN), dtype=jnp.float32)
    beta = jnp.zeros((NUM_LAYERS, HIDDEN), dtype=jnp.float32)
    W_pred = jax.random.normal(ks[4], (HIDDEN, N_CLASSES), dtype=jnp.float32) * s
    b_pred = jnp.zeros((N_CLASSES,), dtype=jnp.float32)
    return {"x": x, "edge_index": edge_index, "W_enc": W_enc, "b_enc": b_enc,
            "W_gcn": W_gcn, "b_gcn": b_gcn, "gamma": gamma, "beta": beta,
            "W_pred": W_pred, "b_pred": b_pred}


def reference(x, edge_index, W_enc, b_enc, W_gcn, b_gcn, gamma, beta, W_pred, b_pred):
    src = edge_index[0]
    dst = edge_index[1]
    # node feature encoder
    h = x @ W_enc + b_enc
    # res+ block: LN -> ReLU -> GENConv -> Res
    h = genconv(h, src, dst, W_gcn[0], b_gcn[0])
    for layer in range(1, NUM_LAYERS):
        h1 = layer_norm(h, gamma[layer - 1], beta[layer - 1])
        h2 = jax.nn.relu(h1)
        h = genconv(h2, src, dst, W_gcn[layer], b_gcn[layer]) + h
    h = jax.nn.relu(layer_norm(h, gamma[NUM_LAYERS - 1], beta[NUM_LAYERS - 1]))
    h = h @ W_pred + b_pred
    return jax.nn.log_softmax(h, axis=-1)

if __name__ == "__main__":
    import jax
    _d = setup_inputs()
    print(jax.jit(kernel)(*tuple(_d.values())))

</pallas_src>

<mosaic_0001>
#map = affine_map<(d0, d1) -> (0, 0)>
#map1 = affine_map<(d0, d1) -> (0)>
#map2 = affine_map<(d0, d1) -> (0, 0, 0, 0)>
module attributes {stable_mosaic.version = 14 : i64} {
  func.func @_spmm_sc(%arg0: i32, %arg1: i32, %arg2: memref<20000x128xf32, #tpu.memory_space<hbm>>, %arg3: memref<645120xi32, #tpu.memory_space<hbm>>, %arg4: memref<16x5x42x96xi32, #tpu.memory_space<hbm>>, %arg5: memref<10000x128xf32, #tpu.memory_space<hbm>>, %arg6: memref<20000x128xf32, #tpu.memory_space<hbm>>, %arg7: memref<4032xi32, #tpu.memory_space<vmem>>, %arg8: memref<42x96xi32, #tpu.memory_space<vmem>>, %arg9: memref<96x128xf32, #tpu.memory_space<vmem>>, %arg10: memref<96x128xf32, #tpu.memory_space<vmem>>, %arg11: memref<96x128xf32, #tpu.memory_space<vmem>>, %arg12: memref<10488x128xf32, #tpu.memory_space<vmem_shared>>, %arg13: memref<!tpu.dma_semaphore, #tpu.memory_space<semaphore_mem>>, %arg14: memref<!tpu.dma_semaphore, #tpu.memory_space<semaphore_mem>>, %arg15: memref<!tpu.dma_semaphore, #tpu.memory_space<semaphore_mem>>) attributes {dimension_semantics = [#tpu.dimension_semantics<core_parallel>, #tpu.dimension_semantics<subcore_parallel>], iteration_bounds = array<i64: 2, 16>, scalar_prefetch = 0 : i64, scratch_operands = 9 : i64, tpu.core_type = #tpu.core_type<sc_vector_subcore>, window_params = [{transform_indices = #map}, {transform_indices = #map1}, {transform_indices = #map2}, {transform_indices = #map}, {transform_indices = #map}]} {
    %mul3A = arith.constant 632 : i32
    %mul3A_0 = arith.muli %arg1, %mul3A : i32
    %mul3A_1 = arith.constant 10000 : i32
    %mul3A_2 = arith.muli %arg0, %mul3A_1 : i32
    %mul3A_3 = arith.constant 16 : i32
    %mul3A_4 = arith.muli %arg0, %mul3A_3 : i32
    %add3A = arith.addi %mul3A_4, %arg1 : i32
    %mul3A_5 = arith.constant 20160 : i32
    %mul3A_6 = arith.muli %add3A, %mul3A_5 : i32
    %lt3A = arith.constant 15 : i32
    %lt3A_7 = arith.cmpi slt, %arg1, %lt3A : i32
    %convert_element_type3A = arith.extui %lt3A_7 : i1 to i32
    %cond3A = arith.constant 0 : i32
    %cond3A_8 = arith.cmpi ne, %convert_element_type3A, %cond3A : i32
    scf.if %cond3A_8 {
      "tpu.region"() ({
        %run_scoped3A = tpu.sem_alloc : memref<!tpu.dma_semaphore, #tpu.memory_space<semaphore_mem>>
        %dma_start3A = arith.constant 0 : i32
        %dma_start3A_29 = tpu.memref_slice %arg12[%mul3A_0, %dma_start3A] : memref<10488x128xf32, #tpu.memory_space<vmem_shared>> -> memref<632x128xf32, #tpu.memory_space<vmem_shared>>
        %dma_start3A_30 = arith.constant 0 : i32
        %dma_start3A_31 = tpu.memref_slice %arg5[%mul3A_0, %dma_start3A_30] : memref<10000x128xf32, #tpu.memory_space<hbm>> -> memref<632x128xf32, #tpu.memory_space<hbm>>
        tpu.enqueue_dma source(%dma_start3A_31 : memref<632x128xf32, #tpu.memory_space<hbm>>) target(%dma_start3A_29 : memref<632x128xf32, #tpu.memory_space<vmem_shared>>) target_semaphore(%run_scoped3A : memref<!tpu.dma_semaphore, #tpu.memory_space<semaphore_mem>>)
        %dma_wait3A = arith.constant 0 : i32
        %dma_wait3A_32 = tpu.memref_slice %arg12[%mul3A_0, %dma_wait3A] : memref<10488x128xf32, #tpu.memory_space<vmem_shared>> -> memref<632x128xf32, #tpu.memory_space<vmem_shared>>
        %dma_wait3A_33 = arith.constant 0 : i32
        %dma_wait3A_34 = tpu.memref_slice %arg5[%mul3A_0, %dma_wait3A_33] : memref<10000x128xf32, #tpu.memory_space<hbm>> -> memref<632x128xf32, #tpu.memory_space<hbm>>
        tpu.wait_dma2 semaphore(%run_scoped3A : memref<!tpu.dma_semaphore, #tpu.memory_space<semaphore_mem>>) src(%dma_wait3A_34 : memref<632x128xf32, #tpu.memory_space<hbm>>) dst(%dma_wait3A_32 : memref<632x128xf32, #tpu.memory_space<vmem_shared>>)
        tpu.yield
      }) : () -> ()
    } else {
    }
    %eq3A = arith.constant 15 : i32
    %eq3A_9 = arith.cmpi eq, %arg1, %eq3A : i32
    %convert_element_type3A_10 = arith.extui %eq3A_9 : i1 to i32
    %cond3A_11 = arith.constant 0 : i32
    %cond3A_12 = arith.cmpi ne, %convert_element_type3A_10, %cond3A_11 : i32
    scf.if %cond3A_12 {
      "tpu.region"() ({
        %run_scoped3A = tpu.sem_alloc : memref<!tpu.dma_semaphore, #tpu.memory_space<semaphore_mem>>
        %dma_start3A = arith.constant 9480 : i32
        %dma_start3A_29 = arith.constant 0 : i32
        %dma_start3A_30 = tpu.memref_slice %arg12[%dma_start3A, %dma_start3A_29] : memref<10488x128xf32, #tpu.memory_space<vmem_shared>> -> memref<520x128xf32, #tpu.memory_space<vmem_shared>>
        %dma_start3A_31 = arith.constant 9480 : i32
        %dma_start3A_32 = arith.constant 0 : i32
        %dma_start3A_33 = tpu.memref_slice %arg5[%dma_start3A_31, %dma_start3A_32] : memref<10000x128xf32, #tpu.memory_space<hbm>> -> memref<520x128xf32, #tpu.memory_space<hbm>>
        tpu.enqueue_dma source(%dma_start3A_33 : memref<520x128xf32, #tpu.memory_space<hbm>>) target(%dma_start3A_30 : memref<520x128xf32, #tpu.memory_space<vmem_shared>>) target_semaphore(%run_scoped3A : memref<!tpu.dma_semaphore, #tpu.memory_space<semaphore_mem>>)
        %dma_wait3A = arith.constant 9480 : i32
        %dma_wait3A_34 = arith.constant 0 : i32
        %dma_wait3A_35 = tpu.memref_slice %arg12[%dma_wait3A, %dma_wait3A_34] : memref<10488x128xf32, #tpu.memory_space<vmem_shared>> -> memref<520x128xf32, #tpu.memory_space<vmem_shared>>
        %dma_wait3A_36 = arith.constant 9480 : i32
        %dma_wait3A_37 = arith.constant 0 : i32
        %dma_wait3A_38 = tpu.memref_slice %arg5[%dma_wait3A_36, %dma_wait3A_37] : memref<10000x128xf32, #tpu.memory_space<hbm>> -> memref<520x128xf32, #tpu.memory_space<hbm>>
        tpu.wait_dma2 semaphore(%run_scoped3A : memref<!tpu.dma_semaphore, #tpu.memory_space<semaphore_mem>>) src(%dma_wait3A_38 : memref<520x128xf32, #tpu.memory_space<hbm>>) dst(%dma_wait3A_35 : memref<520x128xf32, #tpu.memory_space<vmem_shared>>)
        tpu.yield
      }) : () -> ()
    } else {
    }
    %barrier3A = arith.constant 0 : index
    tpu.barrier barrier_id(%barrier3A)
    %scan3A = arith.constant 0 : i32
    %scan3A_13 = arith.constant 0 : i32
    %scan3A_14 = arith.constant 5 : i32
    %scan3A_15 = arith.addi %scan3A_13, %scan3A_14 : i32
    %scan3A_16 = arith.constant 1 : i32
    scf.for %scan3A_29 = %scan3A_13 to %scan3A_15 step %scan3A_16  : i32 {
      %mul3A_30 = arith.constant 4032 : i32
      %mul3A_31 = arith.muli %scan3A_29, %mul3A_30 : i32
      %add3A_32 = arith.addi %mul3A_6, %mul3A_31 : i32
      "tpu.region"() ({
        %run_scoped3A = tpu.sem_alloc : memref<!tpu.dma_semaphore, #tpu.memory_space<semaphore_mem>>
        %dma_start3A_53 = tpu.memref_slice %arg3[%add3A_32] : memref<645120xi32, #tpu.memory_space<hbm>> -> memref<4032xi32, #tpu.memory_space<hbm>>
        %dma_start3A_54 = tpu.memref_slice %arg3[%add3A_32] : memref<645120xi32, #tpu.memory_space<hbm>> -> memref<4032xi32, #tpu.memory_space<hbm>>
        tpu.enqueue_dma source(%dma_start3A_54 : memref<4032xi32, #tpu.memory_space<hbm>>) target(%arg7 : memref<4032xi32, #tpu.memory_space<vmem>>) target_semaphore(%run_scoped3A : memref<!tpu.dma_semaphore, #tpu.memory_space<semaphore_mem>>)
        %dma_wait3A = tpu.memref_slice %arg3[%add3A_32] : memref<645120xi32, #tpu.memory_space<hbm>> -> memref<4032xi32, #tpu.memory_space<hbm>>
        %dma_wait3A_55 = tpu.memref_slice %arg3[%add3A_32] : memref<645120xi32, #tpu.memory_space<hbm>> -> memref<4032xi32, #tpu.memory_space<hbm>>
        tpu.wait_dma2 semaphore(%run_scoped3A : memref<!tpu.dma_semaphore, #tpu.memory_space<semaphore_mem>>) src(%dma_wait3A_55 : memref<4032xi32, #tpu.memory_space<hbm>>) dst(%arg7 : memref<4032xi32, #tpu.memory_space<vmem>>)
        tpu.yield
      }) : () -> ()
      "tpu.region"() ({
        %run_scoped3A = tpu.sem_alloc : memref<!tpu.dma_semaphore, #tpu.memory_space<semaphore_mem>>
        %dma_start3A_53 = arith.constant 0 : i32
        %dma_start3A_54 = arith.constant 0 : i32
        %dma_start3A_55 = tpu.memref_slice %arg4[%arg1, %scan3A_29, %dma_start3A_53, %dma_start3A_54] : memref<16x5x42x96xi32, #tpu.memory_space<hbm>> -> memref<1x1x42x96xi32, #tpu.memory_space<hbm>>
        %dma_start3A_56 = tpu.memref_squeeze %dma_start3A_55 : memref<1x1x42x96xi32, #tpu.memory_space<hbm>> -> memref<42x96xi32, #tpu.memory_space<hbm>>
        %dma_start3A_57 = arith.constant 0 : i32
        %dma_start3A_58 = arith.constant 0 : i32
        %dma_start3A_59 = tpu.memref_slice %arg4[%arg1, %scan3A_29, %dma_start3A_57, %dma_start3A_58] : memref<16x5x42x96xi32, #tpu.memory_space<hbm>> -> memref<1x1x42x96xi32, #tpu.memory_space<hbm>>
        %dma_start3A_60 = tpu.memref_squeeze %dma_start3A_59 : memref<1x1x42x96xi32, #tpu.memory_space<hbm>> -> memref<42x96xi32, #tpu.memory_space<hbm>>
        tpu.enqueue_dma source(%dma_start3A_60 : memref<42x96xi32, #tpu.memory_space<hbm>>) target(%arg8 : memref<42x96xi32, #tpu.memory_space<vmem>>) target_semaphore(%run_scoped3A : memref<!tpu.dma_semaphore, #tpu.memory_space<semaphore_mem>>)
        %dma_wait3A = arith.constant 0 : i32
        %dma_wait3A_61 = arith.constant 0 : i32
        %dma_wait3A_62 = tpu.memref_slice %arg4[%arg1, %scan3A_29, %dma_wait3A, %dma_wait3A_61] : memref<16x5x42x96xi32, #tpu.memory_space<hbm>> -> memref<1x1x42x96xi32, #tpu.memory_space<hbm>>
        %dma_wait3A_63 = tpu.memref_squeeze %dma_wait3A_62 : memref<1x1x42x96xi32, #tpu.memory_space<hbm>> -> memref<42x96xi32, #tpu.memory_space<hbm>>
        %dma_wait3A_64 = arith.constant 0 : i32
        %dma_wait3A_65 = arith.constant 0 : i32
        %dma_wait3A_66 = tpu.memref_slice %arg4[%arg1, %scan3A_29, %dma_wait3A_64, %dma_wait3A_65] : memref<16x5x42x96xi32, #tpu.memory_space<hbm>> -> memref<1x1x42x96xi32, #tpu.memory_space<hbm>>
        %dma_wait3A_67 = tpu.memref_squeeze %dma_wait3A_66 : memref<1x1x42x96xi32, #tpu.memory_space<hbm>> -> memref<42x96xi32, #tpu.memory_space<hbm>>
        tpu.wait_dma2 semaphore(%run_scoped3A : memref<!tpu.dma_semaphore, #tpu.memory_space<semaphore_mem>>) src(%dma_wait3A_67 : memref<42x96xi32, #tpu.memory_space<hbm>>) dst(%arg8 : memref<42x96xi32, #tpu.memory_space<vmem>>)
        tpu.yield
      }) : () -> ()
      %dma_start3A = arith.constant 0 : i32
      %dma_start3A_33 = tpu.memref_slice %arg7[%dma_start3A] : memref<4032xi32, #tpu.memory_space<vmem>> -> memref<96xi32, #tpu.memory_space<vmem>>
      %dma_start3A_34 = arith.constant 0 : i32
      %dma_start3A_35 = arith.constant 0 : i32
      %dma_start3A_36 = tpu.memref_slice %arg2[%dma_start3A_34, %dma_start3A_35] : memref<20000x128xf32, #tpu.memory_space<hbm>> -> memref<20000x128xf32, #tpu.memory_space<hbm>>
      tpu.enqueue_indirect_dma source(%dma_start3A_36 : memref<20000x128xf32, #tpu.memory_space<hbm>>) target(%arg9 : memref<96x128xf32, #tpu.memory_space<vmem>>) offsets(%dma_start3A_33 : memref<96xi32, #tpu.memory_space<vmem>>) semaphore(%arg13 : memref<!tpu.dma_semaphore, #tpu.memory_space<semaphore_mem>>)
      %dma_start3A_37 = arith.constant 96 : i32
      %dma_start3A_38 = tpu.memref_slice %arg7[%dma_start3A_37] : memref<4032xi32, #tpu.memory_space<vmem>> -> memref<96xi32, #tpu.memory_space<vmem>>
      %dma_start3A_39 = arith.constant 0 : i32
      %dma_start3A_40 = arith.constant 0 : i32
      %dma_start3A_41 = tpu.memref_slice %arg2[%dma_start3A_39, %dma_start3A_40] : memref<20000x128xf32, #tpu.memory_space<hbm>> -> memref<20000x128xf32, #tpu.memory_space<hbm>>
      tpu.enqueue_indirect_dma source(%dma_start3A_41 : memref<20000x128xf32, #tpu.memory_space<hbm>>) target(%arg10 : memref<96x128xf32, #tpu.memory_space<vmem>>) offsets(%dma_start3A_38 : memref<96xi32, #tpu.memory_space<vmem>>) semaphore(%arg14 : memref<!tpu.dma_semaphore, #tpu.memory_space<semaphore_mem>>)
      %dma_start3A_42 = arith.constant 192 : i32
      %dma_start3A_43 = tpu.memref_slice %arg7[%dma_start3A_42] : memref<4032xi32, #tpu.memory_space<vmem>> -> memref<96xi32, #tpu.memory_space<vmem>>
      %dma_start3A_44 = arith.constant 0 : i32
      %dma_start3A_45 = arith.constant 0 : i32
      %dma_start3A_46 = tpu.memref_slice %arg2[%dma_start3A_44, %dma_start3A_45] : memref<20000x128xf32, #tpu.memory_space<hbm>> -> memref<20000x128xf32, #tpu.memory_space<hbm>>
      tpu.enqueue_indirect_dma source(%dma_start3A_46 : memref<20000x128xf32, #tpu.memory_space<hbm>>) target(%arg11 : memref<96x128xf32, #tpu.memory_space<vmem>>) offsets(%dma_start3A_43 : memref<96xi32, #tpu.memory_space<vmem>>) semaphore(%arg15 : memref<!tpu.dma_semaphore, #tpu.memory_space<semaphore_mem>>)
      %scan3A_47 = arith.constant 0 : i32
      %scan3A_48 = arith.constant 0 : i32
      %scan3A_49 = arith.constant 14 : i32
      %scan3A_50 = arith.addi %scan3A_48, %scan3A_49 : i32
      %scan3A_51 = arith.constant 1 : i32
      scf.for %scan3A_53 = %scan3A_48 to %scan3A_50 step %scan3A_51  : i32 {
        %mul3A_54 = arith.constant 3 : i32
        %mul3A_55 = arith.muli %mul3A_54, %scan3A_53 : i32
        %lt3A_56 = arith.constant 13 : i32
        %lt3A_57 = arith.cmpi slt, %scan3A_53, %lt3A_56 : i32
        %add3A_58 = arith.constant 0 : i32
        %add3A_59 = arith.addi %mul3A_55, %add3A_58 : i32
        %mul3A_60 = arith.constant 96 : i32
        %mul3A_61 = arith.muli %add3A_59, %mul3A_60 : i32
        %dma_wait3A = tpu.memref_slice %arg7[%mul3A_61] : memref<4032xi32, #tpu.memory_space<vmem>> -> memref<96xi32, #tpu.memory_space<vmem>>
        %dma_wait3A_62 = arith.constant 0 : i32
        %dma_wait3A_63 = arith.constant 0 : i32
        %dma_wait3A_64 = tpu.memref_slice %arg2[%dma_wait3A_62, %dma_wait3A_63] : memref<20000x128xf32, #tpu.memory_space<hbm>> -> memref<20000x128xf32, #tpu.memory_space<hbm>>
        tpu.wait_indirect_dma semaphore(%arg13 : memref<!tpu.dma_semaphore, #tpu.memory_space<semaphore_mem>>) src(%dma_wait3A_64 : memref<20000x128xf32, #tpu.memory_space<hbm>>) dst(%arg9 : memref<96x128xf32, #tpu.memory_space<vmem>>)
        %add3A_65 = arith.constant 0 : i32
        %add3A_66 = arith.addi %mul3A_55, %add3A_65 : i32
        "tpu.region"() ({
          %run_scoped3A = tpu.sem_alloc : memref<!tpu.dma_semaphore, #tpu.memory_space<semaphore_mem>>
          %dma_start3A_96 = arith.constant 0 : i32
          %dma_start3A_97 = tpu.memref_slice %arg8[%add3A_66, %dma_start3A_96] : memref<42x96xi32, #tpu.memory_space<vmem>> -> memref<1x96xi32, #tpu.memory_space<vmem>>
          %dma_start3A_98 = tpu.memref_squeeze %dma_start3A_97 : memref<1x96xi32, #tpu.memory_space<vmem>> -> memref<96xi32, #tpu.memory_space<vmem>>
          %dma_start3A_99 = arith.constant 0 : i32
          %dma_start3A_100 = arith.constant 0 : i32
          %dma_start3A_101 = tpu.memref_slice %arg12[%dma_start3A_99, %dma_start3A_100] : memref<10488x128xf32, #tpu.memory_space<vmem_shared>> -> memref<10488x128xf32, #tpu.memory_space<vmem_shared>>
          tpu.enqueue_indirect_dma source(%arg9 : memref<96x128xf32, #tpu.memory_space<vmem>>) target(%dma_start3A_101 : memref<10488x128xf32, #tpu.memory_space<vmem_shared>>) offsets(%dma_start3A_98 : memref<96xi32, #tpu.memory_space<vmem>>) semaphore(%run_scoped3A : memref<!tpu.dma_semaphore, #tpu.memory_space<semaphore_mem>>) {add = true}
          %dma_wait3A_102 = arith.constant 0 : i32
          %dma_wait3A_103 = tpu.memref_slice %arg8[%add3A_66, %dma_wait3A_102] : memref<42x96xi32, #tpu.memory_space<vmem>> -> memref<1x96xi32, #tpu.memory_space<vmem>>
          %dma_wait3A_104 = tpu.memref_squeeze %dma_wait3A_103 : memref<1x96xi32, #tpu.memory_space<vmem>> -> memref<96xi32, #tpu.memory_space<vmem>>
          %dma_wait3A_105 = arith.constant 0 : i32
          %dma_wait3A_106 = arith.constant 0 : i32
          %dma_wait3A_107 = tpu.memref_slice %arg12[%dma_wait3A_105, %dma_wait3A_106] : memref<10488x128xf32, #tpu.memory_space<vmem_shared>> -> memref<10488x128xf32, #tpu.memory_space<vmem_shared>>
          tpu.wait_indirect_dma semaphore(%run_scoped3A : memref<!tpu.dma_semaphore, #tpu.memory_space<semaphore_mem>>) src(%arg9 : memref<96x128xf32, #tpu.memory_space<vmem>>) dst(%dma_wait3A_107 : memref<10488x128xf32, #tpu.memory_space<vmem_shared>>)
          tpu.yield
        }) : () -> ()
        %convert_element_type3A_67 = arith.extui %lt3A_57 : i1 to i32
        %cond3A_68 = arith.constant 0 : i32
        %cond3A_69 = arith.cmpi ne, %convert_element_type3A_67, %cond3A_68 : i32
        scf.if %cond3A_69 {
          %add3A_96 = arith.constant 0 : i32
          %add3A_97 = arith.addi %mul3A_55, %add3A_96 : i32
          %add3A_98 = arith.constant 3 : i32
          %add3A_99 = arith.addi %add3A_97, %add3A_98 : i32
          %mul3A_100 = arith.constant 96 : i32
          %mul3A_101 = arith.muli %add3A_99, %mul3A_100 : i32
          %dma_start3A_102 = tpu.memref_slice %arg7[%mul3A_101] : memref<4032xi32, #tpu.memory_space<vmem>> -> memref<96xi32, #tpu.memory_space<vmem>>
          %dma_start3A_103 = arith.constant 0 : i32
          %dma_start3A_104 = arith.constant 0 : i32
          %dma_start3A_105 = tpu.memref_slice %arg2[%dma_start3A_103, %dma_start3A_104] : memref<20000x128xf32, #tpu.memory_space<hbm>> -> memref<20000x128xf32, #tpu.memory_space<hbm>>
          tpu.enqueue_indirect_dma source(%dma_start3A_105 : memref<20000x128xf32, #tpu.memory_space<hbm>>) target(%arg9 : memref<96x128xf32, #tpu.memory_space<vmem>>) offsets(%dma_start3A_102 : memref<96xi32, #tpu.memory_space<vmem>>) semaphore(%arg13 : memref<!tpu.dma_semaphore, #tpu.memory_space<semaphore_mem>>)
        } else {
        }
        %add3A_70 = arith.constant 1 : i32
        %add3A_71 = arith.addi %mul3A_55, %add3A_70 : i32
        %mul3A_72 = arith.constant 96 : i32
        %mul3A_73 = arith.muli %add3A_71, %mul3A_72 : i32
        %dma_wait3A_74 = tpu.memref_slice %arg7[%mul3A_73] : memref<4032xi32, #tpu.memory_space<vmem>> -> memref<96xi32, #tpu.memory_space<vmem>>
        %dma_wait3A_75 = arith.constant 0 : i32
        %dma_wait3A_76 = arith.constant 0 : i32
        %dma_wait3A_77 = tpu.memref_slice %arg2[%dma_wait3A_75, %dma_wait3A_76] : memref<20000x128xf32, #tpu.memory_space<hbm>> -> memref<20000x128xf32, #tpu.memory_space<hbm>>
        tpu.wait_indirect_dma semaphore(%arg14 : memref<!tpu.dma_semaphore, #tpu.memory_space<semaphore_mem>>) src(%dma_wait3A_77 : memref<20000x128xf32, #tpu.memory_space<hbm>>) dst(%arg10 : memref<96x128xf32, #tpu.memory_space<vmem>>)
        %add3A_78 = arith.constant 1 : i32
        %add3A_79 = arith.addi %mul3A_55, %add3A_78 : i32
        "tpu.region"() ({
          %run_scoped3A = tpu.sem_alloc : memref<!tpu.dma_semaphore, #tpu.memory_space<semaphore_mem>>
          %dma_start3A_96 = arith.constant 0 : i32
          %dma_start3A_97 = tpu.memref_slice %arg8[%add3A_79, %dma_start3A_96] : memref<42x96xi32, #tpu.memory_space<vmem>> -> memref<1x96xi32, #tpu.memory_space<vmem>>
          %dma_start3A_98 = tpu.memref_squeeze %dma_start3A_97 : memref<1x96xi32, #tpu.memory_space<vmem>> -> memref<96xi32, #tpu.memory_space<vmem>>
          %dma_start3A_99 = arith.constant 0 : i32
          %dma_start3A_100 = arith.constant 0 : i32
          %dma_start3A_101 = tpu.memref_slice %arg12[%dma_start3A_99, %dma_start3A_100] : memref<10488x128xf32, #tpu.memory_space<vmem_shared>> -> memref<10488x128xf32, #tpu.memory_space<vmem_shared>>
          tpu.enqueue_indirect_dma source(%arg10 : memref<96x128xf32, #tpu.memory_space<vmem>>) target(%dma_start3A_101 : memref<10488x128xf32, #tpu.memory_space<vmem_shared>>) offsets(%dma_start3A_98 : memref<96xi32, #tpu.memory_space<vmem>>) semaphore(%run_scoped3A : memref<!tpu.dma_semaphore, #tpu.memory_space<semaphore_mem>>) {add = true}
          %dma_wait3A_102 = arith.constant 0 : i32
          %dma_wait3A_103 = tpu.memref_slice %arg8[%add3A_79, %dma_wait3A_102] : memref<42x96xi32, #tpu.memory_space<vmem>> -> memref<1x96xi32, #tpu.memory_space<vmem>>
          %dma_wait3A_104 = tpu.memref_squeeze %dma_wait3A_103 : memref<1x96xi32, #tpu.memory_space<vmem>> -> memref<96xi32, #tpu.memory_space<vmem>>
          %dma_wait3A_105 = arith.constant 0 : i32
          %dma_wait3A_106 = arith.constant 0 : i32
          %dma_wait3A_107 = tpu.memref_slice %arg12[%dma_wait3A_105, %dma_wait3A_106] : memref<10488x128xf32, #tpu.memory_space<vmem_shared>> -> memref<10488x128xf32, #tpu.memory_space<vmem_shared>>
          tpu.wait_indirect_dma semaphore(%run_scoped3A : memref<!tpu.dma_semaphore, #tpu.memory_space<semaphore_mem>>) src(%arg10 : memref<96x128xf32, #tpu.memory_space<vmem>>) dst(%dma_wait3A_107 : memref<10488x128xf32, #tpu.memory_space<vmem_shared>>)
          tpu.yield
        }) : () -> ()
        %convert_element_type3A_80 = arith.extui %lt3A_57 : i1 to i32
        %cond3A_81 = arith.constant 0 : i32
        %cond3A_82 = arith.cmpi ne, %convert_element_type3A_80, %cond3A_81 : i32
        scf.if %cond3A_82 {
          %add3A_96 = arith.constant 1 : i32
          %add3A_97 = arith.addi %mul3A_55, %add3A_96 : i32
          %add3A_98 = arith.constant 3 : i32
          %add3A_99 = arith.addi %add3A_97, %add3A_98 : i32
          %mul3A_100 = arith.constant 96 : i32
          %mul3A_101 = arith.muli %add3A_99, %mul3A_100 : i32
          %dma_start3A_102 = tpu.memref_slice %arg7[%mul3A_101] : memref<4032xi32, #tpu.memory_space<vmem>> -> memref<96xi32, #tpu.memory_space<vmem>>
          %dma_start3A_103 = arith.constant 0 : i32
          %dma_start3A_104 = arith.constant 0 : i32
          %dma_start3A_105 = tpu.memref_slice %arg2[%dma_start3A_103, %dma_start3A_104] : memref<20000x128xf32, #tpu.memory_space<hbm>> -> memref<20000x128xf32, #tpu.memory_space<hbm>>
          tpu.enqueue_indirect_dma source(%dma_start3A_105 : memref<20000x128xf32, #tpu.memory_space<hbm>>) target(%arg10 : memref<96x128xf32, #tpu.memory_space<vmem>>) offsets(%dma_start3A_102 : memref<96xi32, #tpu.memory_space<vmem>>) semaphore(%arg14 : memref<!tpu.dma_semaphore, #tpu.memory_space<semaphore_mem>>)
        } else {
        }
        %add3A_83 = arith.constant 2 : i32
        %add3A_84 = arith.addi %mul3A_55, %add3A_83 : i32
        %mul3A_85 = arith.constant 96 : i32
        %mul3A_86 = arith.muli %add3A_84, %mul3A_85 : i32
        %dma_wait3A_87 = tpu.memref_slice %arg7[%mul3A_86] : memref<4032xi32, #tpu.memory_space<vmem>> -> memref<96xi32, #tpu.memory_space<vmem>>
        %dma_wait3A_88 = arith.constant 0 : i32
        %dma_wait3A_89 = arith.constant 0 : i32
        %dma_wait3A_90 = tpu.memref_slice %arg2[%dma_wait3A_88, %dma_wait3A_89] : memref<20000x128xf32, #tpu.memory_space<hbm>> -> memref<20000x128xf32, #tpu.memory_space<hbm>>
        tpu.wait_indirect_dma semaphore(%arg15 : memref<!tpu.dma_semaphore, #tpu.memory_space<semaphore_mem>>) src(%dma_wait3A_90 : memref<20000x128xf32, #tpu.memory_space<hbm>>) dst(%arg11 : memref<96x128xf32, #tpu.memory_space<vmem>>)
        %add3A_91 = arith.constant 2 : i32
        %add3A_92 = arith.addi %mul3A_55, %add3A_91 : i32
        "tpu.region"() ({
          %run_scoped3A = tpu.sem_alloc : memref<!tpu.dma_semaphore, #tpu.memory_space<semaphore_mem>>
          %dma_start3A_96 = arith.constant 0 : i32
          %dma_start3A_97 = tpu.memref_slice %arg8[%add3A_92, %dma_start3A_96] : memref<42x96xi32, #tpu.memory_space<vmem>> -> memref<1x96xi32, #tpu.memory_space<vmem>>
          %dma_start3A_98 = tpu.memref_squeeze %dma_start3A_97 : memref<1x96xi32, #tpu.memory_space<vmem>> -> memref<96xi32, #tpu.memory_space<vmem>>
          %dma_start3A_99 = arith.constant 0 : i32
          %dma_start3A_100 = arith.constant 0 : i32
          %dma_start3A_101 = tpu.memref_slice %arg12[%dma_start3A_99, %dma_start3A_100] : memref<10488x128xf32, #tpu.memory_space<vmem_shared>> -> memref<10488x128xf32, #tpu.memory_space<vmem_shared>>
          tpu.enqueue_indirect_dma source(%arg11 : memref<96x128xf32, #tpu.memory_space<vmem>>) target(%dma_start3A_101 : memref<10488x128xf32, #tpu.memory_space<vmem_shared>>) offsets(%dma_start3A_98 : memref<96xi32, #tpu.memory_space<vmem>>) semaphore(%run_scoped3A : memref<!tpu.dma_semaphore, #tpu.memory_space<semaphore_mem>>) {add = true}
          %dma_wait3A_102 = arith.constant 0 : i32
          %dma_wait3A_103 = tpu.memref_slice %arg8[%add3A_92, %dma_wait3A_102] : memref<42x96xi32, #tpu.memory_space<vmem>> -> memref<1x96xi32, #tpu.memory_space<vmem>>
          %dma_wait3A_104 = tpu.memref_squeeze %dma_wait3A_103 : memref<1x96xi32, #tpu.memory_space<vmem>> -> memref<96xi32, #tpu.memory_space<vmem>>
          %dma_wait3A_105 = arith.constant 0 : i32
          %dma_wait3A_106 = arith.constant 0 : i32
          %dma_wait3A_107 = tpu.memref_slice %arg12[%dma_wait3A_105, %dma_wait3A_106] : memref<10488x128xf32, #tpu.memory_space<vmem_shared>> -> memref<10488x128xf32, #tpu.memory_space<vmem_shared>>
          tpu.wait_indirect_dma semaphore(%run_scoped3A : memref<!tpu.dma_semaphore, #tpu.memory_space<semaphore_mem>>) src(%arg11 : memref<96x128xf32, #tpu.memory_space<vmem>>) dst(%dma_wait3A_107 : memref<10488x128xf32, #tpu.memory_space<vmem_shared>>)
          tpu.yield
        }) : () -> ()
        %convert_element_type3A_93 = arith.extui %lt3A_57 : i1 to i32
        %cond3A_94 = arith.constant 0 : i32
        %cond3A_95 = arith.cmpi ne, %convert_element_type3A_93, %cond3A_94 : i32
        scf.if %cond3A_95 {
          %add3A_96 = arith.constant 2 : i32
          %add3A_97 = arith.addi %mul3A_55, %add3A_96 : i32
          %add3A_98 = arith.constant 3 : i32
          %add3A_99 = arith.addi %add3A_97, %add3A_98 : i32
          %mul3A_100 = arith.constant 96 : i32
          %mul3A_101 = arith.muli %add3A_99, %mul3A_100 : i32
          %dma_start3A_102 = tpu.memref_slice %arg7[%mul3A_101] : memref<4032xi32, #tpu.memory_space<vmem>> -> memref<96xi32, #tpu.memory_space<vmem>>
          %dma_start3A_103 = arith.constant 0 : i32
          %dma_start3A_104 = arith.constant 0 : i32
          %dma_start3A_105 = tpu.memref_slice %arg2[%dma_start3A_103, %dma_start3A_104] : memref<20000x128xf32, #tpu.memory_space<hbm>> -> memref<20000x128xf32, #tpu.memory_space<hbm>>
          tpu.enqueue_indirect_dma source(%dma_start3A_105 : memref<20000x128xf32, #tpu.memory_space<hbm>>) target(%arg11 : memref<96x128xf32, #tpu.memory_space<vmem>>) offsets(%dma_start3A_102 : memref<96xi32, #tpu.memory_space<vmem>>) semaphore(%arg15 : memref<!tpu.dma_semaphore, #tpu.memory_space<semaphore_mem>>)
        } else {
        }
      }
      %scan3A_52 = arith.constant 14 : i32
    }
    %scan3A_17 = arith.constant 5 : i32
    %barrier3A_18 = arith.constant 0 : index
    tpu.barrier barrier_id(%barrier3A_18)
    %lt3A_19 = arith.constant 15 : i32
    %lt3A_20 = arith.cmpi slt, %arg1, %lt3A_19 : i32
    %convert_element_type3A_21 = arith.extui %lt3A_20 : i1 to i32
    %cond3A_22 = arith.constant 0 : i32
    %cond3A_23 = arith.cmpi ne, %convert_element_type3A_21, %cond3A_22 : i32
    scf.if %cond3A_23 {
      %add3A_29 = arith.addi %mul3A_2, %mul3A_0 : i32
      "tpu.region"() ({
        %run_scoped3A = tpu.sem_alloc : memref<!tpu.dma_semaphore, #tpu.memory_space<semaphore_mem>>
        %dma_start3A = arith.constant 0 : i32
        %dma_start3A_30 = tpu.memref_slice %arg6[%add3A_29, %dma_start3A] : memref<20000x128xf32, #tpu.memory_space<hbm>> -> memref<632x128xf32, #tpu.memory_space<hbm>>
        %dma_start3A_31 = arith.constant 0 : i32
        %dma_start3A_32 = tpu.memref_slice %arg12[%mul3A_0, %dma_start3A_31] : memref<10488x128xf32, #tpu.memory_space<vmem_shared>> -> memref<632x128xf32, #tpu.memory_space<vmem_shared>>
        tpu.enqueue_dma source(%dma_start3A_32 : memref<632x128xf32, #tpu.memory_space<vmem_shared>>) target(%dma_start3A_30 : memref<632x128xf32, #tpu.memory_space<hbm>>) target_semaphore(%run_scoped3A : memref<!tpu.dma_semaphore, #tpu.memory_space<semaphore_mem>>)
        %dma_wait3A = arith.constant 0 : i32
        %dma_wait3A_33 = tpu.memref_slice %arg6[%add3A_29, %dma_wait3A] : memref<20000x128xf32, #tpu.memory_space<hbm>> -> memref<632x128xf32, #tpu.memory_space<hbm>>
        %dma_wait3A_34 = arith.constant 0 : i32
        %dma_wait3A_35 = tpu.memref_slice %arg12[%mul3A_0, %dma_wait3A_34] : memref<10488x128xf32, #tpu.memory_space<vmem_shared>> -> memref<632x128xf32, #tpu.memory_space<vmem_shared>>
        tpu.wait_dma2 semaphore(%run_scoped3A : memref<!tpu.dma_semaphore, #tpu.memory_space<semaphore_mem>>) src(%dma_wait3A_35 : memref<632x128xf32, #tpu.memory_space<vmem_shared>>) dst(%dma_wait3A_33 : memref<632x128xf32, #tpu.memory_space<hbm>>)
        tpu.yield
      }) : () -> ()
    } else {
    }
    %eq3A_24 = arith.constant 15 : i32
    %eq3A_25 = arith.cmpi eq, %arg1, %eq3A_24 : i32
    %convert_element_type3A_26 = arith.extui %eq3A_25 : i1 to i32
    %cond3A_27 = arith.constant 0 : i32
    %cond3A_28 = arith.cmpi ne, %convert_element_type3A_26, %cond3A_27 : i32
    scf.if %cond3A_28 {
      %add3A_29 = arith.constant 9480 : i32
      %add3A_30 = arith.addi %mul3A_2, %add3A_29 : i32
      "tpu.region"() ({
        %run_scoped3A = tpu.sem_alloc : memref<!tpu.dma_semaphore, #tpu.memory_space<semaphore_mem>>
        %dma_start3A = arith.constant 0 : i32
        %dma_start3A_31 = tpu.memref_slice %arg6[%add3A_30, %dma_start3A] : memref<20000x128xf32, #tpu.memory_space<hbm>> -> memref<520x128xf32, #tpu.memory_space<hbm>>
        %dma_start3A_32 = arith.constant 9480 : i32
        %dma_start3A_33 = arith.constant 0 : i32
        %dma_start3A_34 = tpu.memref_slice %arg12[%dma_start3A_32, %dma_start3A_33] : memref<10488x128xf32, #tpu.memory_space<vmem_shared>> -> memref<520x128xf32, #tpu.memory_space<vmem_shared>>
        tpu.enqueue_dma source(%dma_start3A_34 : memref<520x128xf32, #tpu.memory_space<vmem_shared>>) target(%dma_start3A_31 : memref<520x128xf32, #tpu.memory_space<hbm>>) target_semaphore(%run_scoped3A : memref<!tpu.dma_semaphore, #tpu.memory_space<semaphore_mem>>)
        %dma_wait3A = arith.constant 0 : i32
        %dma_wait3A_35 = tpu.memref_slice %arg6[%add3A_30, %dma_wait3A] : memref<20000x128xf32, #tpu.memory_space<hbm>> -> memref<520x128xf32, #tpu.memory_space<hbm>>
        %dma_wait3A_36 = arith.constant 9480 : i32
        %dma_wait3A_37 = arith.constant 0 : i32
        %dma_wait3A_38 = tpu.memref_slice %arg12[%dma_wait3A_36, %dma_wait3A_37] : memref<10488x128xf32, #tpu.memory_space<vmem_shared>> -> memref<520x128xf32, #tpu.memory_space<vmem_shared>>
        tpu.wait_dma2 semaphore(%run_scoped3A : memref<!tpu.dma_semaphore, #tpu.memory_space<semaphore_mem>>) src(%dma_wait3A_38 : memref<520x128xf32, #tpu.memory_space<vmem_shared>>) dst(%dma_wait3A_35 : memref<520x128xf32, #tpu.memory_space<hbm>>)
        tpu.yield
      }) : () -> ()
    } else {
    }
    return
  }
}

#map = affine_map<(d0, d1) -> (0, 0)>
#map1 = affine_map<(d0, d1) -> (0)>
#map2 = affine_map<(d0, d1) -> (0, 0, 0, 0)>
module attributes {stable_mosaic.version = 14 : i64} {
  func.func @_spmm_sc(%arg0: i32, %arg1: i32, %arg2: memref<20000x128xf32, #tpu.memory_space<hbm>>, %arg3: memref<645120xi32, #tpu.memory_space<hbm>>, %arg4: memref<16x5x42x96xi32, #tpu.memory_space<hbm>>, %arg5: memref<10000x128xf32, #tpu.memory_space<hbm>>, %arg6: memref<20000x128xf32, #tpu.memory_space<hbm>>, %arg7: memref<4032xi32, #tpu.memory_space<vmem>>, %arg8: memref<42x96xi32, #tpu.memory_space<vmem>>, %arg9: memref<96x128xf32, #tpu.memory_space<vmem>>, %arg10: memref<96x128xf32, #tpu.memory_space<vmem>>, %arg11: memref<96x128xf32, #tpu.memory_space<vmem>>, %arg12: memref<10488x128xf32, #tpu.memory_space<vmem_shared>>, %arg13: memref<!tpu.dma_semaphore, #tpu.memory_space<semaphore_mem>>, %arg14: memref<!tpu.dma_semaphore, #tpu.memory_space<semaphore_mem>>, %arg15: memref<!tpu.dma_semaphore, #tpu.memory_space<semaphore_mem>>) attributes {dimension_semantics = [#tpu.dimension_semantics<core_parallel>, #tpu.dimension_semantics<subcore_parallel>], iteration_bounds = array<i64: 2, 16>, scalar_prefetch = 0 : i64, scratch_operands = 9 : i64, tpu.core_type = #tpu.core_type<sc_vector_subcore>, window_params = [{transform_indices = #map}, {transform_indices = #map1}, {transform_indices = #map2}, {transform_indices = #map}, {transform_indices = #map}]} {
    %mul3A = arith.constant 632 : i32
    %mul3A_0 = arith.muli %arg1, %mul3A : i32
    %mul3A_1 = arith.constant 10000 : i32
    %mul3A_2 = arith.muli %arg0, %mul3A_1 : i32
    %mul3A_3 = arith.constant 16 : i32
    %mul3A_4 = arith.muli %arg0, %mul3A_3 : i32
    %add3A = arith.addi %mul3A_4, %arg1 : i32
    %mul3A_5 = arith.constant 20160 : i32
    %mul3A_6 = arith.muli %add3A, %mul3A_5 : i32
    %lt3A = arith.constant 15 : i32
    %lt3A_7 = arith.cmpi slt, %arg1, %lt3A : i32
    %convert_element_type3A = arith.extui %lt3A_7 : i1 to i32
    %cond3A = arith.constant 0 : i32
    %cond3A_8 = arith.cmpi ne, %convert_element_type3A, %cond3A : i32
    scf.if %cond3A_8 {
      "tpu.region"() ({
        %run_scoped3A = tpu.sem_alloc : memref<!tpu.dma_semaphore, #tpu.memory_space<semaphore_mem>>
        %dma_start3A = arith.constant 0 : i32
        %dma_start3A_29 = tpu.memref_slice %arg12[%mul3A_0, %dma_start3A] : memref<10488x128xf32, #tpu.memory_space<vmem_shared>> -> memref<632x128xf32, #tpu.memory_space<vmem_shared>>
        %dma_start3A_30 = arith.constant 0 : i32
        %dma_start3A_31 = tpu.memref_slice %arg5[%mul3A_0, %dma_start3A_30] : memref<10000x128xf32, #tpu.memory_space<hbm>> -> memref<632x128xf32, #tpu.memory_space<hbm>>
        tpu.enqueue_dma source(%dma_start3A_31 : memref<632x128xf32, #tpu.memory_space<hbm>>) target(%dma_start3A_29 : memref<632x128xf32, #tpu.memory_space<vmem_shared>>) target_semaphore(%run_scoped3A : memref<!tpu.dma_semaphore, #tpu.memory_space<semaphore_mem>>)
        %dma_wait3A = arith.constant 0 : i32
        %dma_wait3A_32 = tpu.memref_slice %arg12[%mul3A_0, %dma_wait3A] : memref<10488x128xf32, #tpu.memory_space<vmem_shared>> -> memref<632x128xf32, #tpu.memory_space<vmem_shared>>
        %dma_wait3A_33 = arith.constant 0 : i32
        %dma_wait3A_34 = tpu.memref_slice %arg5[%mul3A_0, %dma_wait3A_33] : memref<10000x128xf32, #tpu.memory_space<hbm>> -> memref<632x128xf32, #tpu.memory_space<hbm>>
        tpu.wait_dma2 semaphore(%run_scoped3A : memref<!tpu.dma_semaphore, #tpu.memory_space<semaphore_mem>>) src(%dma_wait3A_34 : memref<632x128xf32, #tpu.memory_space<hbm>>) dst(%dma_wait3A_32 : memref<632x128xf32, #tpu.memory_space<vmem_shared>>)
        tpu.yield
      }) : () -> ()
    } else {
    }
    %eq3A = arith.constant 15 : i32
    %eq3A_9 = arith.cmpi eq, %arg1, %eq3A : i32
    %convert_element_type3A_10 = arith.extui %eq3A_9 : i1 to i32
    %cond3A_11 = arith.constant 0 : i32
    %cond3A_12 = arith.cmpi ne, %convert_element_type3A_10, %cond3A_11 : i32
    scf.if %cond3A_12 {
      "tpu.region"() ({
        %run_scoped3A = tpu.sem_alloc : memref<!tpu.dma_semaphore, #tpu.memory_space<semaphore_mem>>
        %dma_start3A = arith.constant 9480 : i32
        %dma_start3A_29 = arith.constant 0 : i32
        %dma_start3A_30 = tpu.memref_slice %arg12[%dma_start3A, %dma_start3A_29] : memref<10488x128xf32, #tpu.memory_space<vmem_shared>> -> memref<520x128xf32, #tpu.memory_space<vmem_shared>>
        %dma_start3A_31 = arith.constant 9480 : i32
        %dma_start3A_32 = arith.constant 0 : i32
        %dma_start3A_33 = tpu.memref_slice %arg5[%dma_start3A_31, %dma_start3A_32] : memref<10000x128xf32, #tpu.memory_space<hbm>> -> memref<520x128xf32, #tpu.memory_space<hbm>>
        tpu.enqueue_dma source(%dma_start3A_33 : memref<520x128xf32, #tpu.memory_space<hbm>>) target(%dma_start3A_30 : memref<520x128xf32, #tpu.memory_space<vmem_shared>>) target_semaphore(%run_scoped3A : memref<!tpu.dma_semaphore, #tpu.memory_space<semaphore_mem>>)
        %dma_wait3A = arith.constant 9480 : i32
        %dma_wait3A_34 = arith.constant 0 : i32
        %dma_wait3A_35 = tpu.memref_slice %arg12[%dma_wait3A, %dma_wait3A_34] : memref<10488x128xf32, #tpu.memory_space<vmem_shared>> -> memref<520x128xf32, #tpu.memory_space<vmem_shared>>
        %dma_wait3A_36 = arith.constant 9480 : i32
        %dma_wait3A_37 = arith.constant 0 : i32
        %dma_wait3A_38 = tpu.memref_slice %arg5[%dma_wait3A_36, %dma_wait3A_37] : memref<10000x128xf32, #tpu.memory_space<hbm>> -> memref<520x128xf32, #tpu.memory_space<hbm>>
        tpu.wait_dma2 semaphore(%run_scoped3A : memref<!tpu.dma_semaphore, #tpu.memory_space<semaphore_mem>>) src(%dma_wait3A_38 : memref<520x128xf32, #tpu.memory_space<hbm>>) dst(%dma_wait3A_35 : memref<520x128xf32, #tpu.memory_space<vmem_shared>>)
        tpu.yield
      }) : () -> ()
    } else {
    }
    %barrier3A = arith.constant 0 : index
    tpu.barrier barrier_id(%barrier3A)
    %scan3A = arith.constant 0 : i32
    %scan3A_13 = arith.constant 0 : i32
    %scan3A_14 = arith.constant 5 : i32
    %scan3A_15 = arith.addi %scan3A_13, %scan3A_14 : i32
    %scan3A_16 = arith.constant 1 : i32
    scf.for %scan3A_29 = %scan3A_13 to %scan3A_15 step %scan3A_16  : i32 {
      %mul3A_30 = arith.constant 4032 : i32
      %mul3A_31 = arith.muli %scan3A_29, %mul3A_30 : i32
      %add3A_32 = arith.addi %mul3A_6, %mul3A_31 : i32
      "tpu.region"() ({
        %run_scoped3A = tpu.sem_alloc : memref<!tpu.dma_semaphore, #tpu.memory_space<semaphore_mem>>
        %dma_start3A_53 = tpu.memref_slice %arg3[%add3A_32] : memref<645120xi32, #tpu.memory_space<hbm>> -> memref<4032xi32, #tpu.memory_space<hbm>>
        %dma_start3A_54 = tpu.memref_slice %arg3[%add3A_32] : memref<645120xi32, #tpu.memory_space<hbm>> -> memref<4032xi32, #tpu.memory_space<hbm>>
        tpu.enqueue_dma source(%dma_start3A_54 : memref<4032xi32, #tpu.memory_space<hbm>>) target(%arg7 : memref<4032xi32, #tpu.memory_space<vmem>>) target_semaphore(%run_scoped3A : memref<!tpu.dma_semaphore, #tpu.memory_space<semaphore_mem>>)
        %dma_wait3A = tpu.memref_slice %arg3[%add3A_32] : memref<645120xi32, #tpu.memory_space<hbm>> -> memref<4032xi32, #tpu.memory_space<hbm>>
        %dma_wait3A_55 = tpu.memref_slice %arg3[%add3A_32] : memref<645120xi32, #tpu.memory_space<hbm>> -> memref<4032xi32, #tpu.memory_space<hbm>>
        tpu.wait_dma2 semaphore(%run_scoped3A : memref<!tpu.dma_semaphore, #tpu.memory_space<semaphore_mem>>) src(%dma_wait3A_55 : memref<4032xi32, #tpu.memory_space<hbm>>) dst(%arg7 : memref<4032xi32, #tpu.memory_space<vmem>>)
        tpu.yield
      }) : () -> ()
      "tpu.region"() ({
        %run_scoped3A = tpu.sem_alloc : memref<!tpu.dma_semaphore, #tpu.memory_space<semaphore_mem>>
        %dma_start3A_53 = arith.constant 0 : i32
        %dma_start3A_54 = arith.constant 0 : i32
        %dma_start3A_55 = tpu.memref_slice %arg4[%arg1, %scan3A_29, %dma_start3A_53, %dma_start3A_54] : memref<16x5x42x96xi32, #tpu.memory_space<hbm>> -> memref<1x1x42x96xi32, #tpu.memory_space<hbm>>
        %dma_start3A_56 = tpu.memref_squeeze %dma_start3A_55 : memref<1x1x42x96xi32, #tpu.memory_space<hbm>> -> memref<42x96xi32, #tpu.memory_space<hbm>>
        %dma_start3A_57 = arith.constant 0 : i32
        %dma_start3A_58 = arith.constant 0 : i32
        %dma_start3A_59 = tpu.memref_slice %arg4[%arg1, %scan3A_29, %dma_start3A_57, %dma_start3A_58] : memref<16x5x42x96xi32, #tpu.memory_space<hbm>> -> memref<1x1x42x96xi32, #tpu.memory_space<hbm>>
        %dma_start3A_60 = tpu.memref_squeeze %dma_start3A_59 : memref<1x1x42x96xi32, #tpu.memory_space<hbm>> -> memref<42x96xi32, #tpu.memory_space<hbm>>
        tpu.enqueue_dma source(%dma_start3A_60 : memref<42x96xi32, #tpu.memory_space<hbm>>) target(%arg8 : memref<42x96xi32, #tpu.memory_space<vmem>>) target_semaphore(%run_scoped3A : memref<!tpu.dma_semaphore, #tpu.memory_space<semaphore_mem>>)
        %dma_wait3A = arith.constant 0 : i32
        %dma_wait3A_61 = arith.constant 0 : i32
        %dma_wait3A_62 = tpu.memref_slice %arg4[%arg1, %scan3A_29, %dma_wait3A, %dma_wait3A_61] : memref<16x5x42x96xi32, #tpu.memory_space<hbm>> -> memref<1x1x42x96xi32, #tpu.memory_space<hbm>>
        %dma_wait3A_63 = tpu.memref_squeeze %dma_wait3A_62 : memref<1x1x42x96xi32, #tpu.memory_space<hbm>> -> memref<42x96xi32, #tpu.memory_space<hbm>>
        %dma_wait3A_64 = arith.constant 0 : i32
        %dma_wait3A_65 = arith.constant 0 : i32
        %dma_wait3A_66 = tpu.memref_slice %arg4[%arg1, %scan3A_29, %dma_wait3A_64, %dma_wait3A_65] : memref<16x5x42x96xi32, #tpu.memory_space<hbm>> -> memref<1x1x42x96xi32, #tpu.memory_space<hbm>>
        %dma_wait3A_67 = tpu.memref_squeeze %dma_wait3A_66 : memref<1x1x42x96xi32, #tpu.memory_space<hbm>> -> memref<42x96xi32, #tpu.memory_space<hbm>>
        tpu.wait_dma2 semaphore(%run_scoped3A : memref<!tpu.dma_semaphore, #tpu.memory_space<semaphore_mem>>) src(%dma_wait3A_67 : memref<42x96xi32, #tpu.memory_space<hbm>>) dst(%arg8 : memref<42x96xi32, #tpu.memory_space<vmem>>)
        tpu.yield
      }) : () -> ()
      %dma_start3A = arith.constant 0 : i32
      %dma_start3A_33 = tpu.memref_slice %arg7[%dma_start3A] : memref<4032xi32, #tpu.memory_space<vmem>> -> memref<96xi32, #tpu.memory_space<vmem>>
      %dma_start3A_34 = arith.constant 0 : i32
      %dma_start3A_35 = arith.constant 0 : i32
      %dma_start3A_36 = tpu.memref_slice %arg2[%dma_start3A_34, %dma_start3A_35] : memref<20000x128xf32, #tpu.memory_space<hbm>> -> memref<20000x128xf32, #tpu.memory_space<hbm>>
      tpu.enqueue_indirect_dma source(%dma_start3A_36 : memref<20000x128xf32, #tpu.memory_space<hbm>>) target(%arg9 : memref<96x128xf32, #tpu.memory_space<vmem>>) offsets(%dma_start3A_33 : memref<96xi32, #tpu.memory_space<vmem>>) semaphore(%arg13 : memref<!tpu.dma_semaphore, #tpu.memory_space<semaphore_mem>>)
      %dma_start3A_37 = arith.constant 96 : i32
      %dma_start3A_38 = tpu.memref_slice %arg7[%dma_start3A_37] : memref<4032xi32, #tpu.memory_space<vmem>> -> memref<96xi32, #tpu.memory_space<vmem>>
      %dma_start3A_39 = arith.constant 0 : i32
      %dma_start3A_40 = arith.constant 0 : i32
      %dma_start3A_41 = tpu.memref_slice %arg2[%dma_start3A_39, %dma_start3A_40] : memref<20000x128xf32, #tpu.memory_space<hbm>> -> memref<20000x128xf32, #tpu.memory_space<hbm>>
      tpu.enqueue_indirect_dma source(%dma_start3A_41 : memref<20000x128xf32, #tpu.memory_space<hbm>>) target(%arg10 : memref<96x128xf32, #tpu.memory_space<vmem>>) offsets(%dma_start3A_38 : memref<96xi32, #tpu.memory_space<vmem>>) semaphore(%arg14 : memref<!tpu.dma_semaphore, #tpu.memory_space<semaphore_mem>>)
      %dma_start3A_42 = arith.constant 192 : i32
      %dma_start3A_43 = tpu.memref_slice %arg7[%dma_start3A_42] : memref<4032xi32, #tpu.memory_space<vmem>> -> memref<96xi32, #tpu.memory_space<vmem>>
      %dma_start3A_44 = arith.constant 0 : i32
      %dma_start3A_45 = arith.constant 0 : i32
      %dma_start3A_46 = tpu.memref_slice %arg2[%dma_start3A_44, %dma_start3A_45] : memref<20000x128xf32, #tpu.memory_space<hbm>> -> memref<20000x128xf32, #tpu.memory_space<hbm>>
      tpu.enqueue_indirect_dma source(%dma_start3A_46 : memref<20000x128xf32, #tpu.memory_space<hbm>>) target(%arg11 : memref<96x128xf32, #tpu.memory_space<vmem>>) offsets(%dma_start3A_43 : memref<96xi32, #tpu.memory_space<vmem>>) semaphore(%arg15 : memref<!tpu.dma_semaphore, #tpu.memory_space<semaphore_mem>>)
      %scan3A_47 = arith.constant 0 : i32
      %scan3A_48 = arith.constant 0 : i32
      %scan3A_49 = arith.constant 14 : i32
      %scan3A_50 = arith.addi %scan3A_48, %scan3A_49 : i32
      %scan3A_51 = arith.constant 1 : i32
      scf.for %scan3A_53 = %scan3A_48 to %scan3A_50 step %scan3A_51  : i32 {
        %mul3A_54 = arith.constant 3 : i32
        %mul3A_55 = arith.muli %mul3A_54, %scan3A_53 : i32
        %lt3A_56 = arith.constant 13 : i32
        %lt3A_57 = arith.cmpi slt, %scan3A_53, %lt3A_56 : i32
        %add3A_58 = arith.constant 0 : i32
        %add3A_59 = arith.addi %mul3A_55, %add3A_58 : i32
        %mul3A_60 = arith.constant 96 : i32
        %mul3A_61 = arith.muli %add3A_59, %mul3A_60 : i32
        %dma_wait3A = tpu.memref_slice %arg7[%mul3A_61] : memref<4032xi32, #tpu.memory_space<vmem>> -> memref<96xi32, #tpu.memory_space<vmem>>
        %dma_wait3A_62 = arith.constant 0 : i32
        %dma_wait3A_63 = arith.constant 0 : i32
        %dma_wait3A_64 = tpu.memref_slice %arg2[%dma_wait3A_62, %dma_wait3A_63] : memref<20000x128xf32, #tpu.memory_space<hbm>> -> memref<20000x128xf32, #tpu.memory_space<hbm>>
        tpu.wait_indirect_dma semaphore(%arg13 : memref<!tpu.dma_semaphore, #tpu.memory_space<semaphore_mem>>) src(%dma_wait3A_64 : memref<20000x128xf32, #tpu.memory_space<hbm>>) dst(%arg9 : memref<96x128xf32, #tpu.memory_space<vmem>>)
        %add3A_65 = arith.constant 0 : i32
        %add3A_66 = arith.addi %mul3A_55, %add3A_65 : i32
        "tpu.region"() ({
          %run_scoped3A = tpu.sem_alloc : memref<!tpu.dma_semaphore, #tpu.memory_space<semaphore_mem>>
          %dma_start3A_96 = arith.constant 0 : i32
          %dma_start3A_97 = tpu.memref_slice %arg8[%add3A_66, %dma_start3A_96] : memref<42x96xi32, #tpu.memory_space<vmem>> -> memref<1x96xi32, #tpu.memory_space<vmem>>
          %dma_start3A_98 = tpu.memref_squeeze %dma_start3A_97 : memref<1x96xi32, #tpu.memory_space<vmem>> -> memref<96xi32, #tpu.memory_space<vmem>>
          %dma_start3A_99 = arith.constant 0 : i32
          %dma_start3A_100 = arith.constant 0 : i32
          %dma_start3A_101 = tpu.memref_slice %arg12[%dma_start3A_99, %dma_start3A_100] : memref<10488x128xf32, #tpu.memory_space<vmem_shared>> -> memref<10488x128xf32, #tpu.memory_space<vmem_shared>>
          tpu.enqueue_indirect_dma source(%arg9 : memref<96x128xf32, #tpu.memory_space<vmem>>) target(%dma_start3A_101 : memref<10488x128xf32, #tpu.memory_space<vmem_shared>>) offsets(%dma_start3A_98 : memref<96xi32, #tpu.memory_space<vmem>>) semaphore(%run_scoped3A : memref<!tpu.dma_semaphore, #tpu.memory_space<semaphore_mem>>) {add = true}
          %dma_wait3A_102 = arith.constant 0 : i32
          %dma_wait3A_103 = tpu.memref_slice %arg8[%add3A_66, %dma_wait3A_102] : memref<42x96xi32, #tpu.memory_space<vmem>> -> memref<1x96xi32, #tpu.memory_space<vmem>>
          %dma_wait3A_104 = tpu.memref_squeeze %dma_wait3A_103 : memref<1x96xi32, #tpu.memory_space<vmem>> -> memref<96xi32, #tpu.memory_space<vmem>>
          %dma_wait3A_105 = arith.constant 0 : i32
          %dma_wait3A_106 = arith.constant 0 : i32
          %dma_wait3A_107 = tpu.memref_slice %arg12[%dma_wait3A_105, %dma_wait3A_106] : memref<10488x128xf32, #tpu.memory_space<vmem_shared>> -> memref<10488x128xf32, #tpu.memory_space<vmem_shared>>
          tpu.wait_indirect_dma semaphore(%run_scoped3A : memref<!tpu.dma_semaphore, #tpu.memory_space<semaphore_mem>>) src(%arg9 : memref<96x128xf32, #tpu.memory_space<vmem>>) dst(%dma_wait3A_107 : memref<10488x128xf32, #tpu.memory_space<vmem_shared>>)
          tpu.yield
        }) : () -> ()
        %convert_element_type3A_67 = arith.extui %lt3A_57 : i1 to i32
        %cond3A_68 = arith.constant 0 : i32
        %cond3A_69 = arith.cmpi ne, %convert_element_type3A_67, %cond3A_68 : i32
        scf.if %cond3A_69 {
          %add3A_96 = arith.constant 0 : i32
          %add3A_97 = arith.addi %mul3A_55, %add3A_96 : i32
          %add3A_98 = arith.constant 3 : i32
          %add3A_99 = arith.addi %add3A_97, %add3A_98 : i32
          %mul3A_100 = arith.constant 96 : i32
          %mul3A_101 = arith.muli %add3A_99, %mul3A_100 : i32
          %dma_start3A_102 = tpu.memref_slice %arg7[%mul3A_101] : memref<4032xi32, #tpu.memory_space<vmem>> -> memref<96xi32, #tpu.memory_space<vmem>>
          %dma_start3A_103 = arith.constant 0 : i32
          %dma_start3A_104 = arith.constant 0 : i32
          %dma_start3A_105 = tpu.memref_slice %arg2[%dma_start3A_103, %dma_start3A_104] : memref<20000x128xf32, #tpu.memory_space<hbm>> -> memref<20000x128xf32, #tpu.memory_space<hbm>>
          tpu.enqueue_indirect_dma source(%dma_start3A_105 : memref<20000x128xf32, #tpu.memory_space<hbm>>) target(%arg9 : memref<96x128xf32, #tpu.memory_space<vmem>>) offsets(%dma_start3A_102 : memref<96xi32, #tpu.memory_space<vmem>>) semaphore(%arg13 : memref<!tpu.dma_semaphore, #tpu.memory_space<semaphore_mem>>)
        } else {
        }
        %add3A_70 = arith.constant 1 : i32
        %add3A_71 = arith.addi %mul3A_55, %add3A_70 : i32
        %mul3A_72 = arith.constant 96 : i32
        %mul3A_73 = arith.muli %add3A_71, %mul3A_72 : i32
        %dma_wait3A_74 = tpu.memref_slice %arg7[%mul3A_73] : memref<4032xi32, #tpu.memory_space<vmem>> -> memref<96xi32, #tpu.memory_space<vmem>>
        %dma_wait3A_75 = arith.constant 0 : i32
        %dma_wait3A_76 = arith.constant 0 : i32
        %dma_wait3A_77 = tpu.memref_slice %arg2[%dma_wait3A_75, %dma_wait3A_76] : memref<20000x128xf32, #tpu.memory_space<hbm>> -> memref<20000x128xf32, #tpu.memory_space<hbm>>
        tpu.wait_indirect_dma semaphore(%arg14 : memref<!tpu.dma_semaphore, #tpu.memory_space<semaphore_mem>>) src(%dma_wait3A_77 : memref<20000x128xf32, #tpu.memory_space<hbm>>) dst(%arg10 : memref<96x128xf32, #tpu.memory_space<vmem>>)
        %add3A_78 = arith.constant 1 : i32
        %add3A_79 = arith.addi %mul3A_55, %add3A_78 : i32
        "tpu.region"() ({
          %run_scoped3A = tpu.sem_alloc : memref<!tpu.dma_semaphore, #tpu.memory_space<semaphore_mem>>
          %dma_start3A_96 = arith.constant 0 : i32
          %dma_start3A_97 = tpu.memref_slice %arg8[%add3A_79, %dma_start3A_96] : memref<42x96xi32, #tpu.memory_space<vmem>> -> memref<1x96xi32, #tpu.memory_space<vmem>>
          %dma_start3A_98 = tpu.memref_squeeze %dma_start3A_97 : memref<1x96xi32, #tpu.memory_space<vmem>> -> memref<96xi32, #tpu.memory_space<vmem>>
          %dma_start3A_99 = arith.constant 0 : i32
          %dma_start3A_100 = arith.constant 0 : i32
          %dma_start3A_101 = tpu.memref_slice %arg12[%dma_start3A_99, %dma_start3A_100] : memref<10488x128xf32, #tpu.memory_space<vmem_shared>> -> memref<10488x128xf32, #tpu.memory_space<vmem_shared>>
          tpu.enqueue_indirect_dma source(%arg10 : memref<96x128xf32, #tpu.memory_space<vmem>>) target(%dma_start3A_101 : memref<10488x128xf32, #tpu.memory_space<vmem_shared>>) offsets(%dma_start3A_98 : memref<96xi32, #tpu.memory_space<vmem>>) semaphore(%run_scoped3A : memref<!tpu.dma_semaphore, #tpu.memory_space<semaphore_mem>>) {add = true}
          %dma_wait3A_102 = arith.constant 0 : i32
          %dma_wait3A_103 = tpu.memref_slice %arg8[%add3A_79, %dma_wait3A_102] : memref<42x96xi32, #tpu.memory_space<vmem>> -> memref<1x96xi32, #tpu.memory_space<vmem>>
          %dma_wait3A_104 = tpu.memref_squeeze %dma_wait3A_103 : memref<1x96xi32, #tpu.memory_space<vmem>> -> memref<96xi32, #tpu.memory_space<vmem>>
          %dma_wait3A_105 = arith.constant 0 : i32
          %dma_wait3A_106 = arith.constant 0 : i32
          %dma_wait3A_107 = tpu.memref_slice %arg12[%dma_wait3A_105, %dma_wait3A_106] : memref<10488x128xf32, #tpu.memory_space<vmem_shared>> -> memref<10488x128xf32, #tpu.memory_space<vmem_shared>>
          tpu.wait_indirect_dma semaphore(%run_scoped3A : memref<!tpu.dma_semaphore, #tpu.memory_space<semaphore_mem>>) src(%arg10 : memref<96x128xf32, #tpu.memory_space<vmem>>) dst(%dma_wait3A_107 : memref<10488x128xf32, #tpu.memory_space<vmem_shared>>)
          tpu.yield
        }) : () -> ()
        %convert_element_type3A_80 = arith.extui %lt3A_57 : i1 to i32
        %cond3A_81 = arith.constant 0 : i32
        %cond3A_82 = arith.cmpi ne, %convert_element_type3A_80, %cond3A_81 : i32
        scf.if %cond3A_82 {
          %add3A_96 = arith.constant 1 : i32
          %add3A_97 = arith.addi %mul3A_55, %add3A_96 : i32
          %add3A_98 = arith.constant 3 : i32
          %add3A_99 = arith.addi %add3A_97, %add3A_98 : i32
          %mul3A_100 = arith.constant 96 : i32
          %mul3A_101 = arith.muli %add3A_99, %mul3A_100 : i32
          %dma_start3A_102 = tpu.memref_slice %arg7[%mul3A_101] : memref<4032xi32, #tpu.memory_space<vmem>> -> memref<96xi32, #tpu.memory_space<vmem>>
          %dma_start3A_103 = arith.constant 0 : i32
          %dma_start3A_104 = arith.constant 0 : i32
          %dma_start3A_105 = tpu.memref_slice %arg2[%dma_start3A_103, %dma_start3A_104] : memref<20000x128xf32, #tpu.memory_space<hbm>> -> memref<20000x128xf32, #tpu.memory_space<hbm>>
          tpu.enqueue_indirect_dma source(%dma_start3A_105 : memref<20000x128xf32, #tpu.memory_space<hbm>>) target(%arg10 : memref<96x128xf32, #tpu.memory_space<vmem>>) offsets(%dma_start3A_102 : memref<96xi32, #tpu.memory_space<vmem>>) semaphore(%arg14 : memref<!tpu.dma_semaphore, #tpu.memory_space<semaphore_mem>>)
        } else {
        }
        %add3A_83 = arith.constant 2 : i32
        %add3A_84 = arith.addi %mul3A_55, %add3A_83 : i32
        %mul3A_85 = arith.constant 96 : i32
        %mul3A_86 = arith.muli %add3A_84, %mul3A_85 : i32
        %dma_wait3A_87 = tpu.memref_slice %arg7[%mul3A_86] : memref<4032xi32, #tpu.memory_space<vmem>> -> memref<96xi32, #tpu.memory_space<vmem>>
        %dma_wait3A_88 = arith.constant 0 : i32
        %dma_wait3A_89 = arith.constant 0 : i32
        %dma_wait3A_90 = tpu.memref_slice %arg2[%dma_wait3A_88, %dma_wait3A_89] : memref<20000x128xf32, #tpu.memory_space<hbm>> -> memref<20000x128xf32, #tpu.memory_space<hbm>>
        tpu.wait_indirect_dma semaphore(%arg15 : memref<!tpu.dma_semaphore, #tpu.memory_space<semaphore_mem>>) src(%dma_wait3A_90 : memref<20000x128xf32, #tpu.memory_space<hbm>>) dst(%arg11 : memref<96x128xf32, #tpu.memory_space<vmem>>)
        %add3A_91 = arith.constant 2 : i32
        %add3A_92 = arith.addi %mul3A_55, %add3A_91 : i32
        "tpu.region"() ({
          %run_scoped3A = tpu.sem_alloc : memref<!tpu.dma_semaphore, #tpu.memory_space<semaphore_mem>>
          %dma_start3A_96 = arith.constant 0 : i32
          %dma_start3A_97 = tpu.memref_slice %arg8[%add3A_92, %dma_start3A_96] : memref<42x96xi32, #tpu.memory_space<vmem>> -> memref<1x96xi32, #tpu.memory_space<vmem>>
          %dma_start3A_98 = tpu.memref_squeeze %dma_start3A_97 : memref<1x96xi32, #tpu.memory_space<vmem>> -> memref<96xi32, #tpu.memory_space<vmem>>
          %dma_start3A_99 = arith.constant 0 : i32
          %dma_start3A_100 = arith.constant 0 : i32
          %dma_start3A_101 = tpu.memref_slice %arg12[%dma_start3A_99, %dma_start3A_100] : memref<10488x128xf32, #tpu.memory_space<vmem_shared>> -> memref<10488x128xf32, #tpu.memory_space<vmem_shared>>
          tpu.enqueue_indirect_dma source(%arg11 : memref<96x128xf32, #tpu.memory_space<vmem>>) target(%dma_start3A_101 : memref<10488x128xf32, #tpu.memory_space<vmem_shared>>) offsets(%dma_start3A_98 : memref<96xi32, #tpu.memory_space<vmem>>) semaphore(%run_scoped3A : memref<!tpu.dma_semaphore, #tpu.memory_space<semaphore_mem>>) {add = true}
          %dma_wait3A_102 = arith.constant 0 : i32
          %dma_wait3A_103 = tpu.memref_slice %arg8[%add3A_92, %dma_wait3A_102] : memref<42x96xi32, #tpu.memory_space<vmem>> -> memref<1x96xi32, #tpu.memory_space<vmem>>
          %dma_wait3A_104 = tpu.memref_squeeze %dma_wait3A_103 : memref<1x96xi32, #tpu.memory_space<vmem>> -> memref<96xi32, #tpu.memory_space<vmem>>
          %dma_wait3A_105 = arith.constant 0 : i32
          %dma_wait3A_106 = arith.constant 0 : i32
          %dma_wait3A_107 = tpu.memref_slice %arg12[%dma_wait3A_105, %dma_wait3A_106] : memref<10488x128xf32, #tpu.memory_space<vmem_shared>> -> memref<10488x128xf32, #tpu.memory_space<vmem_shared>>
          tpu.wait_indirect_dma semaphore(%run_scoped3A : memref<!tpu.dma_semaphore, #tpu.memory_space<semaphore_mem>>) src(%arg11 : memref<96x128xf32, #tpu.memory_space<vmem>>) dst(%dma_wait3A_107 : memref<10488x128xf32, #tpu.memory_space<vmem_shared>>)
          tpu.yield
        }) : () -> ()
        %convert_element_type3A_93 = arith.extui %lt3A_57 : i1 to i32
        %cond3A_94 = arith.constant 0 : i32
        %cond3A_95 = arith.cmpi ne, %convert_element_type3A_93, %cond3A_94 : i32
        scf.if %cond3A_95 {
          %add3A_96 = arith.constant 2 : i32
          %add3A_97 = arith.addi %mul3A_55, %add3A_96 : i32
          %add3A_98 = arith.constant 3 : i32
          %add3A_99 = arith.addi %add3A_97, %add3A_98 : i32
          %mul3A_100 = arith.constant 96 : i32
          %mul3A_101 = arith.muli %add3A_99, %mul3A_100 : i32
          %dma_start3A_102 = tpu.memref_slice %arg7[%mul3A_101] : memref<4032xi32, #tpu.memory_space<vmem>> -> memref<96xi32, #tpu.memory_space<vmem>>
          %dma_start3A_103 = arith.constant 0 : i32
          %dma_start3A_104 = arith.constant 0 : i32
          %dma_start3A_105 = tpu.memref_slice %arg2[%dma_start3A_103, %dma_start3A_104] : memref<20000x128xf32, #tpu.memory_space<hbm>> -> memref<20000x128xf32, #tpu.memory_space<hbm>>
          tpu.enqueue_indirect_dma source(%dma_start3A_105 : memref<20000x128xf32, #tpu.memory_space<hbm>>) target(%arg11 : memref<96x128xf32, #tpu.memory_space<vmem>>) offsets(%dma_start3A_102 : memref<96xi32, #tpu.memory_space<vmem>>) semaphore(%arg15 : memref<!tpu.dma_semaphore, #tpu.memory_space<semaphore_mem>>)
        } else {
        }
      }
      %scan3A_52 = arith.constant 14 : i32
    }
    %scan3A_17 = arith.constant 5 : i32
    %barrier3A_18 = arith.constant 0 : index
    tpu.barrier barrier_id(%barrier3A_18)
    %lt3A_19 = arith.constant 15 : i32
    %lt3A_20 = arith.cmpi slt, %arg1, %lt3A_19 : i32
    %convert_element_type3A_21 = arith.extui %lt3A_20 : i1 to i32
    %cond3A_22 = arith.constant 0 : i32
    %cond3A_23 = arith.cmpi ne, %convert_element_type3A_21, %cond3A_22 : i32
    scf.if %cond3A_23 {
      %add3A_29 = arith.addi %mul3A_2, %mul3A_0 : i32
      "tpu.region"() ({
        %run_scoped3A = tpu.sem_alloc : memref<!tpu.dma_semaphore, #tpu.memory_space<semaphore_mem>>
        %dma_start3A = arith.constant 0 : i32
        %dma_start3A_30 = tpu.memref_slice %arg6[%add3A_29, %dma_start3A] : memref<20000x128xf32, #tpu.memory_space<hbm>> -> memref<632x128xf32, #tpu.memory_space<hbm>>
        %dma_start3A_31 = arith.constant 0 : i32
        %dma_start3A_32 = tpu.memref_slice %arg12[%mul3A_0, %dma_start3A_31] : memref<10488x128xf32, #tpu.memory_space<vmem_shared>> -> memref<632x128xf32, #tpu.memory_space<vmem_shared>>
        tpu.enqueue_dma source(%dma_start3A_32 : memref<632x128xf32, #tpu.memory_space<vmem_shared>>) target(%dma_start3A_30 : memref<632x128xf32, #tpu.memory_space<hbm>>) target_semaphore(%run_scoped3A : memref<!tpu.dma_semaphore, #tpu.memory_space<semaphore_mem>>)
        %dma_wait3A = arith.constant 0 : i32
        %dma_wait3A_33 = tpu.memref_slice %arg6[%add3A_29, %dma_wait3A] : memref<20000x128xf32, #tpu.memory_space<hbm>> -> memref<632x128xf32, #tpu.memory_space<hbm>>
        %dma_wait3A_34 = arith.constant 0 : i32
        %dma_wait3A_35 = tpu.memref_slice %arg12[%mul3A_0, %dma_wait3A_34] : memref<10488x128xf32, #tpu.memory_space<vmem_shared>> -> memref<632x128xf32, #tpu.memory_space<vmem_shared>>
        tpu.wait_dma2 semaphore(%run_scoped3A : memref<!tpu.dma_semaphore, #tpu.memory_space<semaphore_mem>>) src(%dma_wait3A_35 : memref<632x128xf32, #tpu.memory_space<vmem_shared>>) dst(%dma_wait3A_33 : memref<632x128xf32, #tpu.memory_space<hbm>>)
        tpu.yield
      }) : () -> ()
    } else {
    }
    %eq3A_24 = arith.constant 15 : i32
    %eq3A_25 = arith.cmpi eq, %arg1, %eq3A_24 : i32
    %convert_element_type3A_26 = arith.extui %eq3A_25 : i1 to i32
    %cond3A_27 = arith.constant 0 : i32
    %cond3A_28 = arith.cmpi ne, %convert_element_type3A_26, %cond3A_27 : i32
    scf.if %cond3A_28 {
      %add3A_29 = arith.constant 9480 : i32
      %add3A_30 = arith.addi %mul3A_2, %add3A_29 : i32
      "tpu.region"() ({
        %run_scoped3A = tpu.sem_alloc : memref<!tpu.dma_semaphore, #tpu.memory_space<semaphore_mem>>
        %dma_start3A = arith.constant 0 : i32
        %dma_start3A_31 = tpu.memref_slice %arg6[%add3A_30, %dma_start3A] : memref<20000x128xf32, #tpu.memory_space<hbm>> -> memref<520x128xf32, #tpu.memory_space<hbm>>
        %dma_start3A_32 = arith.constant 9480 : i32
        %dma_start3A_33 = arith.constant 0 : i32
        %dma_start3A_34 = tpu.memref_slice %arg12[%dma_start3A_32, %dma_start3A_33] : memref<10488x128xf32, #tpu.memory_space<vmem_shared>> -> memref<520x128xf32, #tpu.memory_space<vmem_shared>>
        tpu.enqueue_dma source(%dma_start3A_34 : memref<520x128xf32, #tpu.memory_space<vmem_shared>>) target(%dma_start3A_31 : memref<520x128xf32, #tpu.memory_space<hbm>>) target_semaphore(%run_scoped3A : memref<!tpu.dma_semaphore, #tpu.memory_space<semaphore_mem>>)
        %dma_wait3A = arith.constant 0 : i32
        %dma_wait3A_35 = tpu.memref_slice %arg6[%add3A_30, %dma_wait3A] : memref<20000x128xf32, #tpu.memory_space<hbm>> -> memref<520x128xf32, #tpu.memory_space<hbm>>
        %dma_wait3A_36 = arith.constant 9480 : i32
        %dma_wait3A_37 = arith.constant 0 : i32
        %dma_wait3A_38 = tpu.memref_slice %arg12[%dma_wait3A_36, %dma_wait3A_37] : memref<10488x128xf32, #tpu.memory_space<vmem_shared>> -> memref<520x128xf32, #tpu.memory_space<vmem_shared>>
        tpu.wait_dma2 semaphore(%run_scoped3A : memref<!tpu.dma_semaphore, #tpu.memory_space<semaphore_mem>>) src(%dma_wait3A_38 : memref<520x128xf32, #tpu.memory_space<vmem_shared>>) dst(%dma_wait3A_35 : memref<520x128xf32, #tpu.memory_space<hbm>>)
        tpu.yield
      }) : () -> ()
    } else {
    }
    return
  }
}

#map = affine_map<(d0, d1) -> (0, 0)>
#map1 = affine_map<(d0, d1) -> (0)>
#map2 = affine_map<(d0, d1) -> (0, 0, 0, 0)>
module attributes {stable_mosaic.version = 14 : i64} {
  func.func @_spmm_sc(%arg0: i32, %arg1: i32, %arg2: memref<20000x128xf32, #tpu.memory_space<hbm>>, %arg3: memref<645120xi32, #tpu.memory_space<hbm>>, %arg4: memref<16x5x42x96xi32, #tpu.memory_space<hbm>>, %arg5: memref<10000x128xf32, #tpu.memory_space<hbm>>, %arg6: memref<20000x128xf32, #tpu.memory_space<hbm>>, %arg7: memref<4032xi32, #tpu.memory_space<vmem>>, %arg8: memref<42x96xi32, #tpu.memory_space<vmem>>, %arg9: memref<96x128xf32, #tpu.memory_space<vmem>>, %arg10: memref<96x128xf32, #tpu.memory_space<vmem>>, %arg11: memref<96x128xf32, #tpu.memory_space<vmem>>, %arg12: memref<10488x128xf32, #tpu.memory_space<vmem_shared>>, %arg13: memref<!tpu.dma_semaphore, #tpu.memory_space<semaphore_mem>>, %arg14: memref<!tpu.dma_semaphore, #tpu.memory_space<semaphore_mem>>, %arg15: memref<!tpu.dma_semaphore, #tpu.memory_space<semaphore_mem>>) attributes {dimension_semantics = [#tpu.dimension_semantics<core_parallel>, #tpu.dimension_semantics<subcore_parallel>], iteration_bounds = array<i64: 2, 16>, scalar_prefetch = 0 : i64, scratch_operands = 9 : i64, tpu.core_type = #tpu.core_type<sc_vector_subcore>, window_params = [{transform_indices = #map}, {transform_indices = #map1}, {transform_indices = #map2}, {transform_indices = #map}, {transform_indices = #map}]} {
    %mul3A = arith.constant 632 : i32
    %mul3A_0 = arith.muli %arg1, %mul3A : i32
    %mul3A_1 = arith.constant 10000 : i32
    %mul3A_2 = arith.muli %arg0, %mul3A_1 : i32
    %mul3A_3 = arith.constant 16 : i32
    %mul3A_4 = arith.muli %arg0, %mul3A_3 : i32
    %add3A = arith.addi %mul3A_4, %arg1 : i32
    %mul3A_5 = arith.constant 20160 : i32
    %mul3A_6 = arith.muli %add3A, %mul3A_5 : i32
    %lt3A = arith.constant 15 : i32
    %lt3A_7 = arith.cmpi slt, %arg1, %lt3A : i32
    %convert_element_type3A = arith.extui %lt3A_7 : i1 to i32
    %cond3A = arith.constant 0 : i32
    %cond3A_8 = arith.cmpi ne, %convert_element_type3A, %cond3A : i32
    scf.if %cond3A_8 {
      "tpu.region"() ({
        %run_scoped3A = tpu.sem_alloc : memref<!tpu.dma_semaphore, #tpu.memory_space<semaphore_mem>>
        %dma_start3A = arith.constant 0 : i32
        %dma_start3A_29 = tpu.memref_slice %arg12[%mul3A_0, %dma_start3A] : memref<10488x128xf32, #tpu.memory_space<vmem_shared>> -> memref<632x128xf32, #tpu.memory_space<vmem_shared>>
        %dma_start3A_30 = arith.constant 0 : i32
        %dma_start3A_31 = tpu.memref_slice %arg5[%mul3A_0, %dma_start3A_30] : memref<10000x128xf32, #tpu.memory_space<hbm>> -> memref<632x128xf32, #tpu.memory_space<hbm>>
        tpu.enqueue_dma source(%dma_start3A_31 : memref<632x128xf32, #tpu.memory_space<hbm>>) target(%dma_start3A_29 : memref<632x128xf32, #tpu.memory_space<vmem_shared>>) target_semaphore(%run_scoped3A : memref<!tpu.dma_semaphore, #tpu.memory_space<semaphore_mem>>)
        %dma_wait3A = arith.constant 0 : i32
        %dma_wait3A_32 = tpu.memref_slice %arg12[%mul3A_0, %dma_wait3A] : memref<10488x128xf32, #tpu.memory_space<vmem_shared>> -> memref<632x128xf32, #tpu.memory_space<vmem_shared>>
        %dma_wait3A_33 = arith.constant 0 : i32
        %dma_wait3A_34 = tpu.memref_slice %arg5[%mul3A_0, %dma_wait3A_33] : memref<10000x128xf32, #tpu.memory_space<hbm>> -> memref<632x128xf32, #tpu.memory_space<hbm>>
        tpu.wait_dma2 semaphore(%run_scoped3A : memref<!tpu.dma_semaphore, #tpu.memory_space<semaphore_mem>>) src(%dma_wait3A_34 : memref<632x128xf32, #tpu.memory_space<hbm>>) dst(%dma_wait3A_32 : memref<632x128xf32, #tpu.memory_space<vmem_shared>>)
        tpu.yield
      }) : () -> ()
    } else {
    }
    %eq3A = arith.constant 15 : i32
    %eq3A_9 = arith.cmpi eq, %arg1, %eq3A : i32
    %convert_element_type3A_10 = arith.extui %eq3A_9 : i1 to i32
    %cond3A_11 = arith.constant 0 : i32
    %cond3A_12 = arith.cmpi ne, %convert_element_type3A_10, %cond3A_11 : i32
    scf.if %cond3A_12 {
      "tpu.region"() ({
        %run_scoped3A = tpu.sem_alloc : memref<!tpu.dma_semaphore, #tpu.memory_space<semaphore_mem>>
        %dma_start3A = arith.constant 9480 : i32
        %dma_start3A_29 = arith.constant 0 : i32
        %dma_start3A_30 = tpu.memref_slice %arg12[%dma_start3A, %dma_start3A_29] : memref<10488x128xf32, #tpu.memory_space<vmem_shared>> -> memref<520x128xf32, #tpu.memory_space<vmem_shared>>
        %dma_start3A_31 = arith.constant 9480 : i32
        %dma_start3A_32 = arith.constant 0 : i32
        %dma_start3A_33 = tpu.memref_slice %arg5[%dma_start3A_31, %dma_start3A_32] : memref<10000x128xf32, #tpu.memory_space<hbm>> -> memref<520x128xf32, #tpu.memory_space<hbm>>
        tpu.enqueue_dma source(%dma_start3A_33 : memref<520x128xf32, #tpu.memory_space<hbm>>) target(%dma_start3A_30 : memref<520x128xf32, #tpu.memory_space<vmem_shared>>) target_semaphore(%run_scoped3A : memref<!tpu.dma_semaphore, #tpu.memory_space<semaphore_mem>>)
        %dma_wait3A = arith.constant 9480 : i32
        %dma_wait3A_34 = arith.constant 0 : i32
        %dma_wait3A_35 = tpu.memref_slice %arg12[%dma_wait3A, %dma_wait3A_34] : memref<10488x128xf32, #tpu.memory_space<vmem_shared>> -> memref<520x128xf32, #tpu.memory_space<vmem_shared>>
        %dma_wait3A_36 = arith.constant 9480 : i32
        %dma_wait3A_37 = arith.constant 0 : i32
        %dma_wait3A_38 = tpu.memref_slice %arg5[%dma_wait3A_36, %dma_wait3A_37] : memref<10000x128xf32, #tpu.memory_space<hbm>> -> memref<520x128xf32, #tpu.memory_space<hbm>>
        tpu.wait_dma2 semaphore(%run_scoped3A : memref<!tpu.dma_semaphore, #tpu.memory_space<semaphore_mem>>) src(%dma_wait3A_38 : memref<520x128xf32, #tpu.memory_space<hbm>>) dst(%dma_wait3A_35 : memref<520x128xf32, #tpu.memory_space<vmem_shared>>)
        tpu.yield
      }) : () -> ()
    } else {
    }
    %barrier3A = arith.constant 0 : index
    tpu.barrier barrier_id(%barrier3A)
    %scan3A = arith.constant 0 : i32
    %scan3A_13 = arith.constant 0 : i32
    %scan3A_14 = arith.constant 5 : i32
    %scan3A_15 = arith.addi %scan3A_13, %scan3A_14 : i32
    %scan3A_16 = arith.constant 1 : i32
    scf.for %scan3A_29 = %scan3A_13 to %scan3A_15 step %scan3A_16  : i32 {
      %mul3A_30 = arith.constant 4032 : i32
      %mul3A_31 = arith.muli %scan3A_29, %mul3A_30 : i32
      %add3A_32 = arith.addi %mul3A_6, %mul3A_31 : i32
      "tpu.region"() ({
        %run_scoped3A = tpu.sem_alloc : memref<!tpu.dma_semaphore, #tpu.memory_space<semaphore_mem>>
        %dma_start3A_53 = tpu.memref_slice %arg3[%add3A_32] : memref<645120xi32, #tpu.memory_space<hbm>> -> memref<4032xi32, #tpu.memory_space<hbm>>
        %dma_start3A_54 = tpu.memref_slice %arg3[%add3A_32] : memref<645120xi32, #tpu.memory_space<hbm>> -> memref<4032xi32, #tpu.memory_space<hbm>>
        tpu.enqueue_dma source(%dma_start3A_54 : memref<4032xi32, #tpu.memory_space<hbm>>) target(%arg7 : memref<4032xi32, #tpu.memory_space<vmem>>) target_semaphore(%run_scoped3A : memref<!tpu.dma_semaphore, #tpu.memory_space<semaphore_mem>>)
        %dma_wait3A = tpu.memref_slice %arg3[%add3A_32] : memref<645120xi32, #tpu.memory_space<hbm>> -> memref<4032xi32, #tpu.memory_space<hbm>>
        %dma_wait3A_55 = tpu.memref_slice %arg3[%add3A_32] : memref<645120xi32, #tpu.memory_space<hbm>> -> memref<4032xi32, #tpu.memory_space<hbm>>
        tpu.wait_dma2 semaphore(%run_scoped3A : memref<!tpu.dma_semaphore, #tpu.memory_space<semaphore_mem>>) src(%dma_wait3A_55 : memref<4032xi32, #tpu.memory_space<hbm>>) dst(%arg7 : memref<4032xi32, #tpu.memory_space<vmem>>)
        tpu.yield
      }) : () -> ()
      "tpu.region"() ({
        %run_scoped3A = tpu.sem_alloc : memref<!tpu.dma_semaphore, #tpu.memory_space<semaphore_mem>>
        %dma_start3A_53 = arith.constant 0 : i32
        %dma_start3A_54 = arith.constant 0 : i32
        %dma_start3A_55 = tpu.memref_slice %arg4[%arg1, %scan3A_29, %dma_start3A_53, %dma_start3A_54] : memref<16x5x42x96xi32, #tpu.memory_space<hbm>> -> memref<1x1x42x96xi32, #tpu.memory_space<hbm>>
        %dma_start3A_56 = tpu.memref_squeeze %dma_start3A_55 : memref<1x1x42x96xi32, #tpu.memory_space<hbm>> -> memref<42x96xi32, #tpu.memory_space<hbm>>
        %dma_start3A_57 = arith.constant 0 : i32
        %dma_start3A_58 = arith.constant 0 : i32
        %dma_start3A_59 = tpu.memref_slice %arg4[%arg1, %scan3A_29, %dma_start3A_57, %dma_start3A_58] : memref<16x5x42x96xi32, #tpu.memory_space<hbm>> -> memref<1x1x42x96xi32, #tpu.memory_space<hbm>>
        %dma_start3A_60 = tpu.memref_squeeze %dma_start3A_59 : memref<1x1x42x96xi32, #tpu.memory_space<hbm>> -> memref<42x96xi32, #tpu.memory_space<hbm>>
        tpu.enqueue_dma source(%dma_start3A_60 : memref<42x96xi32, #tpu.memory_space<hbm>>) target(%arg8 : memref<42x96xi32, #tpu.memory_space<vmem>>) target_semaphore(%run_scoped3A : memref<!tpu.dma_semaphore, #tpu.memory_space<semaphore_mem>>)
        %dma_wait3A = arith.constant 0 : i32
        %dma_wait3A_61 = arith.constant 0 : i32
        %dma_wait3A_62 = tpu.memref_slice %arg4[%arg1, %scan3A_29, %dma_wait3A, %dma_wait3A_61] : memref<16x5x42x96xi32, #tpu.memory_space<hbm>> -> memref<1x1x42x96xi32, #tpu.memory_space<hbm>>
        %dma_wait3A_63 = tpu.memref_squeeze %dma_wait3A_62 : memref<1x1x42x96xi32, #tpu.memory_space<hbm>> -> memref<42x96xi32, #tpu.memory_space<hbm>>
        %dma_wait3A_64 = arith.constant 0 : i32
        %dma_wait3A_65 = arith.constant 0 : i32
        %dma_wait3A_66 = tpu.memref_slice %arg4[%arg1, %scan3A_29, %dma_wait3A_64, %dma_wait3A_65] : memref<16x5x42x96xi32, #tpu.memory_space<hbm>> -> memref<1x1x42x96xi32, #tpu.memory_space<hbm>>
        %dma_wait3A_67 = tpu.memref_squeeze %dma_wait3A_66 : memref<1x1x42x96xi32, #tpu.memory_space<hbm>> -> memref<42x96xi32, #tpu.memory_space<hbm>>
        tpu.wait_dma2 semaphore(%run_scoped3A : memref<!tpu.dma_semaphore, #tpu.memory_space<semaphore_mem>>) src(%dma_wait3A_67 : memref<42x96xi32, #tpu.memory_space<hbm>>) dst(%arg8 : memref<42x96xi32, #tpu.memory_space<vmem>>)
        tpu.yield
      }) : () -> ()
      %dma_start3A = arith.constant 0 : i32
      %dma_start3A_33 = tpu.memref_slice %arg7[%dma_start3A] : memref<4032xi32, #tpu.memory_space<vmem>> -> memref<96xi32, #tpu.memory_space<vmem>>
      %dma_start3A_34 = arith.constant 0 : i32
      %dma_start3A_35 = arith.constant 0 : i32
      %dma_start3A_36 = tpu.memref_slice %arg2[%dma_start3A_34, %dma_start3A_35] : memref<20000x128xf32, #tpu.memory_space<hbm>> -> memref<20000x128xf32, #tpu.memory_space<hbm>>
      tpu.enqueue_indirect_dma source(%dma_start3A_36 : memref<20000x128xf32, #tpu.memory_space<hbm>>) target(%arg9 : memref<96x128xf32, #tpu.memory_space<vmem>>) offsets(%dma_start3A_33 : memref<96xi32, #tpu.memory_space<vmem>>) semaphore(%arg13 : memref<!tpu.dma_semaphore, #tpu.memory_space<semaphore_mem>>)
      %dma_start3A_37 = arith.constant 96 : i32
      %dma_start3A_38 = tpu.memref_slice %arg7[%dma_start3A_37] : memref<4032xi32, #tpu.memory_space<vmem>> -> memref<96xi32, #tpu.memory_space<vmem>>
      %dma_start3A_39 = arith.constant 0 : i32
      %dma_start3A_40 = arith.constant 0 : i32
      %dma_start3A_41 = tpu.memref_slice %arg2[%dma_start3A_39, %dma_start3A_40] : memref<20000x128xf32, #tpu.memory_space<hbm>> -> memref<20000x128xf32, #tpu.memory_space<hbm>>
      tpu.enqueue_indirect_dma source(%dma_start3A_41 : memref<20000x128xf32, #tpu.memory_space<hbm>>) target(%arg10 : memref<96x128xf32, #tpu.memory_space<vmem>>) offsets(%dma_start3A_38 : memref<96xi32, #tpu.memory_space<vmem>>) semaphore(%arg14 : memref<!tpu.dma_semaphore, #tpu.memory_space<semaphore_mem>>)
      %dma_start3A_42 = arith.constant 192 : i32
      %dma_start3A_43 = tpu.memref_slice %arg7[%dma_start3A_42] : memref<4032xi32, #tpu.memory_space<vmem>> -> memref<96xi32, #tpu.memory_space<vmem>>
      %dma_start3A_44 = arith.constant 0 : i32
      %dma_start3A_45 = arith.constant 0 : i32
      %dma_start3A_46 = tpu.memref_slice %arg2[%dma_start3A_44, %dma_start3A_45] : memref<20000x128xf32, #tpu.memory_space<hbm>> -> memref<20000x128xf32, #tpu.memory_space<hbm>>
      tpu.enqueue_indirect_dma source(%dma_start3A_46 : memref<20000x128xf32, #tpu.memory_space<hbm>>) target(%arg11 : memref<96x128xf32, #tpu.memory_space<vmem>>) offsets(%dma_start3A_43 : memref<96xi32, #tpu.memory_space<vmem>>) semaphore(%arg15 : memref<!tpu.dma_semaphore, #tpu.memory_space<semaphore_mem>>)
      %scan3A_47 = arith.constant 0 : i32
      %scan3A_48 = arith.constant 0 : i32
      %scan3A_49 = arith.constant 14 : i32
      %scan3A_50 = arith.addi %scan3A_48, %scan3A_49 : i32
      %scan3A_51 = arith.constant 1 : i32
      scf.for %scan3A_53 = %scan3A_48 to %scan3A_50 step %scan3A_51  : i32 {
        %mul3A_54 = arith.constant 3 : i32
        %mul3A_55 = arith.muli %mul3A_54, %scan3A_53 : i32
        %lt3A_56 = arith.constant 13 : i32
        %lt3A_57 = arith.cmpi slt, %scan3A_53, %lt3A_56 : i32
        %add3A_58 = arith.constant 0 : i32
        %add3A_59 = arith.addi %mul3A_55, %add3A_58 : i32
        %mul3A_60 = arith.constant 96 : i32
        %mul3A_61 = arith.muli %add3A_59, %mul3A_60 : i32
        %dma_wait3A = tpu.memref_slice %arg7[%mul3A_61] : memref<4032xi32, #tpu.memory_space<vmem>> -> memref<96xi32, #tpu.memory_space<vmem>>
        %dma_wait3A_62 = arith.constant 0 : i32
        %dma_wait3A_63 = arith.constant 0 : i32
        %dma_wait3A_64 = tpu.memref_slice %arg2[%dma_wait3A_62, %dma_wait3A_63] : memref<20000x128xf32, #tpu.memory_space<hbm>> -> memref<20000x128xf32, #tpu.memory_space<hbm>>
        tpu.wait_indirect_dma semaphore(%arg13 : memref<!tpu.dma_semaphore, #tpu.memory_space<semaphore_mem>>) src(%dma_wait3A_64 : memref<20000x128xf32, #tpu.memory_space<hbm>>) dst(%arg9 : memref<96x128xf32, #tpu.memory_space<vmem>>)
        %add3A_65 = arith.constant 0 : i32
        %add3A_66 = arith.addi %mul3A_55, %add3A_65 : i32
        "tpu.region"() ({
          %run_scoped3A = tpu.sem_alloc : memref<!tpu.dma_semaphore, #tpu.memory_space<semaphore_mem>>
          %dma_start3A_96 = arith.constant 0 : i32
          %dma_start3A_97 = tpu.memref_slice %arg8[%add3A_66, %dma_start3A_96] : memref<42x96xi32, #tpu.memory_space<vmem>> -> memref<1x96xi32, #tpu.memory_space<vmem>>
          %dma_start3A_98 = tpu.memref_squeeze %dma_start3A_97 : memref<1x96xi32, #tpu.memory_space<vmem>> -> memref<96xi32, #tpu.memory_space<vmem>>
          %dma_start3A_99 = arith.constant 0 : i32
          %dma_start3A_100 = arith.constant 0 : i32
          %dma_start3A_101 = tpu.memref_slice %arg12[%dma_start3A_99, %dma_start3A_100] : memref<10488x128xf32, #tpu.memory_space<vmem_shared>> -> memref<10488x128xf32, #tpu.memory_space<vmem_shared>>
          tpu.enqueue_indirect_dma source(%arg9 : memref<96x128xf32, #tpu.memory_space<vmem>>) target(%dma_start3A_101 : memref<10488x128xf32, #tpu.memory_space<vmem_shared>>) offsets(%dma_start3A_98 : memref<96xi32, #tpu.memory_space<vmem>>) semaphore(%run_scoped3A : memref<!tpu.dma_semaphore, #tpu.memory_space<semaphore_mem>>) {add = true}
          %dma_wait3A_102 = arith.constant 0 : i32
          %dma_wait3A_103 = tpu.memref_slice %arg8[%add3A_66, %dma_wait3A_102] : memref<42x96xi32, #tpu.memory_space<vmem>> -> memref<1x96xi32, #tpu.memory_space<vmem>>
          %dma_wait3A_104 = tpu.memref_squeeze %dma_wait3A_103 : memref<1x96xi32, #tpu.memory_space<vmem>> -> memref<96xi32, #tpu.memory_space<vmem>>
          %dma_wait3A_105 = arith.constant 0 : i32
          %dma_wait3A_106 = arith.constant 0 : i32
          %dma_wait3A_107 = tpu.memref_slice %arg12[%dma_wait3A_105, %dma_wait3A_106] : memref<10488x128xf32, #tpu.memory_space<vmem_shared>> -> memref<10488x128xf32, #tpu.memory_space<vmem_shared>>
          tpu.wait_indirect_dma semaphore(%run_scoped3A : memref<!tpu.dma_semaphore, #tpu.memory_space<semaphore_mem>>) src(%arg9 : memref<96x128xf32, #tpu.memory_space<vmem>>) dst(%dma_wait3A_107 : memref<10488x128xf32, #tpu.memory_space<vmem_shared>>)
          tpu.yield
        }) : () -> ()
        %convert_element_type3A_67 = arith.extui %lt3A_57 : i1 to i32
        %cond3A_68 = arith.constant 0 : i32
        %cond3A_69 = arith.cmpi ne, %convert_element_type3A_67, %cond3A_68 : i32
        scf.if %cond3A_69 {
          %add3A_96 = arith.constant 0 : i32
          %add3A_97 = arith.addi %mul3A_55, %add3A_96 : i32
          %add3A_98 = arith.constant 3 : i32
          %add3A_99 = arith.addi %add3A_97, %add3A_98 : i32
          %mul3A_100 = arith.constant 96 : i32
          %mul3A_101 = arith.muli %add3A_99, %mul3A_100 : i32
          %dma_start3A_102 = tpu.memref_slice %arg7[%mul3A_101] : memref<4032xi32, #tpu.memory_space<vmem>> -> memref<96xi32, #tpu.memory_space<vmem>>
          %dma_start3A_103 = arith.constant 0 : i32
          %dma_start3A_104 = arith.constant 0 : i32
          %dma_start3A_105 = tpu.memref_slice %arg2[%dma_start3A_103, %dma_start3A_104] : memref<20000x128xf32, #tpu.memory_space<hbm>> -> memref<20000x128xf32, #tpu.memory_space<hbm>>
          tpu.enqueue_indirect_dma source(%dma_start3A_105 : memref<20000x128xf32, #tpu.memory_space<hbm>>) target(%arg9 : memref<96x128xf32, #tpu.memory_space<vmem>>) offsets(%dma_start3A_102 : memref<96xi32, #tpu.memory_space<vmem>>) semaphore(%arg13 : memref<!tpu.dma_semaphore, #tpu.memory_space<semaphore_mem>>)
        } else {
        }
        %add3A_70 = arith.constant 1 : i32
        %add3A_71 = arith.addi %mul3A_55, %add3A_70 : i32
        %mul3A_72 = arith.constant 96 : i32
        %mul3A_73 = arith.muli %add3A_71, %mul3A_72 : i32
        %dma_wait3A_74 = tpu.memref_slice %arg7[%mul3A_73] : memref<4032xi32, #tpu.memory_space<vmem>> -> memref<96xi32, #tpu.memory_space<vmem>>
        %dma_wait3A_75 = arith.constant 0 : i32
        %dma_wait3A_76 = arith.constant 0 : i32
        %dma_wait3A_77 = tpu.memref_slice %arg2[%dma_wait3A_75, %dma_wait3A_76] : memref<20000x128xf32, #tpu.memory_space<hbm>> -> memref<20000x128xf32, #tpu.memory_space<hbm>>
        tpu.wait_indirect_dma semaphore(%arg14 : memref<!tpu.dma_semaphore, #tpu.memory_space<semaphore_mem>>) src(%dma_wait3A_77 : memref<20000x128xf32, #tpu.memory_space<hbm>>) dst(%arg10 : memref<96x128xf32, #tpu.memory_space<vmem>>)
        %add3A_78 = arith.constant 1 : i32
        %add3A_79 = arith.addi %mul3A_55, %add3A_78 : i32
        "tpu.region"() ({
          %run_scoped3A = tpu.sem_alloc : memref<!tpu.dma_semaphore, #tpu.memory_space<semaphore_mem>>
          %dma_start3A_96 = arith.constant 0 : i32
          %dma_start3A_97 = tpu.memref_slice %arg8[%add3A_79, %dma_start3A_96] : memref<42x96xi32, #tpu.memory_space<vmem>> -> memref<1x96xi32, #tpu.memory_space<vmem>>
          %dma_start3A_98 = tpu.memref_squeeze %dma_start3A_97 : memref<1x96xi32, #tpu.memory_space<vmem>> -> memref<96xi32, #tpu.memory_space<vmem>>
          %dma_start3A_99 = arith.constant 0 : i32
          %dma_start3A_100 = arith.constant 0 : i32
          %dma_start3A_101 = tpu.memref_slice %arg12[%dma_start3A_99, %dma_start3A_100] : memref<10488x128xf32, #tpu.memory_space<vmem_shared>> -> memref<10488x128xf32, #tpu.memory_space<vmem_shared>>
          tpu.enqueue_indirect_dma source(%arg10 : memref<96x128xf32, #tpu.memory_space<vmem>>) target(%dma_start3A_101 : memref<10488x128xf32, #tpu.memory_space<vmem_shared>>) offsets(%dma_start3A_98 : memref<96xi32, #tpu.memory_space<vmem>>) semaphore(%run_scoped3A : memref<!tpu.dma_semaphore, #tpu.memory_space<semaphore_mem>>) {add = true}
          %dma_wait3A_102 = arith.constant 0 : i32
          %dma_wait3A_103 = tpu.memref_slice %arg8[%add3A_79, %dma_wait3A_102] : memref<42x96xi32, #tpu.memory_space<vmem>> -> memref<1x96xi32, #tpu.memory_space<vmem>>
          %dma_wait3A_104 = tpu.memref_squeeze %dma_wait3A_103 : memref<1x96xi32, #tpu.memory_space<vmem>> -> memref<96xi32, #tpu.memory_space<vmem>>
          %dma_wait3A_105 = arith.constant 0 : i32
          %dma_wait3A_106 = arith.constant 0 : i32
          %dma_wait3A_107 = tpu.memref_slice %arg12[%dma_wait3A_105, %dma_wait3A_106] : memref<10488x128xf32, #tpu.memory_space<vmem_shared>> -> memref<10488x128xf32, #tpu.memory_space<vmem_shared>>
          tpu.wait_indirect_dma semaphore(%run_scoped3A : memref<!tpu.dma_semaphore, #tpu.memory_space<semaphore_mem>>) src(%arg10 : memref<96x128xf32, #tpu.memory_space<vmem>>) dst(%dma_wait3A_107 : memref<10488x128xf32, #tpu.memory_space<vmem_shared>>)
          tpu.yield
        }) : () -> ()
        %convert_element_type3A_80 = arith.extui %lt3A_57 : i1 to i32
        %cond3A_81 = arith.constant 0 : i32
        %cond3A_82 = arith.cmpi ne, %convert_element_type3A_80, %cond3A_81 : i32
        scf.if %cond3A_82 {
          %add3A_96 = arith.constant 1 : i32
          %add3A_97 = arith.addi %mul3A_55, %add3A_96 : i32
          %add3A_98 = arith.constant 3 : i32
          %add3A_99 = arith.addi %add3A_97, %add3A_98 : i32
          %mul3A_100 = arith.constant 96 : i32
          %mul3A_101 = arith.muli %add3A_99, %mul3A_100 : i32
          %dma_start3A_102 = tpu.memref_slice %arg7[%mul3A_101] : memref<4032xi32, #tpu.memory_space<vmem>> -> memref<96xi32, #tpu.memory_space<vmem>>
          %dma_start3A_103 = arith.constant 0 : i32
          %dma_start3A_104 = arith.constant 0 : i32
          %dma_start3A_105 = tpu.memref_slice %arg2[%dma_start3A_103, %dma_start3A_104] : memref<20000x128xf32, #tpu.memory_space<hbm>> -> memref<20000x128xf32, #tpu.memory_space<hbm>>
          tpu.enqueue_indirect_dma source(%dma_start3A_105 : memref<20000x128xf32, #tpu.memory_space<hbm>>) target(%arg10 : memref<96x128xf32, #tpu.memory_space<vmem>>) offsets(%dma_start3A_102 : memref<96xi32, #tpu.memory_space<vmem>>) semaphore(%arg14 : memref<!tpu.dma_semaphore, #tpu.memory_space<semaphore_mem>>)
        } else {
        }
        %add3A_83 = arith.constant 2 : i32
        %add3A_84 = arith.addi %mul3A_55, %add3A_83 : i32
        %mul3A_85 = arith.constant 96 : i32
        %mul3A_86 = arith.muli %add3A_84, %mul3A_85 : i32
        %dma_wait3A_87 = tpu.memref_slice %arg7[%mul3A_86] : memref<4032xi32, #tpu.memory_space<vmem>> -> memref<96xi32, #tpu.memory_space<vmem>>
        %dma_wait3A_88 = arith.constant 0 : i32
        %dma_wait3A_89 = arith.constant 0 : i32
        %dma_wait3A_90 = tpu.memref_slice %arg2[%dma_wait3A_88, %dma_wait3A_89] : memref<20000x128xf32, #tpu.memory_space<hbm>> -> memref<20000x128xf32, #tpu.memory_space<hbm>>
        tpu.wait_indirect_dma semaphore(%arg15 : memref<!tpu.dma_semaphore, #tpu.memory_space<semaphore_mem>>) src(%dma_wait3A_90 : memref<20000x128xf32, #tpu.memory_space<hbm>>) dst(%arg11 : memref<96x128xf32, #tpu.memory_space<vmem>>)
        %add3A_91 = arith.constant 2 : i32
        %add3A_92 = arith.addi %mul3A_55, %add3A_91 : i32
        "tpu.region"() ({
          %run_scoped3A = tpu.sem_alloc : memref<!tpu.dma_semaphore, #tpu.memory_space<semaphore_mem>>
          %dma_start3A_96 = arith.constant 0 : i32
          %dma_start3A_97 = tpu.memref_slice %arg8[%add3A_92, %dma_start3A_96] : memref<42x96xi32, #tpu.memory_space<vmem>> -> memref<1x96xi32, #tpu.memory_space<vmem>>
          %dma_start3A_98 = tpu.memref_squeeze %dma_start3A_97 : memref<1x96xi32, #tpu.memory_space<vmem>> -> memref<96xi32, #tpu.memory_space<vmem>>
          %dma_start3A_99 = arith.constant 0 : i32
          %dma_start3A_100 = arith.constant 0 : i32
          %dma_start3A_101 = tpu.memref_slice %arg12[%dma_start3A_99, %dma_start3A_100] : memref<10488x128xf32, #tpu.memory_space<vmem_shared>> -> memref<10488x128xf32, #tpu.memory_space<vmem_shared>>
          tpu.enqueue_indirect_dma source(%arg11 : memref<96x128xf32, #tpu.memory_space<vmem>>) target(%dma_start3A_101 : memref<10488x128xf32, #tpu.memory_space<vmem_shared>>) offsets(%dma_start3A_98 : memref<96xi32, #tpu.memory_space<vmem>>) semaphore(%run_scoped3A : memref<!tpu.dma_semaphore, #tpu.memory_space<semaphore_mem>>) {add = true}
          %dma_wait3A_102 = arith.constant 0 : i32
          %dma_wait3A_103 = tpu.memref_slice %arg8[%add3A_92, %dma_wait3A_102] : memref<42x96xi32, #tpu.memory_space<vmem>> -> memref<1x96xi32, #tpu.memory_space<vmem>>
          %dma_wait3A_104 = tpu.memref_squeeze %dma_wait3A_103 : memref<1x96xi32, #tpu.memory_space<vmem>> -> memref<96xi32, #tpu.memory_space<vmem>>
          %dma_wait3A_105 = arith.constant 0 : i32
          %dma_wait3A_106 = arith.constant 0 : i32
          %dma_wait3A_107 = tpu.memref_slice %arg12[%dma_wait3A_105, %dma_wait3A_106] : memref<10488x128xf32, #tpu.memory_space<vmem_shared>> -> memref<10488x128xf32, #tpu.memory_space<vmem_shared>>
          tpu.wait_indirect_dma semaphore(%run_scoped3A : memref<!tpu.dma_semaphore, #tpu.memory_space<semaphore_mem>>) src(%arg11 : memref<96x128xf32, #tpu.memory_space<vmem>>) dst(%dma_wait3A_107 : memref<10488x128xf32, #tpu.memory_space<vmem_shared>>)
          tpu.yield
        }) : () -> ()
        %convert_element_type3A_93 = arith.extui %lt3A_57 : i1 to i32
        %cond3A_94 = arith.constant 0 : i32
        %cond3A_95 = arith.cmpi ne, %convert_element_type3A_93, %cond3A_94 : i32
        scf.if %cond3A_95 {
          %add3A_96 = arith.constant 2 : i32
          %add3A_97 = arith.addi %mul3A_55, %add3A_96 : i32
          %add3A_98 = arith.constant 3 : i32
          %add3A_99 = arith.addi %add3A_97, %add3A_98 : i32
          %mul3A_100 = arith.constant 96 : i32
          %mul3A_101 = arith.muli %add3A_99, %mul3A_100 : i32
          %dma_start3A_102 = tpu.memref_slice %arg7[%mul3A_101] : memref<4032xi32, #tpu.memory_space<vmem>> -> memref<96xi32, #tpu.memory_space<vmem>>
          %dma_start3A_103 = arith.constant 0 : i32
          %dma_start3A_104 = arith.constant 0 : i32
          %dma_start3A_105 = tpu.memref_slice %arg2[%dma_start3A_103, %dma_start3A_104] : memref<20000x128xf32, #tpu.memory_space<hbm>> -> memref<20000x128xf32, #tpu.memory_space<hbm>>
          tpu.enqueue_indirect_dma source(%dma_start3A_105 : memref<20000x128xf32, #tpu.memory_space<hbm>>) target(%arg11 : memref<96x128xf32, #tpu.memory_space<vmem>>) offsets(%dma_start3A_102 : memref<96xi32, #tpu.memory_space<vmem>>) semaphore(%arg15 : memref<!tpu.dma_semaphore, #tpu.memory_space<semaphore_mem>>)
        } else {
        }
      }
      %scan3A_52 = arith.constant 14 : i32
    }
    %scan3A_17 = arith.constant 5 : i32
    %barrier3A_18 = arith.constant 0 : index
    tpu.barrier barrier_id(%barrier3A_18)
    %lt3A_19 = arith.constant 15 : i32
    %lt3A_20 = arith.cmpi slt, %arg1, %lt3A_19 : i32
    %convert_element_type3A_21 = arith.extui %lt3A_20 : i1 to i32
    %cond3A_22 = arith.constant 0 : i32
    %cond3A_23 = arith.cmpi ne, %convert_element_type3A_21, %cond3A_22 : i32
    scf.if %cond3A_23 {
      %add3A_29 = arith.addi %mul3A_2, %mul3A_0 : i32
      "tpu.region"() ({
        %run_scoped3A = tpu.sem_alloc : memref<!tpu.dma_semaphore, #tpu.memory_space<semaphore_mem>>
        %dma_start3A = arith.constant 0 : i32
        %dma_start3A_30 = tpu.memref_slice %arg6[%add3A_29, %dma_start3A] : memref<20000x128xf32, #tpu.memory_space<hbm>> -> memref<632x128xf32, #tpu.memory_space<hbm>>
        %dma_start3A_31 = arith.constant 0 : i32
        %dma_start3A_32 = tpu.memref_slice %arg12[%mul3A_0, %dma_start3A_31] : memref<10488x128xf32, #tpu.memory_space<vmem_shared>> -> memref<632x128xf32, #tpu.memory_space<vmem_shared>>
        tpu.enqueue_dma source(%dma_start3A_32 : memref<632x128xf32, #tpu.memory_space<vmem_shared>>) target(%dma_start3A_30 : memref<632x128xf32, #tpu.memory_space<hbm>>) target_semaphore(%run_scoped3A : memref<!tpu.dma_semaphore, #tpu.memory_space<semaphore_mem>>)
        %dma_wait3A = arith.constant 0 : i32
        %dma_wait3A_33 = tpu.memref_slice %arg6[%add3A_29, %dma_wait3A] : memref<20000x128xf32, #tpu.memory_space<hbm>> -> memref<632x128xf32, #tpu.memory_space<hbm>>
        %dma_wait3A_34 = arith.constant 0 : i32
        %dma_wait3A_35 = tpu.memref_slice %arg12[%mul3A_0, %dma_wait3A_34] : memref<10488x128xf32, #tpu.memory_space<vmem_shared>> -> memref<632x128xf32, #tpu.memory_space<vmem_shared>>
        tpu.wait_dma2 semaphore(%run_scoped3A : memref<!tpu.dma_semaphore, #tpu.memory_space<semaphore_mem>>) src(%dma_wait3A_35 : memref<632x128xf32, #tpu.memory_space<vmem_shared>>) dst(%dma_wait3A_33 : memref<632x128xf32, #tpu.memory_space<hbm>>)
        tpu.yield
      }) : () -> ()
    } else {
    }
    %eq3A_24 = arith.constant 15 : i32
    %eq3A_25 = arith.cmpi eq, %arg1, %eq3A_24 : i32
    %convert_element_type3A_26 = arith.extui %eq3A_25 : i1 to i32
    %cond3A_27 = arith.constant 0 : i32
    %cond3A_28 = arith.cmpi ne, %convert_element_type3A_26, %cond3A_27 : i32
    scf.if %cond3A_28 {
      %add3A_29 = arith.constant 9480 : i32
      %add3A_30 = arith.addi %mul3A_2, %add3A_29 : i32
      "tpu.region"() ({
        %run_scoped3A = tpu.sem_alloc : memref<!tpu.dma_semaphore, #tpu.memory_space<semaphore_mem>>
        %dma_start3A = arith.constant 0 : i32
        %dma_start3A_31 = tpu.memref_slice %arg6[%add3A_30, %dma_start3A] : memref<20000x128xf32, #tpu.memory_space<hbm>> -> memref<520x128xf32, #tpu.memory_space<hbm>>
        %dma_start3A_32 = arith.constant 9480 : i32
        %dma_start3A_33 = arith.constant 0 : i32
        %dma_start3A_34 = tpu.memref_slice %arg12[%dma_start3A_32, %dma_start3A_33] : memref<10488x128xf32, #tpu.memory_space<vmem_shared>> -> memref<520x128xf32, #tpu.memory_space<vmem_shared>>
        tpu.enqueue_dma source(%dma_start3A_34 : memref<520x128xf32, #tpu.memory_space<vmem_shared>>) target(%dma_start3A_31 : memref<520x128xf32, #tpu.memory_space<hbm>>) target_semaphore(%run_scoped3A : memref<!tpu.dma_semaphore, #tpu.memory_space<semaphore_mem>>)
        %dma_wait3A = arith.constant 0 : i32
        %dma_wait3A_35 = tpu.memref_slice %arg6[%add3A_30, %dma_wait3A] : memref<20000x128xf32, #tpu.memory_space<hbm>> -> memref<520x128xf32, #tpu.memory_space<hbm>>
        %dma_wait3A_36 = arith.constant 9480 : i32
        %dma_wait3A_37 = arith.constant 0 : i32
        %dma_wait3A_38 = tpu.memref_slice %arg12[%dma_wait3A_36, %dma_wait3A_37] : memref<10488x128xf32, #tpu.memory_space<vmem_shared>> -> memref<520x128xf32, #tpu.memory_space<vmem_shared>>
        tpu.wait_dma2 semaphore(%run_scoped3A : memref<!tpu.dma_semaphore, #tpu.memory_space<semaphore_mem>>) src(%dma_wait3A_38 : memref<520x128xf32, #tpu.memory_space<vmem_shared>>) dst(%dma_wait3A_35 : memref<520x128xf32, #tpu.memory_space<hbm>>)
        tpu.yield
      }) : () -> ()
    } else {
    }
    return
  }
}

#map = affine_map<(d0, d1) -> (0, 0)>
#map1 = affine_map<(d0, d1) -> (0)>
#map2 = affine_map<(d0, d1) -> (0, 0, 0, 0)>
module attributes {stable_mosaic.version = 14 : i64} {
  func.func @_spmm_sc(%arg0: i32, %arg1: i32, %arg2: memref<20000x128xf32, #tpu.memory_space<hbm>>, %arg3: memref<645120xi32, #tpu.memory_space<hbm>>, %arg4: memref<16x5x42x96xi32, #tpu.memory_space<hbm>>, %arg5: memref<10000x128xf32, #tpu.memory_space<hbm>>, %arg6: memref<20000x128xf32, #tpu.memory_space<hbm>>, %arg7: memref<4032xi32, #tpu.memory_space<vmem>>, %arg8: memref<42x96xi32, #tpu.memory_space<vmem>>, %arg9: memref<96x128xf32, #tpu.memory_space<vmem>>, %arg10: memref<96x128xf32, #tpu.memory_space<vmem>>, %arg11: memref<96x128xf32, #tpu.memory_space<vmem>>, %arg12: memref<10488x128xf32, #tpu.memory_space<vmem_shared>>, %arg13: memref<!tpu.dma_semaphore, #tpu.memory_space<semaphore_mem>>, %arg14: memref<!tpu.dma_semaphore, #tpu.memory_space<semaphore_mem>>, %arg15: memref<!tpu.dma_semaphore, #tpu.memory_space<semaphore_mem>>) attributes {dimension_semantics = [#tpu.dimension_semantics<core_parallel>, #tpu.dimension_semantics<subcore_parallel>], iteration_bounds = array<i64: 2, 16>, scalar_prefetch = 0 : i64, scratch_operands = 9 : i64, tpu.core_type = #tpu.core_type<sc_vector_subcore>, window_params = [{transform_indices = #map}, {transform_indices = #map1}, {transform_indices = #map2}, {transform_indices = #map}, {transform_indices = #map}]} {
    %mul3A = arith.constant 632 : i32
    %mul3A_0 = arith.muli %arg1, %mul3A : i32
    %mul3A_1 = arith.constant 10000 : i32
    %mul3A_2 = arith.muli %arg0, %mul3A_1 : i32
    %mul3A_3 = arith.constant 16 : i32
    %mul3A_4 = arith.muli %arg0, %mul3A_3 : i32
    %add3A = arith.addi %mul3A_4, %arg1 : i32
    %mul3A_5 = arith.constant 20160 : i32
    %mul3A_6 = arith.muli %add3A, %mul3A_5 : i32
    %lt3A = arith.constant 15 : i32
    %lt3A_7 = arith.cmpi slt, %arg1, %lt3A : i32
    %convert_element_type3A = arith.extui %lt3A_7 : i1 to i32
    %cond3A = arith.constant 0 : i32
    %cond3A_8 = arith.cmpi ne, %convert_element_type3A, %cond3A : i32
    scf.if %cond3A_8 {
      "tpu.region"() ({
        %run_scoped3A = tpu.sem_alloc : memref<!tpu.dma_semaphore, #tpu.memory_space<semaphore_mem>>
        %dma_start3A = arith.constant 0 : i32
        %dma_start3A_29 = tpu.memref_slice %arg12[%mul3A_0, %dma_start3A] : memref<10488x128xf32, #tpu.memory_space<vmem_shared>> -> memref<632x128xf32, #tpu.memory_space<vmem_shared>>
        %dma_start3A_30 = arith.constant 0 : i32
        %dma_start3A_31 = tpu.memref_slice %arg5[%mul3A_0, %dma_start3A_30] : memref<10000x128xf32, #tpu.memory_space<hbm>> -> memref<632x128xf32, #tpu.memory_space<hbm>>
        tpu.enqueue_dma source(%dma_start3A_31 : memref<632x128xf32, #tpu.memory_space<hbm>>) target(%dma_start3A_29 : memref<632x128xf32, #tpu.memory_space<vmem_shared>>) target_semaphore(%run_scoped3A : memref<!tpu.dma_semaphore, #tpu.memory_space<semaphore_mem>>)
        %dma_wait3A = arith.constant 0 : i32
        %dma_wait3A_32 = tpu.memref_slice %arg12[%mul3A_0, %dma_wait3A] : memref<10488x128xf32, #tpu.memory_space<vmem_shared>> -> memref<632x128xf32, #tpu.memory_space<vmem_shared>>
        %dma_wait3A_33 = arith.constant 0 : i32
        %dma_wait3A_34 = tpu.memref_slice %arg5[%mul3A_0, %dma_wait3A_33] : memref<10000x128xf32, #tpu.memory_space<hbm>> -> memref<632x128xf32, #tpu.memory_space<hbm>>
        tpu.wait_dma2 semaphore(%run_scoped3A : memref<!tpu.dma_semaphore, #tpu.memory_space<semaphore_mem>>) src(%dma_wait3A_34 : memref<632x128xf32, #tpu.memory_space<hbm>>) dst(%dma_wait3A_32 : memref<632x128xf32, #tpu.memory_space<vmem_shared>>)
        tpu.yield
      }) : () -> ()
    } else {
    }
    %eq3A = arith.constant 15 : i32
    %eq3A_9 = arith.cmpi eq, %arg1, %eq3A : i32
    %convert_element_type3A_10 = arith.extui %eq3A_9 : i1 to i32
    %cond3A_11 = arith.constant 0 : i32
    %cond3A_12 = arith.cmpi ne, %convert_element_type3A_10, %cond3A_11 : i32
    scf.if %cond3A_12 {
      "tpu.region"() ({
        %run_scoped3A = tpu.sem_alloc : memref<!tpu.dma_semaphore, #tpu.memory_space<semaphore_mem>>
        %dma_start3A = arith.constant 9480 : i32
        %dma_start3A_29 = arith.constant 0 : i32
        %dma_start3A_30 = tpu.memref_slice %arg12[%dma_start3A, %dma_start3A_29] : memref<10488x128xf32, #tpu.memory_space<vmem_shared>> -> memref<520x128xf32, #tpu.memory_space<vmem_shared>>
        %dma_start3A_31 = arith.constant 9480 : i32
        %dma_start3A_32 = arith.constant 0 : i32
        %dma_start3A_33 = tpu.memref_slice %arg5[%dma_start3A_31, %dma_start3A_32] : memref<10000x128xf32, #tpu.memory_space<hbm>> -> memref<520x128xf32, #tpu.memory_space<hbm>>
        tpu.enqueue_dma source(%dma_start3A_33 : memref<520x128xf32, #tpu.memory_space<hbm>>) target(%dma_start3A_30 : memref<520x128xf32, #tpu.memory_space<vmem_shared>>) target_semaphore(%run_scoped3A : memref<!tpu.dma_semaphore, #tpu.memory_space<semaphore_mem>>)
        %dma_wait3A = arith.constant 9480 : i32
        %dma_wait3A_34 = arith.constant 0 : i32
        %dma_wait3A_35 = tpu.memref_slice %arg12[%dma_wait3A, %dma_wait3A_34] : memref<10488x128xf32, #tpu.memory_space<vmem_shared>> -> memref<520x128xf32, #tpu.memory_space<vmem_shared>>
        %dma_wait3A_36 = arith.constant 9480 : i32
        %dma_wait3A_37 = arith.constant 0 : i32
        %dma_wait3A_38 = tpu.memref_slice %arg5[%dma_wait3A_36, %dma_wait3A_37] : memref<10000x128xf32, #tpu.memory_space<hbm>> -> memref<520x128xf32, #tpu.memory_space<hbm>>
        tpu.wait_dma2 semaphore(%run_scoped3A : memref<!tpu.dma_semaphore, #tpu.memory_space<semaphore_mem>>) src(%dma_wait3A_38 : memref<520x128xf32, #tpu.memory_space<hbm>>) dst(%dma_wait3A_35 : memref<520x128xf32, #tpu.memory_space<vmem_shared>>)
        tpu.yield
      }) : () -> ()
    } else {
    }
    %barrier3A = arith.constant 0 : index
    tpu.barrier barrier_id(%barrier3A)
    %scan3A = arith.constant 0 : i32
    %scan3A_13 = arith.constant 0 : i32
    %scan3A_14 = arith.constant 5 : i32
    %scan3A_15 = arith.addi %scan3A_13, %scan3A_14 : i32
    %scan3A_16 = arith.constant 1 : i32
    scf.for %scan3A_29 = %scan3A_13 to %scan3A_15 step %scan3A_16  : i32 {
      %mul3A_30 = arith.constant 4032 : i32
      %mul3A_31 = arith.muli %scan3A_29, %mul3A_30 : i32
      %add3A_32 = arith.addi %mul3A_6, %mul3A_31 : i32
      "tpu.region"() ({
        %run_scoped3A = tpu.sem_alloc : memref<!tpu.dma_semaphore, #tpu.memory_space<semaphore_mem>>
        %dma_start3A_53 = tpu.memref_slice %arg3[%add3A_32] : memref<645120xi32, #tpu.memory_space<hbm>> -> memref<4032xi32, #tpu.memory_space<hbm>>
        %dma_start3A_54 = tpu.memref_slice %arg3[%add3A_32] : memref<645120xi32, #tpu.memory_space<hbm>> -> memref<4032xi32, #tpu.memory_space<hbm>>
        tpu.enqueue_dma source(%dma_start3A_54 : memref<4032xi32, #tpu.memory_space<hbm>>) target(%arg7 : memref<4032xi32, #tpu.memory_space<vmem>>) target_semaphore(%run_scoped3A : memref<!tpu.dma_semaphore, #tpu.memory_space<semaphore_mem>>)
        %dma_wait3A = tpu.memref_slice %arg3[%add3A_32] : memref<645120xi32, #tpu.memory_space<hbm>> -> memref<4032xi32, #tpu.memory_space<hbm>>
        %dma_wait3A_55 = tpu.memref_slice %arg3[%add3A_32] : memref<645120xi32, #tpu.memory_space<hbm>> -> memref<4032xi32, #tpu.memory_space<hbm>>
        tpu.wait_dma2 semaphore(%run_scoped3A : memref<!tpu.dma_semaphore, #tpu.memory_space<semaphore_mem>>) src(%dma_wait3A_55 : memref<4032xi32, #tpu.memory_space<hbm>>) dst(%arg7 : memref<4032xi32, #tpu.memory_space<vmem>>)
        tpu.yield
      }) : () -> ()
      "tpu.region"() ({
        %run_scoped3A = tpu.sem_alloc : memref<!tpu.dma_semaphore, #tpu.memory_space<semaphore_mem>>
        %dma_start3A_53 = arith.constant 0 : i32
        %dma_start3A_54 = arith.constant 0 : i32
        %dma_start3A_55 = tpu.memref_slice %arg4[%arg1, %scan3A_29, %dma_start3A_53, %dma_start3A_54] : memref<16x5x42x96xi32, #tpu.memory_space<hbm>> -> memref<1x1x42x96xi32, #tpu.memory_space<hbm>>
        %dma_start3A_56 = tpu.memref_squeeze %dma_start3A_55 : memref<1x1x42x96xi32, #tpu.memory_space<hbm>> -> memref<42x96xi32, #tpu.memory_space<hbm>>
        %dma_start3A_57 = arith.constant 0 : i32
        %dma_start3A_58 = arith.constant 0 : i32
        %dma_start3A_59 = tpu.memref_slice %arg4[%arg1, %scan3A_29, %dma_start3A_57, %dma_start3A_58] : memref<16x5x42x96xi32, #tpu.memory_space<hbm>> -> memref<1x1x42x96xi32, #tpu.memory_space<hbm>>
        %dma_start3A_60 = tpu.memref_squeeze %dma_start3A_59 : memref<1x1x42x96xi32, #tpu.memory_space<hbm>> -> memref<42x96xi32, #tpu.memory_space<hbm>>
        tpu.enqueue_dma source(%dma_start3A_60 : memref<42x96xi32, #tpu.memory_space<hbm>>) target(%arg8 : memref<42x96xi32, #tpu.memory_space<vmem>>) target_semaphore(%run_scoped3A : memref<!tpu.dma_semaphore, #tpu.memory_space<semaphore_mem>>)
        %dma_wait3A = arith.constant 0 : i32
        %dma_wait3A_61 = arith.constant 0 : i32
        %dma_wait3A_62 = tpu.memref_slice %arg4[%arg1, %scan3A_29, %dma_wait3A, %dma_wait3A_61] : memref<16x5x42x96xi32, #tpu.memory_space<hbm>> -> memref<1x1x42x96xi32, #tpu.memory_space<hbm>>
        %dma_wait3A_63 = tpu.memref_squeeze %dma_wait3A_62 : memref<1x1x42x96xi32, #tpu.memory_space<hbm>> -> memref<42x96xi32, #tpu.memory_space<hbm>>
        %dma_wait3A_64 = arith.constant 0 : i32
        %dma_wait3A_65 = arith.constant 0 : i32
        %dma_wait3A_66 = tpu.memref_slice %arg4[%arg1, %scan3A_29, %dma_wait3A_64, %dma_wait3A_65] : memref<16x5x42x96xi32, #tpu.memory_space<hbm>> -> memref<1x1x42x96xi32, #tpu.memory_space<hbm>>
        %dma_wait3A_67 = tpu.memref_squeeze %dma_wait3A_66 : memref<1x1x42x96xi32, #tpu.memory_space<hbm>> -> memref<42x96xi32, #tpu.memory_space<hbm>>
        tpu.wait_dma2 semaphore(%run_scoped3A : memref<!tpu.dma_semaphore, #tpu.memory_space<semaphore_mem>>) src(%dma_wait3A_67 : memref<42x96xi32, #tpu.memory_space<hbm>>) dst(%arg8 : memref<42x96xi32, #tpu.memory_space<vmem>>)
        tpu.yield
      }) : () -> ()
      %dma_start3A = arith.constant 0 : i32
      %dma_start3A_33 = tpu.memref_slice %arg7[%dma_start3A] : memref<4032xi32, #tpu.memory_space<vmem>> -> memref<96xi32, #tpu.memory_space<vmem>>
      %dma_start3A_34 = arith.constant 0 : i32
      %dma_start3A_35 = arith.constant 0 : i32
      %dma_start3A_36 = tpu.memref_slice %arg2[%dma_start3A_34, %dma_start3A_35] : memref<20000x128xf32, #tpu.memory_space<hbm>> -> memref<20000x128xf32, #tpu.memory_space<hbm>>
      tpu.enqueue_indirect_dma source(%dma_start3A_36 : memref<20000x128xf32, #tpu.memory_space<hbm>>) target(%arg9 : memref<96x128xf32, #tpu.memory_space<vmem>>) offsets(%dma_start3A_33 : memref<96xi32, #tpu.memory_space<vmem>>) semaphore(%arg13 : memref<!tpu.dma_semaphore, #tpu.memory_space<semaphore_mem>>)
      %dma_start3A_37 = arith.constant 96 : i32
      %dma_start3A_38 = tpu.memref_slice %arg7[%dma_start3A_37] : memref<4032xi32, #tpu.memory_space<vmem>> -> memref<96xi32, #tpu.memory_space<vmem>>
      %dma_start3A_39 = arith.constant 0 : i32
      %dma_start3A_40 = arith.constant 0 : i32
      %dma_start3A_41 = tpu.memref_slice %arg2[%dma_start3A_39, %dma_start3A_40] : memref<20000x128xf32, #tpu.memory_space<hbm>> -> memref<20000x128xf32, #tpu.memory_space<hbm>>
      tpu.enqueue_indirect_dma source(%dma_start3A_41 : memref<20000x128xf32, #tpu.memory_space<hbm>>) target(%arg10 : memref<96x128xf32, #tpu.memory_space<vmem>>) offsets(%dma_start3A_38 : memref<96xi32, #tpu.memory_space<vmem>>) semaphore(%arg14 : memref<!tpu.dma_semaphore, #tpu.memory_space<semaphore_mem>>)
      %dma_start3A_42 = arith.constant 192 : i32
      %dma_start3A_43 = tpu.memref_slice %arg7[%dma_start3A_42] : memref<4032xi32, #tpu.memory_space<vmem>> -> memref<96xi32, #tpu.memory_space<vmem>>
      %dma_start3A_44 = arith.constant 0 : i32
      %dma_start3A_45 = arith.constant 0 : i32
      %dma_start3A_46 = tpu.memref_slice %arg2[%dma_start3A_44, %dma_start3A_45] : memref<20000x128xf32, #tpu.memory_space<hbm>> -> memref<20000x128xf32, #tpu.memory_space<hbm>>
      tpu.enqueue_indirect_dma source(%dma_start3A_46 : memref<20000x128xf32, #tpu.memory_space<hbm>>) target(%arg11 : memref<96x128xf32, #tpu.memory_space<vmem>>) offsets(%dma_start3A_43 : memref<96xi32, #tpu.memory_space<vmem>>) semaphore(%arg15 : memref<!tpu.dma_semaphore, #tpu.memory_space<semaphore_mem>>)
      %scan3A_47 = arith.constant 0 : i32
      %scan3A_48 = arith.constant 0 : i32
      %scan3A_49 = arith.constant 14 : i32
      %scan3A_50 = arith.addi %scan3A_48, %scan3A_49 : i32
      %scan3A_51 = arith.constant 1 : i32
      scf.for %scan3A_53 = %scan3A_48 to %scan3A_50 step %scan3A_51  : i32 {
        %mul3A_54 = arith.constant 3 : i32
        %mul3A_55 = arith.muli %mul3A_54, %scan3A_53 : i32
        %lt3A_56 = arith.constant 13 : i32
        %lt3A_57 = arith.cmpi slt, %scan3A_53, %lt3A_56 : i32
        %add3A_58 = arith.constant 0 : i32
        %add3A_59 = arith.addi %mul3A_55, %add3A_58 : i32
        %mul3A_60 = arith.constant 96 : i32
        %mul3A_61 = arith.muli %add3A_59, %mul3A_60 : i32
        %dma_wait3A = tpu.memref_slice %arg7[%mul3A_61] : memref<4032xi32, #tpu.memory_space<vmem>> -> memref<96xi32, #tpu.memory_space<vmem>>
        %dma_wait3A_62 = arith.constant 0 : i32
        %dma_wait3A_63 = arith.constant 0 : i32
        %dma_wait3A_64 = tpu.memref_slice %arg2[%dma_wait3A_62, %dma_wait3A_63] : memref<20000x128xf32, #tpu.memory_space<hbm>> -> memref<20000x128xf32, #tpu.memory_space<hbm>>
        tpu.wait_indirect_dma semaphore(%arg13 : memref<!tpu.dma_semaphore, #tpu.memory_space<semaphore_mem>>) src(%dma_wait3A_64 : memref<20000x128xf32, #tpu.memory_space<hbm>>) dst(%arg9 : memref<96x128xf32, #tpu.memory_space<vmem>>)
        %add3A_65 = arith.constant 0 : i32
        %add3A_66 = arith.addi %mul3A_55, %add3A_65 : i32
        "tpu.region"() ({
          %run_scoped3A = tpu.sem_alloc : memref<!tpu.dma_semaphore, #tpu.memory_space<semaphore_mem>>
          %dma_start3A_96 = arith.constant 0 : i32
          %dma_start3A_97 = tpu.memref_slice %arg8[%add3A_66, %dma_start3A_96] : memref<42x96xi32, #tpu.memory_space<vmem>> -> memref<1x96xi32, #tpu.memory_space<vmem>>
          %dma_start3A_98 = tpu.memref_squeeze %dma_start3A_97 : memref<1x96xi32, #tpu.memory_space<vmem>> -> memref<96xi32, #tpu.memory_space<vmem>>
          %dma_start3A_99 = arith.constant 0 : i32
          %dma_start3A_100 = arith.constant 0 : i32
          %dma_start3A_101 = tpu.memref_slice %arg12[%dma_start3A_99, %dma_start3A_100] : memref<10488x128xf32, #tpu.memory_space<vmem_shared>> -> memref<10488x128xf32, #tpu.memory_space<vmem_shared>>
          tpu.enqueue_indirect_dma source(%arg9 : memref<96x128xf32, #tpu.memory_space<vmem>>) target(%dma_start3A_101 : memref<10488x128xf32, #tpu.memory_space<vmem_shared>>) offsets(%dma_start3A_98 : memref<96xi32, #tpu.memory_space<vmem>>) semaphore(%run_scoped3A : memref<!tpu.dma_semaphore, #tpu.memory_space<semaphore_mem>>) {add = true}
          %dma_wait3A_102 = arith.constant 0 : i32
          %dma_wait3A_103 = tpu.memref_slice %arg8[%add3A_66, %dma_wait3A_102] : memref<42x96xi32, #tpu.memory_space<vmem>> -> memref<1x96xi32, #tpu.memory_space<vmem>>
          %dma_wait3A_104 = tpu.memref_squeeze %dma_wait3A_103 : memref<1x96xi32, #tpu.memory_space<vmem>> -> memref<96xi32, #tpu.memory_space<vmem>>
          %dma_wait3A_105 = arith.constant 0 : i32
          %dma_wait3A_106 = arith.constant 0 : i32
          %dma_wait3A_107 = tpu.memref_slice %arg12[%dma_wait3A_105, %dma_wait3A_106] : memref<10488x128xf32, #tpu.memory_space<vmem_shared>> -> memref<10488x128xf32, #tpu.memory_space<vmem_shared>>
          tpu.wait_indirect_dma semaphore(%run_scoped3A : memref<!tpu.dma_semaphore, #tpu.memory_space<semaphore_mem>>) src(%arg9 : memref<96x128xf32, #tpu.memory_space<vmem>>) dst(%dma_wait3A_107 : memref<10488x128xf32, #tpu.memory_space<vmem_shared>>)
          tpu.yield
        }) : () -> ()
        %convert_element_type3A_67 = arith.extui %lt3A_57 : i1 to i32
        %cond3A_68 = arith.constant 0 : i32
        %cond3A_69 = arith.cmpi ne, %convert_element_type3A_67, %cond3A_68 : i32
        scf.if %cond3A_69 {
          %add3A_96 = arith.constant 0 : i32
          %add3A_97 = arith.addi %mul3A_55, %add3A_96 : i32
          %add3A_98 = arith.constant 3 : i32
          %add3A_99 = arith.addi %add3A_97, %add3A_98 : i32
          %mul3A_100 = arith.constant 96 : i32
          %mul3A_101 = arith.muli %add3A_99, %mul3A_100 : i32
          %dma_start3A_102 = tpu.memref_slice %arg7[%mul3A_101] : memref<4032xi32, #tpu.memory_space<vmem>> -> memref<96xi32, #tpu.memory_space<vmem>>
          %dma_start3A_103 = arith.constant 0 : i32
          %dma_start3A_104 = arith.constant 0 : i32
          %dma_start3A_105 = tpu.memref_slice %arg2[%dma_start3A_103, %dma_start3A_104] : memref<20000x128xf32, #tpu.memory_space<hbm>> -> memref<20000x128xf32, #tpu.memory_space<hbm>>
          tpu.enqueue_indirect_dma source(%dma_start3A_105 : memref<20000x128xf32, #tpu.memory_space<hbm>>) target(%arg9 : memref<96x128xf32, #tpu.memory_space<vmem>>) offsets(%dma_start3A_102 : memref<96xi32, #tpu.memory_space<vmem>>) semaphore(%arg13 : memref<!tpu.dma_semaphore, #tpu.memory_space<semaphore_mem>>)
        } else {
        }
        %add3A_70 = arith.constant 1 : i32
        %add3A_71 = arith.addi %mul3A_55, %add3A_70 : i32
        %mul3A_72 = arith.constant 96 : i32
        %mul3A_73 = arith.muli %add3A_71, %mul3A_72 : i32
        %dma_wait3A_74 = tpu.memref_slice %arg7[%mul3A_73] : memref<4032xi32, #tpu.memory_space<vmem>> -> memref<96xi32, #tpu.memory_space<vmem>>
        %dma_wait3A_75 = arith.constant 0 : i32
        %dma_wait3A_76 = arith.constant 0 : i32
        %dma_wait3A_77 = tpu.memref_slice %arg2[%dma_wait3A_75, %dma_wait3A_76] : memref<20000x128xf32, #tpu.memory_space<hbm>> -> memref<20000x128xf32, #tpu.memory_space<hbm>>
        tpu.wait_indirect_dma semaphore(%arg14 : memref<!tpu.dma_semaphore, #tpu.memory_space<semaphore_mem>>) src(%dma_wait3A_77 : memref<20000x128xf32, #tpu.memory_space<hbm>>) dst(%arg10 : memref<96x128xf32, #tpu.memory_space<vmem>>)
        %add3A_78 = arith.constant 1 : i32
        %add3A_79 = arith.addi %mul3A_55, %add3A_78 : i32
        "tpu.region"() ({
          %run_scoped3A = tpu.sem_alloc : memref<!tpu.dma_semaphore, #tpu.memory_space<semaphore_mem>>
          %dma_start3A_96 = arith.constant 0 : i32
          %dma_start3A_97 = tpu.memref_slice %arg8[%add3A_79, %dma_start3A_96] : memref<42x96xi32, #tpu.memory_space<vmem>> -> memref<1x96xi32, #tpu.memory_space<vmem>>
          %dma_start3A_98 = tpu.memref_squeeze %dma_start3A_97 : memref<1x96xi32, #tpu.memory_space<vmem>> -> memref<96xi32, #tpu.memory_space<vmem>>
          %dma_start3A_99 = arith.constant 0 : i32
          %dma_start3A_100 = arith.constant 0 : i32
          %dma_start3A_101 = tpu.memref_slice %arg12[%dma_start3A_99, %dma_start3A_100] : memref<10488x128xf32, #tpu.memory_space<vmem_shared>> -> memref<10488x128xf32, #tpu.memory_space<vmem_shared>>
          tpu.enqueue_indirect_dma source(%arg10 : memref<96x128xf32, #tpu.memory_space<vmem>>) target(%dma_start3A_101 : memref<10488x128xf32, #tpu.memory_space<vmem_shared>>) offsets(%dma_start3A_98 : memref<96xi32, #tpu.memory_space<vmem>>) semaphore(%run_scoped3A : memref<!tpu.dma_semaphore, #tpu.memory_space<semaphore_mem>>) {add = true}
          %dma_wait3A_102 = arith.constant 0 : i32
          %dma_wait3A_103 = tpu.memref_slice %arg8[%add3A_79, %dma_wait3A_102] : memref<42x96xi32, #tpu.memory_space<vmem>> -> memref<1x96xi32, #tpu.memory_space<vmem>>
          %dma_wait3A_104 = tpu.memref_squeeze %dma_wait3A_103 : memref<1x96xi32, #tpu.memory_space<vmem>> -> memref<96xi32, #tpu.memory_space<vmem>>
          %dma_wait3A_105 = arith.constant 0 : i32
          %dma_wait3A_106 = arith.constant 0 : i32
          %dma_wait3A_107 = tpu.memref_slice %arg12[%dma_wait3A_105, %dma_wait3A_106] : memref<10488x128xf32, #tpu.memory_space<vmem_shared>> -> memref<10488x128xf32, #tpu.memory_space<vmem_shared>>
          tpu.wait_indirect_dma semaphore(%run_scoped3A : memref<!tpu.dma_semaphore, #tpu.memory_space<semaphore_mem>>) src(%arg10 : memref<96x128xf32, #tpu.memory_space<vmem>>) dst(%dma_wait3A_107 : memref<10488x128xf32, #tpu.memory_space<vmem_shared>>)
          tpu.yield
        }) : () -> ()
        %convert_element_type3A_80 = arith.extui %lt3A_57 : i1 to i32
        %cond3A_81 = arith.constant 0 : i32
        %cond3A_82 = arith.cmpi ne, %convert_element_type3A_80, %cond3A_81 : i32
        scf.if %cond3A_82 {
          %add3A_96 = arith.constant 1 : i32
          %add3A_97 = arith.addi %mul3A_55, %add3A_96 : i32
          %add3A_98 = arith.constant 3 : i32
          %add3A_99 = arith.addi %add3A_97, %add3A_98 : i32
          %mul3A_100 = arith.constant 96 : i32
          %mul3A_101 = arith.muli %add3A_99, %mul3A_100 : i32
          %dma_start3A_102 = tpu.memref_slice %arg7[%mul3A_101] : memref<4032xi32, #tpu.memory_space<vmem>> -> memref<96xi32, #tpu.memory_space<vmem>>
          %dma_start3A_103 = arith.constant 0 : i32
          %dma_start3A_104 = arith.constant 0 : i32
          %dma_start3A_105 = tpu.memref_slice %arg2[%dma_start3A_103, %dma_start3A_104] : memref<20000x128xf32, #tpu.memory_space<hbm>> -> memref<20000x128xf32, #tpu.memory_space<hbm>>
          tpu.enqueue_indirect_dma source(%dma_start3A_105 : memref<20000x128xf32, #tpu.memory_space<hbm>>) target(%arg10 : memref<96x128xf32, #tpu.memory_space<vmem>>) offsets(%dma_start3A_102 : memref<96xi32, #tpu.memory_space<vmem>>) semaphore(%arg14 : memref<!tpu.dma_semaphore, #tpu.memory_space<semaphore_mem>>)
        } else {
        }
        %add3A_83 = arith.constant 2 : i32
        %add3A_84 = arith.addi %mul3A_55, %add3A_83 : i32
        %mul3A_85 = arith.constant 96 : i32
        %mul3A_86 = arith.muli %add3A_84, %mul3A_85 : i32
        %dma_wait3A_87 = tpu.memref_slice %arg7[%mul3A_86] : memref<4032xi32, #tpu.memory_space<vmem>> -> memref<96xi32, #tpu.memory_space<vmem>>
        %dma_wait3A_88 = arith.constant 0 : i32
        %dma_wait3A_89 = arith.constant 0 : i32
        %dma_wait3A_90 = tpu.memref_slice %arg2[%dma_wait3A_88, %dma_wait3A_89] : memref<20000x128xf32, #tpu.memory_space<hbm>> -> memref<20000x128xf32, #tpu.memory_space<hbm>>
        tpu.wait_indirect_dma semaphore(%arg15 : memref<!tpu.dma_semaphore, #tpu.memory_space<semaphore_mem>>) src(%dma_wait3A_90 : memref<20000x128xf32, #tpu.memory_space<hbm>>) dst(%arg11 : memref<96x128xf32, #tpu.memory_space<vmem>>)
        %add3A_91 = arith.constant 2 : i32
        %add3A_92 = arith.addi %mul3A_55, %add3A_91 : i32
        "tpu.region"() ({
          %run_scoped3A = tpu.sem_alloc : memref<!tpu.dma_semaphore, #tpu.memory_space<semaphore_mem>>
          %dma_start3A_96 = arith.constant 0 : i32
          %dma_start3A_97 = tpu.memref_slice %arg8[%add3A_92, %dma_start3A_96] : memref<42x96xi32, #tpu.memory_space<vmem>> -> memref<1x96xi32, #tpu.memory_space<vmem>>
          %dma_start3A_98 = tpu.memref_squeeze %dma_start3A_97 : memref<1x96xi32, #tpu.memory_space<vmem>> -> memref<96xi32, #tpu.memory_space<vmem>>
          %dma_start3A_99 = arith.constant 0 : i32
          %dma_start3A_100 = arith.constant 0 : i32
          %dma_start3A_101 = tpu.memref_slice %arg12[%dma_start3A_99, %dma_start3A_100] : memref<10488x128xf32, #tpu.memory_space<vmem_shared>> -> memref<10488x128xf32, #tpu.memory_space<vmem_shared>>
          tpu.enqueue_indirect_dma source(%arg11 : memref<96x128xf32, #tpu.memory_space<vmem>>) target(%dma_start3A_101 : memref<10488x128xf32, #tpu.memory_space<vmem_shared>>) offsets(%dma_start3A_98 : memref<96xi32, #tpu.memory_space<vmem>>) semaphore(%run_scoped3A : memref<!tpu.dma_semaphore, #tpu.memory_space<semaphore_mem>>) {add = true}
          %dma_wait3A_102 = arith.constant 0 : i32
          %dma_wait3A_103 = tpu.memref_slice %arg8[%add3A_92, %dma_wait3A_102] : memref<42x96xi32, #tpu.memory_space<vmem>> -> memref<1x96xi32, #tpu.memory_space<vmem>>
          %dma_wait3A_104 = tpu.memref_squeeze %dma_wait3A_103 : memref<1x96xi32, #tpu.memory_space<vmem>> -> memref<96xi32, #tpu.memory_space<vmem>>
          %dma_wait3A_105 = arith.constant 0 : i32
          %dma_wait3A_106 = arith.constant 0 : i32
          %dma_wait3A_107 = tpu.memref_slice %arg12[%dma_wait3A_105, %dma_wait3A_106] : memref<10488x128xf32, #tpu.memory_space<vmem_shared>> -> memref<10488x128xf32, #tpu.memory_space<vmem_shared>>
          tpu.wait_indirect_dma semaphore(%run_scoped3A : memref<!tpu.dma_semaphore, #tpu.memory_space<semaphore_mem>>) src(%arg11 : memref<96x128xf32, #tpu.memory_space<vmem>>) dst(%dma_wait3A_107 : memref<10488x128xf32, #tpu.memory_space<vmem_shared>>)
          tpu.yield
        }) : () -> ()
        %convert_element_type3A_93 = arith.extui %lt3A_57 : i1 to i32
        %cond3A_94 = arith.constant 0 : i32
        %cond3A_95 = arith.cmpi ne, %convert_element_type3A_93, %cond3A_94 : i32
        scf.if %cond3A_95 {
          %add3A_96 = arith.constant 2 : i32
          %add3A_97 = arith.addi %mul3A_55, %add3A_96 : i32
          %add3A_98 = arith.constant 3 : i32
          %add3A_99 = arith.addi %add3A_97, %add3A_98 : i32
          %mul3A_100 = arith.constant 96 : i32
          %mul3A_101 = arith.muli %add3A_99, %mul3A_100 : i32
          %dma_start3A_102 = tpu.memref_slice %arg7[%mul3A_101] : memref<4032xi32, #tpu.memory_space<vmem>> -> memref<96xi32, #tpu.memory_space<vmem>>
          %dma_start3A_103 = arith.constant 0 : i32
          %dma_start3A_104 = arith.constant 0 : i32
          %dma_start3A_105 = tpu.memref_slice %arg2[%dma_start3A_103, %dma_start3A_104] : memref<20000x128xf32, #tpu.memory_space<hbm>> -> memref<20000x128xf32, #tpu.memory_space<hbm>>
          tpu.enqueue_indirect_dma source(%dma_start3A_105 : memref<20000x128xf32, #tpu.memory_space<hbm>>) target(%arg11 : memref<96x128xf32, #tpu.memory_space<vmem>>) offsets(%dma_start3A_102 : memref<96xi32, #tpu.memory_space<vmem>>) semaphore(%arg15 : memref<!tpu.dma_semaphore, #tpu.memory_space<semaphore_mem>>)
        } else {
        }
      }
      %scan3A_52 = arith.constant 14 : i32
    }
    %scan3A_17 = arith.constant 5 : i32
    %barrier3A_18 = arith.constant 0 : index
    tpu.barrier barrier_id(%barrier3A_18)
    %lt3A_19 = arith.constant 15 : i32
    %lt3A_20 = arith.cmpi slt, %arg1, %lt3A_19 : i32
    %convert_element_type3A_21 = arith.extui %lt3A_20 : i1 to i32
    %cond3A_22 = arith.constant 0 : i32
    %cond3A_23 = arith.cmpi ne, %convert_element_type3A_21, %cond3A_22 : i32
    scf.if %cond3A_23 {
      %add3A_29 = arith.addi %mul3A_2, %mul3A_0 : i32
      "tpu.region"() ({
        %run_scoped3A = tpu.sem_alloc : memref<!tpu.dma_semaphore, #tpu.memory_space<semaphore_mem>>
        %dma_start3A = arith.constant 0 : i32
        %dma_start3A_30 = tpu.memref_slice %arg6[%add3A_29, %dma_start3A] : memref<20000x128xf32, #tpu.memory_space<hbm>> -> memref<632x128xf32, #tpu.memory_space<hbm>>
        %dma_start3A_31 = arith.constant 0 : i32
        %dma_start3A_32 = tpu.memref_slice %arg12[%mul3A_0, %dma_start3A_31] : memref<10488x128xf32, #tpu.memory_space<vmem_shared>> -> memref<632x128xf32, #tpu.memory_space<vmem_shared>>
        tpu.enqueue_dma source(%dma_start3A_32 : memref<632x128xf32, #tpu.memory_space<vmem_shared>>) target(%dma_start3A_30 : memref<632x128xf32, #tpu.memory_space<hbm>>) target_semaphore(%run_scoped3A : memref<!tpu.dma_semaphore, #tpu.memory_space<semaphore_mem>>)
        %dma_wait3A = arith.constant 0 : i32
        %dma_wait3A_33 = tpu.memref_slice %arg6[%add3A_29, %dma_wait3A] : memref<20000x128xf32, #tpu.memory_space<hbm>> -> memref<632x128xf32, #tpu.memory_space<hbm>>
        %dma_wait3A_34 = arith.constant 0 : i32
        %dma_wait3A_35 = tpu.memref_slice %arg12[%mul3A_0, %dma_wait3A_34] : memref<10488x128xf32, #tpu.memory_space<vmem_shared>> -> memref<632x128xf32, #tpu.memory_space<vmem_shared>>
        tpu.wait_dma2 semaphore(%run_scoped3A : memref<!tpu.dma_semaphore, #tpu.memory_space<semaphore_mem>>) src(%dma_wait3A_35 : memref<632x128xf32, #tpu.memory_space<vmem_shared>>) dst(%dma_wait3A_33 : memref<632x128xf32, #tpu.memory_space<hbm>>)
        tpu.yield
      }) : () -> ()
    } else {
    }
    %eq3A_24 = arith.constant 15 : i32
    %eq3A_25 = arith.cmpi eq, %arg1, %eq3A_24 : i32
    %convert_element_type3A_26 = arith.extui %eq3A_25 : i1 to i32
    %cond3A_27 = arith.constant 0 : i32
    %cond3A_28 = arith.cmpi ne, %convert_element_type3A_26, %cond3A_27 : i32
    scf.if %cond3A_28 {
      %add3A_29 = arith.constant 9480 : i32
      %add3A_30 = arith.addi %mul3A_2, %add3A_29 : i32
      "tpu.region"() ({
        %run_scoped3A = tpu.sem_alloc : memref<!tpu.dma_semaphore, #tpu.memory_space<semaphore_mem>>
        %dma_start3A = arith.constant 0 : i32
        %dma_start3A_31 = tpu.memref_slice %arg6[%add3A_30, %dma_start3A] : memref<20000x128xf32, #tpu.memory_space<hbm>> -> memref<520x128xf32, #tpu.memory_space<hbm>>
        %dma_start3A_32 = arith.constant 9480 : i32
        %dma_start3A_33 = arith.constant 0 : i32
        %dma_start3A_34 = tpu.memref_slice %arg12[%dma_start3A_32, %dma_start3A_33] : memref<10488x128xf32, #tpu.memory_space<vmem_shared>> -> memref<520x128xf32, #tpu.memory_space<vmem_shared>>
        tpu.enqueue_dma source(%dma_start3A_34 : memref<520x128xf32, #tpu.memory_space<vmem_shared>>) target(%dma_start3A_31 : memref<520x128xf32, #tpu.memory_space<hbm>>) target_semaphore(%run_scoped3A : memref<!tpu.dma_semaphore, #tpu.memory_space<semaphore_mem>>)
        %dma_wait3A = arith.constant 0 : i32
        %dma_wait3A_35 = tpu.memref_slice %arg6[%add3A_30, %dma_wait3A] : memref<20000x128xf32, #tpu.memory_space<hbm>> -> memref<520x128xf32, #tpu.memory_space<hbm>>
        %dma_wait3A_36 = arith.constant 9480 : i32
        %dma_wait3A_37 = arith.constant 0 : i32
        %dma_wait3A_38 = tpu.memref_slice %arg12[%dma_wait3A_36, %dma_wait3A_37] : memref<10488x128xf32, #tpu.memory_space<vmem_shared>> -> memref<520x128xf32, #tpu.memory_space<vmem_shared>>
        tpu.wait_dma2 semaphore(%run_scoped3A : memref<!tpu.dma_semaphore, #tpu.memory_space<semaphore_mem>>) src(%dma_wait3A_38 : memref<520x128xf32, #tpu.memory_space<vmem_shared>>) dst(%dma_wait3A_35 : memref<520x128xf32, #tpu.memory_space<hbm>>)
        tpu.yield
      }) : () -> ()
    } else {
    }
    return
  }
}

#map = affine_map<(d0, d1) -> (0, 0)>
#map1 = affine_map<(d0, d1) -> (0)>
#map2 = affine_map<(d0, d1) -> (0, 0, 0, 0)>
module attributes {stable_mosaic.version = 14 : i64} {
  func.func @_spmm_sc(%arg0: i32, %arg1: i32, %arg2: memref<20000x128xf32, #tpu.memory_space<hbm>>, %arg3: memref<645120xi32, #tpu.memory_space<hbm>>, %arg4: memref<16x5x42x96xi32, #tpu.memory_space<hbm>>, %arg5: memref<10000x128xf32, #tpu.memory_space<hbm>>, %arg6: memref<20000x128xf32, #tpu.memory_space<hbm>>, %arg7: memref<4032xi32, #tpu.memory_space<vmem>>, %arg8: memref<42x96xi32, #tpu.memory_space<vmem>>, %arg9: memref<96x128xf32, #tpu.memory_space<vmem>>, %arg10: memref<96x128xf32, #tpu.memory_space<vmem>>, %arg11: memref<96x128xf32, #tpu.memory_space<vmem>>, %arg12: memref<10488x128xf32, #tpu.memory_space<vmem_shared>>, %arg13: memref<!tpu.dma_semaphore, #tpu.memory_space<semaphore_mem>>, %arg14: memref<!tpu.dma_semaphore, #tpu.memory_space<semaphore_mem>>, %arg15: memref<!tpu.dma_semaphore, #tpu.memory_space<semaphore_mem>>) attributes {dimension_semantics = [#tpu.dimension_semantics<core_parallel>, #tpu.dimension_semantics<subcore_parallel>], iteration_bounds = array<i64: 2, 16>, scalar_prefetch = 0 : i64, scratch_operands = 9 : i64, tpu.core_type = #tpu.core_type<sc_vector_subcore>, window_params = [{transform_indices = #map}, {transform_indices = #map1}, {transform_indices = #map2}, {transform_indices = #map}, {transform_indices = #map}]} {
    %mul3A = arith.constant 632 : i32
    %mul3A_0 = arith.muli %arg1, %mul3A : i32
    %mul3A_1 = arith.constant 10000 : i32
    %mul3A_2 = arith.muli %arg0, %mul3A_1 : i32
    %mul3A_3 = arith.constant 16 : i32
    %mul3A_4 = arith.muli %arg0, %mul3A_3 : i32
    %add3A = arith.addi %mul3A_4, %arg1 : i32
    %mul3A_5 = arith.constant 20160 : i32
    %mul3A_6 = arith.muli %add3A, %mul3A_5 : i32
    %lt3A = arith.constant 15 : i32
    %lt3A_7 = arith.cmpi slt, %arg1, %lt3A : i32
    %convert_element_type3A = arith.extui %lt3A_7 : i1 to i32
    %cond3A = arith.constant 0 : i32
    %cond3A_8 = arith.cmpi ne, %convert_element_type3A, %cond3A : i32
    scf.if %cond3A_8 {
      "tpu.region"() ({
        %run_scoped3A = tpu.sem_alloc : memref<!tpu.dma_semaphore, #tpu.memory_space<semaphore_mem>>
        %dma_start3A = arith.constant 0 : i32
        %dma_start3A_29 = tpu.memref_slice %arg12[%mul3A_0, %dma_start3A] : memref<10488x128xf32, #tpu.memory_space<vmem_shared>> -> memref<632x128xf32, #tpu.memory_space<vmem_shared>>
        %dma_start3A_30 = arith.constant 0 : i32
        %dma_start3A_31 = tpu.memref_slice %arg5[%mul3A_0, %dma_start3A_30] : memref<10000x128xf32, #tpu.memory_space<hbm>> -> memref<632x128xf32, #tpu.memory_space<hbm>>
        tpu.enqueue_dma source(%dma_start3A_31 : memref<632x128xf32, #tpu.memory_space<hbm>>) target(%dma_start3A_29 : memref<632x128xf32, #tpu.memory_space<vmem_shared>>) target_semaphore(%run_scoped3A : memref<!tpu.dma_semaphore, #tpu.memory_space<semaphore_mem>>)
        %dma_wait3A = arith.constant 0 : i32
        %dma_wait3A_32 = tpu.memref_slice %arg12[%mul3A_0, %dma_wait3A] : memref<10488x128xf32, #tpu.memory_space<vmem_shared>> -> memref<632x128xf32, #tpu.memory_space<vmem_shared>>
        %dma_wait3A_33 = arith.constant 0 : i32
        %dma_wait3A_34 = tpu.memref_slice %arg5[%mul3A_0, %dma_wait3A_33] : memref<10000x128xf32, #tpu.memory_space<hbm>> -> memref<632x128xf32, #tpu.memory_space<hbm>>
        tpu.wait_dma2 semaphore(%run_scoped3A : memref<!tpu.dma_semaphore, #tpu.memory_space<semaphore_mem>>) src(%dma_wait3A_34 : memref<632x128xf32, #tpu.memory_space<hbm>>) dst(%dma_wait3A_32 : memref<632x128xf32, #tpu.memory_space<vmem_shared>>)
        tpu.yield
      }) : () -> ()
    } else {
    }
    %eq3A = arith.constant 15 : i32
    %eq3A_9 = arith.cmpi eq, %arg1, %eq3A : i32
    %convert_element_type3A_10 = arith.extui %eq3A_9 : i1 to i32
    %cond3A_11 = arith.constant 0 : i32
    %cond3A_12 = arith.cmpi ne, %convert_element_type3A_10, %cond3A_11 : i32
    scf.if %cond3A_12 {
      "tpu.region"() ({
        %run_scoped3A = tpu.sem_alloc : memref<!tpu.dma_semaphore, #tpu.memory_space<semaphore_mem>>
        %dma_start3A = arith.constant 9480 : i32
        %dma_start3A_29 = arith.constant 0 : i32
        %dma_start3A_30 = tpu.memref_slice %arg12[%dma_start3A, %dma_start3A_29] : memref<10488x128xf32, #tpu.memory_space<vmem_shared>> -> memref<520x128xf32, #tpu.memory_space<vmem_shared>>
        %dma_start3A_31 = arith.constant 9480 : i32
        %dma_start3A_32 = arith.constant 0 : i32
        %dma_start3A_33 = tpu.memref_slice %arg5[%dma_start3A_31, %dma_start3A_32] : memref<10000x128xf32, #tpu.memory_space<hbm>> -> memref<520x128xf32, #tpu.memory_space<hbm>>
        tpu.enqueue_dma source(%dma_start3A_33 : memref<520x128xf32, #tpu.memory_space<hbm>>) target(%dma_start3A_30 : memref<520x128xf32, #tpu.memory_space<vmem_shared>>) target_semaphore(%run_scoped3A : memref<!tpu.dma_semaphore, #tpu.memory_space<semaphore_mem>>)
        %dma_wait3A = arith.constant 9480 : i32
        %dma_wait3A_34 = arith.constant 0 : i32
        %dma_wait3A_35 = tpu.memref_slice %arg12[%dma_wait3A, %dma_wait3A_34] : memref<10488x128xf32, #tpu.memory_space<vmem_shared>> -> memref<520x128xf32, #tpu.memory_space<vmem_shared>>
        %dma_wait3A_36 = arith.constant 9480 : i32
        %dma_wait3A_37 = arith.constant 0 : i32
        %dma_wait3A_38 = tpu.memref_slice %arg5[%dma_wait3A_36, %dma_wait3A_37] : memref<10000x128xf32, #tpu.memory_space<hbm>> -> memref<520x128xf32, #tpu.memory_space<hbm>>
        tpu.wait_dma2 semaphore(%run_scoped3A : memref<!tpu.dma_semaphore, #tpu.memory_space<semaphore_mem>>) src(%dma_wait3A_38 : memref<520x128xf32, #tpu.memory_space<hbm>>) dst(%dma_wait3A_35 : memref<520x128xf32, #tpu.memory_space<vmem_shared>>)
        tpu.yield
      }) : () -> ()
    } else {
    }
    %barrier3A = arith.constant 0 : index
    tpu.barrier barrier_id(%barrier3A)
    %scan3A = arith.constant 0 : i32
    %scan3A_13 = arith.constant 0 : i32
    %scan3A_14 = arith.constant 5 : i32
    %scan3A_15 = arith.addi %scan3A_13, %scan3A_14 : i32
    %scan3A_16 = arith.constant 1 : i32
    scf.for %scan3A_29 = %scan3A_13 to %scan3A_15 step %scan3A_16  : i32 {
      %mul3A_30 = arith.constant 4032 : i32
      %mul3A_31 = arith.muli %scan3A_29, %mul3A_30 : i32
      %add3A_32 = arith.addi %mul3A_6, %mul3A_31 : i32
      "tpu.region"() ({
        %run_scoped3A = tpu.sem_alloc : memref<!tpu.dma_semaphore, #tpu.memory_space<semaphore_mem>>
        %dma_start3A_53 = tpu.memref_slice %arg3[%add3A_32] : memref<645120xi32, #tpu.memory_space<hbm>> -> memref<4032xi32, #tpu.memory_space<hbm>>
        %dma_start3A_54 = tpu.memref_slice %arg3[%add3A_32] : memref<645120xi32, #tpu.memory_space<hbm>> -> memref<4032xi32, #tpu.memory_space<hbm>>
        tpu.enqueue_dma source(%dma_start3A_54 : memref<4032xi32, #tpu.memory_space<hbm>>) target(%arg7 : memref<4032xi32, #tpu.memory_space<vmem>>) target_semaphore(%run_scoped3A : memref<!tpu.dma_semaphore, #tpu.memory_space<semaphore_mem>>)
        %dma_wait3A = tpu.memref_slice %arg3[%add3A_32] : memref<645120xi32, #tpu.memory_space<hbm>> -> memref<4032xi32, #tpu.memory_space<hbm>>
        %dma_wait3A_55 = tpu.memref_slice %arg3[%add3A_32] : memref<645120xi32, #tpu.memory_space<hbm>> -> memref<4032xi32, #tpu.memory_space<hbm>>
        tpu.wait_dma2 semaphore(%run_scoped3A : memref<!tpu.dma_semaphore, #tpu.memory_space<semaphore_mem>>) src(%dma_wait3A_55 : memref<4032xi32, #tpu.memory_space<hbm>>) dst(%arg7 : memref<4032xi32, #tpu.memory_space<vmem>>)
        tpu.yield
      }) : () -> ()
      "tpu.region"() ({
        %run_scoped3A = tpu.sem_alloc : memref<!tpu.dma_semaphore, #tpu.memory_space<semaphore_mem>>
        %dma_start3A_53 = arith.constant 0 : i32
        %dma_start3A_54 = arith.constant 0 : i32
        %dma_start3A_55 = tpu.memref_slice %arg4[%arg1, %scan3A_29, %dma_start3A_53, %dma_start3A_54] : memref<16x5x42x96xi32, #tpu.memory_space<hbm>> -> memref<1x1x42x96xi32, #tpu.memory_space<hbm>>
        %dma_start3A_56 = tpu.memref_squeeze %dma_start3A_55 : memref<1x1x42x96xi32, #tpu.memory_space<hbm>> -> memref<42x96xi32, #tpu.memory_space<hbm>>
        %dma_start3A_57 = arith.constant 0 : i32
        %dma_start3A_58 = arith.constant 0 : i32
        %dma_start3A_59 = tpu.memref_slice %arg4[%arg1, %scan3A_29, %dma_start3A_57, %dma_start3A_58] : memref<16x5x42x96xi32, #tpu.memory_space<hbm>> -> memref<1x1x42x96xi32, #tpu.memory_space<hbm>>
        %dma_start3A_60 = tpu.memref_squeeze %dma_start3A_59 : memref<1x1x42x96xi32, #tpu.memory_space<hbm>> -> memref<42x96xi32, #tpu.memory_space<hbm>>
        tpu.enqueue_dma source(%dma_start3A_60 : memref<42x96xi32, #tpu.memory_space<hbm>>) target(%arg8 : memref<42x96xi32, #tpu.memory_space<vmem>>) target_semaphore(%run_scoped3A : memref<!tpu.dma_semaphore, #tpu.memory_space<semaphore_mem>>)
        %dma_wait3A = arith.constant 0 : i32
        %dma_wait3A_61 = arith.constant 0 : i32
        %dma_wait3A_62 = tpu.memref_slice %arg4[%arg1, %scan3A_29, %dma_wait3A, %dma_wait3A_61] : memref<16x5x42x96xi32, #tpu.memory_space<hbm>> -> memref<1x1x42x96xi32, #tpu.memory_space<hbm>>
        %dma_wait3A_63 = tpu.memref_squeeze %dma_wait3A_62 : memref<1x1x42x96xi32, #tpu.memory_space<hbm>> -> memref<42x96xi32, #tpu.memory_space<hbm>>
        %dma_wait3A_64 = arith.constant 0 : i32
        %dma_wait3A_65 = arith.constant 0 : i32
        %dma_wait3A_66 = tpu.memref_slice %arg4[%arg1, %scan3A_29, %dma_wait3A_64, %dma_wait3A_65] : memref<16x5x42x96xi32, #tpu.memory_space<hbm>> -> memref<1x1x42x96xi32, #tpu.memory_space<hbm>>
        %dma_wait3A_67 = tpu.memref_squeeze %dma_wait3A_66 : memref<1x1x42x96xi32, #tpu.memory_space<hbm>> -> memref<42x96xi32, #tpu.memory_space<hbm>>
        tpu.wait_dma2 semaphore(%run_scoped3A : memref<!tpu.dma_semaphore, #tpu.memory_space<semaphore_mem>>) src(%dma_wait3A_67 : memref<42x96xi32, #tpu.memory_space<hbm>>) dst(%arg8 : memref<42x96xi32, #tpu.memory_space<vmem>>)
        tpu.yield
      }) : () -> ()
      %dma_start3A = arith.constant 0 : i32
      %dma_start3A_33 = tpu.memref_slice %arg7[%dma_start3A] : memref<4032xi32, #tpu.memory_space<vmem>> -> memref<96xi32, #tpu.memory_space<vmem>>
      %dma_start3A_34 = arith.constant 0 : i32
      %dma_start3A_35 = arith.constant 0 : i32
      %dma_start3A_36 = tpu.memref_slice %arg2[%dma_start3A_34, %dma_start3A_35] : memref<20000x128xf32, #tpu.memory_space<hbm>> -> memref<20000x128xf32, #tpu.memory_space<hbm>>
      tpu.enqueue_indirect_dma source(%dma_start3A_36 : memref<20000x128xf32, #tpu.memory_space<hbm>>) target(%arg9 : memref<96x128xf32, #tpu.memory_space<vmem>>) offsets(%dma_start3A_33 : memref<96xi32, #tpu.memory_space<vmem>>) semaphore(%arg13 : memref<!tpu.dma_semaphore, #tpu.memory_space<semaphore_mem>>)
      %dma_start3A_37 = arith.constant 96 : i32
      %dma_start3A_38 = tpu.memref_slice %arg7[%dma_start3A_37] : memref<4032xi32, #tpu.memory_space<vmem>> -> memref<96xi32, #tpu.memory_space<vmem>>
      %dma_start3A_39 = arith.constant 0 : i32
      %dma_start3A_40 = arith.constant 0 : i32
      %dma_start3A_41 = tpu.memref_slice %arg2[%dma_start3A_39, %dma_start3A_40] : memref<20000x128xf32, #tpu.memory_space<hbm>> -> memref<20000x128xf32, #tpu.memory_space<hbm>>
      tpu.enqueue_indirect_dma source(%dma_start3A_41 : memref<20000x128xf32, #tpu.memory_space<hbm>>) target(%arg10 : memref<96x128xf32, #tpu.memory_space<vmem>>) offsets(%dma_start3A_38 : memref<96xi32, #tpu.memory_space<vmem>>) semaphore(%arg14 : memref<!tpu.dma_semaphore, #tpu.memory_space<semaphore_mem>>)
      %dma_start3A_42 = arith.constant 192 : i32
      %dma_start3A_43 = tpu.memref_slice %arg7[%dma_start3A_42] : memref<4032xi32, #tpu.memory_space<vmem>> -> memref<96xi32, #tpu.memory_space<vmem>>
      %dma_start3A_44 = arith.constant 0 : i32
      %dma_start3A_45 = arith.constant 0 : i32
      %dma_start3A_46 = tpu.memref_slice %arg2[%dma_start3A_44, %dma_start3A_45] : memref<20000x128xf32, #tpu.memory_space<hbm>> -> memref<20000x128xf32, #tpu.memory_space<hbm>>
      tpu.enqueue_indirect_dma source(%dma_start3A_46 : memref<20000x128xf32, #tpu.memory_space<hbm>>) target(%arg11 : memref<96x128xf32, #tpu.memory_space<vmem>>) offsets(%dma_start3A_43 : memref<96xi32, #tpu.memory_space<vmem>>) semaphore(%arg15 : memref<!tpu.dma_semaphore, #tpu.memory_space<semaphore_mem>>)
      %scan3A_47 = arith.constant 0 : i32
      %scan3A_48 = arith.constant 0 : i32
      %scan3A_49 = arith.constant 14 : i32
      %scan3A_50 = arith.addi %scan3A_48, %scan3A_49 : i32
      %scan3A_51 = arith.constant 1 : i32
      scf.for %scan3A_53 = %scan3A_48 to %scan3A_50 step %scan3A_51  : i32 {
        %mul3A_54 = arith.constant 3 : i32
        %mul3A_55 = arith.muli %mul3A_54, %scan3A_53 : i32
        %lt3A_56 = arith.constant 13 : i32
        %lt3A_57 = arith.cmpi slt, %scan3A_53, %lt3A_56 : i32
        %add3A_58 = arith.constant 0 : i32
        %add3A_59 = arith.addi %mul3A_55, %add3A_58 : i32
        %mul3A_60 = arith.constant 96 : i32
        %mul3A_61 = arith.muli %add3A_59, %mul3A_60 : i32
        %dma_wait3A = tpu.memref_slice %arg7[%mul3A_61] : memref<4032xi32, #tpu.memory_space<vmem>> -> memref<96xi32, #tpu.memory_space<vmem>>
        %dma_wait3A_62 = arith.constant 0 : i32
        %dma_wait3A_63 = arith.constant 0 : i32
        %dma_wait3A_64 = tpu.memref_slice %arg2[%dma_wait3A_62, %dma_wait3A_63] : memref<20000x128xf32, #tpu.memory_space<hbm>> -> memref<20000x128xf32, #tpu.memory_space<hbm>>
        tpu.wait_indirect_dma semaphore(%arg13 : memref<!tpu.dma_semaphore, #tpu.memory_space<semaphore_mem>>) src(%dma_wait3A_64 : memref<20000x128xf32, #tpu.memory_space<hbm>>) dst(%arg9 : memref<96x128xf32, #tpu.memory_space<vmem>>)
        %add3A_65 = arith.constant 0 : i32
        %add3A_66 = arith.addi %mul3A_55, %add3A_65 : i32
        "tpu.region"() ({
          %run_scoped3A = tpu.sem_alloc : memref<!tpu.dma_semaphore, #tpu.memory_space<semaphore_mem>>
          %dma_start3A_96 = arith.constant 0 : i32
          %dma_start3A_97 = tpu.memref_slice %arg8[%add3A_66, %dma_start3A_96] : memref<42x96xi32, #tpu.memory_space<vmem>> -> memref<1x96xi32, #tpu.memory_space<vmem>>
          %dma_start3A_98 = tpu.memref_squeeze %dma_start3A_97 : memref<1x96xi32, #tpu.memory_space<vmem>> -> memref<96xi32, #tpu.memory_space<vmem>>
          %dma_start3A_99 = arith.constant 0 : i32
          %dma_start3A_100 = arith.constant 0 : i32
          %dma_start3A_101 = tpu.memref_slice %arg12[%dma_start3A_99, %dma_start3A_100] : memref<10488x128xf32, #tpu.memory_space<vmem_shared>> -> memref<10488x128xf32, #tpu.memory_space<vmem_shared>>
          tpu.enqueue_indirect_dma source(%arg9 : memref<96x128xf32, #tpu.memory_space<vmem>>) target(%dma_start3A_101 : memref<10488x128xf32, #tpu.memory_space<vmem_shared>>) offsets(%dma_start3A_98 : memref<96xi32, #tpu.memory_space<vmem>>) semaphore(%run_scoped3A : memref<!tpu.dma_semaphore, #tpu.memory_space<semaphore_mem>>) {add = true}
          %dma_wait3A_102 = arith.constant 0 : i32
          %dma_wait3A_103 = tpu.memref_slice %arg8[%add3A_66, %dma_wait3A_102] : memref<42x96xi32, #tpu.memory_space<vmem>> -> memref<1x96xi32, #tpu.memory_space<vmem>>
          %dma_wait3A_104 = tpu.memref_squeeze %dma_wait3A_103 : memref<1x96xi32, #tpu.memory_space<vmem>> -> memref<96xi32, #tpu.memory_space<vmem>>
          %dma_wait3A_105 = arith.constant 0 : i32
          %dma_wait3A_106 = arith.constant 0 : i32
          %dma_wait3A_107 = tpu.memref_slice %arg12[%dma_wait3A_105, %dma_wait3A_106] : memref<10488x128xf32, #tpu.memory_space<vmem_shared>> -> memref<10488x128xf32, #tpu.memory_space<vmem_shared>>
          tpu.wait_indirect_dma semaphore(%run_scoped3A : memref<!tpu.dma_semaphore, #tpu.memory_space<semaphore_mem>>) src(%arg9 : memref<96x128xf32, #tpu.memory_space<vmem>>) dst(%dma_wait3A_107 : memref<10488x128xf32, #tpu.memory_space<vmem_shared>>)
          tpu.yield
        }) : () -> ()
        %convert_element_type3A_67 = arith.extui %lt3A_57 : i1 to i32
        %cond3A_68 = arith.constant 0 : i32
        %cond3A_69 = arith.cmpi ne, %convert_element_type3A_67, %cond3A_68 : i32
        scf.if %cond3A_69 {
          %add3A_96 = arith.constant 0 : i32
          %add3A_97 = arith.addi %mul3A_55, %add3A_96 : i32
          %add3A_98 = arith.constant 3 : i32
          %add3A_99 = arith.addi %add3A_97, %add3A_98 : i32
          %mul3A_100 = arith.constant 96 : i32
          %mul3A_101 = arith.muli %add3A_99, %mul3A_100 : i32
          %dma_start3A_102 = tpu.memref_slice %arg7[%mul3A_101] : memref<4032xi32, #tpu.memory_space<vmem>> -> memref<96xi32, #tpu.memory_space<vmem>>
          %dma_start3A_103 = arith.constant 0 : i32
          %dma_start3A_104 = arith.constant 0 : i32
          %dma_start3A_105 = tpu.memref_slice %arg2[%dma_start3A_103, %dma_start3A_104] : memref<20000x128xf32, #tpu.memory_space<hbm>> -> memref<20000x128xf32, #tpu.memory_space<hbm>>
          tpu.enqueue_indirect_dma source(%dma_start3A_105 : memref<20000x128xf32, #tpu.memory_space<hbm>>) target(%arg9 : memref<96x128xf32, #tpu.memory_space<vmem>>) offsets(%dma_start3A_102 : memref<96xi32, #tpu.memory_space<vmem>>) semaphore(%arg13 : memref<!tpu.dma_semaphore, #tpu.memory_space<semaphore_mem>>)
        } else {
        }
        %add3A_70 = arith.constant 1 : i32
        %add3A_71 = arith.addi %mul3A_55, %add3A_70 : i32
        %mul3A_72 = arith.constant 96 : i32
        %mul3A_73 = arith.muli %add3A_71, %mul3A_72 : i32
        %dma_wait3A_74 = tpu.memref_slice %arg7[%mul3A_73] : memref<4032xi32, #tpu.memory_space<vmem>> -> memref<96xi32, #tpu.memory_space<vmem>>
        %dma_wait3A_75 = arith.constant 0 : i32
        %dma_wait3A_76 = arith.constant 0 : i32
        %dma_wait3A_77 = tpu.memref_slice %arg2[%dma_wait3A_75, %dma_wait3A_76] : memref<20000x128xf32, #tpu.memory_space<hbm>> -> memref<20000x128xf32, #tpu.memory_space<hbm>>
        tpu.wait_indirect_dma semaphore(%arg14 : memref<!tpu.dma_semaphore, #tpu.memory_space<semaphore_mem>>) src(%dma_wait3A_77 : memref<20000x128xf32, #tpu.memory_space<hbm>>) dst(%arg10 : memref<96x128xf32, #tpu.memory_space<vmem>>)
        %add3A_78 = arith.constant 1 : i32
        %add3A_79 = arith.addi %mul3A_55, %add3A_78 : i32
        "tpu.region"() ({
          %run_scoped3A = tpu.sem_alloc : memref<!tpu.dma_semaphore, #tpu.memory_space<semaphore_mem>>
          %dma_start3A_96 = arith.constant 0 : i32
          %dma_start3A_97 = tpu.memref_slice %arg8[%add3A_79, %dma_start3A_96] : memref<42x96xi32, #tpu.memory_space<vmem>> -> memref<1x96xi32, #tpu.memory_space<vmem>>
          %dma_start3A_98 = tpu.memref_squeeze %dma_start3A_97 : memref<1x96xi32, #tpu.memory_space<vmem>> -> memref<96xi32, #tpu.memory_space<vmem>>
          %dma_start3A_99 = arith.constant 0 : i32
          %dma_start3A_100 = arith.constant 0 : i32
          %dma_start3A_101 = tpu.memref_slice %arg12[%dma_start3A_99, %dma_start3A_100] : memref<10488x128xf32, #tpu.memory_space<vmem_shared>> -> memref<10488x128xf32, #tpu.memory_space<vmem_shared>>
          tpu.enqueue_indirect_dma source(%arg10 : memref<96x128xf32, #tpu.memory_space<vmem>>) target(%dma_start3A_101 : memref<10488x128xf32, #tpu.memory_space<vmem_shared>>) offsets(%dma_start3A_98 : memref<96xi32, #tpu.memory_space<vmem>>) semaphore(%run_scoped3A : memref<!tpu.dma_semaphore, #tpu.memory_space<semaphore_mem>>) {add = true}
          %dma_wait3A_102 = arith.constant 0 : i32
          %dma_wait3A_103 = tpu.memref_slice %arg8[%add3A_79, %dma_wait3A_102] : memref<42x96xi32, #tpu.memory_space<vmem>> -> memref<1x96xi32, #tpu.memory_space<vmem>>
          %dma_wait3A_104 = tpu.memref_squeeze %dma_wait3A_103 : memref<1x96xi32, #tpu.memory_space<vmem>> -> memref<96xi32, #tpu.memory_space<vmem>>
          %dma_wait3A_105 = arith.constant 0 : i32
          %dma_wait3A_106 = arith.constant 0 : i32
          %dma_wait3A_107 = tpu.memref_slice %arg12[%dma_wait3A_105, %dma_wait3A_106] : memref<10488x128xf32, #tpu.memory_space<vmem_shared>> -> memref<10488x128xf32, #tpu.memory_space<vmem_shared>>
          tpu.wait_indirect_dma semaphore(%run_scoped3A : memref<!tpu.dma_semaphore, #tpu.memory_space<semaphore_mem>>) src(%arg10 : memref<96x128xf32, #tpu.memory_space<vmem>>) dst(%dma_wait3A_107 : memref<10488x128xf32, #tpu.memory_space<vmem_shared>>)
          tpu.yield
        }) : () -> ()
        %convert_element_type3A_80 = arith.extui %lt3A_57 : i1 to i32
        %cond3A_81 = arith.constant 0 : i32
        %cond3A_82 = arith.cmpi ne, %convert_element_type3A_80, %cond3A_81 : i32
        scf.if %cond3A_82 {
          %add3A_96 = arith.constant 1 : i32
          %add3A_97 = arith.addi %mul3A_55, %add3A_96 : i32
          %add3A_98 = arith.constant 3 : i32
          %add3A_99 = arith.addi %add3A_97, %add3A_98 : i32
          %mul3A_100 = arith.constant 96 : i32
          %mul3A_101 = arith.muli %add3A_99, %mul3A_100 : i32
          %dma_start3A_102 = tpu.memref_slice %arg7[%mul3A_101] : memref<4032xi32, #tpu.memory_space<vmem>> -> memref<96xi32, #tpu.memory_space<vmem>>
          %dma_start3A_103 = arith.constant 0 : i32
          %dma_start3A_104 = arith.constant 0 : i32
          %dma_start3A_105 = tpu.memref_slice %arg2[%dma_start3A_103, %dma_start3A_104] : memref<20000x128xf32, #tpu.memory_space<hbm>> -> memref<20000x128xf32, #tpu.memory_space<hbm>>
          tpu.enqueue_indirect_dma source(%dma_start3A_105 : memref<20000x128xf32, #tpu.memory_space<hbm>>) target(%arg10 : memref<96x128xf32, #tpu.memory_space<vmem>>) offsets(%dma_start3A_102 : memref<96xi32, #tpu.memory_space<vmem>>) semaphore(%arg14 : memref<!tpu.dma_semaphore, #tpu.memory_space<semaphore_mem>>)
        } else {
        }
        %add3A_83 = arith.constant 2 : i32
        %add3A_84 = arith.addi %mul3A_55, %add3A_83 : i32
        %mul3A_85 = arith.constant 96 : i32
        %mul3A_86 = arith.muli %add3A_84, %mul3A_85 : i32
        %dma_wait3A_87 = tpu.memref_slice %arg7[%mul3A_86] : memref<4032xi32, #tpu.memory_space<vmem>> -> memref<96xi32, #tpu.memory_space<vmem>>
        %dma_wait3A_88 = arith.constant 0 : i32
        %dma_wait3A_89 = arith.constant 0 : i32
        %dma_wait3A_90 = tpu.memref_slice %arg2[%dma_wait3A_88, %dma_wait3A_89] : memref<20000x128xf32, #tpu.memory_space<hbm>> -> memref<20000x128xf32, #tpu.memory_space<hbm>>
        tpu.wait_indirect_dma semaphore(%arg15 : memref<!tpu.dma_semaphore, #tpu.memory_space<semaphore_mem>>) src(%dma_wait3A_90 : memref<20000x128xf32, #tpu.memory_space<hbm>>) dst(%arg11 : memref<96x128xf32, #tpu.memory_space<vmem>>)
        %add3A_91 = arith.constant 2 : i32
        %add3A_92 = arith.addi %mul3A_55, %add3A_91 : i32
        "tpu.region"() ({
          %run_scoped3A = tpu.sem_alloc : memref<!tpu.dma_semaphore, #tpu.memory_space<semaphore_mem>>
          %dma_start3A_96 = arith.constant 0 : i32
          %dma_start3A_97 = tpu.memref_slice %arg8[%add3A_92, %dma_start3A_96] : memref<42x96xi32, #tpu.memory_space<vmem>> -> memref<1x96xi32, #tpu.memory_space<vmem>>
          %dma_start3A_98 = tpu.memref_squeeze %dma_start3A_97 : memref<1x96xi32, #tpu.memory_space<vmem>> -> memref<96xi32, #tpu.memory_space<vmem>>
          %dma_start3A_99 = arith.constant 0 : i32
          %dma_start3A_100 = arith.constant 0 : i32
          %dma_start3A_101 = tpu.memref_slice %arg12[%dma_start3A_99, %dma_start3A_100] : memref<10488x128xf32, #tpu.memory_space<vmem_shared>> -> memref<10488x128xf32, #tpu.memory_space<vmem_shared>>
          tpu.enqueue_indirect_dma source(%arg11 : memref<96x128xf32, #tpu.memory_space<vmem>>) target(%dma_start3A_101 : memref<10488x128xf32, #tpu.memory_space<vmem_shared>>) offsets(%dma_start3A_98 : memref<96xi32, #tpu.memory_space<vmem>>) semaphore(%run_scoped3A : memref<!tpu.dma_semaphore, #tpu.memory_space<semaphore_mem>>) {add = true}
          %dma_wait3A_102 = arith.constant 0 : i32
          %dma_wait3A_103 = tpu.memref_slice %arg8[%add3A_92, %dma_wait3A_102] : memref<42x96xi32, #tpu.memory_space<vmem>> -> memref<1x96xi32, #tpu.memory_space<vmem>>
          %dma_wait3A_104 = tpu.memref_squeeze %dma_wait3A_103 : memref<1x96xi32, #tpu.memory_space<vmem>> -> memref<96xi32, #tpu.memory_space<vmem>>
          %dma_wait3A_105 = arith.constant 0 : i32
          %dma_wait3A_106 = arith.constant 0 : i32
          %dma_wait3A_107 = tpu.memref_slice %arg12[%dma_wait3A_105, %dma_wait3A_106] : memref<10488x128xf32, #tpu.memory_space<vmem_shared>> -> memref<10488x128xf32, #tpu.memory_space<vmem_shared>>
          tpu.wait_indirect_dma semaphore(%run_scoped3A : memref<!tpu.dma_semaphore, #tpu.memory_space<semaphore_mem>>) src(%arg11 : memref<96x128xf32, #tpu.memory_space<vmem>>) dst(%dma_wait3A_107 : memref<10488x128xf32, #tpu.memory_space<vmem_shared>>)
          tpu.yield
        }) : () -> ()
        %convert_element_type3A_93 = arith.extui %lt3A_57 : i1 to i32
        %cond3A_94 = arith.constant 0 : i32
        %cond3A_95 = arith.cmpi ne, %convert_element_type3A_93, %cond3A_94 : i32
        scf.if %cond3A_95 {
          %add3A_96 = arith.constant 2 : i32
          %add3A_97 = arith.addi %mul3A_55, %add3A_96 : i32
          %add3A_98 = arith.constant 3 : i32
          %add3A_99 = arith.addi %add3A_97, %add3A_98 : i32
          %mul3A_100 = arith.constant 96 : i32
          %mul3A_101 = arith.muli %add3A_99, %mul3A_100 : i32
          %dma_start3A_102 = tpu.memref_slice %arg7[%mul3A_101] : memref<4032xi32, #tpu.memory_space<vmem>> -> memref<96xi32, #tpu.memory_space<vmem>>
          %dma_start3A_103 = arith.constant 0 : i32
          %dma_start3A_104 = arith.constant 0 : i32
          %dma_start3A_105 = tpu.memref_slice %arg2[%dma_start3A_103, %dma_start3A_104] : memref<20000x128xf32, #tpu.memory_space<hbm>> -> memref<20000x128xf32, #tpu.memory_space<hbm>>
          tpu.enqueue_indirect_dma source(%dma_start3A_105 : memref<20000x128xf32, #tpu.memory_space<hbm>>) target(%arg11 : memref<96x128xf32, #tpu.memory_space<vmem>>) offsets(%dma_start3A_102 : memref<96xi32, #tpu.memory_space<vmem>>) semaphore(%arg15 : memref<!tpu.dma_semaphore, #tpu.memory_space<semaphore_mem>>)
        } else {
        }
      }
      %scan3A_52 = arith.constant 14 : i32
    }
    %scan3A_17 = arith.constant 5 : i32
    %barrier3A_18 = arith.constant 0 : index
    tpu.barrier barrier_id(%barrier3A_18)
    %lt3A_19 = arith.constant 15 : i32
    %lt3A_20 = arith.cmpi slt, %arg1, %lt3A_19 : i32
    %convert_element_type3A_21 = arith.extui %lt3A_20 : i1 to i32
    %cond3A_22 = arith.constant 0 : i32
    %cond3A_23 = arith.cmpi ne, %convert_element_type3A_21, %cond3A_22 : i32
    scf.if %cond3A_23 {
      %add3A_29 = arith.addi %mul3A_2, %mul3A_0 : i32
      "tpu.region"() ({
        %run_scoped3A = tpu.sem_alloc : memref<!tpu.dma_semaphore, #tpu.memory_space<semaphore_mem>>
        %dma_start3A = arith.constant 0 : i32
        %dma_start3A_30 = tpu.memref_slice %arg6[%add3A_29, %dma_start3A] : memref<20000x128xf32, #tpu.memory_space<hbm>> -> memref<632x128xf32, #tpu.memory_space<hbm>>
        %dma_start3A_31 = arith.constant 0 : i32
        %dma_start3A_32 = tpu.memref_slice %arg12[%mul3A_0, %dma_start3A_31] : memref<10488x128xf32, #tpu.memory_space<vmem_shared>> -> memref<632x128xf32, #tpu.memory_space<vmem_shared>>
        tpu.enqueue_dma source(%dma_start3A_32 : memref<632x128xf32, #tpu.memory_space<vmem_shared>>) target(%dma_start3A_30 : memref<632x128xf32, #tpu.memory_space<hbm>>) target_semaphore(%run_scoped3A : memref<!tpu.dma_semaphore, #tpu.memory_space<semaphore_mem>>)
        %dma_wait3A = arith.constant 0 : i32
        %dma_wait3A_33 = tpu.memref_slice %arg6[%add3A_29, %dma_wait3A] : memref<20000x128xf32, #tpu.memory_space<hbm>> -> memref<632x128xf32, #tpu.memory_space<hbm>>
        %dma_wait3A_34 = arith.constant 0 : i32
        %dma_wait3A_35 = tpu.memref_slice %arg12[%mul3A_0, %dma_wait3A_34] : memref<10488x128xf32, #tpu.memory_space<vmem_shared>> -> memref<632x128xf32, #tpu.memory_space<vmem_shared>>
        tpu.wait_dma2 semaphore(%run_scoped3A : memref<!tpu.dma_semaphore, #tpu.memory_space<semaphore_mem>>) src(%dma_wait3A_35 : memref<632x128xf32, #tpu.memory_space<vmem_shared>>) dst(%dma_wait3A_33 : memref<632x128xf32, #tpu.memory_space<hbm>>)
        tpu.yield
      }) : () -> ()
    } else {
    }
    %eq3A_24 = arith.constant 15 : i32
    %eq3A_25 = arith.cmpi eq, %arg1, %eq3A_24 : i32
    %convert_element_type3A_26 = arith.extui %eq3A_25 : i1 to i32
    %cond3A_27 = arith.constant 0 : i32
    %cond3A_28 = arith.cmpi ne, %convert_element_type3A_26, %cond3A_27 : i32
    scf.if %cond3A_28 {
      %add3A_29 = arith.constant 9480 : i32
      %add3A_30 = arith.addi %mul3A_2, %add3A_29 : i32
      "tpu.region"() ({
        %run_scoped3A = tpu.sem_alloc : memref<!tpu.dma_semaphore, #tpu.memory_space<semaphore_mem>>
        %dma_start3A = arith.constant 0 : i32
        %dma_start3A_31 = tpu.memref_slice %arg6[%add3A_30, %dma_start3A] : memref<20000x128xf32, #tpu.memory_space<hbm>> -> memref<520x128xf32, #tpu.memory_space<hbm>>
        %dma_start3A_32 = arith.constant 9480 : i32
        %dma_start3A_33 = arith.constant 0 : i32
        %dma_start3A_34 = tpu.memref_slice %arg12[%dma_start3A_32, %dma_start3A_33] : memref<10488x128xf32, #tpu.memory_space<vmem_shared>> -> memref<520x128xf32, #tpu.memory_space<vmem_shared>>
        tpu.enqueue_dma source(%dma_start3A_34 : memref<520x128xf32, #tpu.memory_space<vmem_shared>>) target(%dma_start3A_31 : memref<520x128xf32, #tpu.memory_space<hbm>>) target_semaphore(%run_scoped3A : memref<!tpu.dma_semaphore, #tpu.memory_space<semaphore_mem>>)
        %dma_wait3A = arith.constant 0 : i32
        %dma_wait3A_35 = tpu.memref_slice %arg6[%add3A_30, %dma_wait3A] : memref<20000x128xf32, #tpu.memory_space<hbm>> -> memref<520x128xf32, #tpu.memory_space<hbm>>
        %dma_wait3A_36 = arith.constant 9480 : i32
        %dma_wait3A_37 = arith.constant 0 : i32
        %dma_wait3A_38 = tpu.memref_slice %arg12[%dma_wait3A_36, %dma_wait3A_37] : memref<10488x128xf32, #tpu.memory_space<vmem_shared>> -> memref<520x128xf32, #tpu.memory_space<vmem_shared>>
        tpu.wait_dma2 semaphore(%run_scoped3A : memref<!tpu.dma_semaphore, #tpu.memory_space<semaphore_mem>>) src(%dma_wait3A_38 : memref<520x128xf32, #tpu.memory_space<vmem_shared>>) dst(%dma_wait3A_35 : memref<520x128xf32, #tpu.memory_space<hbm>>)
        tpu.yield
      }) : () -> ()
    } else {
    }
    return
  }
}

#map = affine_map<(d0, d1) -> (0, 0)>
#map1 = affine_map<(d0, d1) -> (0)>
#map2 = affine_map<(d0, d1) -> (0, 0, 0, 0)>
module attributes {stable_mosaic.version = 14 : i64} {
  func.func @_spmm_sc(%arg0: i32, %arg1: i32, %arg2: memref<20000x128xf32, #tpu.memory_space<hbm>>, %arg3: memref<645120xi32, #tpu.memory_space<hbm>>, %arg4: memref<16x5x42x96xi32, #tpu.memory_space<hbm>>, %arg5: memref<10000x128xf32, #tpu.memory_space<hbm>>, %arg6: memref<20000x128xf32, #tpu.memory_space<hbm>>, %arg7: memref<4032xi32, #tpu.memory_space<vmem>>, %arg8: memref<42x96xi32, #tpu.memory_space<vmem>>, %arg9: memref<96x128xf32, #tpu.memory_space<vmem>>, %arg10: memref<96x128xf32, #tpu.memory_space<vmem>>, %arg11: memref<96x128xf32, #tpu.memory_space<vmem>>, %arg12: memref<10488x128xf32, #tpu.memory_space<vmem_shared>>, %arg13: memref<!tpu.dma_semaphore, #tpu.memory_space<semaphore_mem>>, %arg14: memref<!tpu.dma_semaphore, #tpu.memory_space<semaphore_mem>>, %arg15: memref<!tpu.dma_semaphore, #tpu.memory_space<semaphore_mem>>) attributes {dimension_semantics = [#tpu.dimension_semantics<core_parallel>, #tpu.dimension_semantics<subcore_parallel>], iteration_bounds = array<i64: 2, 16>, scalar_prefetch = 0 : i64, scratch_operands = 9 : i64, tpu.core_type = #tpu.core_type<sc_vector_subcore>, window_params = [{transform_indices = #map}, {transform_indices = #map1}, {transform_indices = #map2}, {transform_indices = #map}, {transform_indices = #map}]} {
    %mul3A = arith.constant 632 : i32
    %mul3A_0 = arith.muli %arg1, %mul3A : i32
    %mul3A_1 = arith.constant 10000 : i32
    %mul3A_2 = arith.muli %arg0, %mul3A_1 : i32
    %mul3A_3 = arith.constant 16 : i32
    %mul3A_4 = arith.muli %arg0, %mul3A_3 : i32
    %add3A = arith.addi %mul3A_4, %arg1 : i32
    %mul3A_5 = arith.constant 20160 : i32
    %mul3A_6 = arith.muli %add3A, %mul3A_5 : i32
    %lt3A = arith.constant 15 : i32
    %lt3A_7 = arith.cmpi slt, %arg1, %lt3A : i32
    %convert_element_type3A = arith.extui %lt3A_7 : i1 to i32
    %cond3A = arith.constant 0 : i32
    %cond3A_8 = arith.cmpi ne, %convert_element_type3A, %cond3A : i32
    scf.if %cond3A_8 {
      "tpu.region"() ({
        %run_scoped3A = tpu.sem_alloc : memref<!tpu.dma_semaphore, #tpu.memory_space<semaphore_mem>>
        %dma_start3A = arith.constant 0 : i32
        %dma_start3A_29 = tpu.memref_slice %arg12[%mul3A_0, %dma_start3A] : memref<10488x128xf32, #tpu.memory_space<vmem_shared>> -> memref<632x128xf32, #tpu.memory_space<vmem_shared>>
        %dma_start3A_30 = arith.constant 0 : i32
        %dma_start3A_31 = tpu.memref_slice %arg5[%mul3A_0, %dma_start3A_30] : memref<10000x128xf32, #tpu.memory_space<hbm>> -> memref<632x128xf32, #tpu.memory_space<hbm>>
        tpu.enqueue_dma source(%dma_start3A_31 : memref<632x128xf32, #tpu.memory_space<hbm>>) target(%dma_start3A_29 : memref<632x128xf32, #tpu.memory_space<vmem_shared>>) target_semaphore(%run_scoped3A : memref<!tpu.dma_semaphore, #tpu.memory_space<semaphore_mem>>)
        %dma_wait3A = arith.constant 0 : i32
        %dma_wait3A_32 = tpu.memref_slice %arg12[%mul3A_0, %dma_wait3A] : memref<10488x128xf32, #tpu.memory_space<vmem_shared>> -> memref<632x128xf32, #tpu.memory_space<vmem_shared>>
        %dma_wait3A_33 = arith.constant 0 : i32
        %dma_wait3A_34 = tpu.memref_slice %arg5[%mul3A_0, %dma_wait3A_33] : memref<10000x128xf32, #tpu.memory_space<hbm>> -> memref<632x128xf32, #tpu.memory_space<hbm>>
        tpu.wait_dma2 semaphore(%run_scoped3A : memref<!tpu.dma_semaphore, #tpu.memory_space<semaphore_mem>>) src(%dma_wait3A_34 : memref<632x128xf32, #tpu.memory_space<hbm>>) dst(%dma_wait3A_32 : memref<632x128xf32, #tpu.memory_space<vmem_shared>>)
        tpu.yield
      }) : () -> ()
    } else {
    }
    %eq3A = arith.constant 15 : i32
    %eq3A_9 = arith.cmpi eq, %arg1, %eq3A : i32
    %convert_element_type3A_10 = arith.extui %eq3A_9 : i1 to i32
    %cond3A_11 = arith.constant 0 : i32
    %cond3A_12 = arith.cmpi ne, %convert_element_type3A_10, %cond3A_11 : i32
    scf.if %cond3A_12 {
      "tpu.region"() ({
        %run_scoped3A = tpu.sem_alloc : memref<!tpu.dma_semaphore, #tpu.memory_space<semaphore_mem>>
        %dma_start3A = arith.constant 9480 : i32
        %dma_start3A_29 = arith.constant 0 : i32
        %dma_start3A_30 = tpu.memref_slice %arg12[%dma_start3A, %dma_start3A_29] : memref<10488x128xf32, #tpu.memory_space<vmem_shared>> -> memref<520x128xf32, #tpu.memory_space<vmem_shared>>
        %dma_start3A_31 = arith.constant 9480 : i32
        %dma_start3A_32 = arith.constant 0 : i32
        %dma_start3A_33 = tpu.memref_slice %arg5[%dma_start3A_31, %dma_start3A_32] : memref<10000x128xf32, #tpu.memory_space<hbm>> -> memref<520x128xf32, #tpu.memory_space<hbm>>
        tpu.enqueue_dma source(%dma_start3A_33 : memref<520x128xf32, #tpu.memory_space<hbm>>) target(%dma_start3A_30 : memref<520x128xf32, #tpu.memory_space<vmem_shared>>) target_semaphore(%run_scoped3A : memref<!tpu.dma_semaphore, #tpu.memory_space<semaphore_mem>>)
        %dma_wait3A = arith.constant 9480 : i32
        %dma_wait3A_34 = arith.constant 0 : i32
        %dma_wait3A_35 = tpu.memref_slice %arg12[%dma_wait3A, %dma_wait3A_34] : memref<10488x128xf32, #tpu.memory_space<vmem_shared>> -> memref<520x128xf32, #tpu.memory_space<vmem_shared>>
        %dma_wait3A_36 = arith.constant 9480 : i32
        %dma_wait3A_37 = arith.constant 0 : i32
        %dma_wait3A_38 = tpu.memref_slice %arg5[%dma_wait3A_36, %dma_wait3A_37] : memref<10000x128xf32, #tpu.memory_space<hbm>> -> memref<520x128xf32, #tpu.memory_space<hbm>>
        tpu.wait_dma2 semaphore(%run_scoped3A : memref<!tpu.dma_semaphore, #tpu.memory_space<semaphore_mem>>) src(%dma_wait3A_38 : memref<520x128xf32, #tpu.memory_space<hbm>>) dst(%dma_wait3A_35 : memref<520x128xf32, #tpu.memory_space<vmem_shared>>)
        tpu.yield
      }) : () -> ()
    } else {
    }
    %barrier3A = arith.constant 0 : index
    tpu.barrier barrier_id(%barrier3A)
    %scan3A = arith.constant 0 : i32
    %scan3A_13 = arith.constant 0 : i32
    %scan3A_14 = arith.constant 5 : i32
    %scan3A_15 = arith.addi %scan3A_13, %scan3A_14 : i32
    %scan3A_16 = arith.constant 1 : i32
    scf.for %scan3A_29 = %scan3A_13 to %scan3A_15 step %scan3A_16  : i32 {
      %mul3A_30 = arith.constant 4032 : i32
      %mul3A_31 = arith.muli %scan3A_29, %mul3A_30 : i32
      %add3A_32 = arith.addi %mul3A_6, %mul3A_31 : i32
      "tpu.region"() ({
        %run_scoped3A = tpu.sem_alloc : memref<!tpu.dma_semaphore, #tpu.memory_space<semaphore_mem>>
        %dma_start3A_53 = tpu.memref_slice %arg3[%add3A_32] : memref<645120xi32, #tpu.memory_space<hbm>> -> memref<4032xi32, #tpu.memory_space<hbm>>
        %dma_start3A_54 = tpu.memref_slice %arg3[%add3A_32] : memref<645120xi32, #tpu.memory_space<hbm>> -> memref<4032xi32, #tpu.memory_space<hbm>>
        tpu.enqueue_dma source(%dma_start3A_54 : memref<4032xi32, #tpu.memory_space<hbm>>) target(%arg7 : memref<4032xi32, #tpu.memory_space<vmem>>) target_semaphore(%run_scoped3A : memref<!tpu.dma_semaphore, #tpu.memory_space<semaphore_mem>>)
        %dma_wait3A = tpu.memref_slice %arg3[%add3A_32] : memref<645120xi32, #tpu.memory_space<hbm>> -> memref<4032xi32, #tpu.memory_space<hbm>>
        %dma_wait3A_55 = tpu.memref_slice %arg3[%add3A_32] : memref<645120xi32, #tpu.memory_space<hbm>> -> memref<4032xi32, #tpu.memory_space<hbm>>
        tpu.wait_dma2 semaphore(%run_scoped3A : memref<!tpu.dma_semaphore, #tpu.memory_space<semaphore_mem>>) src(%dma_wait3A_55 : memref<4032xi32, #tpu.memory_space<hbm>>) dst(%arg7 : memref<4032xi32, #tpu.memory_space<vmem>>)
        tpu.yield
      }) : () -> ()
      "tpu.region"() ({
        %run_scoped3A = tpu.sem_alloc : memref<!tpu.dma_semaphore, #tpu.memory_space<semaphore_mem>>
        %dma_start3A_53 = arith.constant 0 : i32
        %dma_start3A_54 = arith.constant 0 : i32
        %dma_start3A_55 = tpu.memref_slice %arg4[%arg1, %scan3A_29, %dma_start3A_53, %dma_start3A_54] : memref<16x5x42x96xi32, #tpu.memory_space<hbm>> -> memref<1x1x42x96xi32, #tpu.memory_space<hbm>>
        %dma_start3A_56 = tpu.memref_squeeze %dma_start3A_55 : memref<1x1x42x96xi32, #tpu.memory_space<hbm>> -> memref<42x96xi32, #tpu.memory_space<hbm>>
        %dma_start3A_57 = arith.constant 0 : i32
        %dma_start3A_58 = arith.constant 0 : i32
        %dma_start3A_59 = tpu.memref_slice %arg4[%arg1, %scan3A_29, %dma_start3A_57, %dma_start3A_58] : memref<16x5x42x96xi32, #tpu.memory_space<hbm>> -> memref<1x1x42x96xi32, #tpu.memory_space<hbm>>
        %dma_start3A_60 = tpu.memref_squeeze %dma_start3A_59 : memref<1x1x42x96xi32, #tpu.memory_space<hbm>> -> memref<42x96xi32, #tpu.memory_space<hbm>>
        tpu.enqueue_dma source(%dma_start3A_60 : memref<42x96xi32, #tpu.memory_space<hbm>>) target(%arg8 : memref<42x96xi32, #tpu.memory_space<vmem>>) target_semaphore(%run_scoped3A : memref<!tpu.dma_semaphore, #tpu.memory_space<semaphore_mem>>)
        %dma_wait3A = arith.constant 0 : i32
        %dma_wait3A_61 = arith.constant 0 : i32
        %dma_wait3A_62 = tpu.memref_slice %arg4[%arg1, %scan3A_29, %dma_wait3A, %dma_wait3A_61] : memref<16x5x42x96xi32, #tpu.memory_space<hbm>> -> memref<1x1x42x96xi32, #tpu.memory_space<hbm>>
        %dma_wait3A_63 = tpu.memref_squeeze %dma_wait3A_62 : memref<1x1x42x96xi32, #tpu.memory_space<hbm>> -> memref<42x96xi32, #tpu.memory_space<hbm>>
        %dma_wait3A_64 = arith.constant 0 : i32
        %dma_wait3A_65 = arith.constant 0 : i32
        %dma_wait3A_66 = tpu.memref_slice %arg4[%arg1, %scan3A_29, %dma_wait3A_64, %dma_wait3A_65] : memref<16x5x42x96xi32, #tpu.memory_space<hbm>> -> memref<1x1x42x96xi32, #tpu.memory_space<hbm>>
        %dma_wait3A_67 = tpu.memref_squeeze %dma_wait3A_66 : memref<1x1x42x96xi32, #tpu.memory_space<hbm>> -> memref<42x96xi32, #tpu.memory_space<hbm>>
        tpu.wait_dma2 semaphore(%run_scoped3A : memref<!tpu.dma_semaphore, #tpu.memory_space<semaphore_mem>>) src(%dma_wait3A_67 : memref<42x96xi32, #tpu.memory_space<hbm>>) dst(%arg8 : memref<42x96xi32, #tpu.memory_space<vmem>>)
        tpu.yield
      }) : () -> ()
      %dma_start3A = arith.constant 0 : i32
      %dma_start3A_33 = tpu.memref_slice %arg7[%dma_start3A] : memref<4032xi32, #tpu.memory_space<vmem>> -> memref<96xi32, #tpu.memory_space<vmem>>
      %dma_start3A_34 = arith.constant 0 : i32
      %dma_start3A_35 = arith.constant 0 : i32
      %dma_start3A_36 = tpu.memref_slice %arg2[%dma_start3A_34, %dma_start3A_35] : memref<20000x128xf32, #tpu.memory_space<hbm>> -> memref<20000x128xf32, #tpu.memory_space<hbm>>
      tpu.enqueue_indirect_dma source(%dma_start3A_36 : memref<20000x128xf32, #tpu.memory_space<hbm>>) target(%arg9 : memref<96x128xf32, #tpu.memory_space<vmem>>) offsets(%dma_start3A_33 : memref<96xi32, #tpu.memory_space<vmem>>) semaphore(%arg13 : memref<!tpu.dma_semaphore, #tpu.memory_space<semaphore_mem>>)
      %dma_start3A_37 = arith.constant 96 : i32
      %dma_start3A_38 = tpu.memref_slice %arg7[%dma_start3A_37] : memref<4032xi32, #tpu.memory_space<vmem>> -> memref<96xi32, #tpu.memory_space<vmem>>
      %dma_start3A_39 = arith.constant 0 : i32
      %dma_start3A_40 = arith.constant 0 : i32
      %dma_start3A_41 = tpu.memref_slice %arg2[%dma_start3A_39, %dma_start3A_40] : memref<20000x128xf32, #tpu.memory_space<hbm>> -> memref<20000x128xf32, #tpu.memory_space<hbm>>
      tpu.enqueue_indirect_dma source(%dma_start3A_41 : memref<20000x128xf32, #tpu.memory_space<hbm>>) target(%arg10 : memref<96x128xf32, #tpu.memory_space<vmem>>) offsets(%dma_start3A_38 : memref<96xi32, #tpu.memory_space<vmem>>) semaphore(%arg14 : memref<!tpu.dma_semaphore, #tpu.memory_space<semaphore_mem>>)
      %dma_start3A_42 = arith.constant 192 : i32
      %dma_start3A_43 = tpu.memref_slice %arg7[%dma_start3A_42] : memref<4032xi32, #tpu.memory_space<vmem>> -> memref<96xi32, #tpu.memory_space<vmem>>
      %dma_start3A_44 = arith.constant 0 : i32
      %dma_start3A_45 = arith.constant 0 : i32
      %dma_start3A_46 = tpu.memref_slice %arg2[%dma_start3A_44, %dma_start3A_45] : memref<20000x128xf32, #tpu.memory_space<hbm>> -> memref<20000x128xf32, #tpu.memory_space<hbm>>
      tpu.enqueue_indirect_dma source(%dma_start3A_46 : memref<20000x128xf32, #tpu.memory_space<hbm>>) target(%arg11 : memref<96x128xf32, #tpu.memory_space<vmem>>) offsets(%dma_start3A_43 : memref<96xi32, #tpu.memory_space<vmem>>) semaphore(%arg15 : memref<!tpu.dma_semaphore, #tpu.memory_space<semaphore_mem>>)
      %scan3A_47 = arith.constant 0 : i32
      %scan3A_48 = arith.constant 0 : i32
      %scan3A_49 = arith.constant 14 : i32
      %scan3A_50 = arith.addi %scan3A_48, %scan3A_49 : i32
      %scan3A_51 = arith.constant 1 : i32
      scf.for %scan3A_53 = %scan3A_48 to %scan3A_50 step %scan3A_51  : i32 {
        %mul3A_54 = arith.constant 3 : i32
        %mul3A_55 = arith.muli %mul3A_54, %scan3A_53 : i32
        %lt3A_56 = arith.constant 13 : i32
        %lt3A_57 = arith.cmpi slt, %scan3A_53, %lt3A_56 : i32
        %add3A_58 = arith.constant 0 : i32
        %add3A_59 = arith.addi %mul3A_55, %add3A_58 : i32
        %mul3A_60 = arith.constant 96 : i32
        %mul3A_61 = arith.muli %add3A_59, %mul3A_60 : i32
        %dma_wait3A = tpu.memref_slice %arg7[%mul3A_61] : memref<4032xi32, #tpu.memory_space<vmem>> -> memref<96xi32, #tpu.memory_space<vmem>>
        %dma_wait3A_62 = arith.constant 0 : i32
        %dma_wait3A_63 = arith.constant 0 : i32
        %dma_wait3A_64 = tpu.memref_slice %arg2[%dma_wait3A_62, %dma_wait3A_63] : memref<20000x128xf32, #tpu.memory_space<hbm>> -> memref<20000x128xf32, #tpu.memory_space<hbm>>
        tpu.wait_indirect_dma semaphore(%arg13 : memref<!tpu.dma_semaphore, #tpu.memory_space<semaphore_mem>>) src(%dma_wait3A_64 : memref<20000x128xf32, #tpu.memory_space<hbm>>) dst(%arg9 : memref<96x128xf32, #tpu.memory_space<vmem>>)
        %add3A_65 = arith.constant 0 : i32
        %add3A_66 = arith.addi %mul3A_55, %add3A_65 : i32
        "tpu.region"() ({
          %run_scoped3A = tpu.sem_alloc : memref<!tpu.dma_semaphore, #tpu.memory_space<semaphore_mem>>
          %dma_start3A_96 = arith.constant 0 : i32
          %dma_start3A_97 = tpu.memref_slice %arg8[%add3A_66, %dma_start3A_96] : memref<42x96xi32, #tpu.memory_space<vmem>> -> memref<1x96xi32, #tpu.memory_space<vmem>>
          %dma_start3A_98 = tpu.memref_squeeze %dma_start3A_97 : memref<1x96xi32, #tpu.memory_space<vmem>> -> memref<96xi32, #tpu.memory_space<vmem>>
          %dma_start3A_99 = arith.constant 0 : i32
          %dma_start3A_100 = arith.constant 0 : i32
          %dma_start3A_101 = tpu.memref_slice %arg12[%dma_start3A_99, %dma_start3A_100] : memref<10488x128xf32, #tpu.memory_space<vmem_shared>> -> memref<10488x128xf32, #tpu.memory_space<vmem_shared>>
          tpu.enqueue_indirect_dma source(%arg9 : memref<96x128xf32, #tpu.memory_space<vmem>>) target(%dma_start3A_101 : memref<10488x128xf32, #tpu.memory_space<vmem_shared>>) offsets(%dma_start3A_98 : memref<96xi32, #tpu.memory_space<vmem>>) semaphore(%run_scoped3A : memref<!tpu.dma_semaphore, #tpu.memory_space<semaphore_mem>>) {add = true}
          %dma_wait3A_102 = arith.constant 0 : i32
          %dma_wait3A_103 = tpu.memref_slice %arg8[%add3A_66, %dma_wait3A_102] : memref<42x96xi32, #tpu.memory_space<vmem>> -> memref<1x96xi32, #tpu.memory_space<vmem>>
          %dma_wait3A_104 = tpu.memref_squeeze %dma_wait3A_103 : memref<1x96xi32, #tpu.memory_space<vmem>> -> memref<96xi32, #tpu.memory_space<vmem>>
          %dma_wait3A_105 = arith.constant 0 : i32
          %dma_wait3A_106 = arith.constant 0 : i32
          %dma_wait3A_107 = tpu.memref_slice %arg12[%dma_wait3A_105, %dma_wait3A_106] : memref<10488x128xf32, #tpu.memory_space<vmem_shared>> -> memref<10488x128xf32, #tpu.memory_space<vmem_shared>>
          tpu.wait_indirect_dma semaphore(%run_scoped3A : memref<!tpu.dma_semaphore, #tpu.memory_space<semaphore_mem>>) src(%arg9 : memref<96x128xf32, #tpu.memory_space<vmem>>) dst(%dma_wait3A_107 : memref<10488x128xf32, #tpu.memory_space<vmem_shared>>)
          tpu.yield
        }) : () -> ()
        %convert_element_type3A_67 = arith.extui %lt3A_57 : i1 to i32
        %cond3A_68 = arith.constant 0 : i32
        %cond3A_69 = arith.cmpi ne, %convert_element_type3A_67, %cond3A_68 : i32
        scf.if %cond3A_69 {
          %add3A_96 = arith.constant 0 : i32
          %add3A_97 = arith.addi %mul3A_55, %add3A_96 : i32
          %add3A_98 = arith.constant 3 : i32
          %add3A_99 = arith.addi %add3A_97, %add3A_98 : i32
          %mul3A_100 = arith.constant 96 : i32
          %mul3A_101 = arith.muli %add3A_99, %mul3A_100 : i32
          %dma_start3A_102 = tpu.memref_slice %arg7[%mul3A_101] : memref<4032xi32, #tpu.memory_space<vmem>> -> memref<96xi32, #tpu.memory_space<vmem>>
          %dma_start3A_103 = arith.constant 0 : i32
          %dma_start3A_104 = arith.constant 0 : i32
          %dma_start3A_105 = tpu.memref_slice %arg2[%dma_start3A_103, %dma_start3A_104] : memref<20000x128xf32, #tpu.memory_space<hbm>> -> memref<20000x128xf32, #tpu.memory_space<hbm>>
          tpu.enqueue_indirect_dma source(%dma_start3A_105 : memref<20000x128xf32, #tpu.memory_space<hbm>>) target(%arg9 : memref<96x128xf32, #tpu.memory_space<vmem>>) offsets(%dma_start3A_102 : memref<96xi32, #tpu.memory_space<vmem>>) semaphore(%arg13 : memref<!tpu.dma_semaphore, #tpu.memory_space<semaphore_mem>>)
        } else {
        }
        %add3A_70 = arith.constant 1 : i32
        %add3A_71 = arith.addi %mul3A_55, %add3A_70 : i32
        %mul3A_72 = arith.constant 96 : i32
        %mul3A_73 = arith.muli %add3A_71, %mul3A_72 : i32
        %dma_wait3A_74 = tpu.memref_slice %arg7[%mul3A_73] : memref<4032xi32, #tpu.memory_space<vmem>> -> memref<96xi32, #tpu.memory_space<vmem>>
        %dma_wait3A_75 = arith.constant 0 : i32
        %dma_wait3A_76 = arith.constant 0 : i32
        %dma_wait3A_77 = tpu.memref_slice %arg2[%dma_wait3A_75, %dma_wait3A_76] : memref<20000x128xf32, #tpu.memory_space<hbm>> -> memref<20000x128xf32, #tpu.memory_space<hbm>>
        tpu.wait_indirect_dma semaphore(%arg14 : memref<!tpu.dma_semaphore, #tpu.memory_space<semaphore_mem>>) src(%dma_wait3A_77 : memref<20000x128xf32, #tpu.memory_space<hbm>>) dst(%arg10 : memref<96x128xf32, #tpu.memory_space<vmem>>)
        %add3A_78 = arith.constant 1 : i32
        %add3A_79 = arith.addi %mul3A_55, %add3A_78 : i32
        "tpu.region"() ({
          %run_scoped3A = tpu.sem_alloc : memref<!tpu.dma_semaphore, #tpu.memory_space<semaphore_mem>>
          %dma_start3A_96 = arith.constant 0 : i32
          %dma_start3A_97 = tpu.memref_slice %arg8[%add3A_79, %dma_start3A_96] : memref<42x96xi32, #tpu.memory_space<vmem>> -> memref<1x96xi32, #tpu.memory_space<vmem>>
          %dma_start3A_98 = tpu.memref_squeeze %dma_start3A_97 : memref<1x96xi32, #tpu.memory_space<vmem>> -> memref<96xi32, #tpu.memory_space<vmem>>
          %dma_start3A_99 = arith.constant 0 : i32
          %dma_start3A_100 = arith.constant 0 : i32
          %dma_start3A_101 = tpu.memref_slice %arg12[%dma_start3A_99, %dma_start3A_100] : memref<10488x128xf32, #tpu.memory_space<vmem_shared>> -> memref<10488x128xf32, #tpu.memory_space<vmem_shared>>
          tpu.enqueue_indirect_dma source(%arg10 : memref<96x128xf32, #tpu.memory_space<vmem>>) target(%dma_start3A_101 : memref<10488x128xf32, #tpu.memory_space<vmem_shared>>) offsets(%dma_start3A_98 : memref<96xi32, #tpu.memory_space<vmem>>) semaphore(%run_scoped3A : memref<!tpu.dma_semaphore, #tpu.memory_space<semaphore_mem>>) {add = true}
          %dma_wait3A_102 = arith.constant 0 : i32
          %dma_wait3A_103 = tpu.memref_slice %arg8[%add3A_79, %dma_wait3A_102] : memref<42x96xi32, #tpu.memory_space<vmem>> -> memref<1x96xi32, #tpu.memory_space<vmem>>
          %dma_wait3A_104 = tpu.memref_squeeze %dma_wait3A_103 : memref<1x96xi32, #tpu.memory_space<vmem>> -> memref<96xi32, #tpu.memory_space<vmem>>
          %dma_wait3A_105 = arith.constant 0 : i32
          %dma_wait3A_106 = arith.constant 0 : i32
          %dma_wait3A_107 = tpu.memref_slice %arg12[%dma_wait3A_105, %dma_wait3A_106] : memref<10488x128xf32, #tpu.memory_space<vmem_shared>> -> memref<10488x128xf32, #tpu.memory_space<vmem_shared>>
          tpu.wait_indirect_dma semaphore(%run_scoped3A : memref<!tpu.dma_semaphore, #tpu.memory_space<semaphore_mem>>) src(%arg10 : memref<96x128xf32, #tpu.memory_space<vmem>>) dst(%dma_wait3A_107 : memref<10488x128xf32, #tpu.memory_space<vmem_shared>>)
          tpu.yield
        }) : () -> ()
        %convert_element_type3A_80 = arith.extui %lt3A_57 : i1 to i32
        %cond3A_81 = arith.constant 0 : i32
        %cond3A_82 = arith.cmpi ne, %convert_element_type3A_80, %cond3A_81 : i32
        scf.if %cond3A_82 {
          %add3A_96 = arith.constant 1 : i32
          %add3A_97 = arith.addi %mul3A_55, %add3A_96 : i32
          %add3A_98 = arith.constant 3 : i32
          %add3A_99 = arith.addi %add3A_97, %add3A_98 : i32
          %mul3A_100 = arith.constant 96 : i32
          %mul3A_101 = arith.muli %add3A_99, %mul3A_100 : i32
          %dma_start3A_102 = tpu.memref_slice %arg7[%mul3A_101] : memref<4032xi32, #tpu.memory_space<vmem>> -> memref<96xi32, #tpu.memory_space<vmem>>
          %dma_start3A_103 = arith.constant 0 : i32
          %dma_start3A_104 = arith.constant 0 : i32
          %dma_start3A_105 = tpu.memref_slice %arg2[%dma_start3A_103, %dma_start3A_104] : memref<20000x128xf32, #tpu.memory_space<hbm>> -> memref<20000x128xf32, #tpu.memory_space<hbm>>
          tpu.enqueue_indirect_dma source(%dma_start3A_105 : memref<20000x128xf32, #tpu.memory_space<hbm>>) target(%arg10 : memref<96x128xf32, #tpu.memory_space<vmem>>) offsets(%dma_start3A_102 : memref<96xi32, #tpu.memory_space<vmem>>) semaphore(%arg14 : memref<!tpu.dma_semaphore, #tpu.memory_space<semaphore_mem>>)
        } else {
        }
        %add3A_83 = arith.constant 2 : i32
        %add3A_84 = arith.addi %mul3A_55, %add3A_83 : i32
        %mul3A_85 = arith.constant 96 : i32
        %mul3A_86 = arith.muli %add3A_84, %mul3A_85 : i32
        %dma_wait3A_87 = tpu.memref_slice %arg7[%mul3A_86] : memref<4032xi32, #tpu.memory_space<vmem>> -> memref<96xi32, #tpu.memory_space<vmem>>
        %dma_wait3A_88 = arith.constant 0 : i32
        %dma_wait3A_89 = arith.constant 0 : i32
        %dma_wait3A_90 = tpu.memref_slice %arg2[%dma_wait3A_88, %dma_wait3A_89] : memref<20000x128xf32, #tpu.memory_space<hbm>> -> memref<20000x128xf32, #tpu.memory_space<hbm>>
        tpu.wait_indirect_dma semaphore(%arg15 : memref<!tpu.dma_semaphore, #tpu.memory_space<semaphore_mem>>) src(%dma_wait3A_90 : memref<20000x128xf32, #tpu.memory_space<hbm>>) dst(%arg11 : memref<96x128xf32, #tpu.memory_space<vmem>>)
        %add3A_91 = arith.constant 2 : i32
        %add3A_92 = arith.addi %mul3A_55, %add3A_91 : i32
        "tpu.region"() ({
          %run_scoped3A = tpu.sem_alloc : memref<!tpu.dma_semaphore, #tpu.memory_space<semaphore_mem>>
          %dma_start3A_96 = arith.constant 0 : i32
          %dma_start3A_97 = tpu.memref_slice %arg8[%add3A_92, %dma_start3A_96] : memref<42x96xi32, #tpu.memory_space<vmem>> -> memref<1x96xi32, #tpu.memory_space<vmem>>
          %dma_start3A_98 = tpu.memref_squeeze %dma_start3A_97 : memref<1x96xi32, #tpu.memory_space<vmem>> -> memref<96xi32, #tpu.memory_space<vmem>>
          %dma_start3A_99 = arith.constant 0 : i32
          %dma_start3A_100 = arith.constant 0 : i32
          %dma_start3A_101 = tpu.memref_slice %arg12[%dma_start3A_99, %dma_start3A_100] : memref<10488x128xf32, #tpu.memory_space<vmem_shared>> -> memref<10488x128xf32, #tpu.memory_space<vmem_shared>>
          tpu.enqueue_indirect_dma source(%arg11 : memref<96x128xf32, #tpu.memory_space<vmem>>) target(%dma_start3A_101 : memref<10488x128xf32, #tpu.memory_space<vmem_shared>>) offsets(%dma_start3A_98 : memref<96xi32, #tpu.memory_space<vmem>>) semaphore(%run_scoped3A : memref<!tpu.dma_semaphore, #tpu.memory_space<semaphore_mem>>) {add = true}
          %dma_wait3A_102 = arith.constant 0 : i32
          %dma_wait3A_103 = tpu.memref_slice %arg8[%add3A_92, %dma_wait3A_102] : memref<42x96xi32, #tpu.memory_space<vmem>> -> memref<1x96xi32, #tpu.memory_space<vmem>>
          %dma_wait3A_104 = tpu.memref_squeeze %dma_wait3A_103 : memref<1x96xi32, #tpu.memory_space<vmem>> -> memref<96xi32, #tpu.memory_space<vmem>>
          %dma_wait3A_105 = arith.constant 0 : i32
          %dma_wait3A_106 = arith.constant 0 : i32
          %dma_wait3A_107 = tpu.memref_slice %arg12[%dma_wait3A_105, %dma_wait3A_106] : memref<10488x128xf32, #tpu.memory_space<vmem_shared>> -> memref<10488x128xf32, #tpu.memory_space<vmem_shared>>
          tpu.wait_indirect_dma semaphore(%run_scoped3A : memref<!tpu.dma_semaphore, #tpu.memory_space<semaphore_mem>>) src(%arg11 : memref<96x128xf32, #tpu.memory_space<vmem>>) dst(%dma_wait3A_107 : memref<10488x128xf32, #tpu.memory_space<vmem_shared>>)
          tpu.yield
        }) : () -> ()
        %convert_element_type3A_93 = arith.extui %lt3A_57 : i1 to i32
        %cond3A_94 = arith.constant 0 : i32
        %cond3A_95 = arith.cmpi ne, %convert_element_type3A_93, %cond3A_94 : i32
        scf.if %cond3A_95 {
          %add3A_96 = arith.constant 2 : i32
          %add3A_97 = arith.addi %mul3A_55, %add3A_96 : i32
          %add3A_98 = arith.constant 3 : i32
          %add3A_99 = arith.addi %add3A_97, %add3A_98 : i32
          %mul3A_100 = arith.constant 96 : i32
          %mul3A_101 = arith.muli %add3A_99, %mul3A_100 : i32
          %dma_start3A_102 = tpu.memref_slice %arg7[%mul3A_101] : memref<4032xi32, #tpu.memory_space<vmem>> -> memref<96xi32, #tpu.memory_space<vmem>>
          %dma_start3A_103 = arith.constant 0 : i32
          %dma_start3A_104 = arith.constant 0 : i32
          %dma_start3A_105 = tpu.memref_slice %arg2[%dma_start3A_103, %dma_start3A_104] : memref<20000x128xf32, #tpu.memory_space<hbm>> -> memref<20000x128xf32, #tpu.memory_space<hbm>>
          tpu.enqueue_indirect_dma source(%dma_start3A_105 : memref<20000x128xf32, #tpu.memory_space<hbm>>) target(%arg11 : memref<96x128xf32, #tpu.memory_space<vmem>>) offsets(%dma_start3A_102 : memref<96xi32, #tpu.memory_space<vmem>>) semaphore(%arg15 : memref<!tpu.dma_semaphore, #tpu.memory_space<semaphore_mem>>)
        } else {
        }
      }
      %scan3A_52 = arith.constant 14 : i32
    }
    %scan3A_17 = arith.constant 5 : i32
    %barrier3A_18 = arith.constant 0 : index
    tpu.barrier barrier_id(%barrier3A_18)
    %lt3A_19 = arith.constant 15 : i32
    %lt3A_20 = arith.cmpi slt, %arg1, %lt3A_19 : i32
    %convert_element_type3A_21 = arith.extui %lt3A_20 : i1 to i32
    %cond3A_22 = arith.constant 0 : i32
    %cond3A_23 = arith.cmpi ne, %convert_element_type3A_21, %cond3A_22 : i32
    scf.if %cond3A_23 {
      %add3A_29 = arith.addi %mul3A_2, %mul3A_0 : i32
      "tpu.region"() ({
        %run_scoped3A = tpu.sem_alloc : memref<!tpu.dma_semaphore, #tpu.memory_space<semaphore_mem>>
        %dma_start3A = arith.constant 0 : i32
        %dma_start3A_30 = tpu.memref_slice %arg6[%add3A_29, %dma_start3A] : memref<20000x128xf32, #tpu.memory_space<hbm>> -> memref<632x128xf32, #tpu.memory_space<hbm>>
        %dma_start3A_31 = arith.constant 0 : i32
        %dma_start3A_32 = tpu.memref_slice %arg12[%mul3A_0, %dma_start3A_31] : memref<10488x128xf32, #tpu.memory_space<vmem_shared>> -> memref<632x128xf32, #tpu.memory_space<vmem_shared>>
        tpu.enqueue_dma source(%dma_start3A_32 : memref<632x128xf32, #tpu.memory_space<vmem_shared>>) target(%dma_start3A_30 : memref<632x128xf32, #tpu.memory_space<hbm>>) target_semaphore(%run_scoped3A : memref<!tpu.dma_semaphore, #tpu.memory_space<semaphore_mem>>)
        %dma_wait3A = arith.constant 0 : i32
        %dma_wait3A_33 = tpu.memref_slice %arg6[%add3A_29, %dma_wait3A] : memref<20000x128xf32, #tpu.memory_space<hbm>> -> memref<632x128xf32, #tpu.memory_space<hbm>>
        %dma_wait3A_34 = arith.constant 0 : i32
        %dma_wait3A_35 = tpu.memref_slice %arg12[%mul3A_0, %dma_wait3A_34] : memref<10488x128xf32, #tpu.memory_space<vmem_shared>> -> memref<632x128xf32, #tpu.memory_space<vmem_shared>>
        tpu.wait_dma2 semaphore(%run_scoped3A : memref<!tpu.dma_semaphore, #tpu.memory_space<semaphore_mem>>) src(%dma_wait3A_35 : memref<632x128xf32, #tpu.memory_space<vmem_shared>>) dst(%dma_wait3A_33 : memref<632x128xf32, #tpu.memory_space<hbm>>)
        tpu.yield
      }) : () -> ()
    } else {
    }
    %eq3A_24 = arith.constant 15 : i32
    %eq3A_25 = arith.cmpi eq, %arg1, %eq3A_24 : i32
    %convert_element_type3A_26 = arith.extui %eq3A_25 : i1 to i32
    %cond3A_27 = arith.constant 0 : i32
    %cond3A_28 = arith.cmpi ne, %convert_element_type3A_26, %cond3A_27 : i32
    scf.if %cond3A_28 {
      %add3A_29 = arith.constant 9480 : i32
      %add3A_30 = arith.addi %mul3A_2, %add3A_29 : i32
      "tpu.region"() ({
        %run_scoped3A = tpu.sem_alloc : memref<!tpu.dma_semaphore, #tpu.memory_space<semaphore_mem>>
        %dma_start3A = arith.constant 0 : i32
        %dma_start3A_31 = tpu.memref_slice %arg6[%add3A_30, %dma_start3A] : memref<20000x128xf32, #tpu.memory_space<hbm>> -> memref<520x128xf32, #tpu.memory_space<hbm>>
        %dma_start3A_32 = arith.constant 9480 : i32
        %dma_start3A_33 = arith.constant 0 : i32
        %dma_start3A_34 = tpu.memref_slice %arg12[%dma_start3A_32, %dma_start3A_33] : memref<10488x128xf32, #tpu.memory_space<vmem_shared>> -> memref<520x128xf32, #tpu.memory_space<vmem_shared>>
        tpu.enqueue_dma source(%dma_start3A_34 : memref<520x128xf32, #tpu.memory_space<vmem_shared>>) target(%dma_start3A_31 : memref<520x128xf32, #tpu.memory_space<hbm>>) target_semaphore(%run_scoped3A : memref<!tpu.dma_semaphore, #tpu.memory_space<semaphore_mem>>)
        %dma_wait3A = arith.constant 0 : i32
        %dma_wait3A_35 = tpu.memref_slice %arg6[%add3A_30, %dma_wait3A] : memref<20000x128xf32, #tpu.memory_space<hbm>> -> memref<520x128xf32, #tpu.memory_space<hbm>>
        %dma_wait3A_36 = arith.constant 9480 : i32
        %dma_wait3A_37 = arith.constant 0 : i32
        %dma_wait3A_38 = tpu.memref_slice %arg12[%dma_wait3A_36, %dma_wait3A_37] : memref<10488x128xf32, #tpu.memory_space<vmem_shared>> -> memref<520x128xf32, #tpu.memory_space<vmem_shared>>
        tpu.wait_dma2 semaphore(%run_scoped3A : memref<!tpu.dma_semaphore, #tpu.memory_space<semaphore_mem>>) src(%dma_wait3A_38 : memref<520x128xf32, #tpu.memory_space<vmem_shared>>) dst(%dma_wait3A_35 : memref<520x128xf32, #tpu.memory_space<hbm>>)
        tpu.yield
      }) : () -> ()
    } else {
    }
    return
  }
}

#map = affine_map<(d0, d1) -> (0, 0)>
#map1 = affine_map<(d0, d1) -> (0)>
#map2 = affine_map<(d0, d1) -> (0, 0, 0, 0)>
module attributes {stable_mosaic.version = 14 : i64} {
  func.func @_spmm_sc(%arg0: i32, %arg1: i32, %arg2: memref<20000x128xf32, #tpu.memory_space<hbm>>, %arg3: memref<645120xi32, #tpu.memory_space<hbm>>, %arg4: memref<16x5x42x96xi32, #tpu.memory_space<hbm>>, %arg5: memref<10000x128xf32, #tpu.memory_space<hbm>>, %arg6: memref<20000x128xf32, #tpu.memory_space<hbm>>, %arg7: memref<4032xi32, #tpu.memory_space<vmem>>, %arg8: memref<42x96xi32, #tpu.memory_space<vmem>>, %arg9: memref<96x128xf32, #tpu.memory_space<vmem>>, %arg10: memref<96x128xf32, #tpu.memory_space<vmem>>, %arg11: memref<96x128xf32, #tpu.memory_space<vmem>>, %arg12: memref<10488x128xf32, #tpu.memory_space<vmem_shared>>, %arg13: memref<!tpu.dma_semaphore, #tpu.memory_space<semaphore_mem>>, %arg14: memref<!tpu.dma_semaphore, #tpu.memory_space<semaphore_mem>>, %arg15: memref<!tpu.dma_semaphore, #tpu.memory_space<semaphore_mem>>) attributes {dimension_semantics = [#tpu.dimension_semantics<core_parallel>, #tpu.dimension_semantics<subcore_parallel>], iteration_bounds = array<i64: 2, 16>, scalar_prefetch = 0 : i64, scratch_operands = 9 : i64, tpu.core_type = #tpu.core_type<sc_vector_subcore>, window_params = [{transform_indices = #map}, {transform_indices = #map1}, {transform_indices = #map2}, {transform_indices = #map}, {transform_indices = #map}]} {
    %mul3A = arith.constant 632 : i32
    %mul3A_0 = arith.muli %arg1, %mul3A : i32
    %mul3A_1 = arith.constant 10000 : i32
    %mul3A_2 = arith.muli %arg0, %mul3A_1 : i32
    %mul3A_3 = arith.constant 16 : i32
    %mul3A_4 = arith.muli %arg0, %mul3A_3 : i32
    %add3A = arith.addi %mul3A_4, %arg1 : i32
    %mul3A_5 = arith.constant 20160 : i32
    %mul3A_6 = arith.muli %add3A, %mul3A_5 : i32
    %lt3A = arith.constant 15 : i32
    %lt3A_7 = arith.cmpi slt, %arg1, %lt3A : i32
    %convert_element_type3A = arith.extui %lt3A_7 : i1 to i32
    %cond3A = arith.constant 0 : i32
    %cond3A_8 = arith.cmpi ne, %convert_element_type3A, %cond3A : i32
    scf.if %cond3A_8 {
      "tpu.region"() ({
        %run_scoped3A = tpu.sem_alloc : memref<!tpu.dma_semaphore, #tpu.memory_space<semaphore_mem>>
        %dma_start3A = arith.constant 0 : i32
        %dma_start3A_29 = tpu.memref_slice %arg12[%mul3A_0, %dma_start3A] : memref<10488x128xf32, #tpu.memory_space<vmem_shared>> -> memref<632x128xf32, #tpu.memory_space<vmem_shared>>
        %dma_start3A_30 = arith.constant 0 : i32
        %dma_start3A_31 = tpu.memref_slice %arg5[%mul3A_0, %dma_start3A_30] : memref<10000x128xf32, #tpu.memory_space<hbm>> -> memref<632x128xf32, #tpu.memory_space<hbm>>
        tpu.enqueue_dma source(%dma_start3A_31 : memref<632x128xf32, #tpu.memory_space<hbm>>) target(%dma_start3A_29 : memref<632x128xf32, #tpu.memory_space<vmem_shared>>) target_semaphore(%run_scoped3A : memref<!tpu.dma_semaphore, #tpu.memory_space<semaphore_mem>>)
        %dma_wait3A = arith.constant 0 : i32
        %dma_wait3A_32 = tpu.memref_slice %arg12[%mul3A_0, %dma_wait3A] : memref<10488x128xf32, #tpu.memory_space<vmem_shared>> -> memref<632x128xf32, #tpu.memory_space<vmem_shared>>
        %dma_wait3A_33 = arith.constant 0 : i32
        %dma_wait3A_34 = tpu.memref_slice %arg5[%mul3A_0, %dma_wait3A_33] : memref<10000x128xf32, #tpu.memory_space<hbm>> -> memref<632x128xf32, #tpu.memory_space<hbm>>
        tpu.wait_dma2 semaphore(%run_scoped3A : memref<!tpu.dma_semaphore, #tpu.memory_space<semaphore_mem>>) src(%dma_wait3A_34 : memref<632x128xf32, #tpu.memory_space<hbm>>) dst(%dma_wait3A_32 : memref<632x128xf32, #tpu.memory_space<vmem_shared>>)
        tpu.yield
      }) : () -> ()
    } else {
    }
    %eq3A = arith.constant 15 : i32
    %eq3A_9 = arith.cmpi eq, %arg1, %eq3A : i32
    %convert_element_type3A_10 = arith.extui %eq3A_9 : i1 to i32
    %cond3A_11 = arith.constant 0 : i32
    %cond3A_12 = arith.cmpi ne, %convert_element_type3A_10, %cond3A_11 : i32
    scf.if %cond3A_12 {
      "tpu.region"() ({
        %run_scoped3A = tpu.sem_alloc : memref<!tpu.dma_semaphore, #tpu.memory_space<semaphore_mem>>
        %dma_start3A = arith.constant 9480 : i32
        %dma_start3A_29 = arith.constant 0 : i32
        %dma_start3A_30 = tpu.memref_slice %arg12[%dma_start3A, %dma_start3A_29] : memref<10488x128xf32, #tpu.memory_space<vmem_shared>> -> memref<520x128xf32, #tpu.memory_space<vmem_shared>>
        %dma_start3A_31 = arith.constant 9480 : i32
        %dma_start3A_32 = arith.constant 0 : i32
        %dma_start3A_33 = tpu.memref_slice %arg5[%dma_start3A_31, %dma_start3A_32] : memref<10000x128xf32, #tpu.memory_space<hbm>> -> memref<520x128xf32, #tpu.memory_space<hbm>>
        tpu.enqueue_dma source(%dma_start3A_33 : memref<520x128xf32, #tpu.memory_space<hbm>>) target(%dma_start3A_30 : memref<520x128xf32, #tpu.memory_space<vmem_shared>>) target_semaphore(%run_scoped3A : memref<!tpu.dma_semaphore, #tpu.memory_space<semaphore_mem>>)
        %dma_wait3A = arith.constant 9480 : i32
        %dma_wait3A_34 = arith.constant 0 : i32
        %dma_wait3A_35 = tpu.memref_slice %arg12[%dma_wait3A, %dma_wait3A_34] : memref<10488x128xf32, #tpu.memory_space<vmem_shared>> -> memref<520x128xf32, #tpu.memory_space<vmem_shared>>
        %dma_wait3A_36 = arith.constant 9480 : i32
        %dma_wait3A_37 = arith.constant 0 : i32
        %dma_wait3A_38 = tpu.memref_slice %arg5[%dma_wait3A_36, %dma_wait3A_37] : memref<10000x128xf32, #tpu.memory_space<hbm>> -> memref<520x128xf32, #tpu.memory_space<hbm>>
        tpu.wait_dma2 semaphore(%run_scoped3A : memref<!tpu.dma_semaphore, #tpu.memory_space<semaphore_mem>>) src(%dma_wait3A_38 : memref<520x128xf32, #tpu.memory_space<hbm>>) dst(%dma_wait3A_35 : memref<520x128xf32, #tpu.memory_space<vmem_shared>>)
        tpu.yield
      }) : () -> ()
    } else {
    }
    %barrier3A = arith.constant 0 : index
    tpu.barrier barrier_id(%barrier3A)
    %scan3A = arith.constant 0 : i32
    %scan3A_13 = arith.constant 0 : i32
    %scan3A_14 = arith.constant 5 : i32
    %scan3A_15 = arith.addi %scan3A_13, %scan3A_14 : i32
    %scan3A_16 = arith.constant 1 : i32
    scf.for %scan3A_29 = %scan3A_13 to %scan3A_15 step %scan3A_16  : i32 {
      %mul3A_30 = arith.constant 4032 : i32
      %mul3A_31 = arith.muli %scan3A_29, %mul3A_30 : i32
      %add3A_32 = arith.addi %mul3A_6, %mul3A_31 : i32
      "tpu.region"() ({
        %run_scoped3A = tpu.sem_alloc : memref<!tpu.dma_semaphore, #tpu.memory_space<semaphore_mem>>
        %dma_start3A_53 = tpu.memref_slice %arg3[%add3A_32] : memref<645120xi32, #tpu.memory_space<hbm>> -> memref<4032xi32, #tpu.memory_space<hbm>>
        %dma_start3A_54 = tpu.memref_slice %arg3[%add3A_32] : memref<645120xi32, #tpu.memory_space<hbm>> -> memref<4032xi32, #tpu.memory_space<hbm>>
        tpu.enqueue_dma source(%dma_start3A_54 : memref<4032xi32, #tpu.memory_space<hbm>>) target(%arg7 : memref<4032xi32, #tpu.memory_space<vmem>>) target_semaphore(%run_scoped3A : memref<!tpu.dma_semaphore, #tpu.memory_space<semaphore_mem>>)
        %dma_wait3A = tpu.memref_slice %arg3[%add3A_32] : memref<645120xi32, #tpu.memory_space<hbm>> -> memref<4032xi32, #tpu.memory_space<hbm>>
        %dma_wait3A_55 = tpu.memref_slice %arg3[%add3A_32] : memref<645120xi32, #tpu.memory_space<hbm>> -> memref<4032xi32, #tpu.memory_space<hbm>>
        tpu.wait_dma2 semaphore(%run_scoped3A : memref<!tpu.dma_semaphore, #tpu.memory_space<semaphore_mem>>) src(%dma_wait3A_55 : memref<4032xi32, #tpu.memory_space<hbm>>) dst(%arg7 : memref<4032xi32, #tpu.memory_space<vmem>>)
        tpu.yield
      }) : () -> ()
      "tpu.region"() ({
        %run_scoped3A = tpu.sem_alloc : memref<!tpu.dma_semaphore, #tpu.memory_space<semaphore_mem>>
        %dma_start3A_53 = arith.constant 0 : i32
        %dma_start3A_54 = arith.constant 0 : i32
        %dma_start3A_55 = tpu.memref_slice %arg4[%arg1, %scan3A_29, %dma_start3A_53, %dma_start3A_54] : memref<16x5x42x96xi32, #tpu.memory_space<hbm>> -> memref<1x1x42x96xi32, #tpu.memory_space<hbm>>
        %dma_start3A_56 = tpu.memref_squeeze %dma_start3A_55 : memref<1x1x42x96xi32, #tpu.memory_space<hbm>> -> memref<42x96xi32, #tpu.memory_space<hbm>>
        %dma_start3A_57 = arith.constant 0 : i32
        %dma_start3A_58 = arith.constant 0 : i32
        %dma_start3A_59 = tpu.memref_slice %arg4[%arg1, %scan3A_29, %dma_start3A_57, %dma_start3A_58] : memref<16x5x42x96xi32, #tpu.memory_space<hbm>> -> memref<1x1x42x96xi32, #tpu.memory_space<hbm>>
        %dma_start3A_60 = tpu.memref_squeeze %dma_start3A_59 : memref<1x1x42x96xi32, #tpu.memory_space<hbm>> -> memref<42x96xi32, #tpu.memory_space<hbm>>
        tpu.enqueue_dma source(%dma_start3A_60 : memref<42x96xi32, #tpu.memory_space<hbm>>) target(%arg8 : memref<42x96xi32, #tpu.memory_space<vmem>>) target_semaphore(%run_scoped3A : memref<!tpu.dma_semaphore, #tpu.memory_space<semaphore_mem>>)
        %dma_wait3A = arith.constant 0 : i32
        %dma_wait3A_61 = arith.constant 0 : i32
        %dma_wait3A_62 = tpu.memref_slice %arg4[%arg1, %scan3A_29, %dma_wait3A, %dma_wait3A_61] : memref<16x5x42x96xi32, #tpu.memory_space<hbm>> -> memref<1x1x42x96xi32, #tpu.memory_space<hbm>>
        %dma_wait3A_63 = tpu.memref_squeeze %dma_wait3A_62 : memref<1x1x42x96xi32, #tpu.memory_space<hbm>> -> memref<42x96xi32, #tpu.memory_space<hbm>>
        %dma_wait3A_64 = arith.constant 0 : i32
        %dma_wait3A_65 = arith.constant 0 : i32
        %dma_wait3A_66 = tpu.memref_slice %arg4[%arg1, %scan3A_29, %dma_wait3A_64, %dma_wait3A_65] : memref<16x5x42x96xi32, #tpu.memory_space<hbm>> -> memref<1x1x42x96xi32, #tpu.memory_space<hbm>>
        %dma_wait3A_67 = tpu.memref_squeeze %dma_wait3A_66 : memref<1x1x42x96xi32, #tpu.memory_space<hbm>> -> memref<42x96xi32, #tpu.memory_space<hbm>>
        tpu.wait_dma2 semaphore(%run_scoped3A : memref<!tpu.dma_semaphore, #tpu.memory_space<semaphore_mem>>) src(%dma_wait3A_67 : memref<42x96xi32, #tpu.memory_space<hbm>>) dst(%arg8 : memref<42x96xi32, #tpu.memory_space<vmem>>)
        tpu.yield
      }) : () -> ()
      %dma_start3A = arith.constant 0 : i32
      %dma_start3A_33 = tpu.memref_slice %arg7[%dma_start3A] : memref<4032xi32, #tpu.memory_space<vmem>> -> memref<96xi32, #tpu.memory_space<vmem>>
      %dma_start3A_34 = arith.constant 0 : i32
      %dma_start3A_35 = arith.constant 0 : i32
      %dma_start3A_36 = tpu.memref_slice %arg2[%dma_start3A_34, %dma_start3A_35] : memref<20000x128xf32, #tpu.memory_space<hbm>> -> memref<20000x128xf32, #tpu.memory_space<hbm>>
      tpu.enqueue_indirect_dma source(%dma_start3A_36 : memref<20000x128xf32, #tpu.memory_space<hbm>>) target(%arg9 : memref<96x128xf32, #tpu.memory_space<vmem>>) offsets(%dma_start3A_33 : memref<96xi32, #tpu.memory_space<vmem>>) semaphore(%arg13 : memref<!tpu.dma_semaphore, #tpu.memory_space<semaphore_mem>>)
      %dma_start3A_37 = arith.constant 96 : i32
      %dma_start3A_38 = tpu.memref_slice %arg7[%dma_start3A_37] : memref<4032xi32, #tpu.memory_space<vmem>> -> memref<96xi32, #tpu.memory_space<vmem>>
      %dma_start3A_39 = arith.constant 0 : i32
      %dma_start3A_40 = arith.constant 0 : i32
      %dma_start3A_41 = tpu.memref_slice %arg2[%dma_start3A_39, %dma_start3A_40] : memref<20000x128xf32, #tpu.memory_space<hbm>> -> memref<20000x128xf32, #tpu.memory_space<hbm>>
      tpu.enqueue_indirect_dma source(%dma_start3A_41 : memref<20000x128xf32, #tpu.memory_space<hbm>>) target(%arg10 : memref<96x128xf32, #tpu.memory_space<vmem>>) offsets(%dma_start3A_38 : memref<96xi32, #tpu.memory_space<vmem>>) semaphore(%arg14 : memref<!tpu.dma_semaphore, #tpu.memory_space<semaphore_mem>>)
      %dma_start3A_42 = arith.constant 192 : i32
      %dma_start3A_43 = tpu.memref_slice %arg7[%dma_start3A_42] : memref<4032xi32, #tpu.memory_space<vmem>> -> memref<96xi32, #tpu.memory_space<vmem>>
      %dma_start3A_44 = arith.constant 0 : i32
      %dma_start3A_45 = arith.constant 0 : i32
      %dma_start3A_46 = tpu.memref_slice %arg2[%dma_start3A_44, %dma_start3A_45] : memref<20000x128xf32, #tpu.memory_space<hbm>> -> memref<20000x128xf32, #tpu.memory_space<hbm>>
      tpu.enqueue_indirect_dma source(%dma_start3A_46 : memref<20000x128xf32, #tpu.memory_space<hbm>>) target(%arg11 : memref<96x128xf32, #tpu.memory_space<vmem>>) offsets(%dma_start3A_43 : memref<96xi32, #tpu.memory_space<vmem>>) semaphore(%arg15 : memref<!tpu.dma_semaphore, #tpu.memory_space<semaphore_mem>>)
      %scan3A_47 = arith.constant 0 : i32
      %scan3A_48 = arith.constant 0 : i32
      %scan3A_49 = arith.constant 14 : i32
      %scan3A_50 = arith.addi %scan3A_48, %scan3A_49 : i32
      %scan3A_51 = arith.constant 1 : i32
      scf.for %scan3A_53 = %scan3A_48 to %scan3A_50 step %scan3A_51  : i32 {
        %mul3A_54 = arith.constant 3 : i32
        %mul3A_55 = arith.muli %mul3A_54, %scan3A_53 : i32
        %lt3A_56 = arith.constant 13 : i32
        %lt3A_57 = arith.cmpi slt, %scan3A_53, %lt3A_56 : i32
        %add3A_58 = arith.constant 0 : i32
        %add3A_59 = arith.addi %mul3A_55, %add3A_58 : i32
        %mul3A_60 = arith.constant 96 : i32
        %mul3A_61 = arith.muli %add3A_59, %mul3A_60 : i32
        %dma_wait3A = tpu.memref_slice %arg7[%mul3A_61] : memref<4032xi32, #tpu.memory_space<vmem>> -> memref<96xi32, #tpu.memory_space<vmem>>
        %dma_wait3A_62 = arith.constant 0 : i32
        %dma_wait3A_63 = arith.constant 0 : i32
        %dma_wait3A_64 = tpu.memref_slice %arg2[%dma_wait3A_62, %dma_wait3A_63] : memref<20000x128xf32, #tpu.memory_space<hbm>> -> memref<20000x128xf32, #tpu.memory_space<hbm>>
        tpu.wait_indirect_dma semaphore(%arg13 : memref<!tpu.dma_semaphore, #tpu.memory_space<semaphore_mem>>) src(%dma_wait3A_64 : memref<20000x128xf32, #tpu.memory_space<hbm>>) dst(%arg9 : memref<96x128xf32, #tpu.memory_space<vmem>>)
        %add3A_65 = arith.constant 0 : i32
        %add3A_66 = arith.addi %mul3A_55, %add3A_65 : i32
        "tpu.region"() ({
          %run_scoped3A = tpu.sem_alloc : memref<!tpu.dma_semaphore, #tpu.memory_space<semaphore_mem>>
          %dma_start3A_96 = arith.constant 0 : i32
          %dma_start3A_97 = tpu.memref_slice %arg8[%add3A_66, %dma_start3A_96] : memref<42x96xi32, #tpu.memory_space<vmem>> -> memref<1x96xi32, #tpu.memory_space<vmem>>
          %dma_start3A_98 = tpu.memref_squeeze %dma_start3A_97 : memref<1x96xi32, #tpu.memory_space<vmem>> -> memref<96xi32, #tpu.memory_space<vmem>>
          %dma_start3A_99 = arith.constant 0 : i32
          %dma_start3A_100 = arith.constant 0 : i32
          %dma_start3A_101 = tpu.memref_slice %arg12[%dma_start3A_99, %dma_start3A_100] : memref<10488x128xf32, #tpu.memory_space<vmem_shared>> -> memref<10488x128xf32, #tpu.memory_space<vmem_shared>>
          tpu.enqueue_indirect_dma source(%arg9 : memref<96x128xf32, #tpu.memory_space<vmem>>) target(%dma_start3A_101 : memref<10488x128xf32, #tpu.memory_space<vmem_shared>>) offsets(%dma_start3A_98 : memref<96xi32, #tpu.memory_space<vmem>>) semaphore(%run_scoped3A : memref<!tpu.dma_semaphore, #tpu.memory_space<semaphore_mem>>) {add = true}
          %dma_wait3A_102 = arith.constant 0 : i32
          %dma_wait3A_103 = tpu.memref_slice %arg8[%add3A_66, %dma_wait3A_102] : memref<42x96xi32, #tpu.memory_space<vmem>> -> memref<1x96xi32, #tpu.memory_space<vmem>>
          %dma_wait3A_104 = tpu.memref_squeeze %dma_wait3A_103 : memref<1x96xi32, #tpu.memory_space<vmem>> -> memref<96xi32, #tpu.memory_space<vmem>>
          %dma_wait3A_105 = arith.constant 0 : i32
          %dma_wait3A_106 = arith.constant 0 : i32
          %dma_wait3A_107 = tpu.memref_slice %arg12[%dma_wait3A_105, %dma_wait3A_106] : memref<10488x128xf32, #tpu.memory_space<vmem_shared>> -> memref<10488x128xf32, #tpu.memory_space<vmem_shared>>
          tpu.wait_indirect_dma semaphore(%run_scoped3A : memref<!tpu.dma_semaphore, #tpu.memory_space<semaphore_mem>>) src(%arg9 : memref<96x128xf32, #tpu.memory_space<vmem>>) dst(%dma_wait3A_107 : memref<10488x128xf32, #tpu.memory_space<vmem_shared>>)
          tpu.yield
        }) : () -> ()
        %convert_element_type3A_67 = arith.extui %lt3A_57 : i1 to i32
        %cond3A_68 = arith.constant 0 : i32
        %cond3A_69 = arith.cmpi ne, %convert_element_type3A_67, %cond3A_68 : i32
        scf.if %cond3A_69 {
          %add3A_96 = arith.constant 0 : i32
          %add3A_97 = arith.addi %mul3A_55, %add3A_96 : i32
          %add3A_98 = arith.constant 3 : i32
          %add3A_99 = arith.addi %add3A_97, %add3A_98 : i32
          %mul3A_100 = arith.constant 96 : i32
          %mul3A_101 = arith.muli %add3A_99, %mul3A_100 : i32
          %dma_start3A_102 = tpu.memref_slice %arg7[%mul3A_101] : memref<4032xi32, #tpu.memory_space<vmem>> -> memref<96xi32, #tpu.memory_space<vmem>>
          %dma_start3A_103 = arith.constant 0 : i32
          %dma_start3A_104 = arith.constant 0 : i32
          %dma_start3A_105 = tpu.memref_slice %arg2[%dma_start3A_103, %dma_start3A_104] : memref<20000x128xf32, #tpu.memory_space<hbm>> -> memref<20000x128xf32, #tpu.memory_space<hbm>>
          tpu.enqueue_indirect_dma source(%dma_start3A_105 : memref<20000x128xf32, #tpu.memory_space<hbm>>) target(%arg9 : memref<96x128xf32, #tpu.memory_space<vmem>>) offsets(%dma_start3A_102 : memref<96xi32, #tpu.memory_space<vmem>>) semaphore(%arg13 : memref<!tpu.dma_semaphore, #tpu.memory_space<semaphore_mem>>)
        } else {
        }
        %add3A_70 = arith.constant 1 : i32
        %add3A_71 = arith.addi %mul3A_55, %add3A_70 : i32
        %mul3A_72 = arith.constant 96 : i32
        %mul3A_73 = arith.muli %add3A_71, %mul3A_72 : i32
        %dma_wait3A_74 = tpu.memref_slice %arg7[%mul3A_73] : memref<4032xi32, #tpu.memory_space<vmem>> -> memref<96xi32, #tpu.memory_space<vmem>>
        %dma_wait3A_75 = arith.constant 0 : i32
        %dma_wait3A_76 = arith.constant 0 : i32
        %dma_wait3A_77 = tpu.memref_slice %arg2[%dma_wait3A_75, %dma_wait3A_76] : memref<20000x128xf32, #tpu.memory_space<hbm>> -> memref<20000x128xf32, #tpu.memory_space<hbm>>
        tpu.wait_indirect_dma semaphore(%arg14 : memref<!tpu.dma_semaphore, #tpu.memory_space<semaphore_mem>>) src(%dma_wait3A_77 : memref<20000x128xf32, #tpu.memory_space<hbm>>) dst(%arg10 : memref<96x128xf32, #tpu.memory_space<vmem>>)
        %add3A_78 = arith.constant 1 : i32
        %add3A_79 = arith.addi %mul3A_55, %add3A_78 : i32
        "tpu.region"() ({
          %run_scoped3A = tpu.sem_alloc : memref<!tpu.dma_semaphore, #tpu.memory_space<semaphore_mem>>
          %dma_start3A_96 = arith.constant 0 : i32
          %dma_start3A_97 = tpu.memref_slice %arg8[%add3A_79, %dma_start3A_96] : memref<42x96xi32, #tpu.memory_space<vmem>> -> memref<1x96xi32, #tpu.memory_space<vmem>>
          %dma_start3A_98 = tpu.memref_squeeze %dma_start3A_97 : memref<1x96xi32, #tpu.memory_space<vmem>> -> memref<96xi32, #tpu.memory_space<vmem>>
          %dma_start3A_99 = arith.constant 0 : i32
          %dma_start3A_100 = arith.constant 0 : i32
          %dma_start3A_101 = tpu.memref_slice %arg12[%dma_start3A_99, %dma_start3A_100] : memref<10488x128xf32, #tpu.memory_space<vmem_shared>> -> memref<10488x128xf32, #tpu.memory_space<vmem_shared>>
          tpu.enqueue_indirect_dma source(%arg10 : memref<96x128xf32, #tpu.memory_space<vmem>>) target(%dma_start3A_101 : memref<10488x128xf32, #tpu.memory_space<vmem_shared>>) offsets(%dma_start3A_98 : memref<96xi32, #tpu.memory_space<vmem>>) semaphore(%run_scoped3A : memref<!tpu.dma_semaphore, #tpu.memory_space<semaphore_mem>>) {add = true}
          %dma_wait3A_102 = arith.constant 0 : i32
          %dma_wait3A_103 = tpu.memref_slice %arg8[%add3A_79, %dma_wait3A_102] : memref<42x96xi32, #tpu.memory_space<vmem>> -> memref<1x96xi32, #tpu.memory_space<vmem>>
          %dma_wait3A_104 = tpu.memref_squeeze %dma_wait3A_103 : memref<1x96xi32, #tpu.memory_space<vmem>> -> memref<96xi32, #tpu.memory_space<vmem>>
          %dma_wait3A_105 = arith.constant 0 : i32
          %dma_wait3A_106 = arith.constant 0 : i32
          %dma_wait3A_107 = tpu.memref_slice %arg12[%dma_wait3A_105, %dma_wait3A_106] : memref<10488x128xf32, #tpu.memory_space<vmem_shared>> -> memref<10488x128xf32, #tpu.memory_space<vmem_shared>>
          tpu.wait_indirect_dma semaphore(%run_scoped3A : memref<!tpu.dma_semaphore, #tpu.memory_space<semaphore_mem>>) src(%arg10 : memref<96x128xf32, #tpu.memory_space<vmem>>) dst(%dma_wait3A_107 : memref<10488x128xf32, #tpu.memory_space<vmem_shared>>)
          tpu.yield
        }) : () -> ()
        %convert_element_type3A_80 = arith.extui %lt3A_57 : i1 to i32
        %cond3A_81 = arith.constant 0 : i32
        %cond3A_82 = arith.cmpi ne, %convert_element_type3A_80, %cond3A_81 : i32
        scf.if %cond3A_82 {
          %add3A_96 = arith.constant 1 : i32
          %add3A_97 = arith.addi %mul3A_55, %add3A_96 : i32
          %add3A_98 = arith.constant 3 : i32
          %add3A_99 = arith.addi %add3A_97, %add3A_98 : i32
          %mul3A_100 = arith.constant 96 : i32
          %mul3A_101 = arith.muli %add3A_99, %mul3A_100 : i32
          %dma_start3A_102 = tpu.memref_slice %arg7[%mul3A_101] : memref<4032xi32, #tpu.memory_space<vmem>> -> memref<96xi32, #tpu.memory_space<vmem>>
          %dma_start3A_103 = arith.constant 0 : i32
          %dma_start3A_104 = arith.constant 0 : i32
          %dma_start3A_105 = tpu.memref_slice %arg2[%dma_start3A_103, %dma_start3A_104] : memref<20000x128xf32, #tpu.memory_space<hbm>> -> memref<20000x128xf32, #tpu.memory_space<hbm>>
          tpu.enqueue_indirect_dma source(%dma_start3A_105 : memref<20000x128xf32, #tpu.memory_space<hbm>>) target(%arg10 : memref<96x128xf32, #tpu.memory_space<vmem>>) offsets(%dma_start3A_102 : memref<96xi32, #tpu.memory_space<vmem>>) semaphore(%arg14 : memref<!tpu.dma_semaphore, #tpu.memory_space<semaphore_mem>>)
        } else {
        }
        %add3A_83 = arith.constant 2 : i32
        %add3A_84 = arith.addi %mul3A_55, %add3A_83 : i32
        %mul3A_85 = arith.constant 96 : i32
        %mul3A_86 = arith.muli %add3A_84, %mul3A_85 : i32
        %dma_wait3A_87 = tpu.memref_slice %arg7[%mul3A_86] : memref<4032xi32, #tpu.memory_space<vmem>> -> memref<96xi32, #tpu.memory_space<vmem>>
        %dma_wait3A_88 = arith.constant 0 : i32
        %dma_wait3A_89 = arith.constant 0 : i32
        %dma_wait3A_90 = tpu.memref_slice %arg2[%dma_wait3A_88, %dma_wait3A_89] : memref<20000x128xf32, #tpu.memory_space<hbm>> -> memref<20000x128xf32, #tpu.memory_space<hbm>>
        tpu.wait_indirect_dma semaphore(%arg15 : memref<!tpu.dma_semaphore, #tpu.memory_space<semaphore_mem>>) src(%dma_wait3A_90 : memref<20000x128xf32, #tpu.memory_space<hbm>>) dst(%arg11 : memref<96x128xf32, #tpu.memory_space<vmem>>)
        %add3A_91 = arith.constant 2 : i32
        %add3A_92 = arith.addi %mul3A_55, %add3A_91 : i32
        "tpu.region"() ({
          %run_scoped3A = tpu.sem_alloc : memref<!tpu.dma_semaphore, #tpu.memory_space<semaphore_mem>>
          %dma_start3A_96 = arith.constant 0 : i32
          %dma_start3A_97 = tpu.memref_slice %arg8[%add3A_92, %dma_start3A_96] : memref<42x96xi32, #tpu.memory_space<vmem>> -> memref<1x96xi32, #tpu.memory_space<vmem>>
          %dma_start3A_98 = tpu.memref_squeeze %dma_start3A_97 : memref<1x96xi32, #tpu.memory_space<vmem>> -> memref<96xi32, #tpu.memory_space<vmem>>
          %dma_start3A_99 = arith.constant 0 : i32
          %dma_start3A_100 = arith.constant 0 : i32
          %dma_start3A_101 = tpu.memref_slice %arg12[%dma_start3A_99, %dma_start3A_100] : memref<10488x128xf32, #tpu.memory_space<vmem_shared>> -> memref<10488x128xf32, #tpu.memory_space<vmem_shared>>
          tpu.enqueue_indirect_dma source(%arg11 : memref<96x128xf32, #tpu.memory_space<vmem>>) target(%dma_start3A_101 : memref<10488x128xf32, #tpu.memory_space<vmem_shared>>) offsets(%dma_start3A_98 : memref<96xi32, #tpu.memory_space<vmem>>) semaphore(%run_scoped3A : memref<!tpu.dma_semaphore, #tpu.memory_space<semaphore_mem>>) {add = true}
          %dma_wait3A_102 = arith.constant 0 : i32
          %dma_wait3A_103 = tpu.memref_slice %arg8[%add3A_92, %dma_wait3A_102] : memref<42x96xi32, #tpu.memory_space<vmem>> -> memref<1x96xi32, #tpu.memory_space<vmem>>
          %dma_wait3A_104 = tpu.memref_squeeze %dma_wait3A_103 : memref<1x96xi32, #tpu.memory_space<vmem>> -> memref<96xi32, #tpu.memory_space<vmem>>
          %dma_wait3A_105 = arith.constant 0 : i32
          %dma_wait3A_106 = arith.constant 0 : i32
          %dma_wait3A_107 = tpu.memref_slice %arg12[%dma_wait3A_105, %dma_wait3A_106] : memref<10488x128xf32, #tpu.memory_space<vmem_shared>> -> memref<10488x128xf32, #tpu.memory_space<vmem_shared>>
          tpu.wait_indirect_dma semaphore(%run_scoped3A : memref<!tpu.dma_semaphore, #tpu.memory_space<semaphore_mem>>) src(%arg11 : memref<96x128xf32, #tpu.memory_space<vmem>>) dst(%dma_wait3A_107 : memref<10488x128xf32, #tpu.memory_space<vmem_shared>>)
          tpu.yield
        }) : () -> ()
        %convert_element_type3A_93 = arith.extui %lt3A_57 : i1 to i32
        %cond3A_94 = arith.constant 0 : i32
        %cond3A_95 = arith.cmpi ne, %convert_element_type3A_93, %cond3A_94 : i32
        scf.if %cond3A_95 {
          %add3A_96 = arith.constant 2 : i32
          %add3A_97 = arith.addi %mul3A_55, %add3A_96 : i32
          %add3A_98 = arith.constant 3 : i32
          %add3A_99 = arith.addi %add3A_97, %add3A_98 : i32
          %mul3A_100 = arith.constant 96 : i32
          %mul3A_101 = arith.muli %add3A_99, %mul3A_100 : i32
          %dma_start3A_102 = tpu.memref_slice %arg7[%mul3A_101] : memref<4032xi32, #tpu.memory_space<vmem>> -> memref<96xi32, #tpu.memory_space<vmem>>
          %dma_start3A_103 = arith.constant 0 : i32
          %dma_start3A_104 = arith.constant 0 : i32
          %dma_start3A_105 = tpu.memref_slice %arg2[%dma_start3A_103, %dma_start3A_104] : memref<20000x128xf32, #tpu.memory_space<hbm>> -> memref<20000x128xf32, #tpu.memory_space<hbm>>
          tpu.enqueue_indirect_dma source(%dma_start3A_105 : memref<20000x128xf32, #tpu.memory_space<hbm>>) target(%arg11 : memref<96x128xf32, #tpu.memory_space<vmem>>) offsets(%dma_start3A_102 : memref<96xi32, #tpu.memory_space<vmem>>) semaphore(%arg15 : memref<!tpu.dma_semaphore, #tpu.memory_space<semaphore_mem>>)
        } else {
        }
      }
      %scan3A_52 = arith.constant 14 : i32
    }
    %scan3A_17 = arith.constant 5 : i32
    %barrier3A_18 = arith.constant 0 : index
    tpu.barrier barrier_id(%barrier3A_18)
    %lt3A_19 = arith.constant 15 : i32
    %lt3A_20 = arith.cmpi slt, %arg1, %lt3A_19 : i32
    %convert_element_type3A_21 = arith.extui %lt3A_20 : i1 to i32
    %cond3A_22 = arith.constant 0 : i32
    %cond3A_23 = arith.cmpi ne, %convert_element_type3A_21, %cond3A_22 : i32
    scf.if %cond3A_23 {
      %add3A_29 = arith.addi %mul3A_2, %mul3A_0 : i32
      "tpu.region"() ({
        %run_scoped3A = tpu.sem_alloc : memref<!tpu.dma_semaphore, #tpu.memory_space<semaphore_mem>>
        %dma_start3A = arith.constant 0 : i32
        %dma_start3A_30 = tpu.memref_slice %arg6[%add3A_29, %dma_start3A] : memref<20000x128xf32, #tpu.memory_space<hbm>> -> memref<632x128xf32, #tpu.memory_space<hbm>>
        %dma_start3A_31 = arith.constant 0 : i32
        %dma_start3A_32 = tpu.memref_slice %arg12[%mul3A_0, %dma_start3A_31] : memref<10488x128xf32, #tpu.memory_space<vmem_shared>> -> memref<632x128xf32, #tpu.memory_space<vmem_shared>>
        tpu.enqueue_dma source(%dma_start3A_32 : memref<632x128xf32, #tpu.memory_space<vmem_shared>>) target(%dma_start3A_30 : memref<632x128xf32, #tpu.memory_space<hbm>>) target_semaphore(%run_scoped3A : memref<!tpu.dma_semaphore, #tpu.memory_space<semaphore_mem>>)
        %dma_wait3A = arith.constant 0 : i32
        %dma_wait3A_33 = tpu.memref_slice %arg6[%add3A_29, %dma_wait3A] : memref<20000x128xf32, #tpu.memory_space<hbm>> -> memref<632x128xf32, #tpu.memory_space<hbm>>
        %dma_wait3A_34 = arith.constant 0 : i32
        %dma_wait3A_35 = tpu.memref_slice %arg12[%mul3A_0, %dma_wait3A_34] : memref<10488x128xf32, #tpu.memory_space<vmem_shared>> -> memref<632x128xf32, #tpu.memory_space<vmem_shared>>
        tpu.wait_dma2 semaphore(%run_scoped3A : memref<!tpu.dma_semaphore, #tpu.memory_space<semaphore_mem>>) src(%dma_wait3A_35 : memref<632x128xf32, #tpu.memory_space<vmem_shared>>) dst(%dma_wait3A_33 : memref<632x128xf32, #tpu.memory_space<hbm>>)
        tpu.yield
      }) : () -> ()
    } else {
    }
    %eq3A_24 = arith.constant 15 : i32
    %eq3A_25 = arith.cmpi eq, %arg1, %eq3A_24 : i32
    %convert_element_type3A_26 = arith.extui %eq3A_25 : i1 to i32
    %cond3A_27 = arith.constant 0 : i32
    %cond3A_28 = arith.cmpi ne, %convert_element_type3A_26, %cond3A_27 : i32
    scf.if %cond3A_28 {
      %add3A_29 = arith.constant 9480 : i32
      %add3A_30 = arith.addi %mul3A_2, %add3A_29 : i32
      "tpu.region"() ({
        %run_scoped3A = tpu.sem_alloc : memref<!tpu.dma_semaphore, #tpu.memory_space<semaphore_mem>>
        %dma_start3A = arith.constant 0 : i32
        %dma_start3A_31 = tpu.memref_slice %arg6[%add3A_30, %dma_start3A] : memref<20000x128xf32, #tpu.memory_space<hbm>> -> memref<520x128xf32, #tpu.memory_space<hbm>>
        %dma_start3A_32 = arith.constant 9480 : i32
        %dma_start3A_33 = arith.constant 0 : i32
        %dma_start3A_34 = tpu.memref_slice %arg12[%dma_start3A_32, %dma_start3A_33] : memref<10488x128xf32, #tpu.memory_space<vmem_shared>> -> memref<520x128xf32, #tpu.memory_space<vmem_shared>>
        tpu.enqueue_dma source(%dma_start3A_34 : memref<520x128xf32, #tpu.memory_space<vmem_shared>>) target(%dma_start3A_31 : memref<520x128xf32, #tpu.memory_space<hbm>>) target_semaphore(%run_scoped3A : memref<!tpu.dma_semaphore, #tpu.memory_space<semaphore_mem>>)
        %dma_wait3A = arith.constant 0 : i32
        %dma_wait3A_35 = tpu.memref_slice %arg6[%add3A_30, %dma_wait3A] : memref<20000x128xf32, #tpu.memory_space<hbm>> -> memref<520x128xf32, #tpu.memory_space<hbm>>
        %dma_wait3A_36 = arith.constant 9480 : i32
        %dma_wait3A_37 = arith.constant 0 : i32
        %dma_wait3A_38 = tpu.memref_slice %arg12[%dma_wait3A_36, %dma_wait3A_37] : memref<10488x128xf32, #tpu.memory_space<vmem_shared>> -> memref<520x128xf32, #tpu.memory_space<vmem_shared>>
        tpu.wait_dma2 semaphore(%run_scoped3A : memref<!tpu.dma_semaphore, #tpu.memory_space<semaphore_mem>>) src(%dma_wait3A_38 : memref<520x128xf32, #tpu.memory_space<vmem_shared>>) dst(%dma_wait3A_35 : memref<520x128xf32, #tpu.memory_space<hbm>>)
        tpu.yield
      }) : () -> ()
    } else {
    }
    return
  }
}

module attributes {stable_mosaic.version = 14 : i64} {
  func.func @_enc_body(%arg0: i32, %arg1: memref<1000x128xf32, #tpu.memory_space<vmem>>, %arg2: memref<128x128xf32, #tpu.memory_space<vmem>>, %arg3: memref<1x128xf32, #tpu.memory_space<vmem>>, %arg4: memref<1000x128xf32, #tpu.memory_space<vmem>>, %arg5: memref<2x1000x128xf32, #tpu.memory_space<vmem>>) attributes {dimension_semantics = [#tpu.dimension_semantics<arbitrary>], iteration_bounds = array<i64: 10>, scalar_prefetch = 0 : i64, scratch_operands = 0 : i64, tpu.core_type = #tpu.core_type<tc>, window_params = [{transform_indices = @transform_0, window_bounds = array<i64: 1000, 128>}, {pipeline_mode = #tpu.pipeline_mode<synchronous>, transform_indices = @transform_1, window_bounds = array<i64: 128, 128>}, {pipeline_mode = #tpu.pipeline_mode<synchronous>, transform_indices = @transform_2, window_bounds = array<i64: 1, 128>}, {transform_indices = @transform_3, window_bounds = array<i64: 1000, 128>}, {transform_indices = @transform_4, window_bounds = array<i64: 2, 1000, 128>}]} {
    %get3A = arith.constant 0 : index
    %get3A_0 = arith.constant 0 : index
    %get3A_1 = vector.load %arg1[%get3A, %get3A_0] : memref<1000x128xf32, #tpu.memory_space<vmem>>, vector<1000x128xf32>
    %get3A_2 = arith.constant 0 : index
    %get3A_3 = arith.constant 0 : index
    %get3A_4 = vector.load %arg2[%get3A_2, %get3A_3] : memref<128x128xf32, #tpu.memory_space<vmem>>, vector<128x128xf32>
    %dot_general3A = arith.constant dense<0.000000e+00> : vector<1000x128xf32>
    %dot_general3A_5 = tpu.matmul %get3A_1, %get3A_4, %dot_general3A {dimension_numbers = #tpu.dot_dimension_numbers<[1], [0], [0], [1], [0, 0, 1, 1], [], []>, transpose_lhs_hint = false} : vector<1000x128xf32>, vector<128x128xf32>, vector<1000x128xf32> -> vector<1000x128xf32>
    %get3A_6 = arith.constant 0 : index
    %get3A_7 = arith.constant 0 : index
    %get3A_8 = vector.load %arg3[%get3A_6, %get3A_7] : memref<1x128xf32, #tpu.memory_space<vmem>>, vector<1x128xf32>
    %add3A = vector.broadcast %get3A_8 : vector<1x128xf32> to vector<1000x128xf32>
    %add3A_9 = arith.addf %dot_general3A_5, %add3A : vector<1000x128xf32>
    %swap3A = arith.constant 0 : index
    %swap3A_10 = arith.constant 0 : index
    %swap3A_11 = vector.load %arg4[%swap3A, %swap3A_10] : memref<1000x128xf32, #tpu.memory_space<vmem>>, vector<1000x128xf32>
    tpu.vector_store %arg4[%swap3A, %swap3A_10], %add3A_9 {strides = array<i32>} : memref<1000x128xf32, #tpu.memory_space<vmem>>, vector<1000x128xf32>,
    %max3A = arith.constant 0.000000e+00 : f32
    %max3A_12 = vector.broadcast %max3A : f32 to vector<1000x128xf32>
    %max3A_13 = arith.maximumf %add3A_9, %max3A_12 : vector<1000x128xf32>
    %add3A_14 = arith.constant 1.000000e-07 : f32
    %add3A_15 = vector.broadcast %add3A_14 : f32 to vector<1000x128xf32>
    %add3A_16 = arith.addf %max3A_13, %add3A_15 : vector<1000x128xf32>
    %exp3A = math.exp %add3A_16 : vector<1000x128xf32>
    %swap3A_17 = arith.constant 0 : index
    %swap3A_18 = arith.constant 0 : index
    %swap3A_19 = arith.constant 0 : index
    %swap3A_20 = vector.load %arg5[%swap3A_17, %swap3A_18, %swap3A_19] : memref<2x1000x128xf32, #tpu.memory_space<vmem>>, vector<1x1000x128xf32>
    %swap3A_21 = vector.shape_cast %swap3A_20 : vector<1x1000x128xf32> to vector<1000x128xf32>
    %swap3A_22 = vector.shape_cast %exp3A : vector<1000x128xf32> to vector<1x1000x128xf32>
    tpu.vector_store %arg5[%swap3A_17, %swap3A_18, %swap3A_19], %swap3A_22 {strides = array<i32>} : memref<2x1000x128xf32, #tpu.memory_space<vmem>>, vector<1x1000x128xf32>,
    %mul3A = arith.mulf %exp3A, %add3A_16 : vector<1000x128xf32>
    %swap3A_23 = arith.constant 1 : index
    %swap3A_24 = arith.constant 0 : index
    %swap3A_25 = arith.constant 0 : index
    %swap3A_26 = vector.load %arg5[%swap3A_23, %swap3A_24, %swap3A_25] : memref<2x1000x128xf32, #tpu.memory_space<vmem>>, vector<1x1000x128xf32>
    %swap3A_27 = vector.shape_cast %swap3A_26 : vector<1x1000x128xf32> to vector<1000x128xf32>
    %swap3A_28 = vector.shape_cast %mul3A : vector<1000x128xf32> to vector<1x1000x128xf32>
    tpu.vector_store %arg5[%swap3A_23, %swap3A_24, %swap3A_25], %swap3A_28 {strides = array<i32>} : memref<2x1000x128xf32, #tpu.memory_space<vmem>>, vector<1x1000x128xf32>,
    return
  }
  func.func @transform_0(%arg0: i32) -> (i32, i32) {
    %c0_i32 = arith.constant 0 : i32
    %c0_i32_0 = arith.constant 0 : i32
    return %arg0, %c0_i32 : i32, i32
  }
  func.func @transform_1(%arg0: i32) -> (i32, i32) {
    %c0_i32 = arith.constant 0 : i32
    %c0_i32_0 = arith.constant 0 : i32
    %c0_i32_1 = arith.constant 0 : i32
    return %c0_i32, %c0_i32_0 : i32, i32
  }
  func.func @transform_2(%arg0: i32) -> (i32, i32) {
    %c0_i32 = arith.constant 0 : i32
    %c0_i32_0 = arith.constant 0 : i32
    %c0_i32_1 = arith.constant 0 : i32
    return %c0_i32, %c0_i32_0 : i32, i32
  }
  func.func @transform_3(%arg0: i32) -> (i32, i32) {
    %c0_i32 = arith.constant 0 : i32
    %c0_i32_0 = arith.constant 0 : i32
    return %arg0, %c0_i32 : i32, i32
  }
  func.func @transform_4(%arg0: i32) -> (i32, i32, i32) {
    %c0_i32 = arith.constant 0 : i32
    %c0_i32_0 = arith.constant 0 : i32
    %c0_i32_1 = arith.constant 0 : i32
    return %c0_i32, %arg0, %c0_i32_0 : i32, i32, i32
  }
}

module attributes {stable_mosaic.version = 14 : i64} {
  func.func @_mid_body(%arg0: i32, %arg1: memref<2x1000x128xf32, #tpu.memory_space<vmem>>, %arg2: memref<1000x128xf32, #tpu.memory_space<vmem>>, %arg3: memref<1000x128xf32, #tpu.memory_space<vmem>>, %arg4: memref<128x128xf32, #tpu.memory_space<vmem>>, %arg5: memref<1x128xf32, #tpu.memory_space<vmem>>, %arg6: memref<1x128xf32, #tpu.memory_space<vmem>>, %arg7: memref<1x128xf32, #tpu.memory_space<vmem>>, %arg8: memref<1000x128xf32, #tpu.memory_space<vmem>>, %arg9: memref<1000x128xf32, #tpu.memory_space<vmem>>, %arg10: memref<2x1000x128xf32, #tpu.memory_space<vmem>>) attributes {dimension_semantics = [#tpu.dimension_semantics<arbitrary>], iteration_bounds = array<i64: 10>, scalar_prefetch = 0 : i64, scratch_operands = 0 : i64, tpu.core_type = #tpu.core_type<tc>, window_params = [{transform_indices = @transform_0, window_bounds = array<i64: 2, 1000, 128>}, {transform_indices = @transform_1, window_bounds = array<i64: 1000, 128>}, {transform_indices = @transform_2, window_bounds = array<i64: 1000, 128>}, {pipeline_mode = #tpu.pipeline_mode<synchronous>, transform_indices = @transform_3, window_bounds = array<i64: 128, 128>}, {pipeline_mode = #tpu.pipeline_mode<synchronous>, transform_indices = @transform_4, window_bounds = array<i64: 1, 128>}, {pipeline_mode = #tpu.pipeline_mode<synchronous>, transform_indices = @transform_5, window_bounds = array<i64: 1, 128>}, {pipeline_mode = #tpu.pipeline_mode<synchronous>, transform_indices = @transform_6, window_bounds = array<i64: 1, 128>}, {transform_indices = @transform_7, window_bounds = array<i64: 1000, 128>}, {transform_indices = @transform_8, window_bounds = array<i64: 1000, 128>}, {transform_indices = @transform_9, window_bounds = array<i64: 2, 1000, 128>}]} {
    %get3A = arith.constant 1 : index
    %get3A_0 = arith.constant 0 : index
    %get3A_1 = arith.constant 0 : index
    %get3A_2 = vector.load %arg1[%get3A, %get3A_0, %get3A_1] : memref<2x1000x128xf32, #tpu.memory_space<vmem>>, vector<1x1000x128xf32>
    %get3A_3 = vector.shape_cast %get3A_2 : vector<1x1000x128xf32> to vector<1000x128xf32>
    %get3A_4 = arith.constant 0 : index
    %get3A_5 = arith.constant 0 : index
    %get3A_6 = arith.constant 0 : index
    %get3A_7 = vector.load %arg1[%get3A_4, %get3A_5, %get3A_6] : memref<2x1000x128xf32, #tpu.memory_space<vmem>>, vector<1x1000x128xf32>
    %get3A_8 = vector.shape_cast %get3A_7 : vector<1x1000x128xf32> to vector<1000x128xf32>
    %add3A = arith.constant 1.000000e-16 : f32
    %add3A_9 = vector.broadcast %add3A : f32 to vector<1000x128xf32>
    %add3A_10 = arith.addf %get3A_8, %add3A_9 : vector<1000x128xf32>
    %div3A = arith.divf %get3A_3, %add3A_10 : vector<1000x128xf32>
    %get3A_11 = arith.constant 0 : index
    %get3A_12 = arith.constant 0 : index
    %get3A_13 = vector.load %arg2[%get3A_11, %get3A_12] : memref<1000x128xf32, #tpu.memory_space<vmem>>, vector<1000x128xf32>
    %add3A_14 = arith.addf %get3A_13, %div3A : vector<1000x128xf32>
    %get3A_15 = arith.constant 0 : index
    %get3A_16 = arith.constant 0 : index
    %get3A_17 = vector.load %arg4[%get3A_15, %get3A_16] : memref<128x128xf32, #tpu.memory_space<vmem>>, vector<128x128xf32>
    %dot_general3A = arith.constant dense<0.000000e+00> : vector<1000x128xf32>
    %dot_general3A_18 = tpu.matmul %add3A_14, %get3A_17, %dot_general3A {dimension_numbers = #tpu.dot_dimension_numbers<[1], [0], [0], [1], [0, 0, 1, 1], [], []>, transpose_lhs_hint = false} : vector<1000x128xf32>, vector<128x128xf32>, vector<1000x128xf32> -> vector<1000x128xf32>
    %get3A_19 = arith.constant 0 : index
    %get3A_20 = arith.constant 0 : index
    %get3A_21 = vector.load %arg5[%get3A_19, %get3A_20] : memref<1x128xf32, #tpu.memory_space<vmem>>, vector<1x128xf32>
    %add3A_22 = vector.broadcast %get3A_21 : vector<1x128xf32> to vector<1000x128xf32>
    %add3A_23 = arith.addf %dot_general3A_18, %add3A_22 : vector<1000x128xf32>
    %swap3A = arith.constant 0 : index
    %swap3A_24 = arith.constant 0 : index
    %swap3A_25 = vector.load %arg8[%swap3A, %swap3A_24] : memref<1000x128xf32, #tpu.memory_space<vmem>>, vector<1000x128xf32>
    tpu.vector_store %arg8[%swap3A, %swap3A_24], %add3A_23 {strides = array<i32>} : memref<1000x128xf32, #tpu.memory_space<vmem>>, vector<1000x128xf32>,
    %get3A_26 = arith.constant 0 : index
    %get3A_27 = arith.constant 0 : index
    %get3A_28 = vector.load %arg6[%get3A_26, %get3A_27] : memref<1x128xf32, #tpu.memory_space<vmem>>, vector<1x128xf32>
    %get3A_29 = arith.constant 0 : index
    %get3A_30 = arith.constant 0 : index
    %get3A_31 = vector.load %arg7[%get3A_29, %get3A_30] : memref<1x128xf32, #tpu.memory_space<vmem>>, vector<1x128xf32>
    %reduce_sum3A = arith.constant dense<0.000000e+00> : vector<1000xf32>
    %reduce_sum3A_32 = vector.multi_reduction <add>, %add3A_23, %reduce_sum3A [1] : vector<1000x128xf32> to vector<1000xf32>
    %broadcast_in_dim3A = vector.shape_cast %reduce_sum3A_32 : vector<1000xf32> to vector<1000x1xf32>
    %div3A_33 = arith.constant 1.280000e+02 : f32
    %div3A_34 = vector.broadcast %div3A_33 : f32 to vector<1000x1xf32>
    %div3A_35 = arith.divf %broadcast_in_dim3A, %div3A_34 : vector<1000x1xf32>
    %sub3A = vector.broadcast %div3A_35 : vector<1000x1xf32> to vector<1000x128xf32>
    %sub3A_36 = arith.subf %add3A_23, %sub3A : vector<1000x128xf32>
    %sub3A_37 = vector.broadcast %div3A_35 : vector<1000x1xf32> to vector<1000x128xf32>
    %sub3A_38 = arith.subf %add3A_23, %sub3A_37 : vector<1000x128xf32>
    %mul3A = arith.mulf %sub3A_36, %sub3A_38 : vector<1000x128xf32>
    %reduce_sum3A_39 = arith.constant dense<0.000000e+00> : vector<1000xf32>
    %reduce_sum3A_40 = vector.multi_reduction <add>, %mul3A, %reduce_sum3A_39 [1] : vector<1000x128xf32> to vector<1000xf32>
    %broadcast_in_dim3A_41 = vector.shape_cast %reduce_sum3A_40 : vector<1000xf32> to vector<1000x1xf32>
    %div3A_42 = arith.constant 1.280000e+02 : f32
    %div3A_43 = vector.broadcast %div3A_42 : f32 to vector<1000x1xf32>
    %div3A_44 = arith.divf %broadcast_in_dim3A_41, %div3A_43 : vector<1000x1xf32>
    %sub3A_45 = vector.broadcast %div3A_35 : vector<1000x1xf32> to vector<1000x128xf32>
    %sub3A_46 = arith.subf %add3A_23, %sub3A_45 : vector<1000x128xf32>
    %add3A_47 = arith.constant 9.99999974E-6 : f32
    %add3A_48 = vector.broadcast %add3A_47 : f32 to vector<1000x1xf32>
    %add3A_49 = arith.addf %div3A_44, %add3A_48 : vector<1000x1xf32>
    %sqrt3A = math.sqrt %add3A_49 : vector<1000x1xf32>
    %div3A_50 = vector.broadcast %sqrt3A : vector<1000x1xf32> to vector<1000x128xf32>
    %div3A_51 = arith.divf %sub3A_46, %div3A_50 : vector<1000x128xf32>
    %mul3A_52 = vector.broadcast %get3A_28 : vector<1x128xf32> to vector<1000x128xf32>
    %mul3A_53 = arith.mulf %div3A_51, %mul3A_52 : vector<1000x128xf32>
    %add3A_54 = vector.broadcast %get3A_31 : vector<1x128xf32> to vector<1000x128xf32>
    %add3A_55 = arith.addf %mul3A_53, %add3A_54 : vector<1000x128xf32>
    %max3A = arith.constant 0.000000e+00 : f32
    %max3A_56 = vector.broadcast %max3A : f32 to vector<1000x128xf32>
    %max3A_57 = arith.maximumf %add3A_55, %max3A_56 : vector<1000x128xf32>
    %swap3A_58 = arith.constant 0 : index
    %swap3A_59 = arith.constant 0 : index
    %swap3A_60 = vector.load %arg9[%swap3A_58, %swap3A_59] : memref<1000x128xf32, #tpu.memory_space<vmem>>, vector<1000x128xf32>
    tpu.vector_store %arg9[%swap3A_58, %swap3A_59], %max3A_57 {strides = array<i32>} : memref<1000x128xf32, #tpu.memory_space<vmem>>, vector<1000x128xf32>,
    %max3A_61 = arith.constant 0.000000e+00 : f32
    %max3A_62 = vector.broadcast %max3A_61 : f32 to vector<1000x128xf32>
    %max3A_63 = arith.maximumf %max3A_57, %max3A_62 : vector<1000x128xf32>
    %add3A_64 = arith.constant 1.000000e-07 : f32
    %add3A_65 = vector.broadcast %add3A_64 : f32 to vector<1000x128xf32>
    %add3A_66 = arith.addf %max3A_63, %add3A_65 : vector<1000x128xf32>
    %exp3A = math.exp %add3A_66 : vector<1000x128xf32>
    %swap3A_67 = arith.constant 0 : index
    %swap3A_68 = arith.constant 0 : index
    %swap3A_69 = arith.constant 0 : index
    %swap3A_70 = vector.load %arg10[%swap3A_67, %swap3A_68, %swap3A_69] : memref<2x1000x128xf32, #tpu.memory_space<vmem>>, vector<1x1000x128xf32>
    %swap3A_71 = vector.shape_cast %swap3A_70 : vector<1x1000x128xf32> to vector<1000x128xf32>
    %swap3A_72 = vector.shape_cast %exp3A : vector<1000x128xf32> to vector<1x1000x128xf32>
    tpu.vector_store %arg10[%swap3A_67, %swap3A_68, %swap3A_69], %swap3A_72 {strides = array<i32>} : memref<2x1000x128xf32, #tpu.memory_space<vmem>>, vector<1x1000x128xf32>,
    %mul3A_73 = arith.mulf %exp3A, %add3A_66 : vector<1000x128xf32>
    %swap3A_74 = arith.constant 1 : index
    %swap3A_75 = arith.constant 0 : index
    %swap3A_76 = arith.constant 0 : index
    %swap3A_77 = vector.load %arg10[%swap3A_74, %swap3A_75, %swap3A_76] : memref<2x1000x128xf32, #tpu.memory_space<vmem>>, vector<1x1000x128xf32>
    %swap3A_78 = vector.shape_cast %swap3A_77 : vector<1x1000x128xf32> to vector<1000x128xf32>
    %swap3A_79 = vector.shape_cast %mul3A_73 : vector<1000x128xf32> to vector<1x1000x128xf32>
    tpu.vector_store %arg10[%swap3A_74, %swap3A_75, %swap3A_76], %swap3A_79 {strides = array<i32>} : memref<2x1000x128xf32, #tpu.memory_space<vmem>>, vector<1x1000x128xf32>,
    return
  }
  func.func @transform_0(%arg0: i32) -> (i32, i32, i32) {
    %c0_i32 = arith.constant 0 : i32
    %c0_i32_0 = arith.constant 0 : i32
    %c0_i32_1 = arith.constant 0 : i32
    return %c0_i32, %arg0, %c0_i32_0 : i32, i32, i32
  }
  func.func @transform_1(%arg0: i32) -> (i32, i32) {
    %c0_i32 = arith.constant 0 : i32
    %c0_i32_0 = arith.constant 0 : i32
    return %arg0, %c0_i32 : i32, i32
  }
  func.func @transform_2(%arg0: i32) -> (i32, i32) {
    %c0_i32 = arith.constant 0 : i32
    %c0_i32_0 = arith.constant 0 : i32
    return %arg0, %c0_i32 : i32, i32
  }
  func.func @transform_3(%arg0: i32) -> (i32, i32) {
    %c0_i32 = arith.constant 0 : i32
    %c0_i32_0 = arith.constant 0 : i32
    %c0_i32_1 = arith.constant 0 : i32
    return %c0_i32, %c0_i32_0 : i32, i32
  }
  func.func @transform_4(%arg0: i32) -> (i32, i32) {
    %c0_i32 = arith.constant 0 : i32
    %c0_i32_0 = arith.constant 0 : i32
    %c0_i32_1 = arith.constant 0 : i32
    return %c0_i32, %c0_i32_0 : i32, i32
  }
  func.func @transform_5(%arg0: i32) -> (i32, i32) {
    %c0_i32 = arith.constant 0 : i32
    %c0_i32_0 = arith.constant 0 : i32
    %c0_i32_1 = arith.constant 0 : i32
    return %c0_i32, %c0_i32_0 : i32, i32
  }
  func.func @transform_6(%arg0: i32) -> (i32, i32) {
    %c0_i32 = arith.constant 0 : i32
    %c0_i32_0 = arith.constant 0 : i32
    %c0_i32_1 = arith.constant 0 : i32
    return %c0_i32, %c0_i32_0 : i32, i32
  }
  func.func @transform_7(%arg0: i32) -> (i32, i32) {
    %c0_i32 = arith.constant 0 : i32
    %c0_i32_0 = arith.constant 0 : i32
    return %arg0, %c0_i32 : i32, i32
  }
  func.func @transform_8(%arg0: i32) -> (i32, i32) {
    %c0_i32 = arith.constant 0 : i32
    %c0_i32_0 = arith.constant 0 : i32
    return %arg0, %c0_i32 : i32, i32
  }
  func.func @transform_9(%arg0: i32) -> (i32, i32, i32) {
    %c0_i32 = arith.constant 0 : i32
    %c0_i32_0 = arith.constant 0 : i32
    %c0_i32_1 = arith.constant 0 : i32
    return %c0_i32, %arg0, %c0_i32_0 : i32, i32, i32
  }
}

module attributes {stable_mosaic.version = 14 : i64} {
  func.func @_mid_body(%arg0: i32, %arg1: memref<2x1000x128xf32, #tpu.memory_space<vmem>>, %arg2: memref<1000x128xf32, #tpu.memory_space<vmem>>, %arg3: memref<1000x128xf32, #tpu.memory_space<vmem>>, %arg4: memref<128x128xf32, #tpu.memory_space<vmem>>, %arg5: memref<1x128xf32, #tpu.memory_space<vmem>>, %arg6: memref<1x128xf32, #tpu.memory_space<vmem>>, %arg7: memref<1x128xf32, #tpu.memory_space<vmem>>, %arg8: memref<1000x128xf32, #tpu.memory_space<vmem>>, %arg9: memref<1000x128xf32, #tpu.memory_space<vmem>>, %arg10: memref<2x1000x128xf32, #tpu.memory_space<vmem>>) attributes {dimension_semantics = [#tpu.dimension_semantics<arbitrary>], iteration_bounds = array<i64: 10>, scalar_prefetch = 0 : i64, scratch_operands = 0 : i64, tpu.core_type = #tpu.core_type<tc>, window_params = [{transform_indices = @transform_0, window_bounds = array<i64: 2, 1000, 128>}, {transform_indices = @transform_1, window_bounds = array<i64: 1000, 128>}, {transform_indices = @transform_2, window_bounds = array<i64: 1000, 128>}, {pipeline_mode = #tpu.pipeline_mode<synchronous>, transform_indices = @transform_3, window_bounds = array<i64: 128, 128>}, {pipeline_mode = #tpu.pipeline_mode<synchronous>, transform_indices = @transform_4, window_bounds = array<i64: 1, 128>}, {pipeline_mode = #tpu.pipeline_mode<synchronous>, transform_indices = @transform_5, window_bounds = array<i64: 1, 128>}, {pipeline_mode = #tpu.pipeline_mode<synchronous>, transform_indices = @transform_6, window_bounds = array<i64: 1, 128>}, {transform_indices = @transform_7, window_bounds = array<i64: 1000, 128>}, {transform_indices = @transform_8, window_bounds = array<i64: 1000, 128>}, {transform_indices = @transform_9, window_bounds = array<i64: 2, 1000, 128>}]} {
    %get3A = arith.constant 1 : index
    %get3A_0 = arith.constant 0 : index
    %get3A_1 = arith.constant 0 : index
    %get3A_2 = vector.load %arg1[%get3A, %get3A_0, %get3A_1] : memref<2x1000x128xf32, #tpu.memory_space<vmem>>, vector<1x1000x128xf32>
    %get3A_3 = vector.shape_cast %get3A_2 : vector<1x1000x128xf32> to vector<1000x128xf32>
    %get3A_4 = arith.constant 0 : index
    %get3A_5 = arith.constant 0 : index
    %get3A_6 = arith.constant 0 : index
    %get3A_7 = vector.load %arg1[%get3A_4, %get3A_5, %get3A_6] : memref<2x1000x128xf32, #tpu.memory_space<vmem>>, vector<1x1000x128xf32>
    %get3A_8 = vector.shape_cast %get3A_7 : vector<1x1000x128xf32> to vector<1000x128xf32>
    %add3A = arith.constant 1.000000e-16 : f32
    %add3A_9 = vector.broadcast %add3A : f32 to vector<1000x128xf32>
    %add3A_10 = arith.addf %get3A_8, %add3A_9 : vector<1000x128xf32>
    %div3A = arith.divf %get3A_3, %add3A_10 : vector<1000x128xf32>
    %get3A_11 = arith.constant 0 : index
    %get3A_12 = arith.constant 0 : index
    %get3A_13 = vector.load %arg2[%get3A_11, %get3A_12] : memref<1000x128xf32, #tpu.memory_space<vmem>>, vector<1000x128xf32>
    %add3A_14 = arith.addf %get3A_13, %div3A : vector<1000x128xf32>
    %get3A_15 = arith.constant 0 : index
    %get3A_16 = arith.constant 0 : index
    %get3A_17 = vector.load %arg4[%get3A_15, %get3A_16] : memref<128x128xf32, #tpu.memory_space<vmem>>, vector<128x128xf32>
    %dot_general3A = arith.constant dense<0.000000e+00> : vector<1000x128xf32>
    %dot_general3A_18 = tpu.matmul %add3A_14, %get3A_17, %dot_general3A {dimension_numbers = #tpu.dot_dimension_numbers<[1], [0], [0], [1], [0, 0, 1, 1], [], []>, transpose_lhs_hint = false} : vector<1000x128xf32>, vector<128x128xf32>, vector<1000x128xf32> -> vector<1000x128xf32>
    %get3A_19 = arith.constant 0 : index
    %get3A_20 = arith.constant 0 : index
    %get3A_21 = vector.load %arg5[%get3A_19, %get3A_20] : memref<1x128xf32, #tpu.memory_space<vmem>>, vector<1x128xf32>
    %add3A_22 = vector.broadcast %get3A_21 : vector<1x128xf32> to vector<1000x128xf32>
    %add3A_23 = arith.addf %dot_general3A_18, %add3A_22 : vector<1000x128xf32>
    %get3A_24 = arith.constant 0 : index
    %get3A_25 = arith.constant 0 : index
    %get3A_26 = vector.load %arg3[%get3A_24, %get3A_25] : memref<1000x128xf32, #tpu.memory_space<vmem>>, vector<1000x128xf32>
    %add3A_27 = arith.addf %add3A_23, %get3A_26 : vector<1000x128xf32>
    %swap3A = arith.constant 0 : index
    %swap3A_28 = arith.constant 0 : index
    %swap3A_29 = vector.load %arg8[%swap3A, %swap3A_28] : memref<1000x128xf32, #tpu.memory_space<vmem>>, vector<1000x128xf32>
    tpu.vector_store %arg8[%swap3A, %swap3A_28], %add3A_27 {strides = array<i32>} : memref<1000x128xf32, #tpu.memory_space<vmem>>, vector<1000x128xf32>,
    %get3A_30 = arith.constant 0 : index
    %get3A_31 = arith.constant 0 : index
    %get3A_32 = vector.load %arg6[%get3A_30, %get3A_31] : memref<1x128xf32, #tpu.memory_space<vmem>>, vector<1x128xf32>
    %get3A_33 = arith.constant 0 : index
    %get3A_34 = arith.constant 0 : index
    %get3A_35 = vector.load %arg7[%get3A_33, %get3A_34] : memref<1x128xf32, #tpu.memory_space<vmem>>, vector<1x128xf32>
    %reduce_sum3A = arith.constant dense<0.000000e+00> : vector<1000xf32>
    %reduce_sum3A_36 = vector.multi_reduction <add>, %add3A_27, %reduce_sum3A [1] : vector<1000x128xf32> to vector<1000xf32>
    %broadcast_in_dim3A = vector.shape_cast %reduce_sum3A_36 : vector<1000xf32> to vector<1000x1xf32>
    %div3A_37 = arith.constant 1.280000e+02 : f32
    %div3A_38 = vector.broadcast %div3A_37 : f32 to vector<1000x1xf32>
    %div3A_39 = arith.divf %broadcast_in_dim3A, %div3A_38 : vector<1000x1xf32>
    %sub3A = vector.broadcast %div3A_39 : vector<1000x1xf32> to vector<1000x128xf32>
    %sub3A_40 = arith.subf %add3A_27, %sub3A : vector<1000x128xf32>
    %sub3A_41 = vector.broadcast %div3A_39 : vector<1000x1xf32> to vector<1000x128xf32>
    %sub3A_42 = arith.subf %add3A_27, %sub3A_41 : vector<1000x128xf32>
    %mul3A = arith.mulf %sub3A_40, %sub3A_42 : vector<1000x128xf32>
    %reduce_sum3A_43 = arith.constant dense<0.000000e+00> : vector<1000xf32>
    %reduce_sum3A_44 = vector.multi_reduction <add>, %mul3A, %reduce_sum3A_43 [1] : vector<1000x128xf32> to vector<1000xf32>
    %broadcast_in_dim3A_45 = vector.shape_cast %reduce_sum3A_44 : vector<1000xf32> to vector<1000x1xf32>
    %div3A_46 = arith.constant 1.280000e+02 : f32
    %div3A_47 = vector.broadcast %div3A_46 : f32 to vector<1000x1xf32>
    %div3A_48 = arith.divf %broadcast_in_dim3A_45, %div3A_47 : vector<1000x1xf32>
    %sub3A_49 = vector.broadcast %div3A_39 : vector<1000x1xf32> to vector<1000x128xf32>
    %sub3A_50 = arith.subf %add3A_27, %sub3A_49 : vector<1000x128xf32>
    %add3A_51 = arith.constant 9.99999974E-6 : f32
    %add3A_52 = vector.broadcast %add3A_51 : f32 to vector<1000x1xf32>
    %add3A_53 = arith.addf %div3A_48, %add3A_52 : vector<1000x1xf32>
    %sqrt3A = math.sqrt %add3A_53 : vector<1000x1xf32>
    %div3A_54 = vector.broadcast %sqrt3A : vector<1000x1xf32> to vector<1000x128xf32>
    %div3A_55 = arith.divf %sub3A_50, %div3A_54 : vector<1000x128xf32>
    %mul3A_56 = vector.broadcast %get3A_32 : vector<1x128xf32> to vector<1000x128xf32>
    %mul3A_57 = arith.mulf %div3A_55, %mul3A_56 : vector<1000x128xf32>
    %add3A_58 = vector.broadcast %get3A_35 : vector<1x128xf32> to vector<1000x128xf32>
    %add3A_59 = arith.addf %mul3A_57, %add3A_58 : vector<1000x128xf32>
    %max3A = arith.constant 0.000000e+00 : f32
    %max3A_60 = vector.broadcast %max3A : f32 to vector<1000x128xf32>
    %max3A_61 = arith.maximumf %add3A_59, %max3A_60 : vector<1000x128xf32>
    %swap3A_62 = arith.constant 0 : index
    %swap3A_63 = arith.constant 0 : index
    %swap3A_64 = vector.load %arg9[%swap3A_62, %swap3A_63] : memref<1000x128xf32, #tpu.memory_space<vmem>>, vector<1000x128xf32>
    tpu.vector_store %arg9[%swap3A_62, %swap3A_63], %max3A_61 {strides = array<i32>} : memref<1000x128xf32, #tpu.memory_space<vmem>>, vector<1000x128xf32>,
    %max3A_65 = arith.constant 0.000000e+00 : f32
    %max3A_66 = vector.broadcast %max3A_65 : f32 to vector<1000x128xf32>
    %max3A_67 = arith.maximumf %max3A_61, %max3A_66 : vector<1000x128xf32>
    %add3A_68 = arith.constant 1.000000e-07 : f32
    %add3A_69 = vector.broadcast %add3A_68 : f32 to vector<1000x128xf32>
    %add3A_70 = arith.addf %max3A_67, %add3A_69 : vector<1000x128xf32>
    %exp3A = math.exp %add3A_70 : vector<1000x128xf32>
    %swap3A_71 = arith.constant 0 : index
    %swap3A_72 = arith.constant 0 : index
    %swap3A_73 = arith.constant 0 : index
    %swap3A_74 = vector.load %arg10[%swap3A_71, %swap3A_72, %swap3A_73] : memref<2x1000x128xf32, #tpu.memory_space<vmem>>, vector<1x1000x128xf32>
    %swap3A_75 = vector.shape_cast %swap3A_74 : vector<1x1000x128xf32> to vector<1000x128xf32>
    %swap3A_76 = vector.shape_cast %exp3A : vector<1000x128xf32> to vector<1x1000x128xf32>
    tpu.vector_store %arg10[%swap3A_71, %swap3A_72, %swap3A_73], %swap3A_76 {strides = array<i32>} : memref<2x1000x128xf32, #tpu.memory_space<vmem>>, vector<1x1000x128xf32>,
    %mul3A_77 = arith.mulf %exp3A, %add3A_70 : vector<1000x128xf32>
    %swap3A_78 = arith.constant 1 : index
    %swap3A_79 = arith.constant 0 : index
    %swap3A_80 = arith.constant 0 : index
    %swap3A_81 = vector.load %arg10[%swap3A_78, %swap3A_79, %swap3A_80] : memref<2x1000x128xf32, #tpu.memory_space<vmem>>, vector<1x1000x128xf32>
    %swap3A_82 = vector.shape_cast %swap3A_81 : vector<1x1000x128xf32> to vector<1000x128xf32>
    %swap3A_83 = vector.shape_cast %mul3A_77 : vector<1000x128xf32> to vector<1x1000x128xf32>
    tpu.vector_store %arg10[%swap3A_78, %swap3A_79, %swap3A_80], %swap3A_83 {strides = array<i32>} : memref<2x1000x128xf32, #tpu.memory_space<vmem>>, vector<1x1000x128xf32>,
    return
  }
  func.func @transform_0(%arg0: i32) -> (i32, i32, i32) {
    %c0_i32 = arith.constant 0 : i32
    %c0_i32_0 = arith.constant 0 : i32
    %c0_i32_1 = arith.constant 0 : i32
    return %c0_i32, %arg0, %c0_i32_0 : i32, i32, i32
  }
  func.func @transform_1(%arg0: i32) -> (i32, i32) {
    %c0_i32 = arith.constant 0 : i32
    %c0_i32_0 = arith.constant 0 : i32
    return %arg0, %c0_i32 : i32, i32
  }
  func.func @transform_2(%arg0: i32) -> (i32, i32) {
    %c0_i32 = arith.constant 0 : i32
    %c0_i32_0 = arith.constant 0 : i32
    return %arg0, %c0_i32 : i32, i32
  }
  func.func @transform_3(%arg0: i32) -> (i32, i32) {
    %c0_i32 = arith.constant 0 : i32
    %c0_i32_0 = arith.constant 0 : i32
    %c0_i32_1 = arith.constant 0 : i32
    return %c0_i32, %c0_i32_0 : i32, i32
  }
  func.func @transform_4(%arg0: i32) -> (i32, i32) {
    %c0_i32 = arith.constant 0 : i32
    %c0_i32_0 = arith.constant 0 : i32
    %c0_i32_1 = arith.constant 0 : i32
    return %c0_i32, %c0_i32_0 : i32, i32
  }
  func.func @transform_5(%arg0: i32) -> (i32, i32) {
    %c0_i32 = arith.constant 0 : i32
    %c0_i32_0 = arith.constant 0 : i32
    %c0_i32_1 = arith.constant 0 : i32
    return %c0_i32, %c0_i32_0 : i32, i32
  }
  func.func @transform_6(%arg0: i32) -> (i32, i32) {
    %c0_i32 = arith.constant 0 : i32
    %c0_i32_0 = arith.constant 0 : i32
    %c0_i32_1 = arith.constant 0 : i32
    return %c0_i32, %c0_i32_0 : i32, i32
  }
  func.func @transform_7(%arg0: i32) -> (i32, i32) {
    %c0_i32 = arith.constant 0 : i32
    %c0_i32_0 = arith.constant 0 : i32
    return %arg0, %c0_i32 : i32, i32
  }
  func.func @transform_8(%arg0: i32) -> (i32, i32) {
    %c0_i32 = arith.constant 0 : i32
    %c0_i32_0 = arith.constant 0 : i32
    return %arg0, %c0_i32 : i32, i32
  }
  func.func @transform_9(%arg0: i32) -> (i32, i32, i32) {
    %c0_i32 = arith.constant 0 : i32
    %c0_i32_0 = arith.constant 0 : i32
    %c0_i32_1 = arith.constant 0 : i32
    return %c0_i32, %arg0, %c0_i32_0 : i32, i32, i32
  }
}

module attributes {stable_mosaic.version = 14 : i64} {
  func.func @_fin_body(%arg0: i32, %arg1: memref<2x1000x128xf32, #tpu.memory_space<vmem>>, %arg2: memref<1000x128xf32, #tpu.memory_space<vmem>>, %arg3: memref<1000x128xf32, #tpu.memory_space<vmem>>, %arg4: memref<128x128xf32, #tpu.memory_space<vmem>>, %arg5: memref<1x128xf32, #tpu.memory_space<vmem>>, %arg6: memref<1x128xf32, #tpu.memory_space<vmem>>, %arg7: memref<1x128xf32, #tpu.memory_space<vmem>>, %arg8: memref<128x40xf32, #tpu.memory_space<vmem>>, %arg9: memref<1x40xf32, #tpu.memory_space<vmem>>, %arg10: memref<1000x40xf32, #tpu.memory_space<vmem>>) attributes {dimension_semantics = [#tpu.dimension_semantics<arbitrary>], iteration_bounds = array<i64: 10>, scalar_prefetch = 0 : i64, scratch_operands = 0 : i64, tpu.core_type = #tpu.core_type<tc>, window_params = [{transform_indices = @transform_0, window_bounds = array<i64: 2, 1000, 128>}, {transform_indices = @transform_1, window_bounds = array<i64: 1000, 128>}, {transform_indices = @transform_2, window_bounds = array<i64: 1000, 128>}, {pipeline_mode = #tpu.pipeline_mode<synchronous>, transform_indices = @transform_3, window_bounds = array<i64: 128, 128>}, {pipeline_mode = #tpu.pipeline_mode<synchronous>, transform_indices = @transform_4, window_bounds = array<i64: 1, 128>}, {pipeline_mode = #tpu.pipeline_mode<synchronous>, transform_indices = @transform_5, window_bounds = array<i64: 1, 128>}, {pipeline_mode = #tpu.pipeline_mode<synchronous>, transform_indices = @transform_6, window_bounds = array<i64: 1, 128>}, {pipeline_mode = #tpu.pipeline_mode<synchronous>, transform_indices = @transform_7, window_bounds = array<i64: 128, 40>}, {pipeline_mode = #tpu.pipeline_mode<synchronous>, transform_indices = @transform_8, window_bounds = array<i64: 1, 40>}, {transform_indices = @transform_9, window_bounds = array<i64: 1000, 40>}]} {
    %get3A = arith.constant 1 : index
    %get3A_0 = arith.constant 0 : index
    %get3A_1 = arith.constant 0 : index
    %get3A_2 = vector.load %arg1[%get3A, %get3A_0, %get3A_1] : memref<2x1000x128xf32, #tpu.memory_space<vmem>>, vector<1x1000x128xf32>
    %get3A_3 = vector.shape_cast %get3A_2 : vector<1x1000x128xf32> to vector<1000x128xf32>
    %get3A_4 = arith.constant 0 : index
    %get3A_5 = arith.constant 0 : index
    %get3A_6 = arith.constant 0 : index
    %get3A_7 = vector.load %arg1[%get3A_4, %get3A_5, %get3A_6] : memref<2x1000x128xf32, #tpu.memory_space<vmem>>, vector<1x1000x128xf32>
    %get3A_8 = vector.shape_cast %get3A_7 : vector<1x1000x128xf32> to vector<1000x128xf32>
    %add3A = arith.constant 1.000000e-16 : f32
    %add3A_9 = vector.broadcast %add3A : f32 to vector<1000x128xf32>
    %add3A_10 = arith.addf %get3A_8, %add3A_9 : vector<1000x128xf32>
    %div3A = arith.divf %get3A_3, %add3A_10 : vector<1000x128xf32>
    %get3A_11 = arith.constant 0 : index
    %get3A_12 = arith.constant 0 : index
    %get3A_13 = vector.load %arg2[%get3A_11, %get3A_12] : memref<1000x128xf32, #tpu.memory_space<vmem>>, vector<1000x128xf32>
    %add3A_14 = arith.addf %get3A_13, %div3A : vector<1000x128xf32>
    %get3A_15 = arith.constant 0 : index
    %get3A_16 = arith.constant 0 : index
    %get3A_17 = vector.load %arg4[%get3A_15, %get3A_16] : memref<128x128xf32, #tpu.memory_space<vmem>>, vector<128x128xf32>
    %dot_general3A = arith.constant dense<0.000000e+00> : vector<1000x128xf32>
    %dot_general3A_18 = tpu.matmul %add3A_14, %get3A_17, %dot_general3A {dimension_numbers = #tpu.dot_dimension_numbers<[1], [0], [0], [1], [0, 0, 1, 1], [], []>, transpose_lhs_hint = false} : vector<1000x128xf32>, vector<128x128xf32>, vector<1000x128xf32> -> vector<1000x128xf32>
    %get3A_19 = arith.constant 0 : index
    %get3A_20 = arith.constant 0 : index
    %get3A_21 = vector.load %arg5[%get3A_19, %get3A_20] : memref<1x128xf32, #tpu.memory_space<vmem>>, vector<1x128xf32>
    %add3A_22 = vector.broadcast %get3A_21 : vector<1x128xf32> to vector<1000x128xf32>
    %add3A_23 = arith.addf %dot_general3A_18, %add3A_22 : vector<1000x128xf32>
    %get3A_24 = arith.constant 0 : index
    %get3A_25 = arith.constant 0 : index
    %get3A_26 = vector.load %arg3[%get3A_24, %get3A_25] : memref<1000x128xf32, #tpu.memory_space<vmem>>, vector<1000x128xf32>
    %add3A_27 = arith.addf %add3A_23, %get3A_26 : vector<1000x128xf32>
    %get3A_28 = arith.constant 0 : index
    %get3A_29 = arith.constant 0 : index
    %get3A_30 = vector.load %arg6[%get3A_28, %get3A_29] : memref<1x128xf32, #tpu.memory_space<vmem>>, vector<1x128xf32>
    %get3A_31 = arith.constant 0 : index
    %get3A_32 = arith.constant 0 : index
    %get3A_33 = vector.load %arg7[%get3A_31, %get3A_32] : memref<1x128xf32, #tpu.memory_space<vmem>>, vector<1x128xf32>
    %reduce_sum3A = arith.constant dense<0.000000e+00> : vector<1000xf32>
    %reduce_sum3A_34 = vector.multi_reduction <add>, %add3A_27, %reduce_sum3A [1] : vector<1000x128xf32> to vector<1000xf32>
    %broadcast_in_dim3A = vector.shape_cast %reduce_sum3A_34 : vector<1000xf32> to vector<1000x1xf32>
    %div3A_35 = arith.constant 1.280000e+02 : f32
    %div3A_36 = vector.broadcast %div3A_35 : f32 to vector<1000x1xf32>
    %div3A_37 = arith.divf %broadcast_in_dim3A, %div3A_36 : vector<1000x1xf32>
    %sub3A = vector.broadcast %div3A_37 : vector<1000x1xf32> to vector<1000x128xf32>
    %sub3A_38 = arith.subf %add3A_27, %sub3A : vector<1000x128xf32>
    %sub3A_39 = vector.broadcast %div3A_37 : vector<1000x1xf32> to vector<1000x128xf32>
    %sub3A_40 = arith.subf %add3A_27, %sub3A_39 : vector<1000x128xf32>
    %mul3A = arith.mulf %sub3A_38, %sub3A_40 : vector<1000x128xf32>
    %reduce_sum3A_41 = arith.constant dense<0.000000e+00> : vector<1000xf32>
    %reduce_sum3A_42 = vector.multi_reduction <add>, %mul3A, %reduce_sum3A_41 [1] : vector<1000x128xf32> to vector<1000xf32>
    %broadcast_in_dim3A_43 = vector.shape_cast %reduce_sum3A_42 : vector<1000xf32> to vector<1000x1xf32>
    %div3A_44 = arith.constant 1.280000e+02 : f32
    %div3A_45 = vector.broadcast %div3A_44 : f32 to vector<1000x1xf32>
    %div3A_46 = arith.divf %broadcast_in_dim3A_43, %div3A_45 : vector<1000x1xf32>
    %sub3A_47 = vector.broadcast %div3A_37 : vector<1000x1xf32> to vector<1000x128xf32>
    %sub3A_48 = arith.subf %add3A_27, %sub3A_47 : vector<1000x128xf32>
    %add3A_49 = arith.constant 9.99999974E-6 : f32
    %add3A_50 = vector.broadcast %add3A_49 : f32 to vector<1000x1xf32>
    %add3A_51 = arith.addf %div3A_46, %add3A_50 : vector<1000x1xf32>
    %sqrt3A = math.sqrt %add3A_51 : vector<1000x1xf32>
    %div3A_52 = vector.broadcast %sqrt3A : vector<1000x1xf32> to vector<1000x128xf32>
    %div3A_53 = arith.divf %sub3A_48, %div3A_52 : vector<1000x128xf32>
    %mul3A_54 = vector.broadcast %get3A_30 : vector<1x128xf32> to vector<1000x128xf32>
    %mul3A_55 = arith.mulf %div3A_53, %mul3A_54 : vector<1000x128xf32>
    %add3A_56 = vector.broadcast %get3A_33 : vector<1x128xf32> to vector<1000x128xf32>
    %add3A_57 = arith.addf %mul3A_55, %add3A_56 : vector<1000x128xf32>
    %max3A = arith.constant 0.000000e+00 : f32
    %max3A_58 = vector.broadcast %max3A : f32 to vector<1000x128xf32>
    %max3A_59 = arith.maximumf %add3A_57, %max3A_58 : vector<1000x128xf32>
    %get3A_60 = arith.constant 0 : index
    %get3A_61 = arith.constant 0 : index
    %get3A_62 = vector.load %arg8[%get3A_60, %get3A_61] : memref<128x40xf32, #tpu.memory_space<vmem>>, vector<128x40xf32>
    %dot_general3A_63 = arith.constant dense<0.000000e+00> : vector<1000x40xf32>
    %dot_general3A_64 = tpu.matmul %max3A_59, %get3A_62, %dot_general3A_63 {dimension_numbers = #tpu.dot_dimension_numbers<[1], [0], [0], [1], [0, 0, 1, 1], [], []>, transpose_lhs_hint = false} : vector<1000x128xf32>, vector<128x40xf32>, vector<1000x40xf32> -> vector<1000x40xf32>
    %get3A_65 = arith.constant 0 : index
    %get3A_66 = arith.constant 0 : index
    %get3A_67 = vector.load %arg9[%get3A_65, %get3A_66] : memref<1x40xf32, #tpu.memory_space<vmem>>, vector<1x40xf32>
    %add3A_68 = vector.broadcast %get3A_67 : vector<1x40xf32> to vector<1000x40xf32>
    %add3A_69 = arith.addf %dot_general3A_64, %add3A_68 : vector<1000x40xf32>
    %reduce_max3A = arith.constant dense<0xFF800000> : vector<1000xf32>
    %reduce_max3A_70 = vector.multi_reduction <maximumf>, %add3A_69, %reduce_max3A [1] : vector<1000x40xf32> to vector<1000xf32>
    %broadcast_in_dim3A_71 = vector.shape_cast %reduce_max3A_70 : vector<1000xf32> to vector<1000x1xf32>
    %sub3A_72 = vector.broadcast %broadcast_in_dim3A_71 : vector<1000x1xf32> to vector<1000x40xf32>
    %sub3A_73 = arith.subf %add3A_69, %sub3A_72 : vector<1000x40xf32>
    %exp3A = math.exp %sub3A_73 : vector<1000x40xf32>
    %reduce_sum3A_74 = arith.constant dense<0.000000e+00> : vector<1000xf32>
    %reduce_sum3A_75 = vector.multi_reduction <add>, %exp3A, %reduce_sum3A_74 [1] : vector<1000x40xf32> to vector<1000xf32>
    %broadcast_in_dim3A_76 = vector.shape_cast %reduce_sum3A_75 : vector<1000xf32> to vector<1000x1xf32>
    %log3A = math.log %broadcast_in_dim3A_76 : vector<1000x1xf32>
    %sub3A_77 = vector.broadcast %log3A : vector<1000x1xf32> to vector<1000x40xf32>
    %sub3A_78 = arith.subf %sub3A_73, %sub3A_77 : vector<1000x40xf32>
    %swap3A = arith.constant 0 : index
    %swap3A_79 = arith.constant 0 : index
    %swap3A_80 = vector.load %arg10[%swap3A, %swap3A_79] : memref<1000x40xf32, #tpu.memory_space<vmem>>, vector<1000x40xf32>
    tpu.vector_store %arg10[%swap3A, %swap3A_79], %sub3A_78 {strides = array<i32>} : memref<1000x40xf32, #tpu.memory_space<vmem>>, vector<1000x40xf32>,
    return
  }
  func.func @transform_0(%arg0: i32) -> (i32, i32, i32) {
    %c0_i32 = arith.constant 0 : i32
    %c0_i32_0 = arith.constant 0 : i32
    %c0_i32_1 = arith.constant 0 : i32
    return %c0_i32, %arg0, %c0_i32_0 : i32, i32, i32
  }
  func.func @transform_1(%arg0: i32) -> (i32, i32) {
    %c0_i32 = arith.constant 0 : i32
    %c0_i32_0 = arith.constant 0 : i32
    return %arg0, %c0_i32 : i32, i32
  }
  func.func @transform_2(%arg0: i32) -> (i32, i32) {
    %c0_i32 = arith.constant 0 : i32
    %c0_i32_0 = arith.constant 0 : i32
    return %arg0, %c0_i32 : i32, i32
  }
  func.func @transform_3(%arg0: i32) -> (i32, i32) {
    %c0_i32 = arith.constant 0 : i32
    %c0_i32_0 = arith.constant 0 : i32
    %c0_i32_1 = arith.constant 0 : i32
    return %c0_i32, %c0_i32_0 : i32, i32
  }
  func.func @transform_4(%arg0: i32) -> (i32, i32) {
    %c0_i32 = arith.constant 0 : i32
    %c0_i32_0 = arith.constant 0 : i32
    %c0_i32_1 = arith.constant 0 : i32
    return %c0_i32, %c0_i32_0 : i32, i32
  }
  func.func @transform_5(%arg0: i32) -> (i32, i32) {
    %c0_i32 = arith.constant 0 : i32
    %c0_i32_0 = arith.constant 0 : i32
    %c0_i32_1 = arith.constant 0 : i32
    return %c0_i32, %c0_i32_0 : i32, i32
  }
  func.func @transform_6(%arg0: i32) -> (i32, i32) {
    %c0_i32 = arith.constant 0 : i32
    %c0_i32_0 = arith.constant 0 : i32
    %c0_i32_1 = arith.constant 0 : i32
    return %c0_i32, %c0_i32_0 : i32, i32
  }
  func.func @transform_7(%arg0: i32) -> (i32, i32) {
    %c0_i32 = arith.constant 0 : i32
    %c0_i32_0 = arith.constant 0 : i32
    %c0_i32_1 = arith.constant 0 : i32
    return %c0_i32, %c0_i32_0 : i32, i32
  }
  func.func @transform_8(%arg0: i32) -> (i32, i32) {
    %c0_i32 = arith.constant 0 : i32
    %c0_i32_0 = arith.constant 0 : i32
    %c0_i32_1 = arith.constant 0 : i32
    return %c0_i32, %c0_i32_0 : i32, i32
  }
  func.func @transform_9(%arg0: i32) -> (i32, i32) {
    %c0_i32 = arith.constant 0 : i32
    %c0_i32_0 = arith.constant 0 : i32
    return %arg0, %c0_i32 : i32, i32
  }
}

</mosaic_0001>

<sc_bundles>
// kernel: kernel.17.cloned.1.call-start
scs
__scs_entry_jumppad:
0x0: {  	(pc) =	sbr.rel $0x88, $3  }
0x1: {  	(tag) =	ssettag $0x0;
	lr =	simm.s32 $0x1  }
0x2: {  	[smem:$0x3F97] =	sst lr;
	_ =	strace $0xD0000000  }
0x3: {  	_ = 	snop  }
0x4: {  	_ = 	snop  }
0x5: {  	_ = 	snop  }
0x6: {  	_ = 	snop  }
0x7: {  	_ = 	snop  }
__scs_overlays_trampoline_lowered:
0x8: {  	[smem:$0x3FA6] =	sst s0  }
0x9: {  	[smem:$0x3FA7] =	sst s1  }
0xa: {  	[smem:$0x3FA8] =	sst s2  }
0xb: {  	[smem:$0x3FA9] =	sst s3  }
0xc: {  	[smem:$0x3FAA] =	sst s4  }
0xd: {  	[smem:$0x3FAB] =	sst s5  }
0xe: {  	[smem:$0x3FAC] =	sst s6  }
0xf: {  	[smem:$0x3FAD] =	sst s7  }
0x10: {  	[smem:$0x3FAE] =	sst s8  }
0x11: {  	[smem:$0x3FAF] =	sst s9;
	s0 =	simm.s32 @!p0 $0x0  }
0x12: {  	s1 =	sld [smem:$0x3F95];
	s0 =	simm.s32 @p0 $0x1  }
0x13: {  	[smem:$0x3FB0] =	sst s0;
	s0 =	simm.s32 @!p1 $0x0  }
0x14: {  	s2 =	sld [smem:$0x3F94];
	s0 =	simm.s32 @p1 $0x1  }
0x15: {  	[smem:$0x3FB1] =	sst s0;
	s0 =	simm.s32 @!p2 $0x0  }
0x16: {  	s3 =	sld [smem:$0x3FDB];
	s0 =	simm.s32 @p2 $0x1  }
0x17: {  	s4 =	simm.s32 $0x1BF5;
	[smem:$0x3FB3] =	sst s0  }
0x18: {  	s0 =	sld [smem:$0x3F96];
	_ =	swait.ge [sflag:s4], $0x0  }
0x19: {  	s7 =	sld [smem:$0x3F97]  }
0x1a: {  	s8 =	sadd.s32 $0xFFFFE003, lr  }
0x1b: {  	s9 =	sadd.s32 $0xFFFFFEF7, lr;
	s5 =	simm.s32 $0xFFFFFFFF;
	p2 =	slt.u32 s8, $0xFFFFF086  }
0x1c: {  	p1 =	slt.u32 s9, $0xF7A;
	s5 =	simm.s32 @!p2 $0x0  }
0x1d: {  	s5 =	simm.s32 @p1 $0x1;
	p0 =	seq.s32 s7, s2  }
0x1e: {  	s7 =	smul.u32 @!p0 $0xF7A, s2;
	p2 =	seq.s32 @!p0 s5, $0x0  }
0x1f: {  	s9 =	smul.u32 $0xF7A, s1;
	s8 =	simm.s32 @!p0 $0x1BF5;
	p2 =	por !p2, p0  }
0x20: {  	[sflag:s8] =	ssyncset.s32 @!p0 $0xFFFFF086;
	s6 =	sadd.s32 @!p0 s3, s7;
	s7 =	simm.s32 @!p0 $0x108  }
0x21: {  	s3 =	sadd.s32 s3, s9;
	s6 =	sadd.s32 @!p0 $0x88, s6;
	s7 =	simm.s32 @p2 $0x1082  }
0x22: {  	[simem:s7], [sflag:s8] =	dma.local @!p0 [hbm:s6], $0xF7A  }
0x23: {  	s9 =	sor.u32 $0xD0000000, s2;
	s6 =	simm.s32 $0x108;
	_ =	swait.ge @!p0 [sflag:s8], $0x0  }
0x24: {  	s3 =	sadd.s32 $0x88, s3;
	s6 =	simm.s32 @!p1 $0x1082;
	[sflag:s4] =	ssyncset.s32 $0xFFFFF086  }
0x25: {  	[simem:s6], [sflag:s4] =	dma.local [hbm:s3], $0xF7A  }
0x26: {  	[smem:$0x3F97] =	sst s1;
	(tag) =	ssettag s2;
	_ =	strace s9  }
0x27: {  	s1 =	sld [smem:$0x3FA7]  }
0x28: {  	s2 =	sld [smem:$0x3FA8]  }
0x29: {  	s4 =	sld [smem:$0x3FAA]  }
0x2a: {  	p0 =	seq.s32 s5, $0x0;
	s5 =	sld [smem:$0x3FAB]  }
0x2b: {  	s6 =	sld [smem:$0x3FAC]  }
0x2c: {  	s7 =	sld [smem:$0x3FAD]  }
0x2d: {  	s3 =	simm.s32 $0x108;
	s8 =	sld [smem:$0x3FAE]  }
0x2e: {  	s3 =	simm.s32 @!p0 $0x1082;
	s9 =	sld [smem:$0x3FAF]  }
0x2f: {  	lr =	sadd.s32 s0, s3;
	s0 =	sld [smem:$0x3FA6]  }
0x30: {  	s3 =	sld [smem:$0x3FA9]  }
0x31: {  	[smem:$0x3FB2] =	sst s10  }
0x32: {  	s10 =	sld [smem:$0x3FB0];
	_ =	sdelay $0x3  }
0x33: {  	p0 =	seq.s32 s10, $0x1;
	s10 =	sld [smem:$0x3FB2];
	_ =	sdelay $0x3  }
0x34: {  	[smem:$0x3FB2] =	sst s10  }
0x35: {  	s10 =	sld [smem:$0x3FB1];
	_ =	sdelay $0x3  }
0x36: {  	p1 =	seq.s32 s10, $0x1;
	s10 =	sld [smem:$0x3FB2];
	_ =	sdelay $0x3  }
0x37: {  	[smem:$0x3FB2] =	sst s10  }
0x38: {  	s10 =	sld [smem:$0x3FB3]  }
0x39: {  	_ = 	snop;
	(pc) =	sbr.ind lr, $3  }
0x3a: {  	_ = 	snop  }
0x3b: {  	_ = 	snop  }
0x3c: {  	p2 =	seq.s32 s10, $0x1;
	s10 =	sld [smem:$0x3FB2]  }
0x3d: {  	_ =	shalt  }
0x3e: {  	_ =	shalt  }
0x3f: {  	_ =	shalt  }
0x40: {  	_ =	shalt  }
0x41: {  	_ =	shalt  }
0x42: {  	_ =	shalt  }
0x43: {  	_ =	shalt  }
0x44: {  	_ =	shalt  }
0x45: {  	_ =	shalt  }
0x46: {  	_ =	shalt  }
0x47: {  	_ =	shalt  }
0x48: {  	_ =	shalt  }
0x49: {  	_ =	shalt  }
0x4a: {  	_ =	shalt  }
0x4b: {  	_ =	shalt  }
0x4c: {  	_ =	shalt  }
0x4d: {  	_ =	shalt  }
0x4e: {  	_ =	shalt  }
0x4f: {  	_ =	shalt  }
0x50: {  	_ =	shalt  }
0x51: {  	_ =	shalt  }
0x52: {  	_ =	shalt  }
0x53: {  	_ =	shalt  }
0x54: {  	_ =	shalt  }
0x55: {  	_ =	shalt  }
0x56: {  	_ =	shalt  }
0x57: {  	_ =	shalt  }
0x58: {  	_ =	shalt  }
0x59: {  	_ =	shalt  }
0x5a: {  	_ =	shalt  }
0x5b: {  	_ =	shalt  }
0x5c: {  	_ =	shalt  }
0x5d: {  	_ =	shalt  }
0x5e: {  	_ =	shalt  }
0x5f: {  	_ =	shalt  }
0x60: {  	_ =	shalt  }
0x61: {  	_ =	shalt  }
0x62: {  	_ =	shalt  }
0x63: {  	_ =	shalt  }
0x64: {  	_ =	shalt  }
0x65: {  	_ =	shalt  }
0x66: {  	_ =	shalt  }
0x67: {  	_ =	shalt  }
0x68: {  	_ =	shalt  }
0x69: {  	_ =	shalt  }
0x6a: {  	_ =	shalt  }
0x6b: {  	_ =	shalt  }
0x6c: {  	_ =	shalt  }
0x6d: {  	_ =	shalt  }
0x6e: {  	_ =	shalt  }
0x6f: {  	_ =	shalt  }
0x70: {  	_ =	shalt  }
0x71: {  	_ =	shalt  }
0x72: {  	_ =	shalt  }
0x73: {  	_ =	shalt  }
0x74: {  	_ =	shalt  }
0x75: {  	_ =	shalt  }
0x76: {  	_ =	shalt  }
0x77: {  	_ =	shalt  }
0x78: {  	_ =	shalt  }
0x79: {  	_ =	shalt  }
0x7a: {  	_ =	shalt  }
0x7b: {  	_ =	shalt  }
0x7c: {  	_ =	shalt  }
0x7d: {  	_ =	shalt  }
0x7e: {  	_ =	shalt  }
0x7f: {  	_ =	shalt  }
0x80: {  	_ =	shalt  }
0x81: {  	_ =	shalt  }
0x82: {  	_ =	shalt  }
0x83: {  	_ =	shalt  }
0x84: {  	_ =	shalt  }
0x85: {  	_ =	shalt  }
0x86: {  	_ =	shalt  }
0x87: {  	_ =	shalt  }
.Lfunc_end0:
.L_simem_size_0:
called_computation_lowered:
.L_overlay_start_0:
0x88: {  	s2 =	sld [smem:$0x3FD9]  }
0x89: {  	s3 =	sld [smem:$0x3FFE];
	_ =	sdelay $0x1  }
0x8a: {  	s1 =	srdreg.scid  }
0x8b: {  	s0 =	sand.u32 $0x1, s1  }
0x8c: {  	s16 =	sshll.u32 s0, $0xA;
	s2 =	sadd.s32 s3, s2  }
0x8d: {  	s2 =	sadd.s32 s2, s16  }
0x8e: {  	[smem:$0x3FBE] =	sst s2  }
0x8f: {  	_ = 	snop  }
0x90: {  	(tm) =	ssettm $0x1  }
0x91: {  	s17 =	sld [smem:$0x3FFB];
	_ =	sdelay $0x3  }
0x92: {  	_ =	strace s17  }
0x93: {  	s2 =	sld [smem:$0x3FFC];
	_ =	sdelay $0x3  }
0x94: {  	_ =	strace s2  }
0x95: {  	s2 =	sld [smem:$0x3FFD];
	_ =	sdelay $0x3  }
0x96: {  	_ =	strace s2  }
0x97: {  	_ =	strace $0x8FFFFFFF  }
0x98: {  	s18 =	sld [smem:$0x3FDB];
	_ =	sdelay $0x1  }
0x99: {  	s19 =	simm.s32 $_scs_section_size  }
0x9a: {  	s4 =	simm.s32 $_size__tile_overlayer_lowered;
	s5 =	simm.s32 $_tile_overlayer_lowered  }
0x9b: {  	s22 =	simm.s32 $0x1BFF;
	s21 =	sshll.u32 s5, $0x1;
	s2 =	sadd.s32 s19, s18  }
0x9c: {  	s6 =	simm.s32 $0x0;
	s20 =	sshll.u32 s4, $0x1;
	s4 =	sadd.s32 s21, s2  }
0x9d: {  	[timem:s6], [sflag:s22] =	dma.local [hbm:s4], s20  }
0x9e: {  	_ =	swait.ge [sflag:s22], s20  }
0x9f: {  	s3 =	ssub.s32 $0x0, s20;
	[sflag:s22] =	ssyncset.done $0x0  }
0xa0: {  	[sflag:s22] =	ssyncadd.s32 s3;
	_ =	sdelay $0x1  }
0xa1: {  	s23 =	simm.s32 $0x1B8B  }
0xa2: {  	_ =	swait.ge [sflag:s23], $0x1  }
0xa3: {  	[sflag:s23] =	ssyncset.done $0x0  }
0xa4: {  	s25 =	simm.s32 $0x1B8E;
	s24 =	sld [smem:$0x3FFE];
	[sflag:s23] =	ssyncadd.s32 $0xFFFFFFFF  }
0xa5: {  	s26 =	simm.s32 $execute0_lowered;
	[smem:$0x3FD2] =	sst s25  }
0xa6: {  	s4 =	sshll.u32 s26, $0x1;
	_ =	strace $0x80000046;
	[dreg:$0x1] =	wrdreg $0xFFFFFFFF  }
0xa7: {  	s28 =	simm.s32 $_size_execute0_lowered;
	s2 =	sadd.s32 s2, s4;
	[dreg:$0x0] =	wrdreg $0x0  }
0xa8: {  	s4 =	sshll.u32 s28, $0x1;
	[dreg:$0x2] =	wrdreg s2  }
0xa9: {  	[dreg:$0x3] =	wrdreg s4  }
0xaa: {  	[dreg:$0x4] =	wrdreg $0xC0  }
0xab: {  	_ =	task [dreg:s6], $0x5FFFF  }
0xac: {  	[dreg:$0x1] =	wrdreg $0xFFFFFFFF  }
0xad: {  	[dreg:$0x0] =	wrdreg $0x60  }
0xae: {  	[dreg:$0x2] =	wrdreg s24  }
0xaf: {  	[dreg:$0x3] =	wrdreg $0xB8000  }
0xb0: {  	[dreg:$0x4] =	wrdreg $0x9  }
0xb1: {  	_ =	task.clear_ibuf [dreg:s6], $0x5FFFF;
	_ =	strace $0x90000046  }
0xb2: {  	s29 =	simm.s32 $0x9;
	_ =	strace $0x80000048  }
0xb3: {  	_ =	swait.ge [sflag:s29], $0x1  }
0xb4: {  	[sflag:s29] =	ssyncadd.s32 $0xFFFFFFFF  }
0xb5: {  	_ =	strace $0x90000048  }
0xb6: {  	_ =	sfence  }
0xb7: {  	s30 =	sld [smem:$0x0];
	_ =	sdelay $0x2  }
0xb8: {  	s31 =	sshll.u32 s1, $0xD;
	s1 =	sshrl.u32 s1, $0x2  }
0xb9: {  	s3 =	sand.u32 $0x4000, s31;
	s1 =	sadd.s32 s1, s30  }
0xba: {  	s0 =	sor.u32 s3, s0;
	s1 =	sshll.u32 s1, $0x11  }
0xbb: {  	s0 =	sor.u32 s1, s0  }
0xbc: {  	s0 =	sadd.s32 $0x8F2B, s0  }
0xbd: {  	[sflag:s0] =	ssyncadd.remote.s32 $0x1  }
0xbe: {  	_ =	sfence.sel $0xFFFF  }
0xbf: {  	[dreg:$0x0] =	wrdreg $0xFFFFFFFF;
	(pc) =	sbr.abs _section_cstart, $3  }
0xc0: {  	[dreg:$0x1] =	wrdreg $0xFFFFFFFF  }
0xc1: {  	_ =	task.clear_ibuf [dreg:s6], $0x2FFFF;
	_ =	strace $0x9FFFFFFF  }
0xc2: {  	(tm) =	ssettm $0x7FFFFFFF  }
0xc3: {  	_ =	shalt  }
tec
execute0_lowered:
.L_overlay_start_1:
0x0: {  	(tag) =	ssettag $0x1  }
0x1: {  	s0 =	rddreg [dreg:$0x0]  }
0x2: {  	s2 =	rddreg [dreg:$0x1]  }
0x3: {  	s3 =	simm.s32 $0x0;
	s15 =	stileid.u32;
	s6 =	srdreg.scid  }
0x4: {  	s17 =	simm.s32 $0x4;
	s18 =	simm.s32 $0x1000;
	s19 =	simm.s32 $0x60  }
0x5: {  	s20 =	simm.s32 $0x2800;
	s21 =	simm.s32 $0x5800;
	s22 =	simm.s32 $0xC0  }
0x6: {  	s23 =	simm.s32 $0x8800;
	s28 =	simm.s32 $0x2380;
	s29 =	simm.s32 $0x2400  }
0x7: {  	s30 =	simm.s32 $0x2480;
	[smem:$0x7FF] =	sst s3;
	s1 =	smul.u32 $0x2780, s15  }
0x8: {  	s4 =	sadd.s32 $0x28000, s0;
	s5 =	sadd.s32 $0x5400, s0;
	s7 =	sand.u32 $0x1, s6  }
0x9: {  	s6 =	sadd.s32 $0x19000, s0;
	s11 =	sadd.s32 $0x9D400, s0;
	s12 =	smul.u32 $0x4F000, s15  }
0xa: {  	p0 =	seq.s32 s15, $0xF;
	_ =	strace $0x80000047;
	s14 =	smul.u32 $0x27100, s7  }
0xb: {  	s9 =	ssub.s32 $0x2, s7;
	s24 =	sshll.u32 s7, $0x4;
	s26 =	smul.u32 $0x138800, s7  }
0xc: {  	s8 =	sadd.s32 s1, s0;
	s10 =	sshrl.u32 s9, $0x1;
	s25 =	sshrl.u32 s12, $0x2  }
0xd: {  	s0 =	sadd.s32 $0x9B280, s0;
	s13 =	ssub.s32 s9, s10;
	s9 =	sor.u32 s15, s24  }
0xe: {  	s16 =	sadd.s32 s25, s2;
	s8 =	sadd.s32 $0x76200, s8;
	[dreg:$0x4] =	wrdreg s0  }
0xf: {  	s31 =	sshrl.u32 s26, $0x3;
	s10 =	smul.u32 $0x7800, s15;
	s1 =	sadd.s32 s1, s14  }
0x10: {  	s24 =	simm.s32 $0x1;
	s25 =	simm.s32 $0x2;
	s26 =	simm.s32 $0x3  }
0x11: {  	s7 =	smul.u32 $0x4EC0, s9;
	[dreg:$0x3] =	wrdreg s8;
	s8 =	sadd.s32 $0x128400, s2  }
0x12: {  	s0 =	sadd.s32 s11, s31;
	s1 =	sadd.s32 s11, s1;
	s13 =	smax.u32 s13, $0x1  }
0x13: {  	s16 =	sshrl.u32 @!p0 s16, $0x3;
	s12 =	sadd.s32 $0x25080, s0;
	s0 =	sshll.u32 @!p0 s15, $0x6  }
0x14: {  	[dreg:$0x5] =	wrdreg s1;
	s14 =	sshrl.u32 @p0 s8, $0x3;
	s15 =	sor.u32 @!p0 $0x1C04, s0  }
.LBB2_1:
0x15: {  	s0 =	simm.s32 @p0 $0x1FC4;
	s1 =	rddreg [dreg:$0x4]  }
0x16: {  	[spmem:s14], [sflag:s0] =	dma.local @p0 [hbm:s1], $0x2080  }
0x17: {  	s0 =	simm.s32 @p0 $0x4  }
0x18: {  	_ =	swait.ge @p0 [sflag:s0], $0x2080  }
0x19: {  	[sflag:s0] =	ssyncset.done @p0 $0x0  }
0x1a: {  	[sflag:s0] =	ssyncadd.s32 @p0 $0xFFFFDF80;
	s0 =	rddreg [dreg:$0x3]  }
0x1b: {  	[spmem:s16], [sflag:s15] =	dma.local @!p0 [hbm:s0], $0x2780  }
0x1c: {  	s0 =	simm.s32 @!p0 $0x4  }
0x1d: {  	_ =	swait.ge @!p0 [sflag:s0], $0x2780  }
0x1e: {  	[sflag:s0] =	ssyncset.done @!p0 $0x0  }
0x1f: {  	[sflag:s0] =	ssyncadd.s32 @!p0 $0xFFFFD880  }
0x20: {  	s31 =	simm.s32 $0x0;
	[bflag:$0x0] =	sbarrier.arrive $0xFFFF  }
.LBB2_2:
0x21: {  	s0 =	smul.u32 $0xFC0, s31;
	_ =	sdelay $0x1  }
0x22: {  	s0 =	sadd.s32 s7, s0  }
0x23: {  	s0 =	sshrl.u32 s0, $0x3  }
0x24: {  	s1 =	simm.s32 $0x0;
	s8 =	smul.u32 $0x1800, s31;
	s0 =	sadd.s32 s5, s0  }
0x25: {  	[tilespmem:s1], [sflag:$0x4] =	stream.linear.gather [hbm4b:s0+s1], $0xFC0, $0x38;
	v63 =	vld [tilespmem:$0x0]  }
0x26: {  	s9 =	sadd.s32 s10, s8;
	_ =	swait.ge [sflag:s17], $0xFC0  }
0x27: {  	s0 =	sshrl.u32 s9, $0x3;
	[sflag:s17] =	ssyncset.done $0x0  }
0x28: {  	s0 =	sadd.s32 s6, s0;
	[sflag:s17] =	ssyncadd.s32 $0xFFFFF040  }
0x29: {  	[tilespmem:s18], [sflag:$0x4] =	stream.linear.gather [hbm4b:s0+s1], $0x1500, $0x38;
	v63 =	vld [tilespmem:$0x0]  }
0x2a: {  	_ =	swait.ge [sflag:s17], $0x1500  }
0x2b: {  	[sflag:s17] =	ssyncset.done $0x0  }
0x2c: {  	[sflag:s17] =	ssyncadd.s32 $0xFFFFEB00  }
0x2d: {  	[tilespmem:s20], [sflag:$0x1] =	stream.indirect.gather [hbm4b:s4+s19], $0x80, s1, s19, $0xb8;
	v63 =	vld [tilespmem:$0x0]  }
0x2e: {  	_ = 	snop  }
0x2f: {  	[tilespmem:s21], [sflag:$0x2] =	stream.indirect.gather [hbm4b:s4+s19], $0x80, s19, s19, $0xb8;
	v63 =	vld [tilespmem:$0x0]  }
0x30: {  	_ = 	snop  }
0x31: {  	[tilespmem:s23], [sflag:$0x3] =	stream.indirect.gather [hbm4b:s4+s19], $0x80, s22, s19, $0xb8;
	v63 =	vld [tilespmem:$0x0]  }
0x32: {  	_ =	swait.ge [sflag:s24], $0x3000  }
0x33: {  	[sflag:s24] =	ssyncset.done $0x0  }
0x34: {  	s11 =	simm.s32 $0x1000;
	[sflag:s24] =	ssyncadd.s32 $0xFFFFD000  }
0x35: {  	[spmem:s2] =	stream.indirect.scatter.add.f32 [tilespmem:s20], [sflag:$0x4], $0x80, s11, s19, $0xb8;
	v63 =	vld [tilespmem:$0x0]  }
0x36: {  	_ =	swait.ge [sflag:s17], $0x3000  }
0x37: {  	[sflag:s17] =	ssyncset.done $0x0  }
0x38: {  	s1 =	simm.s32 $0x120;
	[sflag:s17] =	ssyncadd.s32 $0xFFFFD000  }
0x39: {  	[tilespmem:s20], [sflag:$0x1] =	stream.indirect.gather [hbm4b:s4+s19], $0x80, s1, s19, $0xb8;
	v63 =	vld [tilespmem:$0x0]  }
0x3a: {  	_ =	swait.ge [sflag:s25], $0x3000  }
0x3b: {  	[sflag:s25] =	ssyncset.done $0x0  }
0x3c: {  	s8 =	simm.s32 $0x1080;
	[sflag:s25] =	ssyncadd.s32 $0xFFFFD000  }
0x3d: {  	[spmem:s2] =	stream.indirect.scatter.add.f32 [tilespmem:s21], [sflag:$0x4], $0x80, s8, s19, $0xb8;
	v63 =	vld [tilespmem:$0x0]  }
0x3e: {  	_ =	swait.ge [sflag:s17], $0x3000  }
0x3f: {  	[sflag:s17] =	ssyncset.done $0x0  }
0x40: {  	s9 =	simm.s32 $0x180;
	[sflag:s17] =	ssyncadd.s32 $0xFFFFD000  }
0x41: {  	[tilespmem:s21], [sflag:$0x2] =	stream.indirect.gather [hbm4b:s4+s19], $0x80, s9, s19, $0xb8;
	v63 =	vld [tilespmem:$0x0]  }
0x42: {  	_ =	swait.ge [sflag:s26], $0x3000  }
0x43: {  	[sflag:s26] =	ssyncset.done $0x0  }
0x44: {  	s11 =	simm.s32 $0x1100;
	[sflag:s26] =	ssyncadd.s32 $0xFFFFD000  }
0x45: {  	[spmem:s2] =	stream.indirect.scatter.add.f32 [tilespmem:s23], [sflag:$0x4], $0x80, s11, s19, $0xb8;
	v63 =	vld [tilespmem:$0x0]  }
0x46: {  	_ =	swait.ge [sflag:s17], $0x3000  }
0x47: {  	s0 =	simm.s32 $0x1E0;
	[sflag:s17] =	ssyncset.done $0x0  }
0x48: {  	s1 =	simm.s32 $0x600;
	s8 =	simm.s32 $0x300;
	[sflag:s17] =	ssyncadd.s32 $0xFFFFD000  }
.LBB2_3:
0x49: {  	[tilespmem:s23], [sflag:$0x3] =	stream.indirect.gather [hbm4b:s4+s19], $0x80, s0, s19, $0xb8;
	v63 =	vld [tilespmem:$0x0]  }
0x4a: {  	s9 =	smov.u32 s1;
	s0 =	smov.u32 s8  }
0x4b: {  	p1 =	sne.s32 s1, $0x4800;
	s1 =	sadd.s32 $0x600, s1;
	_ =	swait.ge [sflag:s24], $0x3000  }
0x4c: {  	s9 =	sshra.s32 s9, $0x2;
	[sflag:s24] =	ssyncset.done $0x0  }
0x4d: {  	s11 =	sadd.s32 $0x1000, s9;
	[sflag:s24] =	ssyncadd.s32 $0xFFFFD000  }
0x4e: {  	[spmem:s2] =	stream.indirect.scatter.add.f32 [tilespmem:s20], [sflag:$0x4], $0x80, s11, s19, $0xb8;
	v63 =	vld [tilespmem:$0x0]  }
0x4f: {  	_ =	swait.ge [sflag:s17], $0x3000  }
0x50: {  	[sflag:s17] =	ssyncset.done $0x0  }
0x51: {  	s11 =	sadd.s32 $0xFFFFFF40, s8;
	[sflag:s17] =	ssyncadd.s32 $0xFFFFD000  }
0x52: {  	[tilespmem:s20], [sflag:$0x1] =	stream.indirect.gather [hbm4b:s4+s19], $0x80, s11, s19, $0xb8;
	v63 =	vld [tilespmem:$0x0]  }
0x53: {  	_ =	swait.ge [sflag:s25], $0x3000  }
0x54: {  	[sflag:s25] =	ssyncset.done $0x0  }
0x55: {  	s11 =	sadd.s32 $0x1080, s9;
	[sflag:s25] =	ssyncadd.s32 $0xFFFFD000  }
0x56: {  	[spmem:s2] =	stream.indirect.scatter.add.f32 [tilespmem:s21], [sflag:$0x4], $0x80, s11, s19, $0xb8;
	v63 =	vld [tilespmem:$0x0]  }
0x57: {  	_ =	swait.ge [sflag:s17], $0x3000  }
0x58: {  	[sflag:s17] =	ssyncset.done $0x0  }
0x59: {  	s11 =	sadd.s32 $0xFFFFFFA0, s8;
	[sflag:s17] =	ssyncadd.s32 $0xFFFFD000  }
0x5a: {  	[tilespmem:s21], [sflag:$0x2] =	stream.indirect.gather [hbm4b:s4+s19], $0x80, s11, s19, $0xb8;
	v63 =	vld [tilespmem:$0x0]  }
0x5b: {  	_ =	swait.ge [sflag:s26], $0x3000  }
0x5c: {  	[sflag:s26] =	ssyncset.done $0x0  }
.Ltmp0:
0x5d: {  	s9 =	sadd.s32 $0x1100, s9;
	[sflag:s26] =	ssyncadd.s32 $0xFFFFD000;
	(pc) =	sbr.rel @p1 .LBB2_3-.Ltmp0, $4  }
0x5e: {  	[spmem:s2] =	stream.indirect.scatter.add.f32 [tilespmem:s23], [sflag:$0x4], $0x80, s9, s19, $0xb8;
	v63 =	vld [tilespmem:$0x0]  }
0x5f: {  	_ =	swait.ge [sflag:s17], $0x3000  }
0x60: {  	[sflag:s17] =	ssyncset.done $0x0  }
0x61: {  	s8 =	sadd.s32 $0x120, s8;
	[sflag:s17] =	ssyncadd.s32 $0xFFFFD000  }
0x62: {  	[tilespmem:s23], [sflag:$0x3] =	stream.indirect.gather [hbm4b:s4+s19], $0x80, s0, s19, $0xb8;
	v63 =	vld [tilespmem:$0x0]  }
0x63: {  	_ =	swait.ge [sflag:s24], $0x3000  }
0x64: {  	[sflag:s24] =	ssyncset.done $0x0  }
0x65: {  	[sflag:s24] =	ssyncadd.s32 $0xFFFFD000  }
0x66: {  	[spmem:s2] =	stream.indirect.scatter.add.f32 [tilespmem:s20], [sflag:$0x4], $0x80, s28, s19, $0xb8;
	v63 =	vld [tilespmem:$0x0]  }
0x67: {  	_ =	swait.ge [sflag:s17], $0x3000  }
0x68: {  	[sflag:s17] =	ssyncset.done $0x0  }
0x69: {  	[sflag:s17] =	ssyncadd.s32 $0xFFFFD000  }
0x6a: {  	_ =	swait.ge [sflag:s25], $0x3000  }
0x6b: {  	[sflag:s25] =	ssyncset.done $0x0  }
0x6c: {  	[sflag:s25] =	ssyncadd.s32 $0xFFFFD000  }
0x6d: {  	[spmem:s2] =	stream.indirect.scatter.add.f32 [tilespmem:s21], [sflag:$0x4], $0x80, s29, s19, $0xb8;
	v63 =	vld [tilespmem:$0x0]  }
0x6e: {  	_ =	swait.ge [sflag:s17], $0x3000  }
0x6f: {  	[sflag:s17] =	ssyncset.done $0x0  }
0x70: {  	[sflag:s17] =	ssyncadd.s32 $0xFFFFD000  }
0x71: {  	s31 =	sadd.s32 $0x1, s31;
	_ =	swait.ge [sflag:s26], $0x3000  }
0x72: {  	p1 =	sne.s32 s31, $0x5;
	[sflag:s26] =	ssyncset.done $0x0  }
.Ltmp1:
0x73: {  	[sflag:s26] =	ssyncadd.s32 $0xFFFFD000;
	(pc) =	sbr.rel @p1 .LBB2_2-.Ltmp1, $4  }
0x74: {  	[spmem:s2] =	stream.indirect.scatter.add.f32 [tilespmem:s23], [sflag:$0x4], $0x80, s30, s19, $0xb8;
	v63 =	vld [tilespmem:$0x0]  }
0x75: {  	_ =	swait.ge [sflag:s17], $0x3000  }
0x76: {  	[sflag:s17] =	ssyncset.done $0x0  }
0x77: {  	[sflag:s17] =	ssyncadd.s32 $0xFFFFD000  }
0x78: {  	[bflag:$0x0] =	sbarrier.arrive $0xFFFF;
	s0 =	simm.s32 @p0 $0x1FC4  }
0x79: {  	[hbm:s12], [sflag:s0] =	dma.local @p0 [spmem:s14], $0x2080  }
0x7a: {  	s0 =	simm.s32 @p0 $0x4  }
0x7b: {  	_ =	swait.ge @p0 [sflag:s0], $0x2080  }
0x7c: {  	s3 =	sadd.s32 $0x1, s3;
	[sflag:s0] =	ssyncset.done @p0 $0x0  }
0x7d: {  	p1 =	sne.s32 s3, s13;
	[sflag:s0] =	ssyncadd.s32 @p0 $0xFFFFDF80;
	s0 =	rddreg [dreg:$0x5]  }
0x7e: {  	[hbm:s0], [sflag:s15] =	dma.local @!p0 [spmem:s16], $0x2780  }
.Ltmp2:
0x7f: {  	_ = 	snop;
	(pc) =	sbr.rel @p1 .LBB2_1-.Ltmp2, $4  }
0x80: {  	s0 =	simm.s32 @!p0 $0x4  }
0x81: {  	_ =	swait.ge @!p0 [sflag:s0], $0x2780  }
0x82: {  	[sflag:s0] =	ssyncset.done @!p0 $0x0  }
0x83: {  	[sflag:s0] =	ssyncadd.s32 @!p0 $0xFFFFD880  }
0x84: {  	_ =	sfence.sel $0x180000  }
0x85: {  	[bflag:$0x0] =	sbarrier.arrive $0xFFFF  }
0x86: {  	_ =	strace $0x90000047  }
0x87: {  	s0 =	stileid.u32;
	[bflag:$0x2] =	sbarrier.arrive $0xFFFF  }
0x88: {  	p0 =	sne.s32 s0, $0x0;
	s0 =	rddreg [dreg:$0x2]  }
0x89: {  	s0 =	sadd.s32 @!p0 $0x100000, s0  }
0x8a: {  	[sflag:s0] =	ssyncadd.tile.s32 @!p0 $0x1;
	_ =	shalt  }
.Lfunc_end2:
_tile_overlayer_lowered:
.L_overlay_start_2:
0x8b: {  	(tag) =	ssettag $0x2  }
0x8c: {  	s0 =	rddreg [dreg:$0x0];
	s2 =	stileid.u32  }
0x8d: {  	s1 =	rddreg [dreg:$0x1];
	p0 =	sne.s32 s2, $0x0  }
0x8e: {  	s3 =	rddreg [dreg:$0x2];
	[bflag:$0x3] =	sbarrier.arrive $0xFFFF;
	s2 =	simm.s32 @!p0 $0x1C04  }
0x8f: {  	[timem:s3], [sflag:s2] =	dma.local @!p0 [hbm:s0], s1  }
0x90: {  	s0 =	simm.s32 @!p0 $0x4  }
0x91: {  	_ =	swait.ge @!p0 [sflag:s0], s1  }
0x92: {  	s1 =	ssub.s32 @!p0 $0x0, s1;
	[sflag:s0] =	ssyncset.done @!p0 $0x0  }
0x93: {  	[sflag:s0] =	ssyncadd.s32 @!p0 s1  }
0x94: {  	[bflag:$0x3] =	sbarrier.arrive $0xFFFF  }
0x95: {  	_ =	shalt  }

// kernel: kernel.20.cloned.1.call-start
scs
__scs_entry_jumppad:
0x0: {  	(pc) =	sbr.rel $0x88, $3  }
0x1: {  	(tag) =	ssettag $0x0;
	lr =	simm.s32 $0x1  }
0x2: {  	[smem:$0x3F97] =	sst lr;
	_ =	strace $0xD0000000  }
0x3: {  	_ = 	snop  }
0x4: {  	_ = 	snop  }
0x5: {  	_ = 	snop  }
0x6: {  	_ = 	snop  }
0x7: {  	_ = 	snop  }
__scs_overlays_trampoline_lowered:
0x8: {  	[smem:$0x3FA6] =	sst s0  }
0x9: {  	[smem:$0x3FA7] =	sst s1  }
0xa: {  	[smem:$0x3FA8] =	sst s2  }
0xb: {  	[smem:$0x3FA9] =	sst s3  }
0xc: {  	[smem:$0x3FAA] =	sst s4  }
0xd: {  	[smem:$0x3FAB] =	sst s5  }
0xe: {  	[smem:$0x3FAC] =	sst s6  }
0xf: {  	[smem:$0x3FAD] =	sst s7  }
0x10: {  	[smem:$0x3FAE] =	sst s8  }
0x11: {  	[smem:$0x3FAF] =	sst s9;
	s0 =	simm.s32 @!p0 $0x0  }
0x12: {  	s1 =	sld [smem:$0x3F95];
	s0 =	simm.s32 @p0 $0x1  }
0x13: {  	[smem:$0x3FB0] =	sst s0;
	s0 =	simm.s32 @!p1 $0x0  }
0x14: {  	s2 =	sld [smem:$0x3F94];
	s0 =	simm.s32 @p1 $0x1  }
0x15: {  	[smem:$0x3FB1] =	sst s0;
	s0 =	simm.s32 @!p2 $0x0  }
0x16: {  	s3 =	sld [smem:$0x3FDB];
	s0 =	simm.s32 @p2 $0x1  }
0x17: {  	s4 =	simm.s32 $0x1BF5;
	[smem:$0x3FB3] =	sst s0  }
0x18: {  	s0 =	sld [smem:$0x3F96];
	_ =	swait.ge [sflag:s4], $0x0  }
0x19: {  	s7 =	sld [smem:$0x3F97]  }
0x1a: {  	s8 =	sadd.s32 $0xFFFFE003, lr  }
0x1b: {  	s9 =	sadd.s32 $0xFFFFFEF7, lr;
	s5 =	simm.s32 $0xFFFFFFFF;
	p2 =	slt.u32 s8, $0xFFFFF086  }
0x1c: {  	p1 =	slt.u32 s9, $0xF7A;
	s5 =	simm.s32 @!p2 $0x0  }
0x1d: {  	s5 =	simm.s32 @p1 $0x1;
	p0 =	seq.s32 s7, s2  }
0x1e: {  	s7 =	smul.u32 @!p0 $0xF7A, s2;
	p2 =	seq.s32 @!p0 s5, $0x0  }
0x1f: {  	s9 =	smul.u32 $0xF7A, s1;
	s8 =	simm.s32 @!p0 $0x1BF5;
	p2 =	por !p2, p0  }
0x20: {  	[sflag:s8] =	ssyncset.s32 @!p0 $0xFFFFF086;
	s6 =	sadd.s32 @!p0 s3, s7;
	s7 =	simm.s32 @!p0 $0x108  }
0x21: {  	s3 =	sadd.s32 s3, s9;
	s6 =	sadd.s32 @!p0 $0x88, s6;
	s7 =	simm.s32 @p2 $0x1082  }
0x22: {  	[simem:s7], [sflag:s8] =	dma.local @!p0 [hbm:s6], $0xF7A  }
0x23: {  	s9 =	sor.u32 $0xD0000000, s2;
	s6 =	simm.s32 $0x108;
	_ =	swait.ge @!p0 [sflag:s8], $0x0  }
0x24: {  	s3 =	sadd.s32 $0x88, s3;
	s6 =	simm.s32 @!p1 $0x1082;
	[sflag:s4] =	ssyncset.s32 $0xFFFFF086  }
0x25: {  	[simem:s6], [sflag:s4] =	dma.local [hbm:s3], $0xF7A  }
0x26: {  	[smem:$0x3F97] =	sst s1;
	(tag) =	ssettag s2;
	_ =	strace s9  }
0x27: {  	s1 =	sld [smem:$0x3FA7]  }
0x28: {  	s2 =	sld [smem:$0x3FA8]  }
0x29: {  	s4 =	sld [smem:$0x3FAA]  }
0x2a: {  	p0 =	seq.s32 s5, $0x0;
	s5 =	sld [smem:$0x3FAB]  }
0x2b: {  	s6 =	sld [smem:$0x3FAC]  }
0x2c: {  	s7 =	sld [smem:$0x3FAD]  }
0x2d: {  	s3 =	simm.s32 $0x108;
	s8 =	sld [smem:$0x3FAE]  }
0x2e: {  	s3 =	simm.s32 @!p0 $0x1082;
	s9 =	sld [smem:$0x3FAF]  }
0x2f: {  	lr =	sadd.s32 s0, s3;
	s0 =	sld [smem:$0x3FA6]  }
0x30: {  	s3 =	sld [smem:$0x3FA9]  }
0x31: {  	[smem:$0x3FB2] =	sst s10  }
0x32: {  	s10 =	sld [smem:$0x3FB0];
	_ =	sdelay $0x3  }
0x33: {  	p0 =	seq.s32 s10, $0x1;
	s10 =	sld [smem:$0x3FB2];
	_ =	sdelay $0x3  }
0x34: {  	[smem:$0x3FB2] =	sst s10  }
0x35: {  	s10 =	sld [smem:$0x3FB1];
	_ =	sdelay $0x3  }
0x36: {  	p1 =	seq.s32 s10, $0x1;
	s10 =	sld [smem:$0x3FB2];
	_ =	sdelay $0x3  }
0x37: {  	[smem:$0x3FB2] =	sst s10  }
0x38: {  	s10 =	sld [smem:$0x3FB3]  }
0x39: {  	_ = 	snop;
	(pc) =	sbr.ind lr, $3  }
0x3a: {  	_ = 	snop  }
0x3b: {  	_ = 	snop  }
0x3c: {  	p2 =	seq.s32 s10, $0x1;
	s10 =	sld [smem:$0x3FB2]  }
0x3d: {  	_ =	shalt  }
0x3e: {  	_ =	shalt  }
0x3f: {  	_ =	shalt  }
0x40: {  	_ =	shalt  }
0x41: {  	_ =	shalt  }
0x42: {  	_ =	shalt  }
0x43: {  	_ =	shalt  }
0x44: {  	_ =	shalt  }
0x45: {  	_ =	shalt  }
0x46: {  	_ =	shalt  }
0x47: {  	_ =	shalt  }
0x48: {  	_ =	shalt  }
0x49: {  	_ =	shalt  }
0x4a: {  	_ =	shalt  }
0x4b: {  	_ =	shalt  }
0x4c: {  	_ =	shalt  }
0x4d: {  	_ =	shalt  }
0x4e: {  	_ =	shalt  }
0x4f: {  	_ =	shalt  }
0x50: {  	_ =	shalt  }
0x51: {  	_ =	shalt  }
0x52: {  	_ =	shalt  }
0x53: {  	_ =	shalt  }
0x54: {  	_ =	shalt  }
0x55: {  	_ =	shalt  }
0x56: {  	_ =	shalt  }
0x57: {  	_ =	shalt  }
0x58: {  	_ =	shalt  }
0x59: {  	_ =	shalt  }
0x5a: {  	_ =	shalt  }
0x5b: {  	_ =	shalt  }
0x5c: {  	_ =	shalt  }
0x5d: {  	_ =	shalt  }
0x5e: {  	_ =	shalt  }
0x5f: {  	_ =	shalt  }
0x60: {  	_ =	shalt  }
0x61: {  	_ =	shalt  }
0x62: {  	_ =	shalt  }
0x63: {  	_ =	shalt  }
0x64: {  	_ =	shalt  }
0x65: {  	_ =	shalt  }
0x66: {  	_ =	shalt  }
0x67: {  	_ =	shalt  }
0x68: {  	_ =	shalt  }
0x69: {  	_ =	shalt  }
0x6a: {  	_ =	shalt  }
0x6b: {  	_ =	shalt  }
0x6c: {  	_ =	shalt  }
0x6d: {  	_ =	shalt  }
0x6e: {  	_ =	shalt  }
0x6f: {  	_ =	shalt  }
0x70: {  	_ =	shalt  }
0x71: {  	_ =	shalt  }
0x72: {  	_ =	shalt  }
0x73: {  	_ =	shalt  }
0x74: {  	_ =	shalt  }
0x75: {  	_ =	shalt  }
0x76: {  	_ =	shalt  }
0x77: {  	_ =	shalt  }
0x78: {  	_ =	shalt  }
0x79: {  	_ =	shalt  }
0x7a: {  	_ =	shalt  }
0x7b: {  	_ =	shalt  }
0x7c: {  	_ =	shalt  }
0x7d: {  	_ =	shalt  }
0x7e: {  	_ =	shalt  }
0x7f: {  	_ =	shalt  }
0x80: {  	_ =	shalt  }
0x81: {  	_ =	shalt  }
0x82: {  	_ =	shalt  }
0x83: {  	_ =	shalt  }
0x84: {  	_ =	shalt  }
0x85: {  	_ =	shalt  }
0x86: {  	_ =	shalt  }
0x87: {  	_ =	shalt  }
.Lfunc_end0:
.L_simem_size_0:
called_computation.1_lowered:
.L_overlay_start_0:
0x88: {  	s2 =	sld [smem:$0x3FD9]  }
0x89: {  	s3 =	sld [smem:$0x3FFE];
	_ =	sdelay $0x1  }
0x8a: {  	s1 =	srdreg.scid  }
0x8b: {  	s0 =	sand.u32 $0x1, s1  }
0x8c: {  	s16 =	sshll.u32 s0, $0xA;
	s2 =	sadd.s32 s3, s2  }
0x8d: {  	s2 =	sadd.s32 s2, s16  }
0x8e: {  	[smem:$0x3FBE] =	sst s2  }
0x8f: {  	_ = 	snop  }
0x90: {  	(tm) =	ssettm $0x1  }
0x91: {  	s17 =	sld [smem:$0x3FFB];
	_ =	sdelay $0x3  }
0x92: {  	_ =	strace s17  }
0x93: {  	s2 =	sld [smem:$0x3FFC];
	_ =	sdelay $0x3  }
0x94: {  	_ =	strace s2  }
0x95: {  	s2 =	sld [smem:$0x3FFD];
	_ =	sdelay $0x3  }
0x96: {  	_ =	strace s2  }
0x97: {  	_ =	strace $0x8FFFFFFF  }
0x98: {  	s18 =	sld [smem:$0x3FDB];
	_ =	sdelay $0x1  }
0x99: {  	s19 =	simm.s32 $_scs_section_size  }
0x9a: {  	s4 =	simm.s32 $_size__tile_overlayer_lowered;
	s5 =	simm.s32 $_tile_overlayer_lowered  }
0x9b: {  	s22 =	simm.s32 $0x1BFF;
	s21 =	sshll.u32 s5, $0x1;
	s2 =	sadd.s32 s19, s18  }
0x9c: {  	s6 =	simm.s32 $0x0;
	s20 =	sshll.u32 s4, $0x1;
	s4 =	sadd.s32 s21, s2  }
0x9d: {  	[timem:s6], [sflag:s22] =	dma.local [hbm:s4], s20  }
0x9e: {  	_ =	swait.ge [sflag:s22], s20  }
0x9f: {  	s3 =	ssub.s32 $0x0, s20;
	[sflag:s22] =	ssyncset.done $0x0  }
0xa0: {  	[sflag:s22] =	ssyncadd.s32 s3;
	_ =	sdelay $0x1  }
0xa1: {  	s23 =	simm.s32 $0x1B8B  }
0xa2: {  	_ =	swait.ge [sflag:s23], $0x1  }
0xa3: {  	[sflag:s23] =	ssyncset.done $0x0  }
0xa4: {  	s25 =	simm.s32 $0x1B8E;
	s24 =	sld [smem:$0x3FFE];
	[sflag:s23] =	ssyncadd.s32 $0xFFFFFFFF  }
0xa5: {  	s26 =	simm.s32 $execute0_lowered;
	[smem:$0x3FD2] =	sst s25  }
0xa6: {  	s4 =	sshll.u32 s26, $0x1;
	_ =	strace $0x80000049;
	[dreg:$0x1] =	wrdreg $0xFFFFFFFF  }
0xa7: {  	s28 =	simm.s32 $_size_execute0_lowered;
	s2 =	sadd.s32 s2, s4;
	[dreg:$0x0] =	wrdreg $0x0  }
0xa8: {  	s4 =	sshll.u32 s28, $0x1;
	[dreg:$0x2] =	wrdreg s2  }
0xa9: {  	[dreg:$0x3] =	wrdreg s4  }
0xaa: {  	[dreg:$0x4] =	wrdreg $0xC0  }
0xab: {  	_ =	task [dreg:s6], $0x5FFFF  }
0xac: {  	[dreg:$0x1] =	wrdreg $0xFFFFFFFF  }
0xad: {  	[dreg:$0x0] =	wrdreg $0x60  }
0xae: {  	[dreg:$0x2] =	wrdreg s24  }
0xaf: {  	[dreg:$0x3] =	wrdreg $0xB8000  }
0xb0: {  	[dreg:$0x4] =	wrdreg $0x9  }
0xb1: {  	_ =	task.clear_ibuf [dreg:s6], $0x5FFFF;
	_ =	strace $0x90000049  }
0xb2: {  	s29 =	simm.s32 $0x9;
	_ =	strace $0x8000004B  }
0xb3: {  	_ =	swait.ge [sflag:s29], $0x1  }
0xb4: {  	[sflag:s29] =	ssyncadd.s32 $0xFFFFFFFF  }
0xb5: {  	_ =	strace $0x9000004B  }
0xb6: {  	_ =	sfence  }
0xb7: {  	s30 =	sld [smem:$0x0];
	_ =	sdelay $0x2  }
0xb8: {  	s31 =	sshll.u32 s1, $0xD;
	s1 =	sshrl.u32 s1, $0x2  }
0xb9: {  	s3 =	sand.u32 $0x4000, s31;
	s1 =	sadd.s32 s1, s30  }
0xba: {  	s0 =	sor.u32 s3, s0;
	s1 =	sshll.u32 s1, $0x11  }
0xbb: {  	s0 =	sor.u32 s1, s0  }
0xbc: {  	s0 =	sadd.s32 $0x8F2B, s0  }
0xbd: {  	[sflag:s0] =	ssyncadd.remote.s32 $0x1  }
0xbe: {  	_ =	sfence.sel $0xFFFF  }
0xbf: {  	[dreg:$0x0] =	wrdreg $0xFFFFFFFF;
	(pc) =	sbr.abs _section_cstart, $3  }
0xc0: {  	[dreg:$0x1] =	wrdreg $0xFFFFFFFF  }
0xc1: {  	_ =	task.clear_ibuf [dreg:s6], $0x2FFFF;
	_ =	strace $0x9FFFFFFF  }
0xc2: {  	(tm) =	ssettm $0x7FFFFFFF  }
0xc3: {  	_ =	shalt  }
tec
execute0_lowered:
.L_overlay_start_1:
0x0: {  	(tag) =	ssettag $0x1  }
0x1: {  	s0 =	rddreg [dreg:$0x0]  }
0x2: {  	s2 =	rddreg [dreg:$0x1]  }
0x3: {  	s3 =	simm.s32 $0x0;
	s15 =	stileid.u32;
	s6 =	srdreg.scid  }
0x4: {  	s17 =	simm.s32 $0x4;
	s18 =	simm.s32 $0x1000;
	s19 =	simm.s32 $0x60  }
0x5: {  	s20 =	simm.s32 $0x2800;
	s21 =	simm.s32 $0x5800;
	s22 =	simm.s32 $0xC0  }
0x6: {  	s23 =	simm.s32 $0x8800;
	s28 =	simm.s32 $0x2380;
	s29 =	simm.s32 $0x2400  }
0x7: {  	s30 =	simm.s32 $0x2480;
	[smem:$0x7FF] =	sst s3;
	s1 =	smul.u32 $0x2780, s15  }
0x8: {  	s4 =	sadd.s32 $0x28000, s0;
	s5 =	sadd.s32 $0x5400, s0;
	s7 =	sand.u32 $0x1, s6  }
0x9: {  	s6 =	sadd.s32 $0x19000, s0;
	s11 =	sadd.s32 $0x9D400, s0;
	s12 =	smul.u32 $0x4F000, s15  }
0xa: {  	p0 =	seq.s32 s15, $0xF;
	_ =	strace $0x8000004A;
	s14 =	smul.u32 $0x27100, s7  }
0xb: {  	s9 =	ssub.s32 $0x2, s7;
	s24 =	sshll.u32 s7, $0x4;
	s26 =	smul.u32 $0x138800, s7  }
0xc: {  	s8 =	sadd.s32 s1, s0;
	s10 =	sshrl.u32 s9, $0x1;
	s25 =	sshrl.u32 s12, $0x2  }
0xd: {  	s0 =	sadd.s32 $0x9B280, s0;
	s13 =	ssub.s32 s9, s10;
	s9 =	sor.u32 s15, s24  }
0xe: {  	s16 =	sadd.s32 s25, s2;
	s8 =	sadd.s32 $0x76200, s8;
	[dreg:$0x4] =	wrdreg s0  }
0xf: {  	s31 =	sshrl.u32 s26, $0x3;
	s10 =	smul.u32 $0x7800, s15;
	s1 =	sadd.s32 s1, s14  }
0x10: {  	s24 =	simm.s32 $0x1;
	s25 =	simm.s32 $0x2;
	s26 =	simm.s32 $0x3  }
0x11: {  	s7 =	smul.u32 $0x4EC0, s9;
	[dreg:$0x3] =	wrdreg s8;
	s8 =	sadd.s32 $0x128400, s2  }
0x12: {  	s0 =	sadd.s32 s11, s31;
	s1 =	sadd.s32 s11, s1;
	s13 =	smax.u32 s13, $0x1  }
0x13: {  	s16 =	sshrl.u32 @!p0 s16, $0x3;
	s12 =	sadd.s32 $0x25080, s0;
	s0 =	sshll.u32 @!p0 s15, $0x6  }
0x14: {  	[dreg:$0x5] =	wrdreg s1;
	s14 =	sshrl.u32 @p0 s8, $0x3;
	s15 =	sor.u32 @!p0 $0x1C04, s0  }
.LBB2_1:
0x15: {  	s0 =	simm.s32 @p0 $0x1FC4;
	s1 =	rddreg [dreg:$0x4]  }
0x16: {  	[spmem:s14], [sflag:s0] =	dma.local @p0 [hbm:s1], $0x2080  }
0x17: {  	s0 =	simm.s32 @p0 $0x4  }
0x18: {  	_ =	swait.ge @p0 [sflag:s0], $0x2080  }
0x19: {  	[sflag:s0] =	ssyncset.done @p0 $0x0  }
0x1a: {  	[sflag:s0] =	ssyncadd.s32 @p0 $0xFFFFDF80;
	s0 =	rddreg [dreg:$0x3]  }
0x1b: {  	[spmem:s16], [sflag:s15] =	dma.local @!p0 [hbm:s0], $0x2780  }
0x1c: {  	s0 =	simm.s32 @!p0 $0x4  }
0x1d: {  	_ =	swait.ge @!p0 [sflag:s0], $0x2780  }
0x1e: {  	[sflag:s0] =	ssyncset.done @!p0 $0x0  }
0x1f: {  	[sflag:s0] =	ssyncadd.s32 @!p0 $0xFFFFD880  }
0x20: {  	s31 =	simm.s32 $0x0;
	[bflag:$0x0] =	sbarrier.arrive $0xFFFF  }
.LBB2_2:
0x21: {  	s0 =	smul.u32 $0xFC0, s31;
	_ =	sdelay $0x1  }
0x22: {  	s0 =	sadd.s32 s7, s0  }
0x23: {  	s0 =	sshrl.u32 s0, $0x3  }
0x24: {  	s1 =	simm.s32 $0x0;
	s8 =	smul.u32 $0x1800, s31;
	s0 =	sadd.s32 s5, s0  }
0x25: {  	[tilespmem:s1], [sflag:$0x4] =	stream.linear.gather [hbm4b:s0+s1], $0xFC0, $0x38;
	v63 =	vld [tilespmem:$0x0]  }
0x26: {  	s9 =	sadd.s32 s10, s8;
	_ =	swait.ge [sflag:s17], $0xFC0  }
0x27: {  	s0 =	sshrl.u32 s9, $0x3;
	[sflag:s17] =	ssyncset.done $0x0  }
0x28: {  	s0 =	sadd.s32 s6, s0;
	[sflag:s17] =	ssyncadd.s32 $0xFFFFF040  }
0x29: {  	[tilespmem:s18], [sflag:$0x4] =	stream.linear.gather [hbm4b:s0+s1], $0x1500, $0x38;
	v63 =	vld [tilespmem:$0x0]  }
0x2a: {  	_ =	swait.ge [sflag:s17], $0x1500  }
0x2b: {  	[sflag:s17] =	ssyncset.done $0x0  }
0x2c: {  	[sflag:s17] =	ssyncadd.s32 $0xFFFFEB00  }
0x2d: {  	[tilespmem:s20], [sflag:$0x1] =	stream.indirect.gather [hbm4b:s4+s19], $0x80, s1, s19, $0xb8;
	v63 =	vld [tilespmem:$0x0]  }
0x2e: {  	_ = 	snop  }
0x2f: {  	[tilespmem:s21], [sflag:$0x2] =	stream.indirect.gather [hbm4b:s4+s19], $0x80, s19, s19, $0xb8;
	v63 =	vld [tilespmem:$0x0]  }
0x30: {  	_ = 	snop  }
0x31: {  	[tilespmem:s23], [sflag:$0x3] =	stream.indirect.gather [hbm4b:s4+s19], $0x80, s22, s19, $0xb8;
	v63 =	vld [tilespmem:$0x0]  }
0x32: {  	_ =	swait.ge [sflag:s24], $0x3000  }
0x33: {  	[sflag:s24] =	ssyncset.done $0x0  }
0x34: {  	s11 =	simm.s32 $0x1000;
	[sflag:s24] =	ssyncadd.s32 $0xFFFFD000  }
0x35: {  	[spmem:s2] =	stream.indirect.scatter.add.f32 [tilespmem:s20], [sflag:$0x4], $0x80, s11, s19, $0xb8;
	v63 =	vld [tilespmem:$0x0]  }
0x36: {  	_ =	swait.ge [sflag:s17], $0x3000  }
0x37: {  	[sflag:s17] =	ssyncset.done $0x0  }
0x38: {  	s1 =	simm.s32 $0x120;
	[sflag:s17] =	ssyncadd.s32 $0xFFFFD000  }
0x39: {  	[tilespmem:s20], [sflag:$0x1] =	stream.indirect.gather [hbm4b:s4+s19], $0x80, s1, s19, $0xb8;
	v63 =	vld [tilespmem:$0x0]  }
0x3a: {  	_ =	swait.ge [sflag:s25], $0x3000  }
0x3b: {  	[sflag:s25] =	ssyncset.done $0x0  }
0x3c: {  	s8 =	simm.s32 $0x1080;
	[sflag:s25] =	ssyncadd.s32 $0xFFFFD000  }
0x3d: {  	[spmem:s2] =	stream.indirect.scatter.add.f32 [tilespmem:s21], [sflag:$0x4], $0x80, s8, s19, $0xb8;
	v63 =	vld [tilespmem:$0x0]  }
0x3e: {  	_ =	swait.ge [sflag:s17], $0x3000  }
0x3f: {  	[sflag:s17] =	ssyncset.done $0x0  }
0x40: {  	s9 =	simm.s32 $0x180;
	[sflag:s17] =	ssyncadd.s32 $0xFFFFD000  }
0x41: {  	[tilespmem:s21], [sflag:$0x2] =	stream.indirect.gather [hbm4b:s4+s19], $0x80, s9, s19, $0xb8;
	v63 =	vld [tilespmem:$0x0]  }
0x42: {  	_ =	swait.ge [sflag:s26], $0x3000  }
0x43: {  	[sflag:s26] =	ssyncset.done $0x0  }
0x44: {  	s11 =	simm.s32 $0x1100;
	[sflag:s26] =	ssyncadd.s32 $0xFFFFD000  }
0x45: {  	[spmem:s2] =	stream.indirect.scatter.add.f32 [tilespmem:s23], [sflag:$0x4], $0x80, s11, s19, $0xb8;
	v63 =	vld [tilespmem:$0x0]  }
0x46: {  	_ =	swait.ge [sflag:s17], $0x3000  }
0x47: {  	s0 =	simm.s32 $0x1E0;
	[sflag:s17] =	ssyncset.done $0x0  }
0x48: {  	s1 =	simm.s32 $0x600;
	s8 =	simm.s32 $0x300;
	[sflag:s17] =	ssyncadd.s32 $0xFFFFD000  }
.LBB2_3:
0x49: {  	[tilespmem:s23], [sflag:$0x3] =	stream.indirect.gather [hbm4b:s4+s19], $0x80, s0, s19, $0xb8;
	v63 =	vld [tilespmem:$0x0]  }
0x4a: {  	s9 =	smov.u32 s1;
	s0 =	smov.u32 s8  }
0x4b: {  	p1 =	sne.s32 s1, $0x4800;
	s1 =	sadd.s32 $0x600, s1;
	_ =	swait.ge [sflag:s24], $0x3000  }
0x4c: {  	s9 =	sshra.s32 s9, $0x2;
	[sflag:s24] =	ssyncset.done $0x0  }
0x4d: {  	s11 =	sadd.s32 $0x1000, s9;
	[sflag:s24] =	ssyncadd.s32 $0xFFFFD000  }
0x4e: {  	[spmem:s2] =	stream.indirect.scatter.add.f32 [tilespmem:s20], [sflag:$0x4], $0x80, s11, s19, $0xb8;
	v63 =	vld [tilespmem:$0x0]  }
0x4f: {  	_ =	swait.ge [sflag:s17], $0x3000  }
0x50: {  	[sflag:s17] =	ssyncset.done $0x0  }
0x51: {  	s11 =	sadd.s32 $0xFFFFFF40, s8;
	[sflag:s17] =	ssyncadd.s32 $0xFFFFD000  }
0x52: {  	[tilespmem:s20], [sflag:$0x1] =	stream.indirect.gather [hbm4b:s4+s19], $0x80, s11, s19, $0xb8;
	v63 =	vld [tilespmem:$0x0]  }
0x53: {  	_ =	swait.ge [sflag:s25], $0x3000  }
0x54: {  	[sflag:s25] =	ssyncset.done $0x0  }
0x55: {  	s11 =	sadd.s32 $0x1080, s9;
	[sflag:s25] =	ssyncadd.s32 $0xFFFFD000  }
0x56: {  	[spmem:s2] =	stream.indirect.scatter.add.f32 [tilespmem:s21], [sflag:$0x4], $0x80, s11, s19, $0xb8;
	v63 =	vld [tilespmem:$0x0]  }
0x57: {  	_ =	swait.ge [sflag:s17], $0x3000  }
0x58: {  	[sflag:s17] =	ssyncset.done $0x0  }
0x59: {  	s11 =	sadd.s32 $0xFFFFFFA0, s8;
	[sflag:s17] =	ssyncadd.s32 $0xFFFFD000  }
0x5a: {  	[tilespmem:s21], [sflag:$0x2] =	stream.indirect.gather [hbm4b:s4+s19], $0x80, s11, s19, $0xb8;
	v63 =	vld [tilespmem:$0x0]  }
0x5b: {  	_ =	swait.ge [sflag:s26], $0x3000  }
0x5c: {  	[sflag:s26] =	ssyncset.done $0x0  }
.Ltmp0:
0x5d: {  	s9 =	sadd.s32 $0x1100, s9;
	[sflag:s26] =	ssyncadd.s32 $0xFFFFD000;
	(pc) =	sbr.rel @p1 .LBB2_3-.Ltmp0, $4  }
0x5e: {  	[spmem:s2] =	stream.indirect.scatter.add.f32 [tilespmem:s23], [sflag:$0x4], $0x80, s9, s19, $0xb8;
	v63 =	vld [tilespmem:$0x0]  }
0x5f: {  	_ =	swait.ge [sflag:s17], $0x3000  }
0x60: {  	[sflag:s17] =	ssyncset.done $0x0  }
0x61: {  	s8 =	sadd.s32 $0x120, s8;
	[sflag:s17] =	ssyncadd.s32 $0xFFFFD000  }
0x62: {  	[tilespmem:s23], [sflag:$0x3] =	stream.indirect.gather [hbm4b:s4+s19], $0x80, s0, s19, $0xb8;
	v63 =	vld [tilespmem:$0x0]  }
0x63: {  	_ =	swait.ge [sflag:s24], $0x3000  }
0x64: {  	[sflag:s24] =	ssyncset.done $0x0  }
0x65: {  	[sflag:s24] =	ssyncadd.s32 $0xFFFFD000  }
0x66: {  	[spmem:s2] =	stream.indirect.scatter.add.f32 [tilespmem:s20], [sflag:$0x4], $0x80, s28, s19, $0xb8;
	v63 =	vld [tilespmem:$0x0]  }
0x67: {  	_ =	swait.ge [sflag:s17], $0x3000  }
0x68: {  	[sflag:s17] =	ssyncset.done $0x0  }
0x69: {  	[sflag:s17] =	ssyncadd.s32 $0xFFFFD000  }
0x6a: {  	_ =	swait.ge [sflag:s25], $0x3000  }
0x6b: {  	[sflag:s25] =	ssyncset.done $0x0  }
0x6c: {  	[sflag:s25] =	ssyncadd.s32 $0xFFFFD000  }
0x6d: {  	[spmem:s2] =	stream.indirect.scatter.add.f32 [tilespmem:s21], [sflag:$0x4], $0x80, s29, s19, $0xb8;
	v63 =	vld [tilespmem:$0x0]  }
0x6e: {  	_ =	swait.ge [sflag:s17], $0x3000  }
0x6f: {  	[sflag:s17] =	ssyncset.done $0x0  }
0x70: {  	[sflag:s17] =	ssyncadd.s32 $0xFFFFD000  }
0x71: {  	s31 =	sadd.s32 $0x1, s31;
	_ =	swait.ge [sflag:s26], $0x3000  }
0x72: {  	p1 =	sne.s32 s31, $0x5;
	[sflag:s26] =	ssyncset.done $0x0  }
.Ltmp1:
0x73: {  	[sflag:s26] =	ssyncadd.s32 $0xFFFFD000;
	(pc) =	sbr.rel @p1 .LBB2_2-.Ltmp1, $4  }
0x74: {  	[spmem:s2] =	stream.indirect.scatter.add.f32 [tilespmem:s23], [sflag:$0x4], $0x80, s30, s19, $0xb8;
	v63 =	vld [tilespmem:$0x0]  }
0x75: {  	_ =	swait.ge [sflag:s17], $0x3000  }
0x76: {  	[sflag:s17] =	ssyncset.done $0x0  }
0x77: {  	[sflag:s17] =	ssyncadd.s32 $0xFFFFD000  }
0x78: {  	[bflag:$0x0] =	sbarrier.arrive $0xFFFF;
	s0 =	simm.s32 @p0 $0x1FC4  }
0x79: {  	[hbm:s12], [sflag:s0] =	dma.local @p0 [spmem:s14], $0x2080  }
0x7a: {  	s0 =	simm.s32 @p0 $0x4  }
0x7b: {  	_ =	swait.ge @p0 [sflag:s0], $0x2080  }
0x7c: {  	s3 =	sadd.s32 $0x1, s3;
	[sflag:s0] =	ssyncset.done @p0 $0x0  }
0x7d: {  	p1 =	sne.s32 s3, s13;
	[sflag:s0] =	ssyncadd.s32 @p0 $0xFFFFDF80;
	s0 =	rddreg [dreg:$0x5]  }
0x7e: {  	[hbm:s0], [sflag:s15] =	dma.local @!p0 [spmem:s16], $0x2780  }
.Ltmp2:
0x7f: {  	_ = 	snop;
	(pc) =	sbr.rel @p1 .LBB2_1-.Ltmp2, $4  }
0x80: {  	s0 =	simm.s32 @!p0 $0x4  }
0x81: {  	_ =	swait.ge @!p0 [sflag:s0], $0x2780  }
0x82: {  	[sflag:s0] =	ssyncset.done @!p0 $0x0  }
0x83: {  	[sflag:s0] =	ssyncadd.s32 @!p0 $0xFFFFD880  }
0x84: {  	_ =	sfence.sel $0x180000  }
0x85: {  	[bflag:$0x0] =	sbarrier.arrive $0xFFFF  }
0x86: {  	_ =	strace $0x9000004A  }
0x87: {  	s0 =	stileid.u32;
	[bflag:$0x2] =	sbarrier.arrive $0xFFFF  }
0x88: {  	p0 =	sne.s32 s0, $0x0;
	s0 =	rddreg [dreg:$0x2]  }
0x89: {  	s0 =	sadd.s32 @!p0 $0x100000, s0  }
0x8a: {  	[sflag:s0] =	ssyncadd.tile.s32 @!p0 $0x1;
	_ =	shalt  }
.Lfunc_end2:
_tile_overlayer_lowered:
.L_overlay_start_2:
0x8b: {  	(tag) =	ssettag $0x2  }
0x8c: {  	s0 =	rddreg [dreg:$0x0];
	s2 =	stileid.u32  }
0x8d: {  	s1 =	rddreg [dreg:$0x1];
	p0 =	sne.s32 s2, $0x0  }
0x8e: {  	s3 =	rddreg [dreg:$0x2];
	[bflag:$0x3] =	sbarrier.arrive $0xFFFF;
	s2 =	simm.s32 @!p0 $0x1C04  }
0x8f: {  	[timem:s3], [sflag:s2] =	dma.local @!p0 [hbm:s0], s1  }
0x90: {  	s0 =	simm.s32 @!p0 $0x4  }
0x91: {  	_ =	swait.ge @!p0 [sflag:s0], s1  }
0x92: {  	s1 =	ssub.s32 @!p0 $0x0, s1;
	[sflag:s0] =	ssyncset.done @!p0 $0x0  }
0x93: {  	[sflag:s0] =	ssyncadd.s32 @!p0 s1  }
0x94: {  	[bflag:$0x3] =	sbarrier.arrive $0xFFFF  }
0x95: {  	_ =	shalt  }

// kernel: kernel.23.cloned.1.call-start
scs
__scs_entry_jumppad:
0x0: {  	(pc) =	sbr.rel $0x88, $3  }
0x1: {  	(tag) =	ssettag $0x0;
	lr =	simm.s32 $0x1  }
0x2: {  	[smem:$0x3F97] =	sst lr;
	_ =	strace $0xD0000000  }
0x3: {  	_ = 	snop  }
0x4: {  	_ = 	snop  }
0x5: {  	_ = 	snop  }
0x6: {  	_ = 	snop  }
0x7: {  	_ = 	snop  }
__scs_overlays_trampoline_lowered:
0x8: {  	[smem:$0x3FA6] =	sst s0  }
0x9: {  	[smem:$0x3FA7] =	sst s1  }
0xa: {  	[smem:$0x3FA8] =	sst s2  }
0xb: {  	[smem:$0x3FA9] =	sst s3  }
0xc: {  	[smem:$0x3FAA] =	sst s4  }
0xd: {  	[smem:$0x3FAB] =	sst s5  }
0xe: {  	[smem:$0x3FAC] =	sst s6  }
0xf: {  	[smem:$0x3FAD] =	sst s7  }
0x10: {  	[smem:$0x3FAE] =	sst s8  }
0x11: {  	[smem:$0x3FAF] =	sst s9;
	s0 =	simm.s32 @!p0 $0x0  }
0x12: {  	s1 =	sld [smem:$0x3F95];
	s0 =	simm.s32 @p0 $0x1  }
0x13: {  	[smem:$0x3FB0] =	sst s0;
	s0 =	simm.s32 @!p1 $0x0  }
0x14: {  	s2 =	sld [smem:$0x3F94];
	s0 =	simm.s32 @p1 $0x1  }
0x15: {  	[smem:$0x3FB1] =	sst s0;
	s0 =	simm.s32 @!p2 $0x0  }
0x16: {  	s3 =	sld [smem:$0x3FDB];
	s0 =	simm.s32 @p2 $0x1  }
0x17: {  	s4 =	simm.s32 $0x1BF5;
	[smem:$0x3FB3] =	sst s0  }
0x18: {  	s0 =	sld [smem:$0x3F96];
	_ =	swait.ge [sflag:s4], $0x0  }
0x19: {  	s7 =	sld [smem:$0x3F97]  }
0x1a: {  	s8 =	sadd.s32 $0xFFFFE003, lr  }
0x1b: {  	s9 =	sadd.s32 $0xFFFFFEF7, lr;
	s5 =	simm.s32 $0xFFFFFFFF;
	p2 =	slt.u32 s8, $0xFFFFF086  }
0x1c: {  	p1 =	slt.u32 s9, $0xF7A;
	s5 =	simm.s32 @!p2 $0x0  }
0x1d: {  	s5 =	simm.s32 @p1 $0x1;
	p0 =	seq.s32 s7, s2  }
0x1e: {  	s7 =	smul.u32 @!p0 $0xF7A, s2;
	p2 =	seq.s32 @!p0 s5, $0x0  }
0x1f: {  	s9 =	smul.u32 $0xF7A, s1;
	s8 =	simm.s32 @!p0 $0x1BF5;
	p2 =	por !p2, p0  }
0x20: {  	[sflag:s8] =	ssyncset.s32 @!p0 $0xFFFFF086;
	s6 =	sadd.s32 @!p0 s3, s7;
	s7 =	simm.s32 @!p0 $0x108  }
0x21: {  	s3 =	sadd.s32 s3, s9;
	s6 =	sadd.s32 @!p0 $0x88, s6;
	s7 =	simm.s32 @p2 $0x1082  }
0x22: {  	[simem:s7], [sflag:s8] =	dma.local @!p0 [hbm:s6], $0xF7A  }
0x23: {  	s9 =	sor.u32 $0xD0000000, s2;
	s6 =	simm.s32 $0x108;
	_ =	swait.ge @!p0 [sflag:s8], $0x0  }
0x24: {  	s3 =	sadd.s32 $0x88, s3;
	s6 =	simm.s32 @!p1 $0x1082;
	[sflag:s4] =	ssyncset.s32 $0xFFFFF086  }
0x25: {  	[simem:s6], [sflag:s4] =	dma.local [hbm:s3], $0xF7A  }
0x26: {  	[smem:$0x3F97] =	sst s1;
	(tag) =	ssettag s2;
	_ =	strace s9  }
0x27: {  	s1 =	sld [smem:$0x3FA7]  }
0x28: {  	s2 =	sld [smem:$0x3FA8]  }
0x29: {  	s4 =	sld [smem:$0x3FAA]  }
0x2a: {  	p0 =	seq.s32 s5, $0x0;
	s5 =	sld [smem:$0x3FAB]  }
0x2b: {  	s6 =	sld [smem:$0x3FAC]  }
0x2c: {  	s7 =	sld [smem:$0x3FAD]  }
0x2d: {  	s3 =	simm.s32 $0x108;
	s8 =	sld [smem:$0x3FAE]  }
0x2e: {  	s3 =	simm.s32 @!p0 $0x1082;
	s9 =	sld [smem:$0x3FAF]  }
0x2f: {  	lr =	sadd.s32 s0, s3;
	s0 =	sld [smem:$0x3FA6]  }
0x30: {  	s3 =	sld [smem:$0x3FA9]  }
0x31: {  	[smem:$0x3FB2] =	sst s10  }
0x32: {  	s10 =	sld [smem:$0x3FB0];
	_ =	sdelay $0x3  }
0x33: {  	p0 =	seq.s32 s10, $0x1;
	s10 =	sld [smem:$0x3FB2];
	_ =	sdelay $0x3  }
0x34: {  	[smem:$0x3FB2] =	sst s10  }
0x35: {  	s10 =	sld [smem:$0x3FB1];
	_ =	sdelay $0x3  }
0x36: {  	p1 =	seq.s32 s10, $0x1;
	s10 =	sld [smem:$0x3FB2];
	_ =	sdelay $0x3  }
0x37: {  	[smem:$0x3FB2] =	sst s10  }
0x38: {  	s10 =	sld [smem:$0x3FB3]  }
0x39: {  	_ = 	snop;
	(pc) =	sbr.ind lr, $3  }
0x3a: {  	_ = 	snop  }
0x3b: {  	_ = 	snop  }
0x3c: {  	p2 =	seq.s32 s10, $0x1;
	s10 =	sld [smem:$0x3FB2]  }
0x3d: {  	_ =	shalt  }
0x3e: {  	_ =	shalt  }
0x3f: {  	_ =	shalt  }
0x40: {  	_ =	shalt  }
0x41: {  	_ =	shalt  }
0x42: {  	_ =	shalt  }
0x43: {  	_ =	shalt  }
0x44: {  	_ =	shalt  }
0x45: {  	_ =	shalt  }
0x46: {  	_ =	shalt  }
0x47: {  	_ =	shalt  }
0x48: {  	_ =	shalt  }
0x49: {  	_ =	shalt  }
0x4a: {  	_ =	shalt  }
0x4b: {  	_ =	shalt  }
0x4c: {  	_ =	shalt  }
0x4d: {  	_ =	shalt  }
0x4e: {  	_ =	shalt  }
0x4f: {  	_ =	shalt  }
0x50: {  	_ =	shalt  }
0x51: {  	_ =	shalt  }
0x52: {  	_ =	shalt  }
0x53: {  	_ =	shalt  }
0x54: {  	_ =	shalt  }
0x55: {  	_ =	shalt  }
0x56: {  	_ =	shalt  }
0x57: {  	_ =	shalt  }
0x58: {  	_ =	shalt  }
0x59: {  	_ =	shalt  }
0x5a: {  	_ =	shalt  }
0x5b: {  	_ =	shalt  }
0x5c: {  	_ =	shalt  }
0x5d: {  	_ =	shalt  }
0x5e: {  	_ =	shalt  }
0x5f: {  	_ =	shalt  }
0x60: {  	_ =	shalt  }
0x61: {  	_ =	shalt  }
0x62: {  	_ =	shalt  }
0x63: {  	_ =	shalt  }
0x64: {  	_ =	shalt  }
0x65: {  	_ =	shalt  }
0x66: {  	_ =	shalt  }
0x67: {  	_ =	shalt  }
0x68: {  	_ =	shalt  }
0x69: {  	_ =	shalt  }
0x6a: {  	_ =	shalt  }
0x6b: {  	_ =	shalt  }
0x6c: {  	_ =	shalt  }
0x6d: {  	_ =	shalt  }
0x6e: {  	_ =	shalt  }
0x6f: {  	_ =	shalt  }
0x70: {  	_ =	shalt  }
0x71: {  	_ =	shalt  }
0x72: {  	_ =	shalt  }
0x73: {  	_ =	shalt  }
0x74: {  	_ =	shalt  }
0x75: {  	_ =	shalt  }
0x76: {  	_ =	shalt  }
0x77: {  	_ =	shalt  }
0x78: {  	_ =	shalt  }
0x79: {  	_ =	shalt  }
0x7a: {  	_ =	shalt  }
0x7b: {  	_ =	shalt  }
0x7c: {  	_ =	shalt  }
0x7d: {  	_ =	shalt  }
0x7e: {  	_ =	shalt  }
0x7f: {  	_ =	shalt  }
0x80: {  	_ =	shalt  }
0x81: {  	_ =	shalt  }
0x82: {  	_ =	shalt  }
0x83: {  	_ =	shalt  }
0x84: {  	_ =	shalt  }
0x85: {  	_ =	shalt  }
0x86: {  	_ =	shalt  }
0x87: {  	_ =	shalt  }
.Lfunc_end0:
.L_simem_size_0:
called_computation.2_lowered:
.L_overlay_start_0:
0x88: {  	s2 =	sld [smem:$0x3FD9]  }
0x89: {  	s3 =	sld [smem:$0x3FFE];
	_ =	sdelay $0x1  }
0x8a: {  	s1 =	srdreg.scid  }
0x8b: {  	s0 =	sand.u32 $0x1, s1  }
0x8c: {  	s16 =	sshll.u32 s0, $0xA;
	s2 =	sadd.s32 s3, s2  }
0x8d: {  	s2 =	sadd.s32 s2, s16  }
0x8e: {  	[smem:$0x3FBE] =	sst s2  }
0x8f: {  	_ = 	snop  }
0x90: {  	(tm) =	ssettm $0x1  }
0x91: {  	s17 =	sld [smem:$0x3FFB];
	_ =	sdelay $0x3  }
0x92: {  	_ =	strace s17  }
0x93: {  	s2 =	sld [smem:$0x3FFC];
	_ =	sdelay $0x3  }
0x94: {  	_ =	strace s2  }
0x95: {  	s2 =	sld [smem:$0x3FFD];
	_ =	sdelay $0x3  }
0x96: {  	_ =	strace s2  }
0x97: {  	_ =	strace $0x8FFFFFFF  }
0x98: {  	s18 =	sld [smem:$0x3FDB];
	_ =	sdelay $0x1  }
0x99: {  	s19 =	simm.s32 $_scs_section_size  }
0x9a: {  	s4 =	simm.s32 $_size__tile_overlayer_lowered;
	s5 =	simm.s32 $_tile_overlayer_lowered  }
0x9b: {  	s22 =	simm.s32 $0x1BFF;
	s21 =	sshll.u32 s5, $0x1;
	s2 =	sadd.s32 s19, s18  }
0x9c: {  	s6 =	simm.s32 $0x0;
	s20 =	sshll.u32 s4, $0x1;
	s4 =	sadd.s32 s21, s2  }
0x9d: {  	[timem:s6], [sflag:s22] =	dma.local [hbm:s4], s20  }
0x9e: {  	_ =	swait.ge [sflag:s22], s20  }
0x9f: {  	s3 =	ssub.s32 $0x0, s20;
	[sflag:s22] =	ssyncset.done $0x0  }
0xa0: {  	[sflag:s22] =	ssyncadd.s32 s3;
	_ =	sdelay $0x1  }
0xa1: {  	s23 =	simm.s32 $0x1B8B  }
0xa2: {  	_ =	swait.ge [sflag:s23], $0x1  }
0xa3: {  	[sflag:s23] =	ssyncset.done $0x0  }
0xa4: {  	s25 =	simm.s32 $0x1B8E;
	s24 =	sld [smem:$0x3FFE];
	[sflag:s23] =	ssyncadd.s32 $0xFFFFFFFF  }
0xa5: {  	s26 =	simm.s32 $execute0_lowered;
	[smem:$0x3FD2] =	sst s25  }
0xa6: {  	s4 =	sshll.u32 s26, $0x1;
	_ =	strace $0x8000004C;
	[dreg:$0x1] =	wrdreg $0xFFFFFFFF  }
0xa7: {  	s28 =	simm.s32 $_size_execute0_lowered;
	s2 =	sadd.s32 s2, s4;
	[dreg:$0x0] =	wrdreg $0x0  }
0xa8: {  	s4 =	sshll.u32 s28, $0x1;
	[dreg:$0x2] =	wrdreg s2  }
0xa9: {  	[dreg:$0x3] =	wrdreg s4  }
0xaa: {  	[dreg:$0x4] =	wrdreg $0xC0  }
0xab: {  	_ =	task [dreg:s6], $0x5FFFF  }
0xac: {  	[dreg:$0x1] =	wrdreg $0xFFFFFFFF  }
0xad: {  	[dreg:$0x0] =	wrdreg $0x60  }
0xae: {  	[dreg:$0x2] =	wrdreg s24  }
0xaf: {  	[dreg:$0x3] =	wrdreg $0xB8000  }
0xb0: {  	[dreg:$0x4] =	wrdreg $0x9  }
0xb1: {  	_ =	task.clear_ibuf [dreg:s6], $0x5FFFF;
	_ =	strace $0x9000004C  }
0xb2: {  	s29 =	simm.s32 $0x9;
	_ =	strace $0x8000004E  }
0xb3: {  	_ =	swait.ge [sflag:s29], $0x1  }
0xb4: {  	[sflag:s29] =	ssyncadd.s32 $0xFFFFFFFF  }
0xb5: {  	_ =	strace $0x9000004E  }
0xb6: {  	_ =	sfence  }
0xb7: {  	s30 =	sld [smem:$0x0];
	_ =	sdelay $0x2  }
0xb8: {  	s31 =	sshll.u32 s1, $0xD;
	s1 =	sshrl.u32 s1, $0x2  }
0xb9: {  	s3 =	sand.u32 $0x4000, s31;
	s1 =	sadd.s32 s1, s30  }
0xba: {  	s0 =	sor.u32 s3, s0;
	s1 =	sshll.u32 s1, $0x11  }
0xbb: {  	s0 =	sor.u32 s1, s0  }
0xbc: {  	s0 =	sadd.s32 $0x8F2B, s0  }
0xbd: {  	[sflag:s0] =	ssyncadd.remote.s32 $0x1  }
0xbe: {  	_ =	sfence.sel $0xFFFF  }
0xbf: {  	[dreg:$0x0] =	wrdreg $0xFFFFFFFF;
	(pc) =	sbr.abs _section_cstart, $3  }
0xc0: {  	[dreg:$0x1] =	wrdreg $0xFFFFFFFF  }
0xc1: {  	_ =	task.clear_ibuf [dreg:s6], $0x2FFFF;
	_ =	strace $0x9FFFFFFF  }
0xc2: {  	(tm) =	ssettm $0x7FFFFFFF  }
0xc3: {  	_ =	shalt  }
tec
execute0_lowered:
.L_overlay_start_1:
0x0: {  	(tag) =	ssettag $0x1  }
0x1: {  	s0 =	rddreg [dreg:$0x0]  }
0x2: {  	s2 =	rddreg [dreg:$0x1]  }
0x3: {  	s3 =	simm.s32 $0x0;
	s15 =	stileid.u32;
	s6 =	srdreg.scid  }
0x4: {  	s17 =	simm.s32 $0x4;
	s18 =	simm.s32 $0x1000;
	s19 =	simm.s32 $0x60  }
0x5: {  	s20 =	simm.s32 $0x2800;
	s21 =	simm.s32 $0x5800;
	s22 =	simm.s32 $0xC0  }
0x6: {  	s23 =	simm.s32 $0x8800;
	s28 =	simm.s32 $0x2380;
	s29 =	simm.s32 $0x2400  }
0x7: {  	s30 =	simm.s32 $0x2480;
	[smem:$0x7FF] =	sst s3;
	s1 =	smul.u32 $0x2780, s15  }
0x8: {  	s4 =	sadd.s32 $0x28000, s0;
	s5 =	sadd.s32 $0x5400, s0;
	s7 =	sand.u32 $0x1, s6  }
0x9: {  	s6 =	sadd.s32 $0x19000, s0;
	s11 =	sadd.s32 $0x9D400, s0;
	s12 =	smul.u32 $0x4F000, s15  }
0xa: {  	p0 =	seq.s32 s15, $0xF;
	_ =	strace $0x8000004D;
	s14 =	smul.u32 $0x27100, s7  }
0xb: {  	s9 =	ssub.s32 $0x2, s7;
	s24 =	sshll.u32 s7, $0x4;
	s26 =	smul.u32 $0x138800, s7  }
0xc: {  	s8 =	sadd.s32 s1, s0;
	s10 =	sshrl.u32 s9, $0x1;
	s25 =	sshrl.u32 s12, $0x2  }
0xd: {  	s0 =	sadd.s32 $0x9B280, s0;
	s13 =	ssub.s32 s9, s10;
	s9 =	sor.u32 s15, s24  }
0xe: {  	s16 =	sadd.s32 s25, s2;
	s8 =	sadd.s32 $0x76200, s8;
	[dreg:$0x4] =	wrdreg s0  }
0xf: {  	s31 =	sshrl.u32 s26, $0x3;
	s10 =	smul.u32 $0x7800, s15;
	s1 =	sadd.s32 s1, s14  }
0x10: {  	s24 =	simm.s32 $0x1;
	s25 =	simm.s32 $0x2;
	s26 =	simm.s32 $0x3  }
0x11: {  	s7 =	smul.u32 $0x4EC0, s9;
	[dreg:$0x3] =	wrdreg s8;
	s8 =	sadd.s32 $0x128400, s2  }
0x12: {  	s0 =	sadd.s32 s11, s31;
	s1 =	sadd.s32 s11, s1;
	s13 =	smax.u32 s13, $0x1  }
0x13: {  	s16 =	sshrl.u32 @!p0 s16, $0x3;
	s12 =	sadd.s32 $0x25080, s0;
	s0 =	sshll.u32 @!p0 s15, $0x6  }
0x14: {  	[dreg:$0x5] =	wrdreg s1;
	s14 =	sshrl.u32 @p0 s8, $0x3;
	s15 =	sor.u32 @!p0 $0x1C04, s0  }
.LBB2_1:
0x15: {  	s0 =	simm.s32 @p0 $0x1FC4;
	s1 =	rddreg [dreg:$0x4]  }
0x16: {  	[spmem:s14], [sflag:s0] =	dma.local @p0 [hbm:s1], $0x2080  }
0x17: {  	s0 =	simm.s32 @p0 $0x4  }
0x18: {  	_ =	swait.ge @p0 [sflag:s0], $0x2080  }
0x19: {  	[sflag:s0] =	ssyncset.done @p0 $0x0  }
0x1a: {  	[sflag:s0] =	ssyncadd.s32 @p0 $0xFFFFDF80;
	s0 =	rddreg [dreg:$0x3]  }
0x1b: {  	[spmem:s16], [sflag:s15] =	dma.local @!p0 [hbm:s0], $0x2780  }
0x1c: {  	s0 =	simm.s32 @!p0 $0x4  }
0x1d: {  	_ =	swait.ge @!p0 [sflag:s0], $0x2780  }
0x1e: {  	[sflag:s0] =	ssyncset.done @!p0 $0x0  }
0x1f: {  	[sflag:s0] =	ssyncadd.s32 @!p0 $0xFFFFD880  }
0x20: {  	s31 =	simm.s32 $0x0;
	[bflag:$0x0] =	sbarrier.arrive $0xFFFF  }
.LBB2_2:
0x21: {  	s0 =	smul.u32 $0xFC0, s31;
	_ =	sdelay $0x1  }
0x22: {  	s0 =	sadd.s32 s7, s0  }
0x23: {  	s0 =	sshrl.u32 s0, $0x3  }
0x24: {  	s1 =	simm.s32 $0x0;
	s8 =	smul.u32 $0x1800, s31;
	s0 =	sadd.s32 s5, s0  }
0x25: {  	[tilespmem:s1], [sflag:$0x4] =	stream.linear.gather [hbm4b:s0+s1], $0xFC0, $0x38;
	v63 =	vld [tilespmem:$0x0]  }
0x26: {  	s9 =	sadd.s32 s10, s8;
	_ =	swait.ge [sflag:s17], $0xFC0  }
0x27: {  	s0 =	sshrl.u32 s9, $0x3;
	[sflag:s17] =	ssyncset.done $0x0  }
0x28: {  	s0 =	sadd.s32 s6, s0;
	[sflag:s17] =	ssyncadd.s32 $0xFFFFF040  }
0x29: {  	[tilespmem:s18], [sflag:$0x4] =	stream.linear.gather [hbm4b:s0+s1], $0x1500, $0x38;
	v63 =	vld [tilespmem:$0x0]  }
0x2a: {  	_ =	swait.ge [sflag:s17], $0x1500  }
0x2b: {  	[sflag:s17] =	ssyncset.done $0x0  }
0x2c: {  	[sflag:s17] =	ssyncadd.s32 $0xFFFFEB00  }
0x2d: {  	[tilespmem:s20], [sflag:$0x1] =	stream.indirect.gather [hbm4b:s4+s19], $0x80, s1, s19, $0xb8;
	v63 =	vld [tilespmem:$0x0]  }
0x2e: {  	_ = 	snop  }
0x2f: {  	[tilespmem:s21], [sflag:$0x2] =	stream.indirect.gather [hbm4b:s4+s19], $0x80, s19, s19, $0xb8;
	v63 =	vld [tilespmem:$0x0]  }
0x30: {  	_ = 	snop  }
0x31: {  	[tilespmem:s23], [sflag:$0x3] =	stream.indirect.gather [hbm4b:s4+s19], $0x80, s22, s19, $0xb8;
	v63 =	vld [tilespmem:$0x0]  }
0x32: {  	_ =	swait.ge [sflag:s24], $0x3000  }
0x33: {  	[sflag:s24] =	ssyncset.done $0x0  }
0x34: {  	s11 =	simm.s32 $0x1000;
	[sflag:s24] =	ssyncadd.s32 $0xFFFFD000  }
0x35: {  	[spmem:s2] =	stream.indirect.scatter.add.f32 [tilespmem:s20], [sflag:$0x4], $0x80, s11, s19, $0xb8;
	v63 =	vld [tilespmem:$0x0]  }
0x36: {  	_ =	swait.ge [sflag:s17], $0x3000  }
0x37: {  	[sflag:s17] =	ssyncset.done $0x0  }
0x38: {  	s1 =	simm.s32 $0x120;
	[sflag:s17] =	ssyncadd.s32 $0xFFFFD000  }
0x39: {  	[tilespmem:s20], [sflag:$0x1] =	stream.indirect.gather [hbm4b:s4+s19], $0x80, s1, s19, $0xb8;
	v63 =	vld [tilespmem:$0x0]  }
0x3a: {  	_ =	swait.ge [sflag:s25], $0x3000  }
0x3b: {  	[sflag:s25] =	ssyncset.done $0x0  }
0x3c: {  	s8 =	simm.s32 $0x1080;
	[sflag:s25] =	ssyncadd.s32 $0xFFFFD000  }
0x3d: {  	[spmem:s2] =	stream.indirect.scatter.add.f32 [tilespmem:s21], [sflag:$0x4], $0x80, s8, s19, $0xb8;
	v63 =	vld [tilespmem:$0x0]  }
0x3e: {  	_ =	swait.ge [sflag:s17], $0x3000  }
0x3f: {  	[sflag:s17] =	ssyncset.done $0x0  }
0x40: {  	s9 =	simm.s32 $0x180;
	[sflag:s17] =	ssyncadd.s32 $0xFFFFD000  }
0x41: {  	[tilespmem:s21], [sflag:$0x2] =	stream.indirect.gather [hbm4b:s4+s19], $0x80, s9, s19, $0xb8;
	v63 =	vld [tilespmem:$0x0]  }
0x42: {  	_ =	swait.ge [sflag:s26], $0x3000  }
0x43: {  	[sflag:s26] =	ssyncset.done $0x0  }
0x44: {  	s11 =	simm.s32 $0x1100;
	[sflag:s26] =	ssyncadd.s32 $0xFFFFD000  }
0x45: {  	[spmem:s2] =	stream.indirect.scatter.add.f32 [tilespmem:s23], [sflag:$0x4], $0x80, s11, s19, $0xb8;
	v63 =	vld [tilespmem:$0x0]  }
0x46: {  	_ =	swait.ge [sflag:s17], $0x3000  }
0x47: {  	s0 =	simm.s32 $0x1E0;
	[sflag:s17] =	ssyncset.done $0x0  }
0x48: {  	s1 =	simm.s32 $0x600;
	s8 =	simm.s32 $0x300;
	[sflag:s17] =	ssyncadd.s32 $0xFFFFD000  }
.LBB2_3:
0x49: {  	[tilespmem:s23], [sflag:$0x3] =	stream.indirect.gather [hbm4b:s4+s19], $0x80, s0, s19, $0xb8;
	v63 =	vld [tilespmem:$0x0]  }
0x4a: {  	s9 =	smov.u32 s1;
	s0 =	smov.u32 s8  }
0x4b: {  	p1 =	sne.s32 s1, $0x4800;
	s1 =	sadd.s32 $0x600, s1;
	_ =	swait.ge [sflag:s24], $0x3000  }
0x4c: {  	s9 =	sshra.s32 s9, $0x2;
	[sflag:s24] =	ssyncset.done $0x0  }
0x4d: {  	s11 =	sadd.s32 $0x1000, s9;
	[sflag:s24] =	ssyncadd.s32 $0xFFFFD000  }
0x4e: {  	[spmem:s2] =	stream.indirect.scatter.add.f32 [tilespmem:s20], [sflag:$0x4], $0x80, s11, s19, $0xb8;
	v63 =	vld [tilespmem:$0x0]  }
0x4f: {  	_ =	swait.ge [sflag:s17], $0x3000  }
0x50: {  	[sflag:s17] =	ssyncset.done $0x0  }
0x51: {  	s11 =	sadd.s32 $0xFFFFFF40, s8;
	[sflag:s17] =	ssyncadd.s32 $0xFFFFD000  }
0x52: {  	[tilespmem:s20], [sflag:$0x1] =	stream.indirect.gather [hbm4b:s4+s19], $0x80, s11, s19, $0xb8;
	v63 =	vld [tilespmem:$0x0]  }
0x53: {  	_ =	swait.ge [sflag:s25], $0x3000  }
0x54: {  	[sflag:s25] =	ssyncset.done $0x0  }
0x55: {  	s11 =	sadd.s32 $0x1080, s9;
	[sflag:s25] =	ssyncadd.s32 $0xFFFFD000  }
0x56: {  	[spmem:s2] =	stream.indirect.scatter.add.f32 [tilespmem:s21], [sflag:$0x4], $0x80, s11, s19, $0xb8;
	v63 =	vld [tilespmem:$0x0]  }
0x57: {  	_ =	swait.ge [sflag:s17], $0x3000  }
0x58: {  	[sflag:s17] =	ssyncset.done $0x0  }
0x59: {  	s11 =	sadd.s32 $0xFFFFFFA0, s8;
	[sflag:s17] =	ssyncadd.s32 $0xFFFFD000  }
0x5a: {  	[tilespmem:s21], [sflag:$0x2] =	stream.indirect.gather [hbm4b:s4+s19], $0x80, s11, s19, $0xb8;
	v63 =	vld [tilespmem:$0x0]  }
0x5b: {  	_ =	swait.ge [sflag:s26], $0x3000  }
0x5c: {  	[sflag:s26] =	ssyncset.done $0x0  }
.Ltmp0:
0x5d: {  	s9 =	sadd.s32 $0x1100, s9;
	[sflag:s26] =	ssyncadd.s32 $0xFFFFD000;
	(pc) =	sbr.rel @p1 .LBB2_3-.Ltmp0, $4  }
0x5e: {  	[spmem:s2] =	stream.indirect.scatter.add.f32 [tilespmem:s23], [sflag:$0x4], $0x80, s9, s19, $0xb8;
	v63 =	vld [tilespmem:$0x0]  }
0x5f: {  	_ =	swait.ge [sflag:s17], $0x3000  }
0x60: {  	[sflag:s17] =	ssyncset.done $0x0  }
0x61: {  	s8 =	sadd.s32 $0x120, s8;
	[sflag:s17] =	ssyncadd.s32 $0xFFFFD000  }
0x62: {  	[tilespmem:s23], [sflag:$0x3] =	stream.indirect.gather [hbm4b:s4+s19], $0x80, s0, s19, $0xb8;
	v63 =	vld [tilespmem:$0x0]  }
0x63: {  	_ =	swait.ge [sflag:s24], $0x3000  }
0x64: {  	[sflag:s24] =	ssyncset.done $0x0  }
0x65: {  	[sflag:s24] =	ssyncadd.s32 $0xFFFFD000  }
0x66: {  	[spmem:s2] =	stream.indirect.scatter.add.f32 [tilespmem:s20], [sflag:$0x4], $0x80, s28, s19, $0xb8;
	v63 =	vld [tilespmem:$0x0]  }
0x67: {  	_ =	swait.ge [sflag:s17], $0x3000  }
0x68: {  	[sflag:s17] =	ssyncset.done $0x0  }
0x69: {  	[sflag:s17] =	ssyncadd.s32 $0xFFFFD000  }
0x6a: {  	_ =	swait.ge [sflag:s25], $0x3000  }
0x6b: {  	[sflag:s25] =	ssyncset.done $0x0  }
0x6c: {  	[sflag:s25] =	ssyncadd.s32 $0xFFFFD000  }
0x6d: {  	[spmem:s2] =	stream.indirect.scatter.add.f32 [tilespmem:s21], [sflag:$0x4], $0x80, s29, s19, $0xb8;
	v63 =	vld [tilespmem:$0x0]  }
0x6e: {  	_ =	swait.ge [sflag:s17], $0x3000  }
0x6f: {  	[sflag:s17] =	ssyncset.done $0x0  }
0x70: {  	[sflag:s17] =	ssyncadd.s32 $0xFFFFD000  }
0x71: {  	s31 =	sadd.s32 $0x1, s31;
	_ =	swait.ge [sflag:s26], $0x3000  }
0x72: {  	p1 =	sne.s32 s31, $0x5;
	[sflag:s26] =	ssyncset.done $0x0  }
.Ltmp1:
0x73: {  	[sflag:s26] =	ssyncadd.s32 $0xFFFFD000;
	(pc) =	sbr.rel @p1 .LBB2_2-.Ltmp1, $4  }
0x74: {  	[spmem:s2] =	stream.indirect.scatter.add.f32 [tilespmem:s23], [sflag:$0x4], $0x80, s30, s19, $0xb8;
	v63 =	vld [tilespmem:$0x0]  }
0x75: {  	_ =	swait.ge [sflag:s17], $0x3000  }
0x76: {  	[sflag:s17] =	ssyncset.done $0x0  }
0x77: {  	[sflag:s17] =	ssyncadd.s32 $0xFFFFD000  }
0x78: {  	[bflag:$0x0] =	sbarrier.arrive $0xFFFF;
	s0 =	simm.s32 @p0 $0x1FC4  }
0x79: {  	[hbm:s12], [sflag:s0] =	dma.local @p0 [spmem:s14], $0x2080  }
0x7a: {  	s0 =	simm.s32 @p0 $0x4  }
0x7b: {  	_ =	swait.ge @p0 [sflag:s0], $0x2080  }
0x7c: {  	s3 =	sadd.s32 $0x1, s3;
	[sflag:s0] =	ssyncset.done @p0 $0x0  }
0x7d: {  	p1 =	sne.s32 s3, s13;
	[sflag:s0] =	ssyncadd.s32 @p0 $0xFFFFDF80;
	s0 =	rddreg [dreg:$0x5]  }
0x7e: {  	[hbm:s0], [sflag:s15] =	dma.local @!p0 [spmem:s16], $0x2780  }
.Ltmp2:
0x7f: {  	_ = 	snop;
	(pc) =	sbr.rel @p1 .LBB2_1-.Ltmp2, $4  }
0x80: {  	s0 =	simm.s32 @!p0 $0x4  }
0x81: {  	_ =	swait.ge @!p0 [sflag:s0], $0x2780  }
0x82: {  	[sflag:s0] =	ssyncset.done @!p0 $0x0  }
0x83: {  	[sflag:s0] =	ssyncadd.s32 @!p0 $0xFFFFD880  }
0x84: {  	_ =	sfence.sel $0x180000  }
0x85: {  	[bflag:$0x0] =	sbarrier.arrive $0xFFFF  }
0x86: {  	_ =	strace $0x9000004D  }
0x87: {  	s0 =	stileid.u32;
	[bflag:$0x2] =	sbarrier.arrive $0xFFFF  }
0x88: {  	p0 =	sne.s32 s0, $0x0;
	s0 =	rddreg [dreg:$0x2]  }
0x89: {  	s0 =	sadd.s32 @!p0 $0x100000, s0  }
0x8a: {  	[sflag:s0] =	ssyncadd.tile.s32 @!p0 $0x1;
	_ =	shalt  }
.Lfunc_end2:
_tile_overlayer_lowered:
.L_overlay_start_2:
0x8b: {  	(tag) =	ssettag $0x2  }
0x8c: {  	s0 =	rddreg [dreg:$0x0];
	s2 =	stileid.u32  }
0x8d: {  	s1 =	rddreg [dreg:$0x1];
	p0 =	sne.s32 s2, $0x0  }
0x8e: {  	s3 =	rddreg [dreg:$0x2];
	[bflag:$0x3] =	sbarrier.arrive $0xFFFF;
	s2 =	simm.s32 @!p0 $0x1C04  }
0x8f: {  	[timem:s3], [sflag:s2] =	dma.local @!p0 [hbm:s0], s1  }
0x90: {  	s0 =	simm.s32 @!p0 $0x4  }
0x91: {  	_ =	swait.ge @!p0 [sflag:s0], s1  }
0x92: {  	s1 =	ssub.s32 @!p0 $0x0, s1;
	[sflag:s0] =	ssyncset.done @!p0 $0x0  }
0x93: {  	[sflag:s0] =	ssyncadd.s32 @!p0 s1  }
0x94: {  	[bflag:$0x3] =	sbarrier.arrive $0xFFFF  }
0x95: {  	_ =	shalt  }

// kernel: kernel.26.cloned.1.call-start
scs
__scs_entry_jumppad:
0x0: {  	(pc) =	sbr.rel $0x88, $3  }
0x1: {  	(tag) =	ssettag $0x0;
	lr =	simm.s32 $0x1  }
0x2: {  	[smem:$0x3F97] =	sst lr;
	_ =	strace $0xD0000000  }
0x3: {  	_ = 	snop  }
0x4: {  	_ = 	snop  }
0x5: {  	_ = 	snop  }
0x6: {  	_ = 	snop  }
0x7: {  	_ = 	snop  }
__scs_overlays_trampoline_lowered:
0x8: {  	[smem:$0x3FA6] =	sst s0  }
0x9: {  	[smem:$0x3FA7] =	sst s1  }
0xa: {  	[smem:$0x3FA8] =	sst s2  }
0xb: {  	[smem:$0x3FA9] =	sst s3  }
0xc: {  	[smem:$0x3FAA] =	sst s4  }
0xd: {  	[smem:$0x3FAB] =	sst s5  }
0xe: {  	[smem:$0x3FAC] =	sst s6  }
0xf: {  	[smem:$0x3FAD] =	sst s7  }
0x10: {  	[smem:$0x3FAE] =	sst s8  }
0x11: {  	[smem:$0x3FAF] =	sst s9;
	s0 =	simm.s32 @!p0 $0x0  }
0x12: {  	s1 =	sld [smem:$0x3F95];
	s0 =	simm.s32 @p0 $0x1  }
0x13: {  	[smem:$0x3FB0] =	sst s0;
	s0 =	simm.s32 @!p1 $0x0  }
0x14: {  	s2 =	sld [smem:$0x3F94];
	s0 =	simm.s32 @p1 $0x1  }
0x15: {  	[smem:$0x3FB1] =	sst s0;
	s0 =	simm.s32 @!p2 $0x0  }
0x16: {  	s3 =	sld [smem:$0x3FDB];
	s0 =	simm.s32 @p2 $0x1  }
0x17: {  	s4 =	simm.s32 $0x1BF5;
	[smem:$0x3FB3] =	sst s0  }
0x18: {  	s0 =	sld [smem:$0x3F96];
	_ =	swait.ge [sflag:s4], $0x0  }
0x19: {  	s7 =	sld [smem:$0x3F97]  }
0x1a: {  	s8 =	sadd.s32 $0xFFFFE003, lr  }
0x1b: {  	s9 =	sadd.s32 $0xFFFFFEF7, lr;
	s5 =	simm.s32 $0xFFFFFFFF;
	p2 =	slt.u32 s8, $0xFFFFF086  }
0x1c: {  	p1 =	slt.u32 s9, $0xF7A;
	s5 =	simm.s32 @!p2 $0x0  }
0x1d: {  	s5 =	simm.s32 @p1 $0x1;
	p0 =	seq.s32 s7, s2  }
0x1e: {  	s7 =	smul.u32 @!p0 $0xF7A, s2;
	p2 =	seq.s32 @!p0 s5, $0x0  }
0x1f: {  	s9 =	smul.u32 $0xF7A, s1;
	s8 =	simm.s32 @!p0 $0x1BF5;
	p2 =	por !p2, p0  }
0x20: {  	[sflag:s8] =	ssyncset.s32 @!p0 $0xFFFFF086;
	s6 =	sadd.s32 @!p0 s3, s7;
	s7 =	simm.s32 @!p0 $0x108  }
0x21: {  	s3 =	sadd.s32 s3, s9;
	s6 =	sadd.s32 @!p0 $0x88, s6;
	s7 =	simm.s32 @p2 $0x1082  }
0x22: {  	[simem:s7], [sflag:s8] =	dma.local @!p0 [hbm:s6], $0xF7A  }
0x23: {  	s9 =	sor.u32 $0xD0000000, s2;
	s6 =	simm.s32 $0x108;
	_ =	swait.ge @!p0 [sflag:s8], $0x0  }
0x24: {  	s3 =	sadd.s32 $0x88, s3;
	s6 =	simm.s32 @!p1 $0x1082;
	[sflag:s4] =	ssyncset.s32 $0xFFFFF086  }
0x25: {  	[simem:s6], [sflag:s4] =	dma.local [hbm:s3], $0xF7A  }
0x26: {  	[smem:$0x3F97] =	sst s1;
	(tag) =	ssettag s2;
	_ =	strace s9  }
0x27: {  	s1 =	sld [smem:$0x3FA7]  }
0x28: {  	s2 =	sld [smem:$0x3FA8]  }
0x29: {  	s4 =	sld [smem:$0x3FAA]  }
0x2a: {  	p0 =	seq.s32 s5, $0x0;
	s5 =	sld [smem:$0x3FAB]  }
0x2b: {  	s6 =	sld [smem:$0x3FAC]  }
0x2c: {  	s7 =	sld [smem:$0x3FAD]  }
0x2d: {  	s3 =	simm.s32 $0x108;
	s8 =	sld [smem:$0x3FAE]  }
0x2e: {  	s3 =	simm.s32 @!p0 $0x1082;
	s9 =	sld [smem:$0x3FAF]  }
0x2f: {  	lr =	sadd.s32 s0, s3;
	s0 =	sld [smem:$0x3FA6]  }
0x30: {  	s3 =	sld [smem:$0x3FA9]  }
0x31: {  	[smem:$0x3FB2] =	sst s10  }
0x32: {  	s10 =	sld [smem:$0x3FB0];
	_ =	sdelay $0x3  }
0x33: {  	p0 =	seq.s32 s10, $0x1;
	s10 =	sld [smem:$0x3FB2];
	_ =	sdelay $0x3  }
0x34: {  	[smem:$0x3FB2] =	sst s10  }
0x35: {  	s10 =	sld [smem:$0x3FB1];
	_ =	sdelay $0x3  }
0x36: {  	p1 =	seq.s32 s10, $0x1;
	s10 =	sld [smem:$0x3FB2];
	_ =	sdelay $0x3  }
0x37: {  	[smem:$0x3FB2] =	sst s10  }
0x38: {  	s10 =	sld [smem:$0x3FB3]  }
0x39: {  	_ = 	snop;
	(pc) =	sbr.ind lr, $3  }
0x3a: {  	_ = 	snop  }
0x3b: {  	_ = 	snop  }
0x3c: {  	p2 =	seq.s32 s10, $0x1;
	s10 =	sld [smem:$0x3FB2]  }
0x3d: {  	_ =	shalt  }
0x3e: {  	_ =	shalt  }
0x3f: {  	_ =	shalt  }
0x40: {  	_ =	shalt  }
0x41: {  	_ =	shalt  }
0x42: {  	_ =	shalt  }
0x43: {  	_ =	shalt  }
0x44: {  	_ =	shalt  }
0x45: {  	_ =	shalt  }
0x46: {  	_ =	shalt  }
0x47: {  	_ =	shalt  }
0x48: {  	_ =	shalt  }
0x49: {  	_ =	shalt  }
0x4a: {  	_ =	shalt  }
0x4b: {  	_ =	shalt  }
0x4c: {  	_ =	shalt  }
0x4d: {  	_ =	shalt  }
0x4e: {  	_ =	shalt  }
0x4f: {  	_ =	shalt  }
0x50: {  	_ =	shalt  }
0x51: {  	_ =	shalt  }
0x52: {  	_ =	shalt  }
0x53: {  	_ =	shalt  }
0x54: {  	_ =	shalt  }
0x55: {  	_ =	shalt  }
0x56: {  	_ =	shalt  }
0x57: {  	_ =	shalt  }
0x58: {  	_ =	shalt  }
0x59: {  	_ =	shalt  }
0x5a: {  	_ =	shalt  }
0x5b: {  	_ =	shalt  }
0x5c: {  	_ =	shalt  }
0x5d: {  	_ =	shalt  }
0x5e: {  	_ =	shalt  }
0x5f: {  	_ =	shalt  }
0x60: {  	_ =	shalt  }
0x61: {  	_ =	shalt  }
0x62: {  	_ =	shalt  }
0x63: {  	_ =	shalt  }
0x64: {  	_ =	shalt  }
0x65: {  	_ =	shalt  }
0x66: {  	_ =	shalt  }
0x67: {  	_ =	shalt  }
0x68: {  	_ =	shalt  }
0x69: {  	_ =	shalt  }
0x6a: {  	_ =	shalt  }
0x6b: {  	_ =	shalt  }
0x6c: {  	_ =	shalt  }
0x6d: {  	_ =	shalt  }
0x6e: {  	_ =	shalt  }
0x6f: {  	_ =	shalt  }
0x70: {  	_ =	shalt  }
0x71: {  	_ =	shalt  }
0x72: {  	_ =	shalt  }
0x73: {  	_ =	shalt  }
0x74: {  	_ =	shalt  }
0x75: {  	_ =	shalt  }
0x76: {  	_ =	shalt  }
0x77: {  	_ =	shalt  }
0x78: {  	_ =	shalt  }
0x79: {  	_ =	shalt  }
0x7a: {  	_ =	shalt  }
0x7b: {  	_ =	shalt  }
0x7c: {  	_ =	shalt  }
0x7d: {  	_ =	shalt  }
0x7e: {  	_ =	shalt  }
0x7f: {  	_ =	shalt  }
0x80: {  	_ =	shalt  }
0x81: {  	_ =	shalt  }
0x82: {  	_ =	shalt  }
0x83: {  	_ =	shalt  }
0x84: {  	_ =	shalt  }
0x85: {  	_ =	shalt  }
0x86: {  	_ =	shalt  }
0x87: {  	_ =	shalt  }
.Lfunc_end0:
.L_simem_size_0:
called_computation.3_lowered:
.L_overlay_start_0:
0x88: {  	s2 =	sld [smem:$0x3FD9]  }
0x89: {  	s3 =	sld [smem:$0x3FFE];
	_ =	sdelay $0x1  }
0x8a: {  	s1 =	srdreg.scid  }
0x8b: {  	s0 =	sand.u32 $0x1, s1  }
0x8c: {  	s16 =	sshll.u32 s0, $0xA;
	s2 =	sadd.s32 s3, s2  }
0x8d: {  	s2 =	sadd.s32 s2, s16  }
0x8e: {  	[smem:$0x3FBE] =	sst s2  }
0x8f: {  	_ = 	snop  }
0x90: {  	(tm) =	ssettm $0x1  }
0x91: {  	s17 =	sld [smem:$0x3FFB];
	_ =	sdelay $0x3  }
0x92: {  	_ =	strace s17  }
0x93: {  	s2 =	sld [smem:$0x3FFC];
	_ =	sdelay $0x3  }
0x94: {  	_ =	strace s2  }
0x95: {  	s2 =	sld [smem:$0x3FFD];
	_ =	sdelay $0x3  }
0x96: {  	_ =	strace s2  }
0x97: {  	_ =	strace $0x8FFFFFFF  }
0x98: {  	s18 =	sld [smem:$0x3FDB];
	_ =	sdelay $0x1  }
0x99: {  	s19 =	simm.s32 $_scs_section_size  }
0x9a: {  	s4 =	simm.s32 $_size__tile_overlayer_lowered;
	s5 =	simm.s32 $_tile_overlayer_lowered  }
0x9b: {  	s22 =	simm.s32 $0x1BFF;
	s21 =	sshll.u32 s5, $0x1;
	s2 =	sadd.s32 s19, s18  }
0x9c: {  	s6 =	simm.s32 $0x0;
	s20 =	sshll.u32 s4, $0x1;
	s4 =	sadd.s32 s21, s2  }
0x9d: {  	[timem:s6], [sflag:s22] =	dma.local [hbm:s4], s20  }
0x9e: {  	_ =	swait.ge [sflag:s22], s20  }
0x9f: {  	s3 =	ssub.s32 $0x0, s20;
	[sflag:s22] =	ssyncset.done $0x0  }
0xa0: {  	[sflag:s22] =	ssyncadd.s32 s3;
	_ =	sdelay $0x1  }
0xa1: {  	s23 =	simm.s32 $0x1B8B  }
0xa2: {  	_ =	swait.ge [sflag:s23], $0x1  }
0xa3: {  	[sflag:s23] =	ssyncset.done $0x0  }
0xa4: {  	s25 =	simm.s32 $0x1B8E;
	s24 =	sld [smem:$0x3FFE];
	[sflag:s23] =	ssyncadd.s32 $0xFFFFFFFF  }
0xa5: {  	s26 =	simm.s32 $execute0_lowered;
	[smem:$0x3FD2] =	sst s25  }
0xa6: {  	s4 =	sshll.u32 s26, $0x1;
	_ =	strace $0x8000004F;
	[dreg:$0x1] =	wrdreg $0xFFFFFFFF  }
0xa7: {  	s28 =	simm.s32 $_size_execute0_lowered;
	s2 =	sadd.s32 s2, s4;
	[dreg:$0x0] =	wrdreg $0x0  }
0xa8: {  	s4 =	sshll.u32 s28, $0x1;
	[dreg:$0x2] =	wrdreg s2  }
0xa9: {  	[dreg:$0x3] =	wrdreg s4  }
0xaa: {  	[dreg:$0x4] =	wrdreg $0xC0  }
0xab: {  	_ =	task [dreg:s6], $0x5FFFF  }
0xac: {  	[dreg:$0x1] =	wrdreg $0xFFFFFFFF  }
0xad: {  	[dreg:$0x0] =	wrdreg $0x60  }
0xae: {  	[dreg:$0x2] =	wrdreg s24  }
0xaf: {  	[dreg:$0x3] =	wrdreg $0xB8000  }
0xb0: {  	[dreg:$0x4] =	wrdreg $0x9  }
0xb1: {  	_ =	task.clear_ibuf [dreg:s6], $0x5FFFF;
	_ =	strace $0x9000004F  }
0xb2: {  	s29 =	simm.s32 $0x9;
	_ =	strace $0x80000051  }
0xb3: {  	_ =	swait.ge [sflag:s29], $0x1  }
0xb4: {  	[sflag:s29] =	ssyncadd.s32 $0xFFFFFFFF  }
0xb5: {  	_ =	strace $0x90000051  }
0xb6: {  	_ =	sfence  }
0xb7: {  	s30 =	sld [smem:$0x0];
	_ =	sdelay $0x2  }
0xb8: {  	s31 =	sshll.u32 s1, $0xD;
	s1 =	sshrl.u32 s1, $0x2  }
0xb9: {  	s3 =	sand.u32 $0x4000, s31;
	s1 =	sadd.s32 s1, s30  }
0xba: {  	s0 =	sor.u32 s3, s0;
	s1 =	sshll.u32 s1, $0x11  }
0xbb: {  	s0 =	sor.u32 s1, s0  }
0xbc: {  	s0 =	sadd.s32 $0x8F2B, s0  }
0xbd: {  	[sflag:s0] =	ssyncadd.remote.s32 $0x1  }
0xbe: {  	_ =	sfence.sel $0xFFFF  }
0xbf: {  	[dreg:$0x0] =	wrdreg $0xFFFFFFFF;
	(pc) =	sbr.abs _section_cstart, $3  }
0xc0: {  	[dreg:$0x1] =	wrdreg $0xFFFFFFFF  }
0xc1: {  	_ =	task.clear_ibuf [dreg:s6], $0x2FFFF;
	_ =	strace $0x9FFFFFFF  }
0xc2: {  	(tm) =	ssettm $0x7FFFFFFF  }
0xc3: {  	_ =	shalt  }
tec
execute0_lowered:
.L_overlay_start_1:
0x0: {  	(tag) =	ssettag $0x1  }
0x1: {  	s0 =	rddreg [dreg:$0x0]  }
0x2: {  	s2 =	rddreg [dreg:$0x1]  }
0x3: {  	s3 =	simm.s32 $0x0;
	s15 =	stileid.u32;
	s6 =	srdreg.scid  }
0x4: {  	s17 =	simm.s32 $0x4;
	s18 =	simm.s32 $0x1000;
	s19 =	simm.s32 $0x60  }
0x5: {  	s20 =	simm.s32 $0x2800;
	s21 =	simm.s32 $0x5800;
	s22 =	simm.s32 $0xC0  }
0x6: {  	s23 =	simm.s32 $0x8800;
	s28 =	simm.s32 $0x2380;
	s29 =	simm.s32 $0x2400  }
0x7: {  	s30 =	simm.s32 $0x2480;
	[smem:$0x7FF] =	sst s3;
	s1 =	smul.u32 $0x2780, s15  }
0x8: {  	s4 =	sadd.s32 $0x28000, s0;
	s5 =	sadd.s32 $0x5400, s0;
	s7 =	sand.u32 $0x1, s6  }
0x9: {  	s6 =	sadd.s32 $0x19000, s0;
	s11 =	sadd.s32 $0x9D400, s0;
	s12 =	smul.u32 $0x4F000, s15  }
0xa: {  	p0 =	seq.s32 s15, $0xF;
	_ =	strace $0x80000050;
	s14 =	smul.u32 $0x27100, s7  }
0xb: {  	s9 =	ssub.s32 $0x2, s7;
	s24 =	sshll.u32 s7, $0x4;
	s26 =	smul.u32 $0x138800, s7  }
0xc: {  	s8 =	sadd.s32 s1, s0;
	s10 =	sshrl.u32 s9, $0x1;
	s25 =	sshrl.u32 s12, $0x2  }
0xd: {  	s0 =	sadd.s32 $0x9B280, s0;
	s13 =	ssub.s32 s9, s10;
	s9 =	sor.u32 s15, s24  }
0xe: {  	s16 =	sadd.s32 s25, s2;
	s8 =	sadd.s32 $0x76200, s8;
	[dreg:$0x4] =	wrdreg s0  }
0xf: {  	s31 =	sshrl.u32 s26, $0x3;
	s10 =	smul.u32 $0x7800, s15;
	s1 =	sadd.s32 s1, s14  }
0x10: {  	s24 =	simm.s32 $0x1;
	s25 =	simm.s32 $0x2;
	s26 =	simm.s32 $0x3  }
0x11: {  	s7 =	smul.u32 $0x4EC0, s9;
	[dreg:$0x3] =	wrdreg s8;
	s8 =	sadd.s32 $0x128400, s2  }
0x12: {  	s0 =	sadd.s32 s11, s31;
	s1 =	sadd.s32 s11, s1;
	s13 =	smax.u32 s13, $0x1  }
0x13: {  	s16 =	sshrl.u32 @!p0 s16, $0x3;
	s12 =	sadd.s32 $0x25080, s0;
	s0 =	sshll.u32 @!p0 s15, $0x6  }
0x14: {  	[dreg:$0x5] =	wrdreg s1;
	s14 =	sshrl.u32 @p0 s8, $0x3;
	s15 =	sor.u32 @!p0 $0x1C04, s0  }
.LBB2_1:
0x15: {  	s0 =	simm.s32 @p0 $0x1FC4;
	s1 =	rddreg [dreg:$0x4]  }
0x16: {  	[spmem:s14], [sflag:s0] =	dma.local @p0 [hbm:s1], $0x2080  }
0x17: {  	s0 =	simm.s32 @p0 $0x4  }
0x18: {  	_ =	swait.ge @p0 [sflag:s0], $0x2080  }
0x19: {  	[sflag:s0] =	ssyncset.done @p0 $0x0  }
0x1a: {  	[sflag:s0] =	ssyncadd.s32 @p0 $0xFFFFDF80;
	s0 =	rddreg [dreg:$0x3]  }
0x1b: {  	[spmem:s16], [sflag:s15] =	dma.local @!p0 [hbm:s0], $0x2780  }
0x1c: {  	s0 =	simm.s32 @!p0 $0x4  }
0x1d: {  	_ =	swait.ge @!p0 [sflag:s0], $0x2780  }
0x1e: {  	[sflag:s0] =	ssyncset.done @!p0 $0x0  }
0x1f: {  	[sflag:s0] =	ssyncadd.s32 @!p0 $0xFFFFD880  }
0x20: {  	s31 =	simm.s32 $0x0;
	[bflag:$0x0] =	sbarrier.arrive $0xFFFF  }
.LBB2_2:
0x21: {  	s0 =	smul.u32 $0xFC0, s31;
	_ =	sdelay $0x1  }
0x22: {  	s0 =	sadd.s32 s7, s0  }
0x23: {  	s0 =	sshrl.u32 s0, $0x3  }
0x24: {  	s1 =	simm.s32 $0x0;
	s8 =	smul.u32 $0x1800, s31;
	s0 =	sadd.s32 s5, s0  }
0x25: {  	[tilespmem:s1], [sflag:$0x4] =	stream.linear.gather [hbm4b:s0+s1], $0xFC0, $0x38;
	v63 =	vld [tilespmem:$0x0]  }
0x26: {  	s9 =	sadd.s32 s10, s8;
	_ =	swait.ge [sflag:s17], $0xFC0  }
0x27: {  	s0 =	sshrl.u32 s9, $0x3;
	[sflag:s17] =	ssyncset.done $0x0  }
0x28: {  	s0 =	sadd.s32 s6, s0;
	[sflag:s17] =	ssyncadd.s32 $0xFFFFF040  }
0x29: {  	[tilespmem:s18], [sflag:$0x4] =	stream.linear.gather [hbm4b:s0+s1], $0x1500, $0x38;
	v63 =	vld [tilespmem:$0x0]  }
0x2a: {  	_ =	swait.ge [sflag:s17], $0x1500  }
0x2b: {  	[sflag:s17] =	ssyncset.done $0x0  }
0x2c: {  	[sflag:s17] =	ssyncadd.s32 $0xFFFFEB00  }
0x2d: {  	[tilespmem:s20], [sflag:$0x1] =	stream.indirect.gather [hbm4b:s4+s19], $0x80, s1, s19, $0xb8;
	v63 =	vld [tilespmem:$0x0]  }
0x2e: {  	_ = 	snop  }
0x2f: {  	[tilespmem:s21], [sflag:$0x2] =	stream.indirect.gather [hbm4b:s4+s19], $0x80, s19, s19, $0xb8;
	v63 =	vld [tilespmem:$0x0]  }
0x30: {  	_ = 	snop  }
0x31: {  	[tilespmem:s23], [sflag:$0x3] =	stream.indirect.gather [hbm4b:s4+s19], $0x80, s22, s19, $0xb8;
	v63 =	vld [tilespmem:$0x0]  }
0x32: {  	_ =	swait.ge [sflag:s24], $0x3000  }
0x33: {  	[sflag:s24] =	ssyncset.done $0x0  }
0x34: {  	s11 =	simm.s32 $0x1000;
	[sflag:s24] =	ssyncadd.s32 $0xFFFFD000  }
0x35: {  	[spmem:s2] =	stream.indirect.scatter.add.f32 [tilespmem:s20], [sflag:$0x4], $0x80, s11, s19, $0xb8;
	v63 =	vld [tilespmem:$0x0]  }
0x36: {  	_ =	swait.ge [sflag:s17], $0x3000  }
0x37: {  	[sflag:s17] =	ssyncset.done $0x0  }
0x38: {  	s1 =	simm.s32 $0x120;
	[sflag:s17] =	ssyncadd.s32 $0xFFFFD000  }
0x39: {  	[tilespmem:s20], [sflag:$0x1] =	stream.indirect.gather [hbm4b:s4+s19], $0x80, s1, s19, $0xb8;
	v63 =	vld [tilespmem:$0x0]  }
0x3a: {  	_ =	swait.ge [sflag:s25], $0x3000  }
0x3b: {  	[sflag:s25] =	ssyncset.done $0x0  }
0x3c: {  	s8 =	simm.s32 $0x1080;
	[sflag:s25] =	ssyncadd.s32 $0xFFFFD000  }
0x3d: {  	[spmem:s2] =	stream.indirect.scatter.add.f32 [tilespmem:s21], [sflag:$0x4], $0x80, s8, s19, $0xb8;
	v63 =	vld [tilespmem:$0x0]  }
0x3e: {  	_ =	swait.ge [sflag:s17], $0x3000  }
0x3f: {  	[sflag:s17] =	ssyncset.done $0x0  }
0x40: {  	s9 =	simm.s32 $0x180;
	[sflag:s17] =	ssyncadd.s32 $0xFFFFD000  }
0x41: {  	[tilespmem:s21], [sflag:$0x2] =	stream.indirect.gather [hbm4b:s4+s19], $0x80, s9, s19, $0xb8;
	v63 =	vld [tilespmem:$0x0]  }
0x42: {  	_ =	swait.ge [sflag:s26], $0x3000  }
0x43: {  	[sflag:s26] =	ssyncset.done $0x0  }
0x44: {  	s11 =	simm.s32 $0x1100;
	[sflag:s26] =	ssyncadd.s32 $0xFFFFD000  }
0x45: {  	[spmem:s2] =	stream.indirect.scatter.add.f32 [tilespmem:s23], [sflag:$0x4], $0x80, s11, s19, $0xb8;
	v63 =	vld [tilespmem:$0x0]  }
0x46: {  	_ =	swait.ge [sflag:s17], $0x3000  }
0x47: {  	s0 =	simm.s32 $0x1E0;
	[sflag:s17] =	ssyncset.done $0x0  }
0x48: {  	s1 =	simm.s32 $0x600;
	s8 =	simm.s32 $0x300;
	[sflag:s17] =	ssyncadd.s32 $0xFFFFD000  }
.LBB2_3:
0x49: {  	[tilespmem:s23], [sflag:$0x3] =	stream.indirect.gather [hbm4b:s4+s19], $0x80, s0, s19, $0xb8;
	v63 =	vld [tilespmem:$0x0]  }
0x4a: {  	s9 =	smov.u32 s1;
	s0 =	smov.u32 s8  }
0x4b: {  	p1 =	sne.s32 s1, $0x4800;
	s1 =	sadd.s32 $0x600, s1;
	_ =	swait.ge [sflag:s24], $0x3000  }
0x4c: {  	s9 =	sshra.s32 s9, $0x2;
	[sflag:s24] =	ssyncset.done $0x0  }
0x4d: {  	s11 =	sadd.s32 $0x1000, s9;
	[sflag:s24] =	ssyncadd.s32 $0xFFFFD000  }
0x4e: {  	[spmem:s2] =	stream.indirect.scatter.add.f32 [tilespmem:s20], [sflag:$0x4], $0x80, s11, s19, $0xb8;
	v63 =	vld [tilespmem:$0x0]  }
0x4f: {  	_ =	swait.ge [sflag:s17], $0x3000  }
0x50: {  	[sflag:s17] =	ssyncset.done $0x0  }
0x51: {  	s11 =	sadd.s32 $0xFFFFFF40, s8;
	[sflag:s17] =	ssyncadd.s32 $0xFFFFD000  }
0x52: {  	[tilespmem:s20], [sflag:$0x1] =	stream.indirect.gather [hbm4b:s4+s19], $0x80, s11, s19, $0xb8;
	v63 =	vld [tilespmem:$0x0]  }
0x53: {  	_ =	swait.ge [sflag:s25], $0x3000  }
0x54: {  	[sflag:s25] =	ssyncset.done $0x0  }
0x55: {  	s11 =	sadd.s32 $0x1080, s9;
	[sflag:s25] =	ssyncadd.s32 $0xFFFFD000  }
0x56: {  	[spmem:s2] =	stream.indirect.scatter.add.f32 [tilespmem:s21], [sflag:$0x4], $0x80, s11, s19, $0xb8;
	v63 =	vld [tilespmem:$0x0]  }
0x57: {  	_ =	swait.ge [sflag:s17], $0x3000  }
0x58: {  	[sflag:s17] =	ssyncset.done $0x0  }
0x59: {  	s11 =	sadd.s32 $0xFFFFFFA0, s8;
	[sflag:s17] =	ssyncadd.s32 $0xFFFFD000  }
0x5a: {  	[tilespmem:s21], [sflag:$0x2] =	stream.indirect.gather [hbm4b:s4+s19], $0x80, s11, s19, $0xb8;
	v63 =	vld [tilespmem:$0x0]  }
0x5b: {  	_ =	swait.ge [sflag:s26], $0x3000  }
0x5c: {  	[sflag:s26] =	ssyncset.done $0x0  }
.Ltmp0:
0x5d: {  	s9 =	sadd.s32 $0x1100, s9;
	[sflag:s26] =	ssyncadd.s32 $0xFFFFD000;
	(pc) =	sbr.rel @p1 .LBB2_3-.Ltmp0, $4  }
0x5e: {  	[spmem:s2] =	stream.indirect.scatter.add.f32 [tilespmem:s23], [sflag:$0x4], $0x80, s9, s19, $0xb8;
	v63 =	vld [tilespmem:$0x0]  }
0x5f: {  	_ =	swait.ge [sflag:s17], $0x3000  }
0x60: {  	[sflag:s17] =	ssyncset.done $0x0  }
0x61: {  	s8 =	sadd.s32 $0x120, s8;
	[sflag:s17] =	ssyncadd.s32 $0xFFFFD000  }
0x62: {  	[tilespmem:s23], [sflag:$0x3] =	stream.indirect.gather [hbm4b:s4+s19], $0x80, s0, s19, $0xb8;
	v63 =	vld [tilespmem:$0x0]  }
0x63: {  	_ =	swait.ge [sflag:s24], $0x3000  }
0x64: {  	[sflag:s24] =	ssyncset.done $0x0  }
0x65: {  	[sflag:s24] =	ssyncadd.s32 $0xFFFFD000  }
0x66: {  	[spmem:s2] =	stream.indirect.scatter.add.f32 [tilespmem:s20], [sflag:$0x4], $0x80, s28, s19, $0xb8;
	v63 =	vld [tilespmem:$0x0]  }
0x67: {  	_ =	swait.ge [sflag:s17], $0x3000  }
0x68: {  	[sflag:s17] =	ssyncset.done $0x0  }
0x69: {  	[sflag:s17] =	ssyncadd.s32 $0xFFFFD000  }
0x6a: {  	_ =	swait.ge [sflag:s25], $0x3000  }
0x6b: {  	[sflag:s25] =	ssyncset.done $0x0  }
0x6c: {  	[sflag:s25] =	ssyncadd.s32 $0xFFFFD000  }
0x6d: {  	[spmem:s2] =	stream.indirect.scatter.add.f32 [tilespmem:s21], [sflag:$0x4], $0x80, s29, s19, $0xb8;
	v63 =	vld [tilespmem:$0x0]  }
0x6e: {  	_ =	swait.ge [sflag:s17], $0x3000  }
0x6f: {  	[sflag:s17] =	ssyncset.done $0x0  }
0x70: {  	[sflag:s17] =	ssyncadd.s32 $0xFFFFD000  }
0x71: {  	s31 =	sadd.s32 $0x1, s31;
	_ =	swait.ge [sflag:s26], $0x3000  }
0x72: {  	p1 =	sne.s32 s31, $0x5;
	[sflag:s26] =	ssyncset.done $0x0  }
.Ltmp1:
0x73: {  	[sflag:s26] =	ssyncadd.s32 $0xFFFFD000;
	(pc) =	sbr.rel @p1 .LBB2_2-.Ltmp1, $4  }
0x74: {  	[spmem:s2] =	stream.indirect.scatter.add.f32 [tilespmem:s23], [sflag:$0x4], $0x80, s30, s19, $0xb8;
	v63 =	vld [tilespmem:$0x0]  }
0x75: {  	_ =	swait.ge [sflag:s17], $0x3000  }
0x76: {  	[sflag:s17] =	ssyncset.done $0x0  }
0x77: {  	[sflag:s17] =	ssyncadd.s32 $0xFFFFD000  }
0x78: {  	[bflag:$0x0] =	sbarrier.arrive $0xFFFF;
	s0 =	simm.s32 @p0 $0x1FC4  }
0x79: {  	[hbm:s12], [sflag:s0] =	dma.local @p0 [spmem:s14], $0x2080  }
0x7a: {  	s0 =	simm.s32 @p0 $0x4  }
0x7b: {  	_ =	swait.ge @p0 [sflag:s0], $0x2080  }
0x7c: {  	s3 =	sadd.s32 $0x1, s3;
	[sflag:s0] =	ssyncset.done @p0 $0x0  }
0x7d: {  	p1 =	sne.s32 s3, s13;
	[sflag:s0] =	ssyncadd.s32 @p0 $0xFFFFDF80;
	s0 =	rddreg [dreg:$0x5]  }
0x7e: {  	[hbm:s0], [sflag:s15] =	dma.local @!p0 [spmem:s16], $0x2780  }
.Ltmp2:
0x7f: {  	_ = 	snop;
	(pc) =	sbr.rel @p1 .LBB2_1-.Ltmp2, $4  }
0x80: {  	s0 =	simm.s32 @!p0 $0x4  }
0x81: {  	_ =	swait.ge @!p0 [sflag:s0], $0x2780  }
0x82: {  	[sflag:s0] =	ssyncset.done @!p0 $0x0  }
0x83: {  	[sflag:s0] =	ssyncadd.s32 @!p0 $0xFFFFD880  }
0x84: {  	_ =	sfence.sel $0x180000  }
0x85: {  	[bflag:$0x0] =	sbarrier.arrive $0xFFFF  }
0x86: {  	_ =	strace $0x90000050  }
0x87: {  	s0 =	stileid.u32;
	[bflag:$0x2] =	sbarrier.arrive $0xFFFF  }
0x88: {  	p0 =	sne.s32 s0, $0x0;
	s0 =	rddreg [dreg:$0x2]  }
0x89: {  	s0 =	sadd.s32 @!p0 $0x100000, s0  }
0x8a: {  	[sflag:s0] =	ssyncadd.tile.s32 @!p0 $0x1;
	_ =	shalt  }
.Lfunc_end2:
_tile_overlayer_lowered:
.L_overlay_start_2:
0x8b: {  	(tag) =	ssettag $0x2  }
0x8c: {  	s0 =	rddreg [dreg:$0x0];
	s2 =	stileid.u32  }
0x8d: {  	s1 =	rddreg [dreg:$0x1];
	p0 =	sne.s32 s2, $0x0  }
0x8e: {  	s3 =	rddreg [dreg:$0x2];
	[bflag:$0x3] =	sbarrier.arrive $0xFFFF;
	s2 =	simm.s32 @!p0 $0x1C04  }
0x8f: {  	[timem:s3], [sflag:s2] =	dma.local @!p0 [hbm:s0], s1  }
0x90: {  	s0 =	simm.s32 @!p0 $0x4  }
0x91: {  	_ =	swait.ge @!p0 [sflag:s0], s1  }
0x92: {  	s1 =	ssub.s32 @!p0 $0x0, s1;
	[sflag:s0] =	ssyncset.done @!p0 $0x0  }
0x93: {  	[sflag:s0] =	ssyncadd.s32 @!p0 s1  }
0x94: {  	[bflag:$0x3] =	sbarrier.arrive $0xFFFF  }
0x95: {  	_ =	shalt  }

// kernel: kernel.29.cloned.1.call-start
scs
__scs_entry_jumppad:
0x0: {  	(pc) =	sbr.rel $0x88, $3  }
0x1: {  	(tag) =	ssettag $0x0;
	lr =	simm.s32 $0x1  }
0x2: {  	[smem:$0x3F97] =	sst lr;
	_ =	strace $0xD0000000  }
0x3: {  	_ = 	snop  }
0x4: {  	_ = 	snop  }
0x5: {  	_ = 	snop  }
0x6: {  	_ = 	snop  }
0x7: {  	_ = 	snop  }
__scs_overlays_trampoline_lowered:
0x8: {  	[smem:$0x3FA6] =	sst s0  }
0x9: {  	[smem:$0x3FA7] =	sst s1  }
0xa: {  	[smem:$0x3FA8] =	sst s2  }
0xb: {  	[smem:$0x3FA9] =	sst s3  }
0xc: {  	[smem:$0x3FAA] =	sst s4  }
0xd: {  	[smem:$0x3FAB] =	sst s5  }
0xe: {  	[smem:$0x3FAC] =	sst s6  }
0xf: {  	[smem:$0x3FAD] =	sst s7  }
0x10: {  	[smem:$0x3FAE] =	sst s8  }
0x11: {  	[smem:$0x3FAF] =	sst s9;
	s0 =	simm.s32 @!p0 $0x0  }
0x12: {  	s1 =	sld [smem:$0x3F95];
	s0 =	simm.s32 @p0 $0x1  }
0x13: {  	[smem:$0x3FB0] =	sst s0;
	s0 =	simm.s32 @!p1 $0x0  }
0x14: {  	s2 =	sld [smem:$0x3F94];
	s0 =	simm.s32 @p1 $0x1  }
0x15: {  	[smem:$0x3FB1] =	sst s0;
	s0 =	simm.s32 @!p2 $0x0  }
0x16: {  	s3 =	sld [smem:$0x3FDB];
	s0 =	simm.s32 @p2 $0x1  }
0x17: {  	s4 =	simm.s32 $0x1BF5;
	[smem:$0x3FB3] =	sst s0  }
0x18: {  	s0 =	sld [smem:$0x3F96];
	_ =	swait.ge [sflag:s4], $0x0  }
0x19: {  	s7 =	sld [smem:$0x3F97]  }
0x1a: {  	s8 =	sadd.s32 $0xFFFFE003, lr  }
0x1b: {  	s9 =	sadd.s32 $0xFFFFFEF7, lr;
	s5 =	simm.s32 $0xFFFFFFFF;
	p2 =	slt.u32 s8, $0xFFFFF086  }
0x1c: {  	p1 =	slt.u32 s9, $0xF7A;
	s5 =	simm.s32 @!p2 $0x0  }
0x1d: {  	s5 =	simm.s32 @p1 $0x1;
	p0 =	seq.s32 s7, s2  }
0x1e: {  	s7 =	smul.u32 @!p0 $0xF7A, s2;
	p2 =	seq.s32 @!p0 s5, $0x0  }
0x1f: {  	s9 =	smul.u32 $0xF7A, s1;
	s8 =	simm.s32 @!p0 $0x1BF5;
	p2 =	por !p2, p0  }
0x20: {  	[sflag:s8] =	ssyncset.s32 @!p0 $0xFFFFF086;
	s6 =	sadd.s32 @!p0 s3, s7;
	s7 =	simm.s32 @!p0 $0x108  }
0x21: {  	s3 =	sadd.s32 s3, s9;
	s6 =	sadd.s32 @!p0 $0x88, s6;
	s7 =	simm.s32 @p2 $0x1082  }
0x22: {  	[simem:s7], [sflag:s8] =	dma.local @!p0 [hbm:s6], $0xF7A  }
0x23: {  	s9 =	sor.u32 $0xD0000000, s2;
	s6 =	simm.s32 $0x108;
	_ =	swait.ge @!p0 [sflag:s8], $0x0  }
0x24: {  	s3 =	sadd.s32 $0x88, s3;
	s6 =	simm.s32 @!p1 $0x1082;
	[sflag:s4] =	ssyncset.s32 $0xFFFFF086  }
0x25: {  	[simem:s6], [sflag:s4] =	dma.local [hbm:s3], $0xF7A  }
0x26: {  	[smem:$0x3F97] =	sst s1;
	(tag) =	ssettag s2;
	_ =	strace s9  }
0x27: {  	s1 =	sld [smem:$0x3FA7]  }
0x28: {  	s2 =	sld [smem:$0x3FA8]  }
0x29: {  	s4 =	sld [smem:$0x3FAA]  }
0x2a: {  	p0 =	seq.s32 s5, $0x0;
	s5 =	sld [smem:$0x3FAB]  }
0x2b: {  	s6 =	sld [smem:$0x3FAC]  }
0x2c: {  	s7 =	sld [smem:$0x3FAD]  }
0x2d: {  	s3 =	simm.s32 $0x108;
	s8 =	sld [smem:$0x3FAE]  }
0x2e: {  	s3 =	simm.s32 @!p0 $0x1082;
	s9 =	sld [smem:$0x3FAF]  }
0x2f: {  	lr =	sadd.s32 s0, s3;
	s0 =	sld [smem:$0x3FA6]  }
0x30: {  	s3 =	sld [smem:$0x3FA9]  }
0x31: {  	[smem:$0x3FB2] =	sst s10  }
0x32: {  	s10 =	sld [smem:$0x3FB0];
	_ =	sdelay $0x3  }
0x33: {  	p0 =	seq.s32 s10, $0x1;
	s10 =	sld [smem:$0x3FB2];
	_ =	sdelay $0x3  }
0x34: {  	[smem:$0x3FB2] =	sst s10  }
0x35: {  	s10 =	sld [smem:$0x3FB1];
	_ =	sdelay $0x3  }
0x36: {  	p1 =	seq.s32 s10, $0x1;
	s10 =	sld [smem:$0x3FB2];
	_ =	sdelay $0x3  }
0x37: {  	[smem:$0x3FB2] =	sst s10  }
0x38: {  	s10 =	sld [smem:$0x3FB3]  }
0x39: {  	_ = 	snop;
	(pc) =	sbr.ind lr, $3  }
0x3a: {  	_ = 	snop  }
0x3b: {  	_ = 	snop  }
0x3c: {  	p2 =	seq.s32 s10, $0x1;
	s10 =	sld [smem:$0x3FB2]  }
0x3d: {  	_ =	shalt  }
0x3e: {  	_ =	shalt  }
0x3f: {  	_ =	shalt  }
0x40: {  	_ =	shalt  }
0x41: {  	_ =	shalt  }
0x42: {  	_ =	shalt  }
0x43: {  	_ =	shalt  }
0x44: {  	_ =	shalt  }
0x45: {  	_ =	shalt  }
0x46: {  	_ =	shalt  }
0x47: {  	_ =	shalt  }
0x48: {  	_ =	shalt  }
0x49: {  	_ =	shalt  }
0x4a: {  	_ =	shalt  }
0x4b: {  	_ =	shalt  }
0x4c: {  	_ =	shalt  }
0x4d: {  	_ =	shalt  }
0x4e: {  	_ =	shalt  }
0x4f: {  	_ =	shalt  }
0x50: {  	_ =	shalt  }
0x51: {  	_ =	shalt  }
0x52: {  	_ =	shalt  }
0x53: {  	_ =	shalt  }
0x54: {  	_ =	shalt  }
0x55: {  	_ =	shalt  }
0x56: {  	_ =	shalt  }
0x57: {  	_ =	shalt  }
0x58: {  	_ =	shalt  }
0x59: {  	_ =	shalt  }
0x5a: {  	_ =	shalt  }
0x5b: {  	_ =	shalt  }
0x5c: {  	_ =	shalt  }
0x5d: {  	_ =	shalt  }
0x5e: {  	_ =	shalt  }
0x5f: {  	_ =	shalt  }
0x60: {  	_ =	shalt  }
0x61: {  	_ =	shalt  }
0x62: {  	_ =	shalt  }
0x63: {  	_ =	shalt  }
0x64: {  	_ =	shalt  }
0x65: {  	_ =	shalt  }
0x66: {  	_ =	shalt  }
0x67: {  	_ =	shalt  }
0x68: {  	_ =	shalt  }
0x69: {  	_ =	shalt  }
0x6a: {  	_ =	shalt  }
0x6b: {  	_ =	shalt  }
0x6c: {  	_ =	shalt  }
0x6d: {  	_ =	shalt  }
0x6e: {  	_ =	shalt  }
0x6f: {  	_ =	shalt  }
0x70: {  	_ =	shalt  }
0x71: {  	_ =	shalt  }
0x72: {  	_ =	shalt  }
0x73: {  	_ =	shalt  }
0x74: {  	_ =	shalt  }
0x75: {  	_ =	shalt  }
0x76: {  	_ =	shalt  }
0x77: {  	_ =	shalt  }
0x78: {  	_ =	shalt  }
0x79: {  	_ =	shalt  }
0x7a: {  	_ =	shalt  }
0x7b: {  	_ =	shalt  }
0x7c: {  	_ =	shalt  }
0x7d: {  	_ =	shalt  }
0x7e: {  	_ =	shalt  }
0x7f: {  	_ =	shalt  }
0x80: {  	_ =	shalt  }
0x81: {  	_ =	shalt  }
0x82: {  	_ =	shalt  }
0x83: {  	_ =	shalt  }
0x84: {  	_ =	shalt  }
0x85: {  	_ =	shalt  }
0x86: {  	_ =	shalt  }
0x87: {  	_ =	shalt  }
.Lfunc_end0:
.L_simem_size_0:
called_computation.4_lowered:
.L_overlay_start_0:
0x88: {  	s2 =	sld [smem:$0x3FD9]  }
0x89: {  	s3 =	sld [smem:$0x3FFE];
	_ =	sdelay $0x1  }
0x8a: {  	s1 =	srdreg.scid  }
0x8b: {  	s0 =	sand.u32 $0x1, s1  }
0x8c: {  	s16 =	sshll.u32 s0, $0xA;
	s2 =	sadd.s32 s3, s2  }
0x8d: {  	s2 =	sadd.s32 s2, s16  }
0x8e: {  	[smem:$0x3FBE] =	sst s2  }
0x8f: {  	_ = 	snop  }
0x90: {  	(tm) =	ssettm $0x1  }
0x91: {  	s17 =	sld [smem:$0x3FFB];
	_ =	sdelay $0x3  }
0x92: {  	_ =	strace s17  }
0x93: {  	s2 =	sld [smem:$0x3FFC];
	_ =	sdelay $0x3  }
0x94: {  	_ =	strace s2  }
0x95: {  	s2 =	sld [smem:$0x3FFD];
	_ =	sdelay $0x3  }
0x96: {  	_ =	strace s2  }
0x97: {  	_ =	strace $0x8FFFFFFF  }
0x98: {  	s18 =	sld [smem:$0x3FDB];
	_ =	sdelay $0x1  }
0x99: {  	s19 =	simm.s32 $_scs_section_size  }
0x9a: {  	s4 =	simm.s32 $_size__tile_overlayer_lowered;
	s5 =	simm.s32 $_tile_overlayer_lowered  }
0x9b: {  	s22 =	simm.s32 $0x1BFF;
	s21 =	sshll.u32 s5, $0x1;
	s2 =	sadd.s32 s19, s18  }
0x9c: {  	s6 =	simm.s32 $0x0;
	s20 =	sshll.u32 s4, $0x1;
	s4 =	sadd.s32 s21, s2  }
0x9d: {  	[timem:s6], [sflag:s22] =	dma.local [hbm:s4], s20  }
0x9e: {  	_ =	swait.ge [sflag:s22], s20  }
0x9f: {  	s3 =	ssub.s32 $0x0, s20;
	[sflag:s22] =	ssyncset.done $0x0  }
0xa0: {  	[sflag:s22] =	ssyncadd.s32 s3;
	_ =	sdelay $0x1  }
0xa1: {  	s23 =	simm.s32 $0x1B8B  }
0xa2: {  	_ =	swait.ge [sflag:s23], $0x1  }
0xa3: {  	[sflag:s23] =	ssyncset.done $0x0  }
0xa4: {  	s25 =	simm.s32 $0x1B8E;
	s24 =	sld [smem:$0x3FFE];
	[sflag:s23] =	ssyncadd.s32 $0xFFFFFFFF  }
0xa5: {  	s26 =	simm.s32 $execute0_lowered;
	[smem:$0x3FD2] =	sst s25  }
0xa6: {  	s4 =	sshll.u32 s26, $0x1;
	_ =	strace $0x80000052;
	[dreg:$0x1] =	wrdreg $0xFFFFFFFF  }
0xa7: {  	s28 =	simm.s32 $_size_execute0_lowered;
	s2 =	sadd.s32 s2, s4;
	[dreg:$0x0] =	wrdreg $0x0  }
0xa8: {  	s4 =	sshll.u32 s28, $0x1;
	[dreg:$0x2] =	wrdreg s2  }
0xa9: {  	[dreg:$0x3] =	wrdreg s4  }
0xaa: {  	[dreg:$0x4] =	wrdreg $0xC0  }
0xab: {  	_ =	task [dreg:s6], $0x5FFFF  }
0xac: {  	[dreg:$0x1] =	wrdreg $0xFFFFFFFF  }
0xad: {  	[dreg:$0x0] =	wrdreg $0x60  }
0xae: {  	[dreg:$0x2] =	wrdreg s24  }
0xaf: {  	[dreg:$0x3] =	wrdreg $0xB8000  }
0xb0: {  	[dreg:$0x4] =	wrdreg $0x9  }
0xb1: {  	_ =	task.clear_ibuf [dreg:s6], $0x5FFFF;
	_ =	strace $0x90000052  }
0xb2: {  	s29 =	simm.s32 $0x9;
	_ =	strace $0x80000054  }
0xb3: {  	_ =	swait.ge [sflag:s29], $0x1  }
0xb4: {  	[sflag:s29] =	ssyncadd.s32 $0xFFFFFFFF  }
0xb5: {  	_ =	strace $0x90000054  }
0xb6: {  	_ =	sfence  }
0xb7: {  	s30 =	sld [smem:$0x0];
	_ =	sdelay $0x2  }
0xb8: {  	s31 =	sshll.u32 s1, $0xD;
	s1 =	sshrl.u32 s1, $0x2  }
0xb9: {  	s3 =	sand.u32 $0x4000, s31;
	s1 =	sadd.s32 s1, s30  }
0xba: {  	s0 =	sor.u32 s3, s0;
	s1 =	sshll.u32 s1, $0x11  }
0xbb: {  	s0 =	sor.u32 s1, s0  }
0xbc: {  	s0 =	sadd.s32 $0x8F2B, s0  }
0xbd: {  	[sflag:s0] =	ssyncadd.remote.s32 $0x1  }
0xbe: {  	_ =	sfence.sel $0xFFFF  }
0xbf: {  	[dreg:$0x0] =	wrdreg $0xFFFFFFFF;
	(pc) =	sbr.abs _section_cstart, $3  }
0xc0: {  	[dreg:$0x1] =	wrdreg $0xFFFFFFFF  }
0xc1: {  	_ =	task.clear_ibuf [dreg:s6], $0x2FFFF;
	_ =	strace $0x9FFFFFFF  }
0xc2: {  	(tm) =	ssettm $0x7FFFFFFF  }
0xc3: {  	_ =	shalt  }
tec
execute0_lowered:
.L_overlay_start_1:
0x0: {  	(tag) =	ssettag $0x1  }
0x1: {  	s0 =	rddreg [dreg:$0x0]  }
0x2: {  	s2 =	rddreg [dreg:$0x1]  }
0x3: {  	s3 =	simm.s32 $0x0;
	s15 =	stileid.u32;
	s6 =	srdreg.scid  }
0x4: {  	s17 =	simm.s32 $0x4;
	s18 =	simm.s32 $0x1000;
	s19 =	simm.s32 $0x60  }
0x5: {  	s20 =	simm.s32 $0x2800;
	s21 =	simm.s32 $0x5800;
	s22 =	simm.s32 $0xC0  }
0x6: {  	s23 =	simm.s32 $0x8800;
	s28 =	simm.s32 $0x2380;
	s29 =	simm.s32 $0x2400  }
0x7: {  	s30 =	simm.s32 $0x2480;
	[smem:$0x7FF] =	sst s3;
	s1 =	smul.u32 $0x2780, s15  }
0x8: {  	s4 =	sadd.s32 $0x28000, s0;
	s5 =	sadd.s32 $0x5400, s0;
	s7 =	sand.u32 $0x1, s6  }
0x9: {  	s6 =	sadd.s32 $0x19000, s0;
	s11 =	sadd.s32 $0x9D400, s0;
	s12 =	smul.u32 $0x4F000, s15  }
0xa: {  	p0 =	seq.s32 s15, $0xF;
	_ =	strace $0x80000053;
	s14 =	smul.u32 $0x27100, s7  }
0xb: {  	s9 =	ssub.s32 $0x2, s7;
	s24 =	sshll.u32 s7, $0x4;
	s26 =	smul.u32 $0x138800, s7  }
0xc: {  	s8 =	sadd.s32 s1, s0;
	s10 =	sshrl.u32 s9, $0x1;
	s25 =	sshrl.u32 s12, $0x2  }
0xd: {  	s0 =	sadd.s32 $0x9B280, s0;
	s13 =	ssub.s32 s9, s10;
	s9 =	sor.u32 s15, s24  }
0xe: {  	s16 =	sadd.s32 s25, s2;
	s8 =	sadd.s32 $0x76200, s8;
	[dreg:$0x4] =	wrdreg s0  }
0xf: {  	s31 =	sshrl.u32 s26, $0x3;
	s10 =	smul.u32 $0x7800, s15;
	s1 =	sadd.s32 s1, s14  }
0x10: {  	s24 =	simm.s32 $0x1;
	s25 =	simm.s32 $0x2;
	s26 =	simm.s32 $0x3  }
0x11: {  	s7 =	smul.u32 $0x4EC0, s9;
	[dreg:$0x3] =	wrdreg s8;
	s8 =	sadd.s32 $0x128400, s2  }
0x12: {  	s0 =	sadd.s32 s11, s31;
	s1 =	sadd.s32 s11, s1;
	s13 =	smax.u32 s13, $0x1  }
0x13: {  	s16 =	sshrl.u32 @!p0 s16, $0x3;
	s12 =	sadd.s32 $0x25080, s0;
	s0 =	sshll.u32 @!p0 s15, $0x6  }
0x14: {  	[dreg:$0x5] =	wrdreg s1;
	s14 =	sshrl.u32 @p0 s8, $0x3;
	s15 =	sor.u32 @!p0 $0x1C04, s0  }
.LBB2_1:
0x15: {  	s0 =	simm.s32 @p0 $0x1FC4;
	s1 =	rddreg [dreg:$0x4]  }
0x16: {  	[spmem:s14], [sflag:s0] =	dma.local @p0 [hbm:s1], $0x2080  }
0x17: {  	s0 =	simm.s32 @p0 $0x4  }
0x18: {  	_ =	swait.ge @p0 [sflag:s0], $0x2080  }
0x19: {  	[sflag:s0] =	ssyncset.done @p0 $0x0  }
0x1a: {  	[sflag:s0] =	ssyncadd.s32 @p0 $0xFFFFDF80;
	s0 =	rddreg [dreg:$0x3]  }
0x1b: {  	[spmem:s16], [sflag:s15] =	dma.local @!p0 [hbm:s0], $0x2780  }
0x1c: {  	s0 =	simm.s32 @!p0 $0x4  }
0x1d: {  	_ =	swait.ge @!p0 [sflag:s0], $0x2780  }
0x1e: {  	[sflag:s0] =	ssyncset.done @!p0 $0x0  }
0x1f: {  	[sflag:s0] =	ssyncadd.s32 @!p0 $0xFFFFD880  }
0x20: {  	s31 =	simm.s32 $0x0;
	[bflag:$0x0] =	sbarrier.arrive $0xFFFF  }
.LBB2_2:
0x21: {  	s0 =	smul.u32 $0xFC0, s31;
	_ =	sdelay $0x1  }
0x22: {  	s0 =	sadd.s32 s7, s0  }
0x23: {  	s0 =	sshrl.u32 s0, $0x3  }
0x24: {  	s1 =	simm.s32 $0x0;
	s8 =	smul.u32 $0x1800, s31;
	s0 =	sadd.s32 s5, s0  }
0x25: {  	[tilespmem:s1], [sflag:$0x4] =	stream.linear.gather [hbm4b:s0+s1], $0xFC0, $0x38;
	v63 =	vld [tilespmem:$0x0]  }
0x26: {  	s9 =	sadd.s32 s10, s8;
	_ =	swait.ge [sflag:s17], $0xFC0  }
0x27: {  	s0 =	sshrl.u32 s9, $0x3;
	[sflag:s17] =	ssyncset.done $0x0  }
0x28: {  	s0 =	sadd.s32 s6, s0;
	[sflag:s17] =	ssyncadd.s32 $0xFFFFF040  }
0x29: {  	[tilespmem:s18], [sflag:$0x4] =	stream.linear.gather [hbm4b:s0+s1], $0x1500, $0x38;
	v63 =	vld [tilespmem:$0x0]  }
0x2a: {  	_ =	swait.ge [sflag:s17], $0x1500  }
0x2b: {  	[sflag:s17] =	ssyncset.done $0x0  }
0x2c: {  	[sflag:s17] =	ssyncadd.s32 $0xFFFFEB00  }
0x2d: {  	[tilespmem:s20], [sflag:$0x1] =	stream.indirect.gather [hbm4b:s4+s19], $0x80, s1, s19, $0xb8;
	v63 =	vld [tilespmem:$0x0]  }
0x2e: {  	_ = 	snop  }
0x2f: {  	[tilespmem:s21], [sflag:$0x2] =	stream.indirect.gather [hbm4b:s4+s19], $0x80, s19, s19, $0xb8;
	v63 =	vld [tilespmem:$0x0]  }
0x30: {  	_ = 	snop  }
0x31: {  	[tilespmem:s23], [sflag:$0x3] =	stream.indirect.gather [hbm4b:s4+s19], $0x80, s22, s19, $0xb8;
	v63 =	vld [tilespmem:$0x0]  }
0x32: {  	_ =	swait.ge [sflag:s24], $0x3000  }
0x33: {  	[sflag:s24] =	ssyncset.done $0x0  }
0x34: {  	s11 =	simm.s32 $0x1000;
	[sflag:s24] =	ssyncadd.s32 $0xFFFFD000  }
0x35: {  	[spmem:s2] =	stream.indirect.scatter.add.f32 [tilespmem:s20], [sflag:$0x4], $0x80, s11, s19, $0xb8;
	v63 =	vld [tilespmem:$0x0]  }
0x36: {  	_ =	swait.ge [sflag:s17], $0x3000  }
0x37: {  	[sflag:s17] =	ssyncset.done $0x0  }
0x38: {  	s1 =	simm.s32 $0x120;
	[sflag:s17] =	ssyncadd.s32 $0xFFFFD000  }
0x39: {  	[tilespmem:s20], [sflag:$0x1] =	stream.indirect.gather [hbm4b:s4+s19], $0x80, s1, s19, $0xb8;
	v63 =	vld [tilespmem:$0x0]  }
0x3a: {  	_ =	swait.ge [sflag:s25], $0x3000  }
0x3b: {  	[sflag:s25] =	ssyncset.done $0x0  }
0x3c: {  	s8 =	simm.s32 $0x1080;
	[sflag:s25] =	ssyncadd.s32 $0xFFFFD000  }
0x3d: {  	[spmem:s2] =	stream.indirect.scatter.add.f32 [tilespmem:s21], [sflag:$0x4], $0x80, s8, s19, $0xb8;
	v63 =	vld [tilespmem:$0x0]  }
0x3e: {  	_ =	swait.ge [sflag:s17], $0x3000  }
0x3f: {  	[sflag:s17] =	ssyncset.done $0x0  }
0x40: {  	s9 =	simm.s32 $0x180;
	[sflag:s17] =	ssyncadd.s32 $0xFFFFD000  }
0x41: {  	[tilespmem:s21], [sflag:$0x2] =	stream.indirect.gather [hbm4b:s4+s19], $0x80, s9, s19, $0xb8;
	v63 =	vld [tilespmem:$0x0]  }
0x42: {  	_ =	swait.ge [sflag:s26], $0x3000  }
0x43: {  	[sflag:s26] =	ssyncset.done $0x0  }
0x44: {  	s11 =	simm.s32 $0x1100;
	[sflag:s26] =	ssyncadd.s32 $0xFFFFD000  }
0x45: {  	[spmem:s2] =	stream.indirect.scatter.add.f32 [tilespmem:s23], [sflag:$0x4], $0x80, s11, s19, $0xb8;
	v63 =	vld [tilespmem:$0x0]  }
0x46: {  	_ =	swait.ge [sflag:s17], $0x3000  }
0x47: {  	s0 =	simm.s32 $0x1E0;
	[sflag:s17] =	ssyncset.done $0x0  }
0x48: {  	s1 =	simm.s32 $0x600;
	s8 =	simm.s32 $0x300;
	[sflag:s17] =	ssyncadd.s32 $0xFFFFD000  }
.LBB2_3:
0x49: {  	[tilespmem:s23], [sflag:$0x3] =	stream.indirect.gather [hbm4b:s4+s19], $0x80, s0, s19, $0xb8;
	v63 =	vld [tilespmem:$0x0]  }
0x4a: {  	s9 =	smov.u32 s1;
	s0 =	smov.u32 s8  }
0x4b: {  	p1 =	sne.s32 s1, $0x4800;
	s1 =	sadd.s32 $0x600, s1;
	_ =	swait.ge [sflag:s24], $0x3000  }
0x4c: {  	s9 =	sshra.s32 s9, $0x2;
	[sflag:s24] =	ssyncset.done $0x0  }
0x4d: {  	s11 =	sadd.s32 $0x1000, s9;
	[sflag:s24] =	ssyncadd.s32 $0xFFFFD000  }
0x4e: {  	[spmem:s2] =	stream.indirect.scatter.add.f32 [tilespmem:s20], [sflag:$0x4], $0x80, s11, s19, $0xb8;
	v63 =	vld [tilespmem:$0x0]  }
0x4f: {  	_ =	swait.ge [sflag:s17], $0x3000  }
0x50: {  	[sflag:s17] =	ssyncset.done $0x0  }
0x51: {  	s11 =	sadd.s32 $0xFFFFFF40, s8;
	[sflag:s17] =	ssyncadd.s32 $0xFFFFD000  }
0x52: {  	[tilespmem:s20], [sflag:$0x1] =	stream.indirect.gather [hbm4b:s4+s19], $0x80, s11, s19, $0xb8;
	v63 =	vld [tilespmem:$0x0]  }
0x53: {  	_ =	swait.ge [sflag:s25], $0x3000  }
0x54: {  	[sflag:s25] =	ssyncset.done $0x0  }
0x55: {  	s11 =	sadd.s32 $0x1080, s9;
	[sflag:s25] =	ssyncadd.s32 $0xFFFFD000  }
0x56: {  	[spmem:s2] =	stream.indirect.scatter.add.f32 [tilespmem:s21], [sflag:$0x4], $0x80, s11, s19, $0xb8;
	v63 =	vld [tilespmem:$0x0]  }
0x57: {  	_ =	swait.ge [sflag:s17], $0x3000  }
0x58: {  	[sflag:s17] =	ssyncset.done $0x0  }
0x59: {  	s11 =	sadd.s32 $0xFFFFFFA0, s8;
	[sflag:s17] =	ssyncadd.s32 $0xFFFFD000  }
0x5a: {  	[tilespmem:s21], [sflag:$0x2] =	stream.indirect.gather [hbm4b:s4+s19], $0x80, s11, s19, $0xb8;
	v63 =	vld [tilespmem:$0x0]  }
0x5b: {  	_ =	swait.ge [sflag:s26], $0x3000  }
0x5c: {  	[sflag:s26] =	ssyncset.done $0x0  }
.Ltmp0:
0x5d: {  	s9 =	sadd.s32 $0x1100, s9;
	[sflag:s26] =	ssyncadd.s32 $0xFFFFD000;
	(pc) =	sbr.rel @p1 .LBB2_3-.Ltmp0, $4  }
0x5e: {  	[spmem:s2] =	stream.indirect.scatter.add.f32 [tilespmem:s23], [sflag:$0x4], $0x80, s9, s19, $0xb8;
	v63 =	vld [tilespmem:$0x0]  }
0x5f: {  	_ =	swait.ge [sflag:s17], $0x3000  }
0x60: {  	[sflag:s17] =	ssyncset.done $0x0  }
0x61: {  	s8 =	sadd.s32 $0x120, s8;
	[sflag:s17] =	ssyncadd.s32 $0xFFFFD000  }
0x62: {  	[tilespmem:s23], [sflag:$0x3] =	stream.indirect.gather [hbm4b:s4+s19], $0x80, s0, s19, $0xb8;
	v63 =	vld [tilespmem:$0x0]  }
0x63: {  	_ =	swait.ge [sflag:s24], $0x3000  }
0x64: {  	[sflag:s24] =	ssyncset.done $0x0  }
0x65: {  	[sflag:s24] =	ssyncadd.s32 $0xFFFFD000  }
0x66: {  	[spmem:s2] =	stream.indirect.scatter.add.f32 [tilespmem:s20], [sflag:$0x4], $0x80, s28, s19, $0xb8;
	v63 =	vld [tilespmem:$0x0]  }
0x67: {  	_ =	swait.ge [sflag:s17], $0x3000  }
0x68: {  	[sflag:s17] =	ssyncset.done $0x0  }
0x69: {  	[sflag:s17] =	ssyncadd.s32 $0xFFFFD000  }
0x6a: {  	_ =	swait.ge [sflag:s25], $0x3000  }
0x6b: {  	[sflag:s25] =	ssyncset.done $0x0  }
0x6c: {  	[sflag:s25] =	ssyncadd.s32 $0xFFFFD000  }
0x6d: {  	[spmem:s2] =	stream.indirect.scatter.add.f32 [tilespmem:s21], [sflag:$0x4], $0x80, s29, s19, $0xb8;
	v63 =	vld [tilespmem:$0x0]  }
0x6e: {  	_ =	swait.ge [sflag:s17], $0x3000  }
0x6f: {  	[sflag:s17] =	ssyncset.done $0x0  }
0x70: {  	[sflag:s17] =	ssyncadd.s32 $0xFFFFD000  }
0x71: {  	s31 =	sadd.s32 $0x1, s31;
	_ =	swait.ge [sflag:s26], $0x3000  }
0x72: {  	p1 =	sne.s32 s31, $0x5;
	[sflag:s26] =	ssyncset.done $0x0  }
.Ltmp1:
0x73: {  	[sflag:s26] =	ssyncadd.s32 $0xFFFFD000;
	(pc) =	sbr.rel @p1 .LBB2_2-.Ltmp1, $4  }
0x74: {  	[spmem:s2] =	stream.indirect.scatter.add.f32 [tilespmem:s23], [sflag:$0x4], $0x80, s30, s19, $0xb8;
	v63 =	vld [tilespmem:$0x0]  }
0x75: {  	_ =	swait.ge [sflag:s17], $0x3000  }
0x76: {  	[sflag:s17] =	ssyncset.done $0x0  }
0x77: {  	[sflag:s17] =	ssyncadd.s32 $0xFFFFD000  }
0x78: {  	[bflag:$0x0] =	sbarrier.arrive $0xFFFF;
	s0 =	simm.s32 @p0 $0x1FC4  }
0x79: {  	[hbm:s12], [sflag:s0] =	dma.local @p0 [spmem:s14], $0x2080  }
0x7a: {  	s0 =	simm.s32 @p0 $0x4  }
0x7b: {  	_ =	swait.ge @p0 [sflag:s0], $0x2080  }
0x7c: {  	s3 =	sadd.s32 $0x1, s3;
	[sflag:s0] =	ssyncset.done @p0 $0x0  }
0x7d: {  	p1 =	sne.s32 s3, s13;
	[sflag:s0] =	ssyncadd.s32 @p0 $0xFFFFDF80;
	s0 =	rddreg [dreg:$0x5]  }
0x7e: {  	[hbm:s0], [sflag:s15] =	dma.local @!p0 [spmem:s16], $0x2780  }
.Ltmp2:
0x7f: {  	_ = 	snop;
	(pc) =	sbr.rel @p1 .LBB2_1-.Ltmp2, $4  }
0x80: {  	s0 =	simm.s32 @!p0 $0x4  }
0x81: {  	_ =	swait.ge @!p0 [sflag:s0], $0x2780  }
0x82: {  	[sflag:s0] =	ssyncset.done @!p0 $0x0  }
0x83: {  	[sflag:s0] =	ssyncadd.s32 @!p0 $0xFFFFD880  }
0x84: {  	_ =	sfence.sel $0x180000  }
0x85: {  	[bflag:$0x0] =	sbarrier.arrive $0xFFFF  }
0x86: {  	_ =	strace $0x90000053  }
0x87: {  	s0 =	stileid.u32;
	[bflag:$0x2] =	sbarrier.arrive $0xFFFF  }
0x88: {  	p0 =	sne.s32 s0, $0x0;
	s0 =	rddreg [dreg:$0x2]  }
0x89: {  	s0 =	sadd.s32 @!p0 $0x100000, s0  }
0x8a: {  	[sflag:s0] =	ssyncadd.tile.s32 @!p0 $0x1;
	_ =	shalt  }
.Lfunc_end2:
_tile_overlayer_lowered:
.L_overlay_start_2:
0x8b: {  	(tag) =	ssettag $0x2  }
0x8c: {  	s0 =	rddreg [dreg:$0x0];
	s2 =	stileid.u32  }
0x8d: {  	s1 =	rddreg [dreg:$0x1];
	p0 =	sne.s32 s2, $0x0  }
0x8e: {  	s3 =	rddreg [dreg:$0x2];
	[bflag:$0x3] =	sbarrier.arrive $0xFFFF;
	s2 =	simm.s32 @!p0 $0x1C04  }
0x8f: {  	[timem:s3], [sflag:s2] =	dma.local @!p0 [hbm:s0], s1  }
0x90: {  	s0 =	simm.s32 @!p0 $0x4  }
0x91: {  	_ =	swait.ge @!p0 [sflag:s0], s1  }
0x92: {  	s1 =	ssub.s32 @!p0 $0x0, s1;
	[sflag:s0] =	ssyncset.done @!p0 $0x0  }
0x93: {  	[sflag:s0] =	ssyncadd.s32 @!p0 s1  }
0x94: {  	[bflag:$0x3] =	sbarrier.arrive $0xFFFF  }
0x95: {  	_ =	shalt  }

// kernel: kernel.32.cloned.1.call-start
scs
__scs_entry_jumppad:
0x0: {  	(pc) =	sbr.rel $0x88, $3  }
0x1: {  	(tag) =	ssettag $0x0;
	lr =	simm.s32 $0x1  }
0x2: {  	[smem:$0x3F97] =	sst lr;
	_ =	strace $0xD0000000  }
0x3: {  	_ = 	snop  }
0x4: {  	_ = 	snop  }
0x5: {  	_ = 	snop  }
0x6: {  	_ = 	snop  }
0x7: {  	_ = 	snop  }
__scs_overlays_trampoline_lowered:
0x8: {  	[smem:$0x3FA6] =	sst s0  }
0x9: {  	[smem:$0x3FA7] =	sst s1  }
0xa: {  	[smem:$0x3FA8] =	sst s2  }
0xb: {  	[smem:$0x3FA9] =	sst s3  }
0xc: {  	[smem:$0x3FAA] =	sst s4  }
0xd: {  	[smem:$0x3FAB] =	sst s5  }
0xe: {  	[smem:$0x3FAC] =	sst s6  }
0xf: {  	[smem:$0x3FAD] =	sst s7  }
0x10: {  	[smem:$0x3FAE] =	sst s8  }
0x11: {  	[smem:$0x3FAF] =	sst s9;
	s0 =	simm.s32 @!p0 $0x0  }
0x12: {  	s1 =	sld [smem:$0x3F95];
	s0 =	simm.s32 @p0 $0x1  }
0x13: {  	[smem:$0x3FB0] =	sst s0;
	s0 =	simm.s32 @!p1 $0x0  }
0x14: {  	s2 =	sld [smem:$0x3F94];
	s0 =	simm.s32 @p1 $0x1  }
0x15: {  	[smem:$0x3FB1] =	sst s0;
	s0 =	simm.s32 @!p2 $0x0  }
0x16: {  	s3 =	sld [smem:$0x3FDB];
	s0 =	simm.s32 @p2 $0x1  }
0x17: {  	s4 =	simm.s32 $0x1BF5;
	[smem:$0x3FB3] =	sst s0  }
0x18: {  	s0 =	sld [smem:$0x3F96];
	_ =	swait.ge [sflag:s4], $0x0  }
0x19: {  	s7 =	sld [smem:$0x3F97]  }
0x1a: {  	s8 =	sadd.s32 $0xFFFFE003, lr  }
0x1b: {  	s9 =	sadd.s32 $0xFFFFFEF7, lr;
	s5 =	simm.s32 $0xFFFFFFFF;
	p2 =	slt.u32 s8, $0xFFFFF086  }
0x1c: {  	p1 =	slt.u32 s9, $0xF7A;
	s5 =	simm.s32 @!p2 $0x0  }
0x1d: {  	s5 =	simm.s32 @p1 $0x1;
	p0 =	seq.s32 s7, s2  }
0x1e: {  	s7 =	smul.u32 @!p0 $0xF7A, s2;
	p2 =	seq.s32 @!p0 s5, $0x0  }
0x1f: {  	s9 =	smul.u32 $0xF7A, s1;
	s8 =	simm.s32 @!p0 $0x1BF5;
	p2 =	por !p2, p0  }
0x20: {  	[sflag:s8] =	ssyncset.s32 @!p0 $0xFFFFF086;
	s6 =	sadd.s32 @!p0 s3, s7;
	s7 =	simm.s32 @!p0 $0x108  }
0x21: {  	s3 =	sadd.s32 s3, s9;
	s6 =	sadd.s32 @!p0 $0x88, s6;
	s7 =	simm.s32 @p2 $0x1082  }
0x22: {  	[simem:s7], [sflag:s8] =	dma.local @!p0 [hbm:s6], $0xF7A  }
0x23: {  	s9 =	sor.u32 $0xD0000000, s2;
	s6 =	simm.s32 $0x108;
	_ =	swait.ge @!p0 [sflag:s8], $0x0  }
0x24: {  	s3 =	sadd.s32 $0x88, s3;
	s6 =	simm.s32 @!p1 $0x1082;
	[sflag:s4] =	ssyncset.s32 $0xFFFFF086  }
0x25: {  	[simem:s6], [sflag:s4] =	dma.local [hbm:s3], $0xF7A  }
0x26: {  	[smem:$0x3F97] =	sst s1;
	(tag) =	ssettag s2;
	_ =	strace s9  }
0x27: {  	s1 =	sld [smem:$0x3FA7]  }
0x28: {  	s2 =	sld [smem:$0x3FA8]  }
0x29: {  	s4 =	sld [smem:$0x3FAA]  }
0x2a: {  	p0 =	seq.s32 s5, $0x0;
	s5 =	sld [smem:$0x3FAB]  }
0x2b: {  	s6 =	sld [smem:$0x3FAC]  }
0x2c: {  	s7 =	sld [smem:$0x3FAD]  }
0x2d: {  	s3 =	simm.s32 $0x108;
	s8 =	sld [smem:$0x3FAE]  }
0x2e: {  	s3 =	simm.s32 @!p0 $0x1082;
	s9 =	sld [smem:$0x3FAF]  }
0x2f: {  	lr =	sadd.s32 s0, s3;
	s0 =	sld [smem:$0x3FA6]  }
0x30: {  	s3 =	sld [smem:$0x3FA9]  }
0x31: {  	[smem:$0x3FB2] =	sst s10  }
0x32: {  	s10 =	sld [smem:$0x3FB0];
	_ =	sdelay $0x3  }
0x33: {  	p0 =	seq.s32 s10, $0x1;
	s10 =	sld [smem:$0x3FB2];
	_ =	sdelay $0x3  }
0x34: {  	[smem:$0x3FB2] =	sst s10  }
0x35: {  	s10 =	sld [smem:$0x3FB1];
	_ =	sdelay $0x3  }
0x36: {  	p1 =	seq.s32 s10, $0x1;
	s10 =	sld [smem:$0x3FB2];
	_ =	sdelay $0x3  }
0x37: {  	[smem:$0x3FB2] =	sst s10  }
0x38: {  	s10 =	sld [smem:$0x3FB3]  }
0x39: {  	_ = 	snop;
	(pc) =	sbr.ind lr, $3  }
0x3a: {  	_ = 	snop  }
0x3b: {  	_ = 	snop  }
0x3c: {  	p2 =	seq.s32 s10, $0x1;
	s10 =	sld [smem:$0x3FB2]  }
0x3d: {  	_ =	shalt  }
0x3e: {  	_ =	shalt  }
0x3f: {  	_ =	shalt  }
0x40: {  	_ =	shalt  }
0x41: {  	_ =	shalt  }
0x42: {  	_ =	shalt  }
0x43: {  	_ =	shalt  }
0x44: {  	_ =	shalt  }
0x45: {  	_ =	shalt  }
0x46: {  	_ =	shalt  }
0x47: {  	_ =	shalt  }
0x48: {  	_ =	shalt  }
0x49: {  	_ =	shalt  }
0x4a: {  	_ =	shalt  }
0x4b: {  	_ =	shalt  }
0x4c: {  	_ =	shalt  }
0x4d: {  	_ =	shalt  }
0x4e: {  	_ =	shalt  }
0x4f: {  	_ =	shalt  }
0x50: {  	_ =	shalt  }
0x51: {  	_ =	shalt  }
0x52: {  	_ =	shalt  }
0x53: {  	_ =	shalt  }
0x54: {  	_ =	shalt  }
0x55: {  	_ =	shalt  }
0x56: {  	_ =	shalt  }
0x57: {  	_ =	shalt  }
0x58: {  	_ =	shalt  }
0x59: {  	_ =	shalt  }
0x5a: {  	_ =	shalt  }
0x5b: {  	_ =	shalt  }
0x5c: {  	_ =	shalt  }
0x5d: {  	_ =	shalt  }
0x5e: {  	_ =	shalt  }
0x5f: {  	_ =	shalt  }
0x60: {  	_ =	shalt  }
0x61: {  	_ =	shalt  }
0x62: {  	_ =	shalt  }
0x63: {  	_ =	shalt  }
0x64: {  	_ =	shalt  }
0x65: {  	_ =	shalt  }
0x66: {  	_ =	shalt  }
0x67: {  	_ =	shalt  }
0x68: {  	_ =	shalt  }
0x69: {  	_ =	shalt  }
0x6a: {  	_ =	shalt  }
0x6b: {  	_ =	shalt  }
0x6c: {  	_ =	shalt  }
0x6d: {  	_ =	shalt  }
0x6e: {  	_ =	shalt  }
0x6f: {  	_ =	shalt  }
0x70: {  	_ =	shalt  }
0x71: {  	_ =	shalt  }
0x72: {  	_ =	shalt  }
0x73: {  	_ =	shalt  }
0x74: {  	_ =	shalt  }
0x75: {  	_ =	shalt  }
0x76: {  	_ =	shalt  }
0x77: {  	_ =	shalt  }
0x78: {  	_ =	shalt  }
0x79: {  	_ =	shalt  }
0x7a: {  	_ =	shalt  }
0x7b: {  	_ =	shalt  }
0x7c: {  	_ =	shalt  }
0x7d: {  	_ =	shalt  }
0x7e: {  	_ =	shalt  }
0x7f: {  	_ =	shalt  }
0x80: {  	_ =	shalt  }
0x81: {  	_ =	shalt  }
0x82: {  	_ =	shalt  }
0x83: {  	_ =	shalt  }
0x84: {  	_ =	shalt  }
0x85: {  	_ =	shalt  }
0x86: {  	_ =	shalt  }
0x87: {  	_ =	shalt  }
.Lfunc_end0:
.L_simem_size_0:
called_computation.5_lowered:
.L_overlay_start_0:
0x88: {  	s2 =	sld [smem:$0x3FD9]  }
0x89: {  	s3 =	sld [smem:$0x3FFE];
	_ =	sdelay $0x1  }
0x8a: {  	s1 =	srdreg.scid  }
0x8b: {  	s0 =	sand.u32 $0x1, s1  }
0x8c: {  	s16 =	sshll.u32 s0, $0xA;
	s2 =	sadd.s32 s3, s2  }
0x8d: {  	s2 =	sadd.s32 s2, s16  }
0x8e: {  	[smem:$0x3FBE] =	sst s2  }
0x8f: {  	_ = 	snop  }
0x90: {  	(tm) =	ssettm $0x1  }
0x91: {  	s17 =	sld [smem:$0x3FFB];
	_ =	sdelay $0x3  }
0x92: {  	_ =	strace s17  }
0x93: {  	s2 =	sld [smem:$0x3FFC];
	_ =	sdelay $0x3  }
0x94: {  	_ =	strace s2  }
0x95: {  	s2 =	sld [smem:$0x3FFD];
	_ =	sdelay $0x3  }
0x96: {  	_ =	strace s2  }
0x97: {  	_ =	strace $0x8FFFFFFF  }
0x98: {  	s18 =	sld [smem:$0x3FDB];
	_ =	sdelay $0x1  }
0x99: {  	s19 =	simm.s32 $_scs_section_size  }
0x9a: {  	s4 =	simm.s32 $_size__tile_overlayer_lowered;
	s5 =	simm.s32 $_tile_overlayer_lowered  }
0x9b: {  	s22 =	simm.s32 $0x1BFF;
	s21 =	sshll.u32 s5, $0x1;
	s2 =	sadd.s32 s19, s18  }
0x9c: {  	s6 =	simm.s32 $0x0;
	s20 =	sshll.u32 s4, $0x1;
	s4 =	sadd.s32 s21, s2  }
0x9d: {  	[timem:s6], [sflag:s22] =	dma.local [hbm:s4], s20  }
0x9e: {  	_ =	swait.ge [sflag:s22], s20  }
0x9f: {  	s3 =	ssub.s32 $0x0, s20;
	[sflag:s22] =	ssyncset.done $0x0  }
0xa0: {  	[sflag:s22] =	ssyncadd.s32 s3;
	_ =	sdelay $0x1  }
0xa1: {  	s23 =	simm.s32 $0x1B8B  }
0xa2: {  	_ =	swait.ge [sflag:s23], $0x1  }
0xa3: {  	[sflag:s23] =	ssyncset.done $0x0  }
0xa4: {  	s25 =	simm.s32 $0x1B8E;
	s24 =	sld [smem:$0x3FFE];
	[sflag:s23] =	ssyncadd.s32 $0xFFFFFFFF  }
0xa5: {  	s26 =	simm.s32 $execute0_lowered;
	[smem:$0x3FD2] =	sst s25  }
0xa6: {  	s4 =	sshll.u32 s26, $0x1;
	_ =	strace $0x80000055;
	[dreg:$0x1] =	wrdreg $0xFFFFFFFF  }
0xa7: {  	s28 =	simm.s32 $_size_execute0_lowered;
	s2 =	sadd.s32 s2, s4;
	[dreg:$0x0] =	wrdreg $0x0  }
0xa8: {  	s4 =	sshll.u32 s28, $0x1;
	[dreg:$0x2] =	wrdreg s2  }
0xa9: {  	[dreg:$0x3] =	wrdreg s4  }
0xaa: {  	[dreg:$0x4] =	wrdreg $0xC0  }
0xab: {  	_ =	task [dreg:s6], $0x5FFFF  }
0xac: {  	[dreg:$0x1] =	wrdreg $0xFFFFFFFF  }
0xad: {  	[dreg:$0x0] =	wrdreg $0x60  }
0xae: {  	[dreg:$0x2] =	wrdreg s24  }
0xaf: {  	[dreg:$0x3] =	wrdreg $0xB8000  }
0xb0: {  	[dreg:$0x4] =	wrdreg $0x9  }
0xb1: {  	_ =	task.clear_ibuf [dreg:s6], $0x5FFFF;
	_ =	strace $0x90000055  }
0xb2: {  	s29 =	simm.s32 $0x9;
	_ =	strace $0x80000057  }
0xb3: {  	_ =	swait.ge [sflag:s29], $0x1  }
0xb4: {  	[sflag:s29] =	ssyncadd.s32 $0xFFFFFFFF  }
0xb5: {  	_ =	strace $0x90000057  }
0xb6: {  	_ =	sfence  }
0xb7: {  	s30 =	sld [smem:$0x0];
	_ =	sdelay $0x2  }
0xb8: {  	s31 =	sshll.u32 s1, $0xD;
	s1 =	sshrl.u32 s1, $0x2  }
0xb9: {  	s3 =	sand.u32 $0x4000, s31;
	s1 =	sadd.s32 s1, s30  }
0xba: {  	s0 =	sor.u32 s3, s0;
	s1 =	sshll.u32 s1, $0x11  }
0xbb: {  	s0 =	sor.u32 s1, s0  }
0xbc: {  	s0 =	sadd.s32 $0x8F2B, s0  }
0xbd: {  	[sflag:s0] =	ssyncadd.remote.s32 $0x1  }
0xbe: {  	_ =	sfence.sel $0xFFFF  }
0xbf: {  	[dreg:$0x0] =	wrdreg $0xFFFFFFFF;
	(pc) =	sbr.abs _section_cstart, $3  }
0xc0: {  	[dreg:$0x1] =	wrdreg $0xFFFFFFFF  }
0xc1: {  	_ =	task.clear_ibuf [dreg:s6], $0x2FFFF;
	_ =	strace $0x9FFFFFFF  }
0xc2: {  	(tm) =	ssettm $0x7FFFFFFF  }
0xc3: {  	_ =	shalt  }
tec
execute0_lowered:
.L_overlay_start_1:
0x0: {  	(tag) =	ssettag $0x1  }
0x1: {  	s0 =	rddreg [dreg:$0x0]  }
0x2: {  	s2 =	rddreg [dreg:$0x1]  }
0x3: {  	s3 =	simm.s32 $0x0;
	s15 =	stileid.u32;
	s6 =	srdreg.scid  }
0x4: {  	s17 =	simm.s32 $0x4;
	s18 =	simm.s32 $0x1000;
	s19 =	simm.s32 $0x60  }
0x5: {  	s20 =	simm.s32 $0x2800;
	s21 =	simm.s32 $0x5800;
	s22 =	simm.s32 $0xC0  }
0x6: {  	s23 =	simm.s32 $0x8800;
	s28 =	simm.s32 $0x2380;
	s29 =	simm.s32 $0x2400  }
0x7: {  	s30 =	simm.s32 $0x2480;
	[smem:$0x7FF] =	sst s3;
	s1 =	smul.u32 $0x2780, s15  }
0x8: {  	s4 =	sadd.s32 $0x28000, s0;
	s5 =	sadd.s32 $0x5400, s0;
	s7 =	sand.u32 $0x1, s6  }
0x9: {  	s6 =	sadd.s32 $0x19000, s0;
	s11 =	sadd.s32 $0x9D400, s0;
	s12 =	smul.u32 $0x4F000, s15  }
0xa: {  	p0 =	seq.s32 s15, $0xF;
	_ =	strace $0x80000056;
	s14 =	smul.u32 $0x27100, s7  }
0xb: {  	s9 =	ssub.s32 $0x2, s7;
	s24 =	sshll.u32 s7, $0x4;
	s26 =	smul.u32 $0x138800, s7  }
0xc: {  	s8 =	sadd.s32 s1, s0;
	s10 =	sshrl.u32 s9, $0x1;
	s25 =	sshrl.u32 s12, $0x2  }
0xd: {  	s0 =	sadd.s32 $0x9B280, s0;
	s13 =	ssub.s32 s9, s10;
	s9 =	sor.u32 s15, s24  }
0xe: {  	s16 =	sadd.s32 s25, s2;
	s8 =	sadd.s32 $0x76200, s8;
	[dreg:$0x4] =	wrdreg s0  }
0xf: {  	s31 =	sshrl.u32 s26, $0x3;
	s10 =	smul.u32 $0x7800, s15;
	s1 =	sadd.s32 s1, s14  }
0x10: {  	s24 =	simm.s32 $0x1;
	s25 =	simm.s32 $0x2;
	s26 =	simm.s32 $0x3  }
0x11: {  	s7 =	smul.u32 $0x4EC0, s9;
	[dreg:$0x3] =	wrdreg s8;
	s8 =	sadd.s32 $0x128400, s2  }
0x12: {  	s0 =	sadd.s32 s11, s31;
	s1 =	sadd.s32 s11, s1;
	s13 =	smax.u32 s13, $0x1  }
0x13: {  	s16 =	sshrl.u32 @!p0 s16, $0x3;
	s12 =	sadd.s32 $0x25080, s0;
	s0 =	sshll.u32 @!p0 s15, $0x6  }
0x14: {  	[dreg:$0x5] =	wrdreg s1;
	s14 =	sshrl.u32 @p0 s8, $0x3;
	s15 =	sor.u32 @!p0 $0x1C04, s0  }
.LBB2_1:
0x15: {  	s0 =	simm.s32 @p0 $0x1FC4;
	s1 =	rddreg [dreg:$0x4]  }
0x16: {  	[spmem:s14], [sflag:s0] =	dma.local @p0 [hbm:s1], $0x2080  }
0x17: {  	s0 =	simm.s32 @p0 $0x4  }
0x18: {  	_ =	swait.ge @p0 [sflag:s0], $0x2080  }
0x19: {  	[sflag:s0] =	ssyncset.done @p0 $0x0  }
0x1a: {  	[sflag:s0] =	ssyncadd.s32 @p0 $0xFFFFDF80;
	s0 =	rddreg [dreg:$0x3]  }
0x1b: {  	[spmem:s16], [sflag:s15] =	dma.local @!p0 [hbm:s0], $0x2780  }
0x1c: {  	s0 =	simm.s32 @!p0 $0x4  }
0x1d: {  	_ =	swait.ge @!p0 [sflag:s0], $0x2780  }
0x1e: {  	[sflag:s0] =	ssyncset.done @!p0 $0x0  }
0x1f: {  	[sflag:s0] =	ssyncadd.s32 @!p0 $0xFFFFD880  }
0x20: {  	s31 =	simm.s32 $0x0;
	[bflag:$0x0] =	sbarrier.arrive $0xFFFF  }
.LBB2_2:
0x21: {  	s0 =	smul.u32 $0xFC0, s31;
	_ =	sdelay $0x1  }
0x22: {  	s0 =	sadd.s32 s7, s0  }
0x23: {  	s0 =	sshrl.u32 s0, $0x3  }
0x24: {  	s1 =	simm.s32 $0x0;
	s8 =	smul.u32 $0x1800, s31;
	s0 =	sadd.s32 s5, s0  }
0x25: {  	[tilespmem:s1], [sflag:$0x4] =	stream.linear.gather [hbm4b:s0+s1], $0xFC0, $0x38;
	v63 =	vld [tilespmem:$0x0]  }
0x26: {  	s9 =	sadd.s32 s10, s8;
	_ =	swait.ge [sflag:s17], $0xFC0  }
0x27: {  	s0 =	sshrl.u32 s9, $0x3;
	[sflag:s17] =	ssyncset.done $0x0  }
0x28: {  	s0 =	sadd.s32 s6, s0;
	[sflag:s17] =	ssyncadd.s32 $0xFFFFF040  }
0x29: {  	[tilespmem:s18], [sflag:$0x4] =	stream.linear.gather [hbm4b:s0+s1], $0x1500, $0x38;
	v63 =	vld [tilespmem:$0x0]  }
0x2a: {  	_ =	swait.ge [sflag:s17], $0x1500  }
0x2b: {  	[sflag:s17] =	ssyncset.done $0x0  }
0x2c: {  	[sflag:s17] =	ssyncadd.s32 $0xFFFFEB00  }
0x2d: {  	[tilespmem:s20], [sflag:$0x1] =	stream.indirect.gather [hbm4b:s4+s19], $0x80, s1, s19, $0xb8;
	v63 =	vld [tilespmem:$0x0]  }
0x2e: {  	_ = 	snop  }
0x2f: {  	[tilespmem:s21], [sflag:$0x2] =	stream.indirect.gather [hbm4b:s4+s19], $0x80, s19, s19, $0xb8;
	v63 =	vld [tilespmem:$0x0]  }
0x30: {  	_ = 	snop  }
0x31: {  	[tilespmem:s23], [sflag:$0x3] =	stream.indirect.gather [hbm4b:s4+s19], $0x80, s22, s19, $0xb8;
	v63 =	vld [tilespmem:$0x0]  }
0x32: {  	_ =	swait.ge [sflag:s24], $0x3000  }
0x33: {  	[sflag:s24] =	ssyncset.done $0x0  }
0x34: {  	s11 =	simm.s32 $0x1000;
	[sflag:s24] =	ssyncadd.s32 $0xFFFFD000  }
0x35: {  	[spmem:s2] =	stream.indirect.scatter.add.f32 [tilespmem:s20], [sflag:$0x4], $0x80, s11, s19, $0xb8;
	v63 =	vld [tilespmem:$0x0]  }
0x36: {  	_ =	swait.ge [sflag:s17], $0x3000  }
0x37: {  	[sflag:s17] =	ssyncset.done $0x0  }
0x38: {  	s1 =	simm.s32 $0x120;
	[sflag:s17] =	ssyncadd.s32 $0xFFFFD000  }
0x39: {  	[tilespmem:s20], [sflag:$0x1] =	stream.indirect.gather [hbm4b:s4+s19], $0x80, s1, s19, $0xb8;
	v63 =	vld [tilespmem:$0x0]  }
0x3a: {  	_ =	swait.ge [sflag:s25], $0x3000  }
0x3b: {  	[sflag:s25] =	ssyncset.done $0x0  }
0x3c: {  	s8 =	simm.s32 $0x1080;
	[sflag:s25] =	ssyncadd.s32 $0xFFFFD000  }
0x3d: {  	[spmem:s2] =	stream.indirect.scatter.add.f32 [tilespmem:s21], [sflag:$0x4], $0x80, s8, s19, $0xb8;
	v63 =	vld [tilespmem:$0x0]  }
0x3e: {  	_ =	swait.ge [sflag:s17], $0x3000  }
0x3f: {  	[sflag:s17] =	ssyncset.done $0x0  }
0x40: {  	s9 =	simm.s32 $0x180;
	[sflag:s17] =	ssyncadd.s32 $0xFFFFD000  }
0x41: {  	[tilespmem:s21], [sflag:$0x2] =	stream.indirect.gather [hbm4b:s4+s19], $0x80, s9, s19, $0xb8;
	v63 =	vld [tilespmem:$0x0]  }
0x42: {  	_ =	swait.ge [sflag:s26], $0x3000  }
0x43: {  	[sflag:s26] =	ssyncset.done $0x0  }
0x44: {  	s11 =	simm.s32 $0x1100;
	[sflag:s26] =	ssyncadd.s32 $0xFFFFD000  }
0x45: {  	[spmem:s2] =	stream.indirect.scatter.add.f32 [tilespmem:s23], [sflag:$0x4], $0x80, s11, s19, $0xb8;
	v63 =	vld [tilespmem:$0x0]  }
0x46: {  	_ =	swait.ge [sflag:s17], $0x3000  }
0x47: {  	s0 =	simm.s32 $0x1E0;
	[sflag:s17] =	ssyncset.done $0x0  }
0x48: {  	s1 =	simm.s32 $0x600;
	s8 =	simm.s32 $0x300;
	[sflag:s17] =	ssyncadd.s32 $0xFFFFD000  }
.LBB2_3:
0x49: {  	[tilespmem:s23], [sflag:$0x3] =	stream.indirect.gather [hbm4b:s4+s19], $0x80, s0, s19, $0xb8;
	v63 =	vld [tilespmem:$0x0]  }
0x4a: {  	s9 =	smov.u32 s1;
	s0 =	smov.u32 s8  }
0x4b: {  	p1 =	sne.s32 s1, $0x4800;
	s1 =	sadd.s32 $0x600, s1;
	_ =	swait.ge [sflag:s24], $0x3000  }
0x4c: {  	s9 =	sshra.s32 s9, $0x2;
	[sflag:s24] =	ssyncset.done $0x0  }
0x4d: {  	s11 =	sadd.s32 $0x1000, s9;
	[sflag:s24] =	ssyncadd.s32 $0xFFFFD000  }
0x4e: {  	[spmem:s2] =	stream.indirect.scatter.add.f32 [tilespmem:s20], [sflag:$0x4], $0x80, s11, s19, $0xb8;
	v63 =	vld [tilespmem:$0x0]  }
0x4f: {  	_ =	swait.ge [sflag:s17], $0x3000  }
0x50: {  	[sflag:s17] =	ssyncset.done $0x0  }
0x51: {  	s11 =	sadd.s32 $0xFFFFFF40, s8;
	[sflag:s17] =	ssyncadd.s32 $0xFFFFD000  }
0x52: {  	[tilespmem:s20], [sflag:$0x1] =	stream.indirect.gather [hbm4b:s4+s19], $0x80, s11, s19, $0xb8;
	v63 =	vld [tilespmem:$0x0]  }
0x53: {  	_ =	swait.ge [sflag:s25], $0x3000  }
0x54: {  	[sflag:s25] =	ssyncset.done $0x0  }
0x55: {  	s11 =	sadd.s32 $0x1080, s9;
	[sflag:s25] =	ssyncadd.s32 $0xFFFFD000  }
0x56: {  	[spmem:s2] =	stream.indirect.scatter.add.f32 [tilespmem:s21], [sflag:$0x4], $0x80, s11, s19, $0xb8;
	v63 =	vld [tilespmem:$0x0]  }
0x57: {  	_ =	swait.ge [sflag:s17], $0x3000  }
0x58: {  	[sflag:s17] =	ssyncset.done $0x0  }
0x59: {  	s11 =	sadd.s32 $0xFFFFFFA0, s8;
	[sflag:s17] =	ssyncadd.s32 $0xFFFFD000  }
0x5a: {  	[tilespmem:s21], [sflag:$0x2] =	stream.indirect.gather [hbm4b:s4+s19], $0x80, s11, s19, $0xb8;
	v63 =	vld [tilespmem:$0x0]  }
0x5b: {  	_ =	swait.ge [sflag:s26], $0x3000  }
0x5c: {  	[sflag:s26] =	ssyncset.done $0x0  }
.Ltmp0:
0x5d: {  	s9 =	sadd.s32 $0x1100, s9;
	[sflag:s26] =	ssyncadd.s32 $0xFFFFD000;
	(pc) =	sbr.rel @p1 .LBB2_3-.Ltmp0, $4  }
0x5e: {  	[spmem:s2] =	stream.indirect.scatter.add.f32 [tilespmem:s23], [sflag:$0x4], $0x80, s9, s19, $0xb8;
	v63 =	vld [tilespmem:$0x0]  }
0x5f: {  	_ =	swait.ge [sflag:s17], $0x3000  }
0x60: {  	[sflag:s17] =	ssyncset.done $0x0  }
0x61: {  	s8 =	sadd.s32 $0x120, s8;
	[sflag:s17] =	ssyncadd.s32 $0xFFFFD000  }
0x62: {  	[tilespmem:s23], [sflag:$0x3] =	stream.indirect.gather [hbm4b:s4+s19], $0x80, s0, s19, $0xb8;
	v63 =	vld [tilespmem:$0x0]  }
0x63: {  	_ =	swait.ge [sflag:s24], $0x3000  }
0x64: {  	[sflag:s24] =	ssyncset.done $0x0  }
0x65: {  	[sflag:s24] =	ssyncadd.s32 $0xFFFFD000  }
0x66: {  	[spmem:s2] =	stream.indirect.scatter.add.f32 [tilespmem:s20], [sflag:$0x4], $0x80, s28, s19, $0xb8;
	v63 =	vld [tilespmem:$0x0]  }
0x67: {  	_ =	swait.ge [sflag:s17], $0x3000  }
0x68: {  	[sflag:s17] =	ssyncset.done $0x0  }
0x69: {  	[sflag:s17] =	ssyncadd.s32 $0xFFFFD000  }
0x6a: {  	_ =	swait.ge [sflag:s25], $0x3000  }
0x6b: {  	[sflag:s25] =	ssyncset.done $0x0  }
0x6c: {  	[sflag:s25] =	ssyncadd.s32 $0xFFFFD000  }
0x6d: {  	[spmem:s2] =	stream.indirect.scatter.add.f32 [tilespmem:s21], [sflag:$0x4], $0x80, s29, s19, $0xb8;
	v63 =	vld [tilespmem:$0x0]  }
0x6e: {  	_ =	swait.ge [sflag:s17], $0x3000  }
0x6f: {  	[sflag:s17] =	ssyncset.done $0x0  }
0x70: {  	[sflag:s17] =	ssyncadd.s32 $0xFFFFD000  }
0x71: {  	s31 =	sadd.s32 $0x1, s31;
	_ =	swait.ge [sflag:s26], $0x3000  }
0x72: {  	p1 =	sne.s32 s31, $0x5;
	[sflag:s26] =	ssyncset.done $0x0  }
.Ltmp1:
0x73: {  	[sflag:s26] =	ssyncadd.s32 $0xFFFFD000;
	(pc) =	sbr.rel @p1 .LBB2_2-.Ltmp1, $4  }
0x74: {  	[spmem:s2] =	stream.indirect.scatter.add.f32 [tilespmem:s23], [sflag:$0x4], $0x80, s30, s19, $0xb8;
	v63 =	vld [tilespmem:$0x0]  }
0x75: {  	_ =	swait.ge [sflag:s17], $0x3000  }
0x76: {  	[sflag:s17] =	ssyncset.done $0x0  }
0x77: {  	[sflag:s17] =	ssyncadd.s32 $0xFFFFD000  }
0x78: {  	[bflag:$0x0] =	sbarrier.arrive $0xFFFF;
	s0 =	simm.s32 @p0 $0x1FC4  }
0x79: {  	[hbm:s12], [sflag:s0] =	dma.local @p0 [spmem:s14], $0x2080  }
0x7a: {  	s0 =	simm.s32 @p0 $0x4  }
0x7b: {  	_ =	swait.ge @p0 [sflag:s0], $0x2080  }
0x7c: {  	s3 =	sadd.s32 $0x1, s3;
	[sflag:s0] =	ssyncset.done @p0 $0x0  }
0x7d: {  	p1 =	sne.s32 s3, s13;
	[sflag:s0] =	ssyncadd.s32 @p0 $0xFFFFDF80;
	s0 =	rddreg [dreg:$0x5]  }
0x7e: {  	[hbm:s0], [sflag:s15] =	dma.local @!p0 [spmem:s16], $0x2780  }
.Ltmp2:
0x7f: {  	_ = 	snop;
	(pc) =	sbr.rel @p1 .LBB2_1-.Ltmp2, $4  }
0x80: {  	s0 =	simm.s32 @!p0 $0x4  }
0x81: {  	_ =	swait.ge @!p0 [sflag:s0], $0x2780  }
0x82: {  	[sflag:s0] =	ssyncset.done @!p0 $0x0  }
0x83: {  	[sflag:s0] =	ssyncadd.s32 @!p0 $0xFFFFD880  }
0x84: {  	_ =	sfence.sel $0x180000  }
0x85: {  	[bflag:$0x0] =	sbarrier.arrive $0xFFFF  }
0x86: {  	_ =	strace $0x90000056  }
0x87: {  	s0 =	stileid.u32;
	[bflag:$0x2] =	sbarrier.arrive $0xFFFF  }
0x88: {  	p0 =	sne.s32 s0, $0x0;
	s0 =	rddreg [dreg:$0x2]  }
0x89: {  	s0 =	sadd.s32 @!p0 $0x100000, s0  }
0x8a: {  	[sflag:s0] =	ssyncadd.tile.s32 @!p0 $0x1;
	_ =	shalt  }
.Lfunc_end2:
_tile_overlayer_lowered:
.L_overlay_start_2:
0x8b: {  	(tag) =	ssettag $0x2  }
0x8c: {  	s0 =	rddreg [dreg:$0x0];
	s2 =	stileid.u32  }
0x8d: {  	s1 =	rddreg [dreg:$0x1];
	p0 =	sne.s32 s2, $0x0  }
0x8e: {  	s3 =	rddreg [dreg:$0x2];
	[bflag:$0x3] =	sbarrier.arrive $0xFFFF;
	s2 =	simm.s32 @!p0 $0x1C04  }
0x8f: {  	[timem:s3], [sflag:s2] =	dma.local @!p0 [hbm:s0], s1  }
0x90: {  	s0 =	simm.s32 @!p0 $0x4  }
0x91: {  	_ =	swait.ge @!p0 [sflag:s0], s1  }
0x92: {  	s1 =	ssub.s32 @!p0 $0x0, s1;
	[sflag:s0] =	ssyncset.done @!p0 $0x0  }
0x93: {  	[sflag:s0] =	ssyncadd.s32 @!p0 s1  }
0x94: {  	[bflag:$0x3] =	sbarrier.arrive $0xFFFF  }
0x95: {  	_ =	shalt  }

// kernel: kernel.35.cloned.1.call-start
scs
__scs_entry_jumppad:
0x0: {  	(pc) =	sbr.rel $0x88, $3  }
0x1: {  	(tag) =	ssettag $0x0;
	lr =	simm.s32 $0x1  }
0x2: {  	[smem:$0x3F97] =	sst lr;
	_ =	strace $0xD0000000  }
0x3: {  	_ = 	snop  }
0x4: {  	_ = 	snop  }
0x5: {  	_ = 	snop  }
0x6: {  	_ = 	snop  }
0x7: {  	_ = 	snop  }
__scs_overlays_trampoline_lowered:
0x8: {  	[smem:$0x3FA6] =	sst s0  }
0x9: {  	[smem:$0x3FA7] =	sst s1  }
0xa: {  	[smem:$0x3FA8] =	sst s2  }
0xb: {  	[smem:$0x3FA9] =	sst s3  }
0xc: {  	[smem:$0x3FAA] =	sst s4  }
0xd: {  	[smem:$0x3FAB] =	sst s5  }
0xe: {  	[smem:$0x3FAC] =	sst s6  }
0xf: {  	[smem:$0x3FAD] =	sst s7  }
0x10: {  	[smem:$0x3FAE] =	sst s8  }
0x11: {  	[smem:$0x3FAF] =	sst s9;
	s0 =	simm.s32 @!p0 $0x0  }
0x12: {  	s1 =	sld [smem:$0x3F95];
	s0 =	simm.s32 @p0 $0x1  }
0x13: {  	[smem:$0x3FB0] =	sst s0;
	s0 =	simm.s32 @!p1 $0x0  }
0x14: {  	s2 =	sld [smem:$0x3F94];
	s0 =	simm.s32 @p1 $0x1  }
0x15: {  	[smem:$0x3FB1] =	sst s0;
	s0 =	simm.s32 @!p2 $0x0  }
0x16: {  	s3 =	sld [smem:$0x3FDB];
	s0 =	simm.s32 @p2 $0x1  }
0x17: {  	s4 =	simm.s32 $0x1BF5;
	[smem:$0x3FB3] =	sst s0  }
0x18: {  	s0 =	sld [smem:$0x3F96];
	_ =	swait.ge [sflag:s4], $0x0  }
0x19: {  	s7 =	sld [smem:$0x3F97]  }
0x1a: {  	s8 =	sadd.s32 $0xFFFFE003, lr  }
0x1b: {  	s9 =	sadd.s32 $0xFFFFFEF7, lr;
	s5 =	simm.s32 $0xFFFFFFFF;
	p2 =	slt.u32 s8, $0xFFFFF086  }
0x1c: {  	p1 =	slt.u32 s9, $0xF7A;
	s5 =	simm.s32 @!p2 $0x0  }
0x1d: {  	s5 =	simm.s32 @p1 $0x1;
	p0 =	seq.s32 s7, s2  }
0x1e: {  	s7 =	smul.u32 @!p0 $0xF7A, s2;
	p2 =	seq.s32 @!p0 s5, $0x0  }
0x1f: {  	s9 =	smul.u32 $0xF7A, s1;
	s8 =	simm.s32 @!p0 $0x1BF5;
	p2 =	por !p2, p0  }
0x20: {  	[sflag:s8] =	ssyncset.s32 @!p0 $0xFFFFF086;
	s6 =	sadd.s32 @!p0 s3, s7;
	s7 =	simm.s32 @!p0 $0x108  }
0x21: {  	s3 =	sadd.s32 s3, s9;
	s6 =	sadd.s32 @!p0 $0x88, s6;
	s7 =	simm.s32 @p2 $0x1082  }
0x22: {  	[simem:s7], [sflag:s8] =	dma.local @!p0 [hbm:s6], $0xF7A  }
0x23: {  	s9 =	sor.u32 $0xD0000000, s2;
	s6 =	simm.s32 $0x108;
	_ =	swait.ge @!p0 [sflag:s8], $0x0  }
0x24: {  	s3 =	sadd.s32 $0x88, s3;
	s6 =	simm.s32 @!p1 $0x1082;
	[sflag:s4] =	ssyncset.s32 $0xFFFFF086  }
0x25: {  	[simem:s6], [sflag:s4] =	dma.local [hbm:s3], $0xF7A  }
0x26: {  	[smem:$0x3F97] =	sst s1;
	(tag) =	ssettag s2;
	_ =	strace s9  }
0x27: {  	s1 =	sld [smem:$0x3FA7]  }
0x28: {  	s2 =	sld [smem:$0x3FA8]  }
0x29: {  	s4 =	sld [smem:$0x3FAA]  }
0x2a: {  	p0 =	seq.s32 s5, $0x0;
	s5 =	sld [smem:$0x3FAB]  }
0x2b: {  	s6 =	sld [smem:$0x3FAC]  }
0x2c: {  	s7 =	sld [smem:$0x3FAD]  }
0x2d: {  	s3 =	simm.s32 $0x108;
	s8 =	sld [smem:$0x3FAE]  }
0x2e: {  	s3 =	simm.s32 @!p0 $0x1082;
	s9 =	sld [smem:$0x3FAF]  }
0x2f: {  	lr =	sadd.s32 s0, s3;
	s0 =	sld [smem:$0x3FA6]  }
0x30: {  	s3 =	sld [smem:$0x3FA9]  }
0x31: {  	[smem:$0x3FB2] =	sst s10  }
0x32: {  	s10 =	sld [smem:$0x3FB0];
	_ =	sdelay $0x3  }
0x33: {  	p0 =	seq.s32 s10, $0x1;
	s10 =	sld [smem:$0x3FB2];
	_ =	sdelay $0x3  }
0x34: {  	[smem:$0x3FB2] =	sst s10  }
0x35: {  	s10 =	sld [smem:$0x3FB1];
	_ =	sdelay $0x3  }
0x36: {  	p1 =	seq.s32 s10, $0x1;
	s10 =	sld [smem:$0x3FB2];
	_ =	sdelay $0x3  }
0x37: {  	[smem:$0x3FB2] =	sst s10  }
0x38: {  	s10 =	sld [smem:$0x3FB3]  }
0x39: {  	_ = 	snop;
	(pc) =	sbr.ind lr, $3  }
0x3a: {  	_ = 	snop  }
0x3b: {  	_ = 	snop  }
0x3c: {  	p2 =	seq.s32 s10, $0x1;
	s10 =	sld [smem:$0x3FB2]  }
0x3d: {  	_ =	shalt  }
0x3e: {  	_ =	shalt  }
0x3f: {  	_ =	shalt  }
0x40: {  	_ =	shalt  }
0x41: {  	_ =	shalt  }
0x42: {  	_ =	shalt  }
0x43: {  	_ =	shalt  }
0x44: {  	_ =	shalt  }
0x45: {  	_ =	shalt  }
0x46: {  	_ =	shalt  }
0x47: {  	_ =	shalt  }
0x48: {  	_ =	shalt  }
0x49: {  	_ =	shalt  }
0x4a: {  	_ =	shalt  }
0x4b: {  	_ =	shalt  }
0x4c: {  	_ =	shalt  }
0x4d: {  	_ =	shalt  }
0x4e: {  	_ =	shalt  }
0x4f: {  	_ =	shalt  }
0x50: {  	_ =	shalt  }
0x51: {  	_ =	shalt  }
0x52: {  	_ =	shalt  }
0x53: {  	_ =	shalt  }
0x54: {  	_ =	shalt  }
0x55: {  	_ =	shalt  }
0x56: {  	_ =	shalt  }
0x57: {  	_ =	shalt  }
0x58: {  	_ =	shalt  }
0x59: {  	_ =	shalt  }
0x5a: {  	_ =	shalt  }
0x5b: {  	_ =	shalt  }
0x5c: {  	_ =	shalt  }
0x5d: {  	_ =	shalt  }
0x5e: {  	_ =	shalt  }
0x5f: {  	_ =	shalt  }
0x60: {  	_ =	shalt  }
0x61: {  	_ =	shalt  }
0x62: {  	_ =	shalt  }
0x63: {  	_ =	shalt  }
0x64: {  	_ =	shalt  }
0x65: {  	_ =	shalt  }
0x66: {  	_ =	shalt  }
0x67: {  	_ =	shalt  }
0x68: {  	_ =	shalt  }
0x69: {  	_ =	shalt  }
0x6a: {  	_ =	shalt  }
0x6b: {  	_ =	shalt  }
0x6c: {  	_ =	shalt  }
0x6d: {  	_ =	shalt  }
0x6e: {  	_ =	shalt  }
0x6f: {  	_ =	shalt  }
0x70: {  	_ =	shalt  }
0x71: {  	_ =	shalt  }
0x72: {  	_ =	shalt  }
0x73: {  	_ =	shalt  }
0x74: {  	_ =	shalt  }
0x75: {  	_ =	shalt  }
0x76: {  	_ =	shalt  }
0x77: {  	_ =	shalt  }
0x78: {  	_ =	shalt  }
0x79: {  	_ =	shalt  }
0x7a: {  	_ =	shalt  }
0x7b: {  	_ =	shalt  }
0x7c: {  	_ =	shalt  }
0x7d: {  	_ =	shalt  }
0x7e: {  	_ =	shalt  }
0x7f: {  	_ =	shalt  }
0x80: {  	_ =	shalt  }
0x81: {  	_ =	shalt  }
0x82: {  	_ =	shalt  }
0x83: {  	_ =	shalt  }
0x84: {  	_ =	shalt  }
0x85: {  	_ =	shalt  }
0x86: {  	_ =	shalt  }
0x87: {  	_ =	shalt  }
.Lfunc_end0:
.L_simem_size_0:
called_computation.6_lowered:
.L_overlay_start_0:
0x88: {  	s2 =	sld [smem:$0x3FD9]  }
0x89: {  	s3 =	sld [smem:$0x3FFE];
	_ =	sdelay $0x1  }
0x8a: {  	s1 =	srdreg.scid  }
0x8b: {  	s0 =	sand.u32 $0x1, s1  }
0x8c: {  	s16 =	sshll.u32 s0, $0xA;
	s2 =	sadd.s32 s3, s2  }
0x8d: {  	s2 =	sadd.s32 s2, s16  }
0x8e: {  	[smem:$0x3FBE] =	sst s2  }
0x8f: {  	_ = 	snop  }
0x90: {  	(tm) =	ssettm $0x1  }
0x91: {  	s17 =	sld [smem:$0x3FFB];
	_ =	sdelay $0x3  }
0x92: {  	_ =	strace s17  }
0x93: {  	s2 =	sld [smem:$0x3FFC];
	_ =	sdelay $0x3  }
0x94: {  	_ =	strace s2  }
0x95: {  	s2 =	sld [smem:$0x3FFD];
	_ =	sdelay $0x3  }
0x96: {  	_ =	strace s2  }
0x97: {  	_ =	strace $0x8FFFFFFF  }
0x98: {  	s18 =	sld [smem:$0x3FDB];
	_ =	sdelay $0x1  }
0x99: {  	s19 =	simm.s32 $_scs_section_size  }
0x9a: {  	s4 =	simm.s32 $_size__tile_overlayer_lowered;
	s5 =	simm.s32 $_tile_overlayer_lowered  }
0x9b: {  	s22 =	simm.s32 $0x1BFF;
	s21 =	sshll.u32 s5, $0x1;
	s2 =	sadd.s32 s19, s18  }
0x9c: {  	s6 =	simm.s32 $0x0;
	s20 =	sshll.u32 s4, $0x1;
	s4 =	sadd.s32 s21, s2  }
0x9d: {  	[timem:s6], [sflag:s22] =	dma.local [hbm:s4], s20  }
0x9e: {  	_ =	swait.ge [sflag:s22], s20  }
0x9f: {  	s3 =	ssub.s32 $0x0, s20;
	[sflag:s22] =	ssyncset.done $0x0  }
0xa0: {  	[sflag:s22] =	ssyncadd.s32 s3;
	_ =	sdelay $0x1  }
0xa1: {  	s23 =	simm.s32 $0x1B8B  }
0xa2: {  	_ =	swait.ge [sflag:s23], $0x1  }
0xa3: {  	[sflag:s23] =	ssyncset.done $0x0  }
0xa4: {  	s25 =	simm.s32 $0x1B8E;
	s24 =	sld [smem:$0x3FFE];
	[sflag:s23] =	ssyncadd.s32 $0xFFFFFFFF  }
0xa5: {  	s26 =	simm.s32 $execute0_lowered;
	[smem:$0x3FD2] =	sst s25  }
0xa6: {  	s4 =	sshll.u32 s26, $0x1;
	_ =	strace $0x80000058;
	[dreg:$0x1] =	wrdreg $0xFFFFFFFF  }
0xa7: {  	s28 =	simm.s32 $_size_execute0_lowered;
	s2 =	sadd.s32 s2, s4;
	[dreg:$0x0] =	wrdreg $0x0  }
0xa8: {  	s4 =	sshll.u32 s28, $0x1;
	[dreg:$0x2] =	wrdreg s2  }
0xa9: {  	[dreg:$0x3] =	wrdreg s4  }
0xaa: {  	[dreg:$0x4] =	wrdreg $0xC0  }
0xab: {  	_ =	task [dreg:s6], $0x5FFFF  }
0xac: {  	[dreg:$0x1] =	wrdreg $0xFFFFFFFF  }
0xad: {  	[dreg:$0x0] =	wrdreg $0x60  }
0xae: {  	[dreg:$0x2] =	wrdreg s24  }
0xaf: {  	[dreg:$0x3] =	wrdreg $0xB8000  }
0xb0: {  	[dreg:$0x4] =	wrdreg $0x9  }
0xb1: {  	_ =	task.clear_ibuf [dreg:s6], $0x5FFFF;
	_ =	strace $0x90000058  }
0xb2: {  	s29 =	simm.s32 $0x9;
	_ =	strace $0x8000005A  }
0xb3: {  	_ =	swait.ge [sflag:s29], $0x1  }
0xb4: {  	[sflag:s29] =	ssyncadd.s32 $0xFFFFFFFF  }
0xb5: {  	_ =	strace $0x9000005A  }
0xb6: {  	_ =	sfence  }
0xb7: {  	s30 =	sld [smem:$0x0];
	_ =	sdelay $0x2  }
0xb8: {  	s31 =	sshll.u32 s1, $0xD;
	s1 =	sshrl.u32 s1, $0x2  }
0xb9: {  	s3 =	sand.u32 $0x4000, s31;
	s1 =	sadd.s32 s1, s30  }
0xba: {  	s0 =	sor.u32 s3, s0;
	s1 =	sshll.u32 s1, $0x11  }
0xbb: {  	s0 =	sor.u32 s1, s0  }
0xbc: {  	s0 =	sadd.s32 $0x8F2B, s0  }
0xbd: {  	[sflag:s0] =	ssyncadd.remote.s32 $0x1  }
0xbe: {  	_ =	sfence.sel $0xFFFF  }
0xbf: {  	[dreg:$0x0] =	wrdreg $0xFFFFFFFF;
	(pc) =	sbr.abs _section_cstart, $3  }
0xc0: {  	[dreg:$0x1] =	wrdreg $0xFFFFFFFF  }
0xc1: {  	_ =	task.clear_ibuf [dreg:s6], $0x2FFFF;
	_ =	strace $0x9FFFFFFF  }
0xc2: {  	(tm) =	ssettm $0x7FFFFFFF  }
0xc3: {  	_ =	shalt  }
tec
execute0_lowered:
.L_overlay_start_1:
0x0: {  	(tag) =	ssettag $0x1  }
0x1: {  	s0 =	rddreg [dreg:$0x0]  }
0x2: {  	s2 =	rddreg [dreg:$0x1]  }
0x3: {  	s3 =	simm.s32 $0x0;
	s15 =	stileid.u32;
	s6 =	srdreg.scid  }
0x4: {  	s17 =	simm.s32 $0x4;
	s18 =	simm.s32 $0x1000;
	s19 =	simm.s32 $0x60  }
0x5: {  	s20 =	simm.s32 $0x2800;
	s21 =	simm.s32 $0x5800;
	s22 =	simm.s32 $0xC0  }
0x6: {  	s23 =	simm.s32 $0x8800;
	s28 =	simm.s32 $0x2380;
	s29 =	simm.s32 $0x2400  }
0x7: {  	s30 =	simm.s32 $0x2480;
	[smem:$0x7FF] =	sst s3;
	s1 =	smul.u32 $0x2780, s15  }
0x8: {  	s4 =	sadd.s32 $0x28000, s0;
	s5 =	sadd.s32 $0x5400, s0;
	s7 =	sand.u32 $0x1, s6  }
0x9: {  	s6 =	sadd.s32 $0x19000, s0;
	s11 =	sadd.s32 $0x9D400, s0;
	s12 =	smul.u32 $0x4F000, s15  }
0xa: {  	p0 =	seq.s32 s15, $0xF;
	_ =	strace $0x80000059;
	s14 =	smul.u32 $0x27100, s7  }
0xb: {  	s9 =	ssub.s32 $0x2, s7;
	s24 =	sshll.u32 s7, $0x4;
	s26 =	smul.u32 $0x138800, s7  }
0xc: {  	s8 =	sadd.s32 s1, s0;
	s10 =	sshrl.u32 s9, $0x1;
	s25 =	sshrl.u32 s12, $0x2  }
0xd: {  	s0 =	sadd.s32 $0x9B280, s0;
	s13 =	ssub.s32 s9, s10;
	s9 =	sor.u32 s15, s24  }
0xe: {  	s16 =	sadd.s32 s25, s2;
	s8 =	sadd.s32 $0x76200, s8;
	[dreg:$0x4] =	wrdreg s0  }
0xf: {  	s31 =	sshrl.u32 s26, $0x3;
	s10 =	smul.u32 $0x7800, s15;
	s1 =	sadd.s32 s1, s14  }
0x10: {  	s24 =	simm.s32 $0x1;
	s25 =	simm.s32 $0x2;
	s26 =	simm.s32 $0x3  }
0x11: {  	s7 =	smul.u32 $0x4EC0, s9;
	[dreg:$0x3] =	wrdreg s8;
	s8 =	sadd.s32 $0x128400, s2  }
0x12: {  	s0 =	sadd.s32 s11, s31;
	s1 =	sadd.s32 s11, s1;
	s13 =	smax.u32 s13, $0x1  }
0x13: {  	s16 =	sshrl.u32 @!p0 s16, $0x3;
	s12 =	sadd.s32 $0x25080, s0;
	s0 =	sshll.u32 @!p0 s15, $0x6  }
0x14: {  	[dreg:$0x5] =	wrdreg s1;
	s14 =	sshrl.u32 @p0 s8, $0x3;
	s15 =	sor.u32 @!p0 $0x1C04, s0  }
.LBB2_1:
0x15: {  	s0 =	simm.s32 @p0 $0x1FC4;
	s1 =	rddreg [dreg:$0x4]  }
0x16: {  	[spmem:s14], [sflag:s0] =	dma.local @p0 [hbm:s1], $0x2080  }
0x17: {  	s0 =	simm.s32 @p0 $0x4  }
0x18: {  	_ =	swait.ge @p0 [sflag:s0], $0x2080  }
0x19: {  	[sflag:s0] =	ssyncset.done @p0 $0x0  }
0x1a: {  	[sflag:s0] =	ssyncadd.s32 @p0 $0xFFFFDF80;
	s0 =	rddreg [dreg:$0x3]  }
0x1b: {  	[spmem:s16], [sflag:s15] =	dma.local @!p0 [hbm:s0], $0x2780  }
0x1c: {  	s0 =	simm.s32 @!p0 $0x4  }
0x1d: {  	_ =	swait.ge @!p0 [sflag:s0], $0x2780  }
0x1e: {  	[sflag:s0] =	ssyncset.done @!p0 $0x0  }
0x1f: {  	[sflag:s0] =	ssyncadd.s32 @!p0 $0xFFFFD880  }
0x20: {  	s31 =	simm.s32 $0x0;
	[bflag:$0x0] =	sbarrier.arrive $0xFFFF  }
.LBB2_2:
0x21: {  	s0 =	smul.u32 $0xFC0, s31;
	_ =	sdelay $0x1  }
0x22: {  	s0 =	sadd.s32 s7, s0  }
0x23: {  	s0 =	sshrl.u32 s0, $0x3  }
0x24: {  	s1 =	simm.s32 $0x0;
	s8 =	smul.u32 $0x1800, s31;
	s0 =	sadd.s32 s5, s0  }
0x25: {  	[tilespmem:s1], [sflag:$0x4] =	stream.linear.gather [hbm4b:s0+s1], $0xFC0, $0x38;
	v63 =	vld [tilespmem:$0x0]  }
0x26: {  	s9 =	sadd.s32 s10, s8;
	_ =	swait.ge [sflag:s17], $0xFC0  }
0x27: {  	s0 =	sshrl.u32 s9, $0x3;
	[sflag:s17] =	ssyncset.done $0x0  }
0x28: {  	s0 =	sadd.s32 s6, s0;
	[sflag:s17] =	ssyncadd.s32 $0xFFFFF040  }
0x29: {  	[tilespmem:s18], [sflag:$0x4] =	stream.linear.gather [hbm4b:s0+s1], $0x1500, $0x38;
	v63 =	vld [tilespmem:$0x0]  }
0x2a: {  	_ =	swait.ge [sflag:s17], $0x1500  }
0x2b: {  	[sflag:s17] =	ssyncset.done $0x0  }
0x2c: {  	[sflag:s17] =	ssyncadd.s32 $0xFFFFEB00  }
0x2d: {  	[tilespmem:s20], [sflag:$0x1] =	stream.indirect.gather [hbm4b:s4+s19], $0x80, s1, s19, $0xb8;
	v63 =	vld [tilespmem:$0x0]  }
0x2e: {  	_ = 	snop  }
0x2f: {  	[tilespmem:s21], [sflag:$0x2] =	stream.indirect.gather [hbm4b:s4+s19], $0x80, s19, s19, $0xb8;
	v63 =	vld [tilespmem:$0x0]  }
0x30: {  	_ = 	snop  }
0x31: {  	[tilespmem:s23], [sflag:$0x3] =	stream.indirect.gather [hbm4b:s4+s19], $0x80, s22, s19, $0xb8;
	v63 =	vld [tilespmem:$0x0]  }
0x32: {  	_ =	swait.ge [sflag:s24], $0x3000  }
0x33: {  	[sflag:s24] =	ssyncset.done $0x0  }
0x34: {  	s11 =	simm.s32 $0x1000;
	[sflag:s24] =	ssyncadd.s32 $0xFFFFD000  }
0x35: {  	[spmem:s2] =	stream.indirect.scatter.add.f32 [tilespmem:s20], [sflag:$0x4], $0x80, s11, s19, $0xb8;
	v63 =	vld [tilespmem:$0x0]  }
0x36: {  	_ =	swait.ge [sflag:s17], $0x3000  }
0x37: {  	[sflag:s17] =	ssyncset.done $0x0  }
0x38: {  	s1 =	simm.s32 $0x120;
	[sflag:s17] =	ssyncadd.s32 $0xFFFFD000  }
0x39: {  	[tilespmem:s20], [sflag:$0x1] =	stream.indirect.gather [hbm4b:s4+s19], $0x80, s1, s19, $0xb8;
	v63 =	vld [tilespmem:$0x0]  }
0x3a: {  	_ =	swait.ge [sflag:s25], $0x3000  }
0x3b: {  	[sflag:s25] =	ssyncset.done $0x0  }
0x3c: {  	s8 =	simm.s32 $0x1080;
	[sflag:s25] =	ssyncadd.s32 $0xFFFFD000  }
0x3d: {  	[spmem:s2] =	stream.indirect.scatter.add.f32 [tilespmem:s21], [sflag:$0x4], $0x80, s8, s19, $0xb8;
	v63 =	vld [tilespmem:$0x0]  }
0x3e: {  	_ =	swait.ge [sflag:s17], $0x3000  }
0x3f: {  	[sflag:s17] =	ssyncset.done $0x0  }
0x40: {  	s9 =	simm.s32 $0x180;
	[sflag:s17] =	ssyncadd.s32 $0xFFFFD000  }
0x41: {  	[tilespmem:s21], [sflag:$0x2] =	stream.indirect.gather [hbm4b:s4+s19], $0x80, s9, s19, $0xb8;
	v63 =	vld [tilespmem:$0x0]  }
0x42: {  	_ =	swait.ge [sflag:s26], $0x3000  }
0x43: {  	[sflag:s26] =	ssyncset.done $0x0  }
0x44: {  	s11 =	simm.s32 $0x1100;
	[sflag:s26] =	ssyncadd.s32 $0xFFFFD000  }
0x45: {  	[spmem:s2] =	stream.indirect.scatter.add.f32 [tilespmem:s23], [sflag:$0x4], $0x80, s11, s19, $0xb8;
	v63 =	vld [tilespmem:$0x0]  }
0x46: {  	_ =	swait.ge [sflag:s17], $0x3000  }
0x47: {  	s0 =	simm.s32 $0x1E0;
	[sflag:s17] =	ssyncset.done $0x0  }
0x48: {  	s1 =	simm.s32 $0x600;
	s8 =	simm.s32 $0x300;
	[sflag:s17] =	ssyncadd.s32 $0xFFFFD000  }
.LBB2_3:
0x49: {  	[tilespmem:s23], [sflag:$0x3] =	stream.indirect.gather [hbm4b:s4+s19], $0x80, s0, s19, $0xb8;
	v63 =	vld [tilespmem:$0x0]  }
0x4a: {  	s9 =	smov.u32 s1;
	s0 =	smov.u32 s8  }
0x4b: {  	p1 =	sne.s32 s1, $0x4800;
	s1 =	sadd.s32 $0x600, s1;
	_ =	swait.ge [sflag:s24], $0x3000  }
0x4c: {  	s9 =	sshra.s32 s9, $0x2;
	[sflag:s24] =	ssyncset.done $0x0  }
0x4d: {  	s11 =	sadd.s32 $0x1000, s9;
	[sflag:s24] =	ssyncadd.s32 $0xFFFFD000  }
0x4e: {  	[spmem:s2] =	stream.indirect.scatter.add.f32 [tilespmem:s20], [sflag:$0x4], $0x80, s11, s19, $0xb8;
	v63 =	vld [tilespmem:$0x0]  }
0x4f: {  	_ =	swait.ge [sflag:s17], $0x3000  }
0x50: {  	[sflag:s17] =	ssyncset.done $0x0  }
0x51: {  	s11 =	sadd.s32 $0xFFFFFF40, s8;
	[sflag:s17] =	ssyncadd.s32 $0xFFFFD000  }
0x52: {  	[tilespmem:s20], [sflag:$0x1] =	stream.indirect.gather [hbm4b:s4+s19], $0x80, s11, s19, $0xb8;
	v63 =	vld [tilespmem:$0x0]  }
0x53: {  	_ =	swait.ge [sflag:s25], $0x3000  }
0x54: {  	[sflag:s25] =	ssyncset.done $0x0  }
0x55: {  	s11 =	sadd.s32 $0x1080, s9;
	[sflag:s25] =	ssyncadd.s32 $0xFFFFD000  }
0x56: {  	[spmem:s2] =	stream.indirect.scatter.add.f32 [tilespmem:s21], [sflag:$0x4], $0x80, s11, s19, $0xb8;
	v63 =	vld [tilespmem:$0x0]  }
0x57: {  	_ =	swait.ge [sflag:s17], $0x3000  }
0x58: {  	[sflag:s17] =	ssyncset.done $0x0  }
0x59: {  	s11 =	sadd.s32 $0xFFFFFFA0, s8;
	[sflag:s17] =	ssyncadd.s32 $0xFFFFD000  }
0x5a: {  	[tilespmem:s21], [sflag:$0x2] =	stream.indirect.gather [hbm4b:s4+s19], $0x80, s11, s19, $0xb8;
	v63 =	vld [tilespmem:$0x0]  }
0x5b: {  	_ =	swait.ge [sflag:s26], $0x3000  }
0x5c: {  	[sflag:s26] =	ssyncset.done $0x0  }
.Ltmp0:
0x5d: {  	s9 =	sadd.s32 $0x1100, s9;
	[sflag:s26] =	ssyncadd.s32 $0xFFFFD000;
	(pc) =	sbr.rel @p1 .LBB2_3-.Ltmp0, $4  }
0x5e: {  	[spmem:s2] =	stream.indirect.scatter.add.f32 [tilespmem:s23], [sflag:$0x4], $0x80, s9, s19, $0xb8;
	v63 =	vld [tilespmem:$0x0]  }
0x5f: {  	_ =	swait.ge [sflag:s17], $0x3000  }
0x60: {  	[sflag:s17] =	ssyncset.done $0x0  }
0x61: {  	s8 =	sadd.s32 $0x120, s8;
	[sflag:s17] =	ssyncadd.s32 $0xFFFFD000  }
0x62: {  	[tilespmem:s23], [sflag:$0x3] =	stream.indirect.gather [hbm4b:s4+s19], $0x80, s0, s19, $0xb8;
	v63 =	vld [tilespmem:$0x0]  }
0x63: {  	_ =	swait.ge [sflag:s24], $0x3000  }
0x64: {  	[sflag:s24] =	ssyncset.done $0x0  }
0x65: {  	[sflag:s24] =	ssyncadd.s32 $0xFFFFD000  }
0x66: {  	[spmem:s2] =	stream.indirect.scatter.add.f32 [tilespmem:s20], [sflag:$0x4], $0x80, s28, s19, $0xb8;
	v63 =	vld [tilespmem:$0x0]  }
0x67: {  	_ =	swait.ge [sflag:s17], $0x3000  }
0x68: {  	[sflag:s17] =	ssyncset.done $0x0  }
0x69: {  	[sflag:s17] =	ssyncadd.s32 $0xFFFFD000  }
0x6a: {  	_ =	swait.ge [sflag:s25], $0x3000  }
0x6b: {  	[sflag:s25] =	ssyncset.done $0x0  }
0x6c: {  	[sflag:s25] =	ssyncadd.s32 $0xFFFFD000  }
0x6d: {  	[spmem:s2] =	stream.indirect.scatter.add.f32 [tilespmem:s21], [sflag:$0x4], $0x80, s29, s19, $0xb8;
	v63 =	vld [tilespmem:$0x0]  }
0x6e: {  	_ =	swait.ge [sflag:s17], $0x3000  }
0x6f: {  	[sflag:s17] =	ssyncset.done $0x0  }
0x70: {  	[sflag:s17] =	ssyncadd.s32 $0xFFFFD000  }
0x71: {  	s31 =	sadd.s32 $0x1, s31;
	_ =	swait.ge [sflag:s26], $0x3000  }
0x72: {  	p1 =	sne.s32 s31, $0x5;
	[sflag:s26] =	ssyncset.done $0x0  }
.Ltmp1:
0x73: {  	[sflag:s26] =	ssyncadd.s32 $0xFFFFD000;
	(pc) =	sbr.rel @p1 .LBB2_2-.Ltmp1, $4  }
0x74: {  	[spmem:s2] =	stream.indirect.scatter.add.f32 [tilespmem:s23], [sflag:$0x4], $0x80, s30, s19, $0xb8;
	v63 =	vld [tilespmem:$0x0]  }
0x75: {  	_ =	swait.ge [sflag:s17], $0x3000  }
0x76: {  	[sflag:s17] =	ssyncset.done $0x0  }
0x77: {  	[sflag:s17] =	ssyncadd.s32 $0xFFFFD000  }
0x78: {  	[bflag:$0x0] =	sbarrier.arrive $0xFFFF;
	s0 =	simm.s32 @p0 $0x1FC4  }
0x79: {  	[hbm:s12], [sflag:s0] =	dma.local @p0 [spmem:s14], $0x2080  }
0x7a: {  	s0 =	simm.s32 @p0 $0x4  }
0x7b: {  	_ =	swait.ge @p0 [sflag:s0], $0x2080  }
0x7c: {  	s3 =	sadd.s32 $0x1, s3;
	[sflag:s0] =	ssyncset.done @p0 $0x0  }
0x7d: {  	p1 =	sne.s32 s3, s13;
	[sflag:s0] =	ssyncadd.s32 @p0 $0xFFFFDF80;
	s0 =	rddreg [dreg:$0x5]  }
0x7e: {  	[hbm:s0], [sflag:s15] =	dma.local @!p0 [spmem:s16], $0x2780  }
.Ltmp2:
0x7f: {  	_ = 	snop;
	(pc) =	sbr.rel @p1 .LBB2_1-.Ltmp2, $4  }
0x80: {  	s0 =	simm.s32 @!p0 $0x4  }
0x81: {  	_ =	swait.ge @!p0 [sflag:s0], $0x2780  }
0x82: {  	[sflag:s0] =	ssyncset.done @!p0 $0x0  }
0x83: {  	[sflag:s0] =	ssyncadd.s32 @!p0 $0xFFFFD880  }
0x84: {  	_ =	sfence.sel $0x180000  }
0x85: {  	[bflag:$0x0] =	sbarrier.arrive $0xFFFF  }
0x86: {  	_ =	strace $0x90000059  }
0x87: {  	s0 =	stileid.u32;
	[bflag:$0x2] =	sbarrier.arrive $0xFFFF  }
0x88: {  	p0 =	sne.s32 s0, $0x0;
	s0 =	rddreg [dreg:$0x2]  }
0x89: {  	s0 =	sadd.s32 @!p0 $0x100000, s0  }
0x8a: {  	[sflag:s0] =	ssyncadd.tile.s32 @!p0 $0x1;
	_ =	shalt  }
.Lfunc_end2:
_tile_overlayer_lowered:
.L_overlay_start_2:
0x8b: {  	(tag) =	ssettag $0x2  }
0x8c: {  	s0 =	rddreg [dreg:$0x0];
	s2 =	stileid.u32  }
0x8d: {  	s1 =	rddreg [dreg:$0x1];
	p0 =	sne.s32 s2, $0x0  }
0x8e: {  	s3 =	rddreg [dreg:$0x2];
	[bflag:$0x3] =	sbarrier.arrive $0xFFFF;
	s2 =	simm.s32 @!p0 $0x1C04  }
0x8f: {  	[timem:s3], [sflag:s2] =	dma.local @!p0 [hbm:s0], s1  }
0x90: {  	s0 =	simm.s32 @!p0 $0x4  }
0x91: {  	_ =	swait.ge @!p0 [sflag:s0], s1  }
0x92: {  	s1 =	ssub.s32 @!p0 $0x0, s1;
	[sflag:s0] =	ssyncset.done @!p0 $0x0  }
0x93: {  	[sflag:s0] =	ssyncadd.s32 @!p0 s1  }
0x94: {  	[bflag:$0x3] =	sbarrier.arrive $0xFFFF  }
0x95: {  	_ =	shalt  }

</sc_bundles>
